<compile_context>
chip_gen: v7x
topology: tpu7x:2x2x1
jax: 0.10.2.dev20260603
libtpu: 0.0.44.dev20260713+nightly
codegen_flags: <defaults>
</compile_context>

<pallas_src>
import jax
import jax.numpy as jnp
from jax import lax
from jax.experimental import pallas as pl
from jax.experimental.pallas import tpu as pltpu
from jax.experimental.pallas import tpu_sc as plsc

EMBED_DIM = 32
NUM_CORES = 2
NUM_SUBCORES = 16
NW = NUM_CORES * NUM_SUBCORES
CHUNK = 128
K = 5
NBUF = 3
PHASE_ROWS = K * CHUNK
CHUNK_ELEMS = CHUNK * EMBED_DIM
PHASE_ELEMS = K * CHUNK_ELEMS
TILE_ELEMS = 8 * CHUNK


def _sc_embed_add(table, xf, cf, n_elems):
    n_chunks = xf.shape[1]
    n_phases = n_chunks // K
    d1_stride = 4 * NW * TILE_ELEMS
    mesh = plsc.VectorSubcoreMesh(core_axis_name="c", subcore_axis_name="s")

    def body(table_hbm, x_hbm, c_hbm, out_hbm, xv, cv, bufs, buft, semg, semo):
        wid = lax.axis_index("s") * NUM_CORES + lax.axis_index("c")
        pltpu.sync_copy(x_hbm.at[wid], xv)
        pltpu.sync_copy(c_hbm.at[wid], cv)
        lanes = lax.iota(jnp.int32, 16)
        rows8 = [lanes + 16 * sv for sv in range(8)]

        def drain_gathers(b):
            pltpu.make_async_copy(
                table_hbm.at[pl.ds(0, PHASE_ROWS)], bufs.at[b], semg.at[b]
            ).wait()

        def drain_writes(m):
            pltpu.make_async_copy(
                buft.at[m], out_hbm.at[pl.ds(0, PHASE_ELEMS)], semo.at[m]
            ).wait()

        def step(p, carry):
            b_a = lax.rem(p, NBUF)
            b_b = lax.rem(p + (NBUF - 1), NBUF)
            b_c = lax.rem(p + (NBUF - 2), NBUF)
            m = lax.rem(p, 2)

            @pl.when(jnp.logical_and(p >= 1, p <= n_phases))
            def _():
                drain_gathers(b_b)
                for i in range(K):
                    pltpu.async_copy(
                        table_hbm.at[cv.at[(p - 1) * K + i]],
                        bufs.at[b_b].at[pl.ds(i * CHUNK, CHUNK)],
                        semg.at[b_b],
                        add=True,
                    )

            @pl.when(p <= n_phases - 1)
            def _():
                for i in range(K):
                    pltpu.async_copy(
                        table_hbm.at[xv.at[p * K + i]],
                        bufs.at[b_a].at[pl.ds(i * CHUNK, CHUNK)],
                        semg.at[b_a],
                    )

            @pl.when(jnp.logical_and(p >= 2, p <= n_phases + 1))
            def _():
                drain_gathers(b_c)

                @pl.when(p >= 4)
                def _():
                    drain_writes(m)

                for i in range(K):
                    pair = wid * n_chunks + (p - 2) * K + i
                    d1 = lax.div(pair, NW)
                    j = lax.rem(pair, NW)
                    chunk_slice = bufs.at[b_c].at[pl.ds(i * CHUNK, CHUNK)]

                    @plsc.parallel_loop(0, EMBED_DIM, unroll=8)
                    def _(d2):
                        cols = jnp.broadcast_to(d2, (16,)).astype(jnp.int32)
                        off = i * CHUNK_ELEMS + lax.shift_left(d2, 7)
                        for sv in range(8):
                            v = plsc.load_gather(chunk_slice, [rows8[sv], cols])
                            buft[m, pl.ds(off + 16 * sv, 16)] = v

                    base = d1 * d1_stride + j * TILE_ELEMS
                    for a in range(4):
                        pltpu.async_copy(
                            buft.at[m, pl.ds(i * CHUNK_ELEMS + a * TILE_ELEMS, TILE_ELEMS)],
                            out_hbm.at[pl.ds(base + a * NW * TILE_ELEMS, TILE_ELEMS)],
                            semo.at[m],
                        )

            return carry

        lax.fori_loop(0, n_phases + 2, step, 0)
        for m in range(2):
            drain_writes(m)

    run = pl.kernel(
        body,
        out_type=jax.ShapeDtypeStruct((n_elems,), jnp.float32),
        mesh=mesh,
        scratch_types=[
            pltpu.VMEM((n_chunks, CHUNK), jnp.int32),
            pltpu.VMEM((n_chunks, CHUNK), jnp.int32),
            pltpu.VMEM((NBUF, PHASE_ROWS, EMBED_DIM), jnp.float32),
            pltpu.VMEM((2, PHASE_ELEMS), jnp.float32),
            pltpu.SemaphoreType.DMA((NBUF,)),
            pltpu.SemaphoreType.DMA((2,)),
        ],
        compiler_params=pltpu.CompilerParams(
            use_tc_tiling_on_sc=False, needs_layout_passes=False
        ),
    )
    return run(table, xf, cf)


def kernel(x, constant, table):
    d0, d1 = x.shape
    xf = x.T.reshape(NW, d1, CHUNK).astype(jnp.int32)
    cf = constant.T.reshape(NW, d1, CHUNK).astype(jnp.int32)
    flat = _sc_embed_add(table, xf, cf, x.size * EMBED_DIM)
    out5 = flat.reshape(d1, 4, d0 // CHUNK, 8, CHUNK)
    return out5.transpose(2, 4, 0, 1, 3).reshape(d0, d1, EMBED_DIM)

# --- scband reference (transcript-rebuilt; emitter-appended) ---
"""Pipeline reference for scband-model-const-eval-pass-71966472011994 (READ-ONLY COPY).

The authoritative reference and input builder live on the scoring server;
editing this copy changes nothing except your own understanding.
"""

import jax, jax.numpy as jnp
import numpy as np

VOCAB = 1000000
EMBED_DIM = 32
SHAPE = (4096, 50)


def setup_inputs(seed: int = 0) -> dict:
    key = jax.random.key(seed)
    k1, k2, k3 = jax.random.split(key, 3)
    # runtime input indices
    x = jax.random.randint(k1, SHAPE, 0, VOCAB)
    # constant index buffer created at module init (registered buffer)
    constant = jax.random.randint(k2, SHAPE, 0, VOCAB)
    # embedding table (learned parameter), per init_kwargs
    table = jax.random.normal(k3, (VOCAB, EMBED_DIM), dtype=jnp.float32) * 0.02
    return {"x": x, "constant": constant, "table": table}


def reference(x, constant, table):
    # v1 = embedding(constant) ; v2 = embedding(x) ; out = v1 + v2
    v1 = jnp.take(table, constant, axis=0)
    v2 = jnp.take(table, x, axis=0)
    return v1 + v2

if __name__ == "__main__":
    import jax
    _d = setup_inputs()
    print(jax.jit(kernel)(*tuple(_d.values())))

</pallas_src>

<mosaic_0001>
#map = affine_map<(d0, d1) -> (0, 0)>
#map1 = affine_map<(d0, d1) -> (0, 0, 0)>
#map2 = affine_map<(d0, d1) -> (0)>
module attributes {stable_mosaic.version = 14 : i64} {
  func.func @body(%arg0: i32, %arg1: i32, %arg2: memref<1000000x32xf32, #tpu.memory_space<hbm>>, %arg3: memref<32x50x128xi32, #tpu.memory_space<hbm>>, %arg4: memref<32x50x128xi32, #tpu.memory_space<hbm>>, %arg5: memref<6553600xf32, #tpu.memory_space<hbm>>, %arg6: memref<50x128xi32, #tpu.memory_space<vmem>>, %arg7: memref<50x128xi32, #tpu.memory_space<vmem>>, %arg8: memref<3x640x32xf32, #tpu.memory_space<vmem>>, %arg9: memref<2x20480xf32, #tpu.memory_space<vmem>>, %arg10: memref<3x!tpu.dma_semaphore, #tpu.memory_space<semaphore_mem>>, %arg11: memref<2x!tpu.dma_semaphore, #tpu.memory_space<semaphore_mem>>) attributes {dimension_semantics = [#tpu.dimension_semantics<core_parallel>, #tpu.dimension_semantics<subcore_parallel>], iteration_bounds = array<i64: 2, 16>, scalar_prefetch = 0 : i64, scratch_operands = 6 : i64, tpu.core_type = #tpu.core_type<sc_vector_subcore>, window_params = [{transform_indices = #map}, {transform_indices = #map1}, {transform_indices = #map1}, {transform_indices = #map2}]} {
    %mul3A = arith.constant 2 : i32
    %mul3A_0 = arith.muli %arg1, %mul3A : i32
    %add3A = arith.addi %mul3A_0, %arg0 : i32
    "tpu.region"() ({
      %run_scoped3A = tpu.sem_alloc : memref<!tpu.dma_semaphore, #tpu.memory_space<semaphore_mem>>
      %dma_start3A = arith.constant 0 : i32
      %dma_start3A_57 = arith.constant 0 : i32
      %dma_start3A_58 = tpu.memref_slice %arg3[%add3A, %dma_start3A, %dma_start3A_57] : memref<32x50x128xi32, #tpu.memory_space<hbm>> -> memref<1x50x128xi32, #tpu.memory_space<hbm>>
      %dma_start3A_59 = tpu.memref_squeeze %dma_start3A_58 : memref<1x50x128xi32, #tpu.memory_space<hbm>> -> memref<50x128xi32, #tpu.memory_space<hbm>>
      %dma_start3A_60 = arith.constant 0 : i32
      %dma_start3A_61 = arith.constant 0 : i32
      %dma_start3A_62 = tpu.memref_slice %arg3[%add3A, %dma_start3A_60, %dma_start3A_61] : memref<32x50x128xi32, #tpu.memory_space<hbm>> -> memref<1x50x128xi32, #tpu.memory_space<hbm>>
      %dma_start3A_63 = tpu.memref_squeeze %dma_start3A_62 : memref<1x50x128xi32, #tpu.memory_space<hbm>> -> memref<50x128xi32, #tpu.memory_space<hbm>>
      tpu.enqueue_dma source(%dma_start3A_63 : memref<50x128xi32, #tpu.memory_space<hbm>>) target(%arg6 : memref<50x128xi32, #tpu.memory_space<vmem>>) target_semaphore(%run_scoped3A : memref<!tpu.dma_semaphore, #tpu.memory_space<semaphore_mem>>)
      %dma_wait3A_64 = arith.constant 0 : i32
      %dma_wait3A_65 = arith.constant 0 : i32
      %dma_wait3A_66 = tpu.memref_slice %arg3[%add3A, %dma_wait3A_64, %dma_wait3A_65] : memref<32x50x128xi32, #tpu.memory_space<hbm>> -> memref<1x50x128xi32, #tpu.memory_space<hbm>>
      %dma_wait3A_67 = tpu.memref_squeeze %dma_wait3A_66 : memref<1x50x128xi32, #tpu.memory_space<hbm>> -> memref<50x128xi32, #tpu.memory_space<hbm>>
      %dma_wait3A_68 = arith.constant 0 : i32
      %dma_wait3A_69 = arith.constant 0 : i32
      %dma_wait3A_70 = tpu.memref_slice %arg3[%add3A, %dma_wait3A_68, %dma_wait3A_69] : memref<32x50x128xi32, #tpu.memory_space<hbm>> -> memref<1x50x128xi32, #tpu.memory_space<hbm>>
      %dma_wait3A_71 = tpu.memref_squeeze %dma_wait3A_70 : memref<1x50x128xi32, #tpu.memory_space<hbm>> -> memref<50x128xi32, #tpu.memory_space<hbm>>
      tpu.wait_dma2 semaphore(%run_scoped3A : memref<!tpu.dma_semaphore, #tpu.memory_space<semaphore_mem>>) src(%dma_wait3A_71 : memref<50x128xi32, #tpu.memory_space<hbm>>) dst(%arg6 : memref<50x128xi32, #tpu.memory_space<vmem>>)
      tpu.yield
    }) : () -> ()
    "tpu.region"() ({
      %run_scoped3A = tpu.sem_alloc : memref<!tpu.dma_semaphore, #tpu.memory_space<semaphore_mem>>
      %dma_start3A = arith.constant 0 : i32
      %dma_start3A_57 = arith.constant 0 : i32
      %dma_start3A_58 = tpu.memref_slice %arg4[%add3A, %dma_start3A, %dma_start3A_57] : memref<32x50x128xi32, #tpu.memory_space<hbm>> -> memref<1x50x128xi32, #tpu.memory_space<hbm>>
      %dma_start3A_59 = tpu.memref_squeeze %dma_start3A_58 : memref<1x50x128xi32, #tpu.memory_space<hbm>> -> memref<50x128xi32, #tpu.memory_space<hbm>>
      %dma_start3A_60 = arith.constant 0 : i32
      %dma_start3A_61 = arith.constant 0 : i32
      %dma_start3A_62 = tpu.memref_slice %arg4[%add3A, %dma_start3A_60, %dma_start3A_61] : memref<32x50x128xi32, #tpu.memory_space<hbm>> -> memref<1x50x128xi32, #tpu.memory_space<hbm>>
      %dma_start3A_63 = tpu.memref_squeeze %dma_start3A_62 : memref<1x50x128xi32, #tpu.memory_space<hbm>> -> memref<50x128xi32, #tpu.memory_space<hbm>>
      tpu.enqueue_dma source(%dma_start3A_63 : memref<50x128xi32, #tpu.memory_space<hbm>>) target(%arg7 : memref<50x128xi32, #tpu.memory_space<vmem>>) target_semaphore(%run_scoped3A : memref<!tpu.dma_semaphore, #tpu.memory_space<semaphore_mem>>)
      %dma_wait3A_64 = arith.constant 0 : i32
      %dma_wait3A_65 = arith.constant 0 : i32
      %dma_wait3A_66 = tpu.memref_slice %arg4[%add3A, %dma_wait3A_64, %dma_wait3A_65] : memref<32x50x128xi32, #tpu.memory_space<hbm>> -> memref<1x50x128xi32, #tpu.memory_space<hbm>>
      %dma_wait3A_67 = tpu.memref_squeeze %dma_wait3A_66 : memref<1x50x128xi32, #tpu.memory_space<hbm>> -> memref<50x128xi32, #tpu.memory_space<hbm>>
      %dma_wait3A_68 = arith.constant 0 : i32
      %dma_wait3A_69 = arith.constant 0 : i32
      %dma_wait3A_70 = tpu.memref_slice %arg4[%add3A, %dma_wait3A_68, %dma_wait3A_69] : memref<32x50x128xi32, #tpu.memory_space<hbm>> -> memref<1x50x128xi32, #tpu.memory_space<hbm>>
      %dma_wait3A_71 = tpu.memref_squeeze %dma_wait3A_70 : memref<1x50x128xi32, #tpu.memory_space<hbm>> -> memref<50x128xi32, #tpu.memory_space<hbm>>
      tpu.wait_dma2 semaphore(%run_scoped3A : memref<!tpu.dma_semaphore, #tpu.memory_space<semaphore_mem>>) src(%dma_wait3A_71 : memref<50x128xi32, #tpu.memory_space<hbm>>) dst(%arg7 : memref<50x128xi32, #tpu.memory_space<vmem>>)
      tpu.yield
    }) : () -> ()
    %iota3A = tpu.iota {dimensions = array<i32: 0>} : vector<16xi32>
    %add3A_1 = arith.constant 0 : i32
    %add3A_2 = vector.broadcast %add3A_1 : i32 to vector<16xi32>
    %add3A_3 = arith.addi %iota3A, %add3A_2 : vector<16xi32>
    %add3A_4 = arith.constant 16 : i32
    %add3A_5 = vector.broadcast %add3A_4 : i32 to vector<16xi32>
    %add3A_6 = arith.addi %iota3A, %add3A_5 : vector<16xi32>
    %add3A_7 = arith.constant 32 : i32
    %add3A_8 = vector.broadcast %add3A_7 : i32 to vector<16xi32>
    %add3A_9 = arith.addi %iota3A, %add3A_8 : vector<16xi32>
    %add3A_10 = arith.constant 48 : i32
    %add3A_11 = vector.broadcast %add3A_10 : i32 to vector<16xi32>
    %add3A_12 = arith.addi %iota3A, %add3A_11 : vector<16xi32>
    %add3A_13 = arith.constant 64 : i32
    %add3A_14 = vector.broadcast %add3A_13 : i32 to vector<16xi32>
    %add3A_15 = arith.addi %iota3A, %add3A_14 : vector<16xi32>
    %add3A_16 = arith.constant 80 : i32
    %add3A_17 = vector.broadcast %add3A_16 : i32 to vector<16xi32>
    %add3A_18 = arith.addi %iota3A, %add3A_17 : vector<16xi32>
    %add3A_19 = arith.constant 96 : i32
    %add3A_20 = vector.broadcast %add3A_19 : i32 to vector<16xi32>
    %add3A_21 = arith.addi %iota3A, %add3A_20 : vector<16xi32>
    %add3A_22 = arith.constant 112 : i32
    %add3A_23 = vector.broadcast %add3A_22 : i32 to vector<16xi32>
    %add3A_24 = arith.addi %iota3A, %add3A_23 : vector<16xi32>
    %scan3A = arith.constant 0 : i32
    %scan3A_25 = arith.constant 0 : i32
    %scan3A_26 = arith.constant 12 : i32
    %scan3A_27 = arith.addi %scan3A_25, %scan3A_26 : i32
    %scan3A_28 = arith.constant 1 : i32
    scf.for %scan3A_57 = %scan3A_25 to %scan3A_27 step %scan3A_28  : i32 {
      %rem3A = arith.constant 3 : i32
      %rem3A_58 = arith.remsi %scan3A_57, %rem3A : i32
      %add3A_59 = arith.constant 2 : i32
      %add3A_60 = arith.addi %scan3A_57, %add3A_59 : i32
      %rem3A_61 = arith.constant 3 : i32
      %rem3A_62 = arith.remsi %add3A_60, %rem3A_61 : i32
      %add3A_63 = arith.constant 1 : i32
      %add3A_64 = arith.addi %scan3A_57, %add3A_63 : i32
      %rem3A_65 = arith.constant 3 : i32
      %rem3A_66 = arith.remsi %add3A_64, %rem3A_65 : i32
      %rem3A_67 = arith.constant 2 : i32
      %rem3A_68 = arith.remsi %scan3A_57, %rem3A_67 : i32
      %ge3A = arith.constant 1 : i32
      %ge3A_69 = arith.cmpi sge, %scan3A_57, %ge3A : i32
      %le3A = arith.constant 10 : i32
      %le3A_70 = arith.cmpi sle, %scan3A_57, %le3A : i32
      %and3A = arith.andi %ge3A_69, %le3A_70 : i1
      %convert_element_type3A = arith.extui %and3A : i1 to i32
      %cond3A = arith.constant 0 : i32
      %cond3A_71 = arith.cmpi ne, %convert_element_type3A, %cond3A : i32
      scf.if %cond3A_71 {
        %dma_wait3A_85 = arith.constant 0 : i32
        %dma_wait3A_86 = arith.constant 0 : i32
        %dma_wait3A_87 = tpu.memref_slice %arg8[%rem3A_62, %dma_wait3A_85, %dma_wait3A_86] : memref<3x640x32xf32, #tpu.memory_space<vmem>> -> memref<1x640x32xf32, #tpu.memory_space<vmem>>
        %dma_wait3A_88 = tpu.memref_squeeze %dma_wait3A_87 : memref<1x640x32xf32, #tpu.memory_space<vmem>> -> memref<640x32xf32, #tpu.memory_space<vmem>>
        %dma_wait3A_89 = arith.constant 0 : i32
        %dma_wait3A_90 = arith.constant 0 : i32
        %dma_wait3A_91 = tpu.memref_slice %arg2[%dma_wait3A_89, %dma_wait3A_90] : memref<1000000x32xf32, #tpu.memory_space<hbm>> -> memref<640x32xf32, #tpu.memory_space<hbm>>
        %dma_wait3A_92 = tpu.memref_slice %arg10[%rem3A_62] : memref<3x!tpu.dma_semaphore, #tpu.memory_space<semaphore_mem>> -> memref<1x!tpu.dma_semaphore, #tpu.memory_space<semaphore_mem>>
        %dma_wait3A_93 = tpu.memref_squeeze %dma_wait3A_92 : memref<1x!tpu.dma_semaphore, #tpu.memory_space<semaphore_mem>> -> memref<!tpu.dma_semaphore, #tpu.memory_space<semaphore_mem>>
        %dma_wait3A_94 = arith.constant 0 : i32
        %dma_wait3A_95 = arith.constant 0 : i32
        %dma_wait3A_96 = tpu.memref_slice %arg8[%rem3A_62, %dma_wait3A_94, %dma_wait3A_95] : memref<3x640x32xf32, #tpu.memory_space<vmem>> -> memref<1x640x32xf32, #tpu.memory_space<vmem>>
        %dma_wait3A_97 = tpu.memref_squeeze %dma_wait3A_96 : memref<1x640x32xf32, #tpu.memory_space<vmem>> -> memref<640x32xf32, #tpu.memory_space<vmem>>
        %dma_wait3A_98 = arith.constant 0 : i32
        %dma_wait3A_99 = arith.constant 0 : i32
        %dma_wait3A_100 = tpu.memref_slice %arg2[%dma_wait3A_98, %dma_wait3A_99] : memref<1000000x32xf32, #tpu.memory_space<hbm>> -> memref<640x32xf32, #tpu.memory_space<hbm>>
        tpu.wait_dma2 semaphore(%dma_wait3A_93 : memref<!tpu.dma_semaphore, #tpu.memory_space<semaphore_mem>>) src(%dma_wait3A_100 : memref<640x32xf32, #tpu.memory_space<hbm>>) dst(%dma_wait3A_97 : memref<640x32xf32, #tpu.memory_space<vmem>>)
        %sub3A = arith.constant 1 : i32
        %sub3A_101 = arith.subi %scan3A_57, %sub3A : i32
        %mul3A_102 = arith.constant 5 : i32
        %mul3A_103 = arith.muli %sub3A_101, %mul3A_102 : i32
        %add3A_104 = arith.constant 0 : i32
        %add3A_105 = arith.addi %mul3A_103, %add3A_104 : i32
        %dma_start3A = arith.constant 0 : i32
        %dma_start3A_106 = arith.constant 0 : i32
        %dma_start3A_107 = tpu.memref_slice %arg8[%rem3A_62, %dma_start3A, %dma_start3A_106] : memref<3x640x32xf32, #tpu.memory_space<vmem>> -> memref<1x640x32xf32, #tpu.memory_space<vmem>>
        %dma_start3A_108 = tpu.memref_squeeze %dma_start3A_107 : memref<1x640x32xf32, #tpu.memory_space<vmem>> -> memref<640x32xf32, #tpu.memory_space<vmem>>
        %dma_start3A_109 = arith.constant 0 : i32
        %dma_start3A_110 = arith.constant 0 : i32
        %dma_start3A_111 = tpu.memref_slice %dma_start3A_108[%dma_start3A_109, %dma_start3A_110] : memref<640x32xf32, #tpu.memory_space<vmem>> -> memref<128x32xf32, #tpu.memory_space<vmem>>
        %dma_start3A_112 = arith.constant 0 : i32
        %dma_start3A_113 = tpu.memref_slice %arg7[%add3A_105, %dma_start3A_112] : memref<50x128xi32, #tpu.memory_space<vmem>> -> memref<1x128xi32, #tpu.memory_space<vmem>>
        %dma_start3A_114 = tpu.memref_squeeze %dma_start3A_113 : memref<1x128xi32, #tpu.memory_space<vmem>> -> memref<128xi32, #tpu.memory_space<vmem>>
        %dma_start3A_115 = arith.constant 0 : i32
        %dma_start3A_116 = arith.constant 0 : i32
        %dma_start3A_117 = tpu.memref_slice %arg2[%dma_start3A_115, %dma_start3A_116] : memref<1000000x32xf32, #tpu.memory_space<hbm>> -> memref<1000000x32xf32, #tpu.memory_space<hbm>>
        %dma_start3A_118 = tpu.memref_slice %arg10[%rem3A_62] : memref<3x!tpu.dma_semaphore, #tpu.memory_space<semaphore_mem>> -> memref<1x!tpu.dma_semaphore, #tpu.memory_space<semaphore_mem>>
        %dma_start3A_119 = tpu.memref_squeeze %dma_start3A_118 : memref<1x!tpu.dma_semaphore, #tpu.memory_space<semaphore_mem>> -> memref<!tpu.dma_semaphore, #tpu.memory_space<semaphore_mem>>
        tpu.enqueue_indirect_dma source(%dma_start3A_117 : memref<1000000x32xf32, #tpu.memory_space<hbm>>) target(%dma_start3A_111 : memref<128x32xf32, #tpu.memory_space<vmem>>) offsets(%dma_start3A_114 : memref<128xi32, #tpu.memory_space<vmem>>) semaphore(%dma_start3A_119 : memref<!tpu.dma_semaphore, #tpu.memory_space<semaphore_mem>>) {add = true}
        %sub3A_120 = arith.constant 1 : i32
        %sub3A_121 = arith.subi %scan3A_57, %sub3A_120 : i32
        %mul3A_122 = arith.constant 5 : i32
        %mul3A_123 = arith.muli %sub3A_121, %mul3A_122 : i32
        %add3A_124 = arith.constant 1 : i32
        %add3A_125 = arith.addi %mul3A_123, %add3A_124 : i32
        %dma_start3A_126 = arith.constant 0 : i32
        %dma_start3A_127 = arith.constant 0 : i32
        %dma_start3A_128 = tpu.memref_slice %arg8[%rem3A_62, %dma_start3A_126, %dma_start3A_127] : memref<3x640x32xf32, #tpu.memory_space<vmem>> -> memref<1x640x32xf32, #tpu.memory_space<vmem>>
        %dma_start3A_129 = tpu.memref_squeeze %dma_start3A_128 : memref<1x640x32xf32, #tpu.memory_space<vmem>> -> memref<640x32xf32, #tpu.memory_space<vmem>>
        %dma_start3A_130 = arith.constant 128 : i32
        %dma_start3A_131 = arith.constant 0 : i32
        %dma_start3A_132 = tpu.memref_slice %dma_start3A_129[%dma_start3A_130, %dma_start3A_131] : memref<640x32xf32, #tpu.memory_space<vmem>> -> memref<128x32xf32, #tpu.memory_space<vmem>>
        %dma_start3A_133 = arith.constant 0 : i32
        %dma_start3A_134 = tpu.memref_slice %arg7[%add3A_125, %dma_start3A_133] : memref<50x128xi32, #tpu.memory_space<vmem>> -> memref<1x128xi32, #tpu.memory_space<vmem>>
        %dma_start3A_135 = tpu.memref_squeeze %dma_start3A_134 : memref<1x128xi32, #tpu.memory_space<vmem>> -> memref<128xi32, #tpu.memory_space<vmem>>
        %dma_start3A_136 = arith.constant 0 : i32
        %dma_start3A_137 = arith.constant 0 : i32
        %dma_start3A_138 = tpu.memref_slice %arg2[%dma_start3A_136, %dma_start3A_137] : memref<1000000x32xf32, #tpu.memory_space<hbm>> -> memref<1000000x32xf32, #tpu.memory_space<hbm>>
        %dma_start3A_139 = tpu.memref_slice %arg10[%rem3A_62] : memref<3x!tpu.dma_semaphore, #tpu.memory_space<semaphore_mem>> -> memref<1x!tpu.dma_semaphore, #tpu.memory_space<semaphore_mem>>
        %dma_start3A_140 = tpu.memref_squeeze %dma_start3A_139 : memref<1x!tpu.dma_semaphore, #tpu.memory_space<semaphore_mem>> -> memref<!tpu.dma_semaphore, #tpu.memory_space<semaphore_mem>>
        tpu.enqueue_indirect_dma source(%dma_start3A_138 : memref<1000000x32xf32, #tpu.memory_space<hbm>>) target(%dma_start3A_132 : memref<128x32xf32, #tpu.memory_space<vmem>>) offsets(%dma_start3A_135 : memref<128xi32, #tpu.memory_space<vmem>>) semaphore(%dma_start3A_140 : memref<!tpu.dma_semaphore, #tpu.memory_space<semaphore_mem>>) {add = true}
        %sub3A_141 = arith.constant 1 : i32
        %sub3A_142 = arith.subi %scan3A_57, %sub3A_141 : i32
        %mul3A_143 = arith.constant 5 : i32
        %mul3A_144 = arith.muli %sub3A_142, %mul3A_143 : i32
        %add3A_145 = arith.constant 2 : i32
        %add3A_146 = arith.addi %mul3A_144, %add3A_145 : i32
        %dma_start3A_147 = arith.constant 0 : i32
        %dma_start3A_148 = arith.constant 0 : i32
        %dma_start3A_149 = tpu.memref_slice %arg8[%rem3A_62, %dma_start3A_147, %dma_start3A_148] : memref<3x640x32xf32, #tpu.memory_space<vmem>> -> memref<1x640x32xf32, #tpu.memory_space<vmem>>
        %dma_start3A_150 = tpu.memref_squeeze %dma_start3A_149 : memref<1x640x32xf32, #tpu.memory_space<vmem>> -> memref<640x32xf32, #tpu.memory_space<vmem>>
        %dma_start3A_151 = arith.constant 256 : i32
        %dma_start3A_152 = arith.constant 0 : i32
        %dma_start3A_153 = tpu.memref_slice %dma_start3A_150[%dma_start3A_151, %dma_start3A_152] : memref<640x32xf32, #tpu.memory_space<vmem>> -> memref<128x32xf32, #tpu.memory_space<vmem>>
        %dma_start3A_154 = arith.constant 0 : i32
        %dma_start3A_155 = tpu.memref_slice %arg7[%add3A_146, %dma_start3A_154] : memref<50x128xi32, #tpu.memory_space<vmem>> -> memref<1x128xi32, #tpu.memory_space<vmem>>
        %dma_start3A_156 = tpu.memref_squeeze %dma_start3A_155 : memref<1x128xi32, #tpu.memory_space<vmem>> -> memref<128xi32, #tpu.memory_space<vmem>>
        %dma_start3A_157 = arith.constant 0 : i32
        %dma_start3A_158 = arith.constant 0 : i32
        %dma_start3A_159 = tpu.memref_slice %arg2[%dma_start3A_157, %dma_start3A_158] : memref<1000000x32xf32, #tpu.memory_space<hbm>> -> memref<1000000x32xf32, #tpu.memory_space<hbm>>
        %dma_start3A_160 = tpu.memref_slice %arg10[%rem3A_62] : memref<3x!tpu.dma_semaphore, #tpu.memory_space<semaphore_mem>> -> memref<1x!tpu.dma_semaphore, #tpu.memory_space<semaphore_mem>>
        %dma_start3A_161 = tpu.memref_squeeze %dma_start3A_160 : memref<1x!tpu.dma_semaphore, #tpu.memory_space<semaphore_mem>> -> memref<!tpu.dma_semaphore, #tpu.memory_space<semaphore_mem>>
        tpu.enqueue_indirect_dma source(%dma_start3A_159 : memref<1000000x32xf32, #tpu.memory_space<hbm>>) target(%dma_start3A_153 : memref<128x32xf32, #tpu.memory_space<vmem>>) offsets(%dma_start3A_156 : memref<128xi32, #tpu.memory_space<vmem>>) semaphore(%dma_start3A_161 : memref<!tpu.dma_semaphore, #tpu.memory_space<semaphore_mem>>) {add = true}
        %sub3A_162 = arith.constant 1 : i32
        %sub3A_163 = arith.subi %scan3A_57, %sub3A_162 : i32
        %mul3A_164 = arith.constant 5 : i32
        %mul3A_165 = arith.muli %sub3A_163, %mul3A_164 : i32
        %add3A_166 = arith.constant 3 : i32
        %add3A_167 = arith.addi %mul3A_165, %add3A_166 : i32
        %dma_start3A_168 = arith.constant 0 : i32
        %dma_start3A_169 = arith.constant 0 : i32
        %dma_start3A_170 = tpu.memref_slice %arg8[%rem3A_62, %dma_start3A_168, %dma_start3A_169] : memref<3x640x32xf32, #tpu.memory_space<vmem>> -> memref<1x640x32xf32, #tpu.memory_space<vmem>>
        %dma_start3A_171 = tpu.memref_squeeze %dma_start3A_170 : memref<1x640x32xf32, #tpu.memory_space<vmem>> -> memref<640x32xf32, #tpu.memory_space<vmem>>
        %dma_start3A_172 = arith.constant 384 : i32
        %dma_start3A_173 = arith.constant 0 : i32
        %dma_start3A_174 = tpu.memref_slice %dma_start3A_171[%dma_start3A_172, %dma_start3A_173] : memref<640x32xf32, #tpu.memory_space<vmem>> -> memref<128x32xf32, #tpu.memory_space<vmem>>
        %dma_start3A_175 = arith.constant 0 : i32
        %dma_start3A_176 = tpu.memref_slice %arg7[%add3A_167, %dma_start3A_175] : memref<50x128xi32, #tpu.memory_space<vmem>> -> memref<1x128xi32, #tpu.memory_space<vmem>>
        %dma_start3A_177 = tpu.memref_squeeze %dma_start3A_176 : memref<1x128xi32, #tpu.memory_space<vmem>> -> memref<128xi32, #tpu.memory_space<vmem>>
        %dma_start3A_178 = arith.constant 0 : i32
        %dma_start3A_179 = arith.constant 0 : i32
        %dma_start3A_180 = tpu.memref_slice %arg2[%dma_start3A_178, %dma_start3A_179] : memref<1000000x32xf32, #tpu.memory_space<hbm>> -> memref<1000000x32xf32, #tpu.memory_space<hbm>>
        %dma_start3A_181 = tpu.memref_slice %arg10[%rem3A_62] : memref<3x!tpu.dma_semaphore, #tpu.memory_space<semaphore_mem>> -> memref<1x!tpu.dma_semaphore, #tpu.memory_space<semaphore_mem>>
        %dma_start3A_182 = tpu.memref_squeeze %dma_start3A_181 : memref<1x!tpu.dma_semaphore, #tpu.memory_space<semaphore_mem>> -> memref<!tpu.dma_semaphore, #tpu.memory_space<semaphore_mem>>
        tpu.enqueue_indirect_dma source(%dma_start3A_180 : memref<1000000x32xf32, #tpu.memory_space<hbm>>) target(%dma_start3A_174 : memref<128x32xf32, #tpu.memory_space<vmem>>) offsets(%dma_start3A_177 : memref<128xi32, #tpu.memory_space<vmem>>) semaphore(%dma_start3A_182 : memref<!tpu.dma_semaphore, #tpu.memory_space<semaphore_mem>>) {add = true}
        %sub3A_183 = arith.constant 1 : i32
        %sub3A_184 = arith.subi %scan3A_57, %sub3A_183 : i32
        %mul3A_185 = arith.constant 5 : i32
        %mul3A_186 = arith.muli %sub3A_184, %mul3A_185 : i32
        %add3A_187 = arith.constant 4 : i32
        %add3A_188 = arith.addi %mul3A_186, %add3A_187 : i32
        %dma_start3A_189 = arith.constant 0 : i32
        %dma_start3A_190 = arith.constant 0 : i32
        %dma_start3A_191 = tpu.memref_slice %arg8[%rem3A_62, %dma_start3A_189, %dma_start3A_190] : memref<3x640x32xf32, #tpu.memory_space<vmem>> -> memref<1x640x32xf32, #tpu.memory_space<vmem>>
        %dma_start3A_192 = tpu.memref_squeeze %dma_start3A_191 : memref<1x640x32xf32, #tpu.memory_space<vmem>> -> memref<640x32xf32, #tpu.memory_space<vmem>>
        %dma_start3A_193 = arith.constant 512 : i32
        %dma_start3A_194 = arith.constant 0 : i32
        %dma_start3A_195 = tpu.memref_slice %dma_start3A_192[%dma_start3A_193, %dma_start3A_194] : memref<640x32xf32, #tpu.memory_space<vmem>> -> memref<128x32xf32, #tpu.memory_space<vmem>>
        %dma_start3A_196 = arith.constant 0 : i32
        %dma_start3A_197 = tpu.memref_slice %arg7[%add3A_188, %dma_start3A_196] : memref<50x128xi32, #tpu.memory_space<vmem>> -> memref<1x128xi32, #tpu.memory_space<vmem>>
        %dma_start3A_198 = tpu.memref_squeeze %dma_start3A_197 : memref<1x128xi32, #tpu.memory_space<vmem>> -> memref<128xi32, #tpu.memory_space<vmem>>
        %dma_start3A_199 = arith.constant 0 : i32
        %dma_start3A_200 = arith.constant 0 : i32
        %dma_start3A_201 = tpu.memref_slice %arg2[%dma_start3A_199, %dma_start3A_200] : memref<1000000x32xf32, #tpu.memory_space<hbm>> -> memref<1000000x32xf32, #tpu.memory_space<hbm>>
        %dma_start3A_202 = tpu.memref_slice %arg10[%rem3A_62] : memref<3x!tpu.dma_semaphore, #tpu.memory_space<semaphore_mem>> -> memref<1x!tpu.dma_semaphore, #tpu.memory_space<semaphore_mem>>
        %dma_start3A_203 = tpu.memref_squeeze %dma_start3A_202 : memref<1x!tpu.dma_semaphore, #tpu.memory_space<semaphore_mem>> -> memref<!tpu.dma_semaphore, #tpu.memory_space<semaphore_mem>>
        tpu.enqueue_indirect_dma source(%dma_start3A_201 : memref<1000000x32xf32, #tpu.memory_space<hbm>>) target(%dma_start3A_195 : memref<128x32xf32, #tpu.memory_space<vmem>>) offsets(%dma_start3A_198 : memref<128xi32, #tpu.memory_space<vmem>>) semaphore(%dma_start3A_203 : memref<!tpu.dma_semaphore, #tpu.memory_space<semaphore_mem>>) {add = true}
      } else {
      }
      %le3A_72 = arith.constant 9 : i32
      %le3A_73 = arith.cmpi sle, %scan3A_57, %le3A_72 : i32
      %convert_element_type3A_74 = arith.extui %le3A_73 : i1 to i32
      %cond3A_75 = arith.constant 0 : i32
      %cond3A_76 = arith.cmpi ne, %convert_element_type3A_74, %cond3A_75 : i32
      scf.if %cond3A_76 {
        %mul3A_85 = arith.constant 5 : i32
        %mul3A_86 = arith.muli %scan3A_57, %mul3A_85 : i32
        %add3A_87 = arith.constant 0 : i32
        %add3A_88 = arith.addi %mul3A_86, %add3A_87 : i32
        %dma_start3A = arith.constant 0 : i32
        %dma_start3A_89 = arith.constant 0 : i32
        %dma_start3A_90 = tpu.memref_slice %arg8[%rem3A_58, %dma_start3A, %dma_start3A_89] : memref<3x640x32xf32, #tpu.memory_space<vmem>> -> memref<1x640x32xf32, #tpu.memory_space<vmem>>
        %dma_start3A_91 = tpu.memref_squeeze %dma_start3A_90 : memref<1x640x32xf32, #tpu.memory_space<vmem>> -> memref<640x32xf32, #tpu.memory_space<vmem>>
        %dma_start3A_92 = arith.constant 0 : i32
        %dma_start3A_93 = arith.constant 0 : i32
        %dma_start3A_94 = tpu.memref_slice %dma_start3A_91[%dma_start3A_92, %dma_start3A_93] : memref<640x32xf32, #tpu.memory_space<vmem>> -> memref<128x32xf32, #tpu.memory_space<vmem>>
        %dma_start3A_95 = arith.constant 0 : i32
        %dma_start3A_96 = tpu.memref_slice %arg6[%add3A_88, %dma_start3A_95] : memref<50x128xi32, #tpu.memory_space<vmem>> -> memref<1x128xi32, #tpu.memory_space<vmem>>
        %dma_start3A_97 = tpu.memref_squeeze %dma_start3A_96 : memref<1x128xi32, #tpu.memory_space<vmem>> -> memref<128xi32, #tpu.memory_space<vmem>>
        %dma_start3A_98 = arith.constant 0 : i32
        %dma_start3A_99 = arith.constant 0 : i32
        %dma_start3A_100 = tpu.memref_slice %arg2[%dma_start3A_98, %dma_start3A_99] : memref<1000000x32xf32, #tpu.memory_space<hbm>> -> memref<1000000x32xf32, #tpu.memory_space<hbm>>
        %dma_start3A_101 = tpu.memref_slice %arg10[%rem3A_58] : memref<3x!tpu.dma_semaphore, #tpu.memory_space<semaphore_mem>> -> memref<1x!tpu.dma_semaphore, #tpu.memory_space<semaphore_mem>>
        %dma_start3A_102 = tpu.memref_squeeze %dma_start3A_101 : memref<1x!tpu.dma_semaphore, #tpu.memory_space<semaphore_mem>> -> memref<!tpu.dma_semaphore, #tpu.memory_space<semaphore_mem>>
        tpu.enqueue_indirect_dma source(%dma_start3A_100 : memref<1000000x32xf32, #tpu.memory_space<hbm>>) target(%dma_start3A_94 : memref<128x32xf32, #tpu.memory_space<vmem>>) offsets(%dma_start3A_97 : memref<128xi32, #tpu.memory_space<vmem>>) semaphore(%dma_start3A_102 : memref<!tpu.dma_semaphore, #tpu.memory_space<semaphore_mem>>)
        %mul3A_103 = arith.constant 5 : i32
        %mul3A_104 = arith.muli %scan3A_57, %mul3A_103 : i32
        %add3A_105 = arith.constant 1 : i32
        %add3A_106 = arith.addi %mul3A_104, %add3A_105 : i32
        %dma_start3A_107 = arith.constant 0 : i32
        %dma_start3A_108 = arith.constant 0 : i32
        %dma_start3A_109 = tpu.memref_slice %arg8[%rem3A_58, %dma_start3A_107, %dma_start3A_108] : memref<3x640x32xf32, #tpu.memory_space<vmem>> -> memref<1x640x32xf32, #tpu.memory_space<vmem>>
        %dma_start3A_110 = tpu.memref_squeeze %dma_start3A_109 : memref<1x640x32xf32, #tpu.memory_space<vmem>> -> memref<640x32xf32, #tpu.memory_space<vmem>>
        %dma_start3A_111 = arith.constant 128 : i32
        %dma_start3A_112 = arith.constant 0 : i32
        %dma_start3A_113 = tpu.memref_slice %dma_start3A_110[%dma_start3A_111, %dma_start3A_112] : memref<640x32xf32, #tpu.memory_space<vmem>> -> memref<128x32xf32, #tpu.memory_space<vmem>>
        %dma_start3A_114 = arith.constant 0 : i32
        %dma_start3A_115 = tpu.memref_slice %arg6[%add3A_106, %dma_start3A_114] : memref<50x128xi32, #tpu.memory_space<vmem>> -> memref<1x128xi32, #tpu.memory_space<vmem>>
        %dma_start3A_116 = tpu.memref_squeeze %dma_start3A_115 : memref<1x128xi32, #tpu.memory_space<vmem>> -> memref<128xi32, #tpu.memory_space<vmem>>
        %dma_start3A_117 = arith.constant 0 : i32
        %dma_start3A_118 = arith.constant 0 : i32
        %dma_start3A_119 = tpu.memref_slice %arg2[%dma_start3A_117, %dma_start3A_118] : memref<1000000x32xf32, #tpu.memory_space<hbm>> -> memref<1000000x32xf32, #tpu.memory_space<hbm>>
        %dma_start3A_120 = tpu.memref_slice %arg10[%rem3A_58] : memref<3x!tpu.dma_semaphore, #tpu.memory_space<semaphore_mem>> -> memref<1x!tpu.dma_semaphore, #tpu.memory_space<semaphore_mem>>
        %dma_start3A_121 = tpu.memref_squeeze %dma_start3A_120 : memref<1x!tpu.dma_semaphore, #tpu.memory_space<semaphore_mem>> -> memref<!tpu.dma_semaphore, #tpu.memory_space<semaphore_mem>>
        tpu.enqueue_indirect_dma source(%dma_start3A_119 : memref<1000000x32xf32, #tpu.memory_space<hbm>>) target(%dma_start3A_113 : memref<128x32xf32, #tpu.memory_space<vmem>>) offsets(%dma_start3A_116 : memref<128xi32, #tpu.memory_space<vmem>>) semaphore(%dma_start3A_121 : memref<!tpu.dma_semaphore, #tpu.memory_space<semaphore_mem>>)
        %mul3A_122 = arith.constant 5 : i32
        %mul3A_123 = arith.muli %scan3A_57, %mul3A_122 : i32
        %add3A_124 = arith.constant 2 : i32
        %add3A_125 = arith.addi %mul3A_123, %add3A_124 : i32
        %dma_start3A_126 = arith.constant 0 : i32
        %dma_start3A_127 = arith.constant 0 : i32
        %dma_start3A_128 = tpu.memref_slice %arg8[%rem3A_58, %dma_start3A_126, %dma_start3A_127] : memref<3x640x32xf32, #tpu.memory_space<vmem>> -> memref<1x640x32xf32, #tpu.memory_space<vmem>>
        %dma_start3A_129 = tpu.memref_squeeze %dma_start3A_128 : memref<1x640x32xf32, #tpu.memory_space<vmem>> -> memref<640x32xf32, #tpu.memory_space<vmem>>
        %dma_start3A_130 = arith.constant 256 : i32
        %dma_start3A_131 = arith.constant 0 : i32
        %dma_start3A_132 = tpu.memref_slice %dma_start3A_129[%dma_start3A_130, %dma_start3A_131] : memref<640x32xf32, #tpu.memory_space<vmem>> -> memref<128x32xf32, #tpu.memory_space<vmem>>
        %dma_start3A_133 = arith.constant 0 : i32
        %dma_start3A_134 = tpu.memref_slice %arg6[%add3A_125, %dma_start3A_133] : memref<50x128xi32, #tpu.memory_space<vmem>> -> memref<1x128xi32, #tpu.memory_space<vmem>>
        %dma_start3A_135 = tpu.memref_squeeze %dma_start3A_134 : memref<1x128xi32, #tpu.memory_space<vmem>> -> memref<128xi32, #tpu.memory_space<vmem>>
        %dma_start3A_136 = arith.constant 0 : i32
        %dma_start3A_137 = arith.constant 0 : i32
        %dma_start3A_138 = tpu.memref_slice %arg2[%dma_start3A_136, %dma_start3A_137] : memref<1000000x32xf32, #tpu.memory_space<hbm>> -> memref<1000000x32xf32, #tpu.memory_space<hbm>>
        %dma_start3A_139 = tpu.memref_slice %arg10[%rem3A_58] : memref<3x!tpu.dma_semaphore, #tpu.memory_space<semaphore_mem>> -> memref<1x!tpu.dma_semaphore, #tpu.memory_space<semaphore_mem>>
        %dma_start3A_140 = tpu.memref_squeeze %dma_start3A_139 : memref<1x!tpu.dma_semaphore, #tpu.memory_space<semaphore_mem>> -> memref<!tpu.dma_semaphore, #tpu.memory_space<semaphore_mem>>
        tpu.enqueue_indirect_dma source(%dma_start3A_138 : memref<1000000x32xf32, #tpu.memory_space<hbm>>) target(%dma_start3A_132 : memref<128x32xf32, #tpu.memory_space<vmem>>) offsets(%dma_start3A_135 : memref<128xi32, #tpu.memory_space<vmem>>) semaphore(%dma_start3A_140 : memref<!tpu.dma_semaphore, #tpu.memory_space<semaphore_mem>>)
        %mul3A_141 = arith.constant 5 : i32
        %mul3A_142 = arith.muli %scan3A_57, %mul3A_141 : i32
        %add3A_143 = arith.constant 3 : i32
        %add3A_144 = arith.addi %mul3A_142, %add3A_143 : i32
        %dma_start3A_145 = arith.constant 0 : i32
        %dma_start3A_146 = arith.constant 0 : i32
        %dma_start3A_147 = tpu.memref_slice %arg8[%rem3A_58, %dma_start3A_145, %dma_start3A_146] : memref<3x640x32xf32, #tpu.memory_space<vmem>> -> memref<1x640x32xf32, #tpu.memory_space<vmem>>
        %dma_start3A_148 = tpu.memref_squeeze %dma_start3A_147 : memref<1x640x32xf32, #tpu.memory_space<vmem>> -> memref<640x32xf32, #tpu.memory_space<vmem>>
        %dma_start3A_149 = arith.constant 384 : i32
        %dma_start3A_150 = arith.constant 0 : i32
        %dma_start3A_151 = tpu.memref_slice %dma_start3A_148[%dma_start3A_149, %dma_start3A_150] : memref<640x32xf32, #tpu.memory_space<vmem>> -> memref<128x32xf32, #tpu.memory_space<vmem>>
        %dma_start3A_152 = arith.constant 0 : i32
        %dma_start3A_153 = tpu.memref_slice %arg6[%add3A_144, %dma_start3A_152] : memref<50x128xi32, #tpu.memory_space<vmem>> -> memref<1x128xi32, #tpu.memory_space<vmem>>
        %dma_start3A_154 = tpu.memref_squeeze %dma_start3A_153 : memref<1x128xi32, #tpu.memory_space<vmem>> -> memref<128xi32, #tpu.memory_space<vmem>>
        %dma_start3A_155 = arith.constant 0 : i32
        %dma_start3A_156 = arith.constant 0 : i32
        %dma_start3A_157 = tpu.memref_slice %arg2[%dma_start3A_155, %dma_start3A_156] : memref<1000000x32xf32, #tpu.memory_space<hbm>> -> memref<1000000x32xf32, #tpu.memory_space<hbm>>
        %dma_start3A_158 = tpu.memref_slice %arg10[%rem3A_58] : memref<3x!tpu.dma_semaphore, #tpu.memory_space<semaphore_mem>> -> memref<1x!tpu.dma_semaphore, #tpu.memory_space<semaphore_mem>>
        %dma_start3A_159 = tpu.memref_squeeze %dma_start3A_158 : memref<1x!tpu.dma_semaphore, #tpu.memory_space<semaphore_mem>> -> memref<!tpu.dma_semaphore, #tpu.memory_space<semaphore_mem>>
        tpu.enqueue_indirect_dma source(%dma_start3A_157 : memref<1000000x32xf32, #tpu.memory_space<hbm>>) target(%dma_start3A_151 : memref<128x32xf32, #tpu.memory_space<vmem>>) offsets(%dma_start3A_154 : memref<128xi32, #tpu.memory_space<vmem>>) semaphore(%dma_start3A_159 : memref<!tpu.dma_semaphore, #tpu.memory_space<semaphore_mem>>)
        %mul3A_160 = arith.constant 5 : i32
        %mul3A_161 = arith.muli %scan3A_57, %mul3A_160 : i32
        %add3A_162 = arith.constant 4 : i32
        %add3A_163 = arith.addi %mul3A_161, %add3A_162 : i32
        %dma_start3A_164 = arith.constant 0 : i32
        %dma_start3A_165 = arith.constant 0 : i32
        %dma_start3A_166 = tpu.memref_slice %arg8[%rem3A_58, %dma_start3A_164, %dma_start3A_165] : memref<3x640x32xf32, #tpu.memory_space<vmem>> -> memref<1x640x32xf32, #tpu.memory_space<vmem>>
        %dma_start3A_167 = tpu.memref_squeeze %dma_start3A_166 : memref<1x640x32xf32, #tpu.memory_space<vmem>> -> memref<640x32xf32, #tpu.memory_space<vmem>>
        %dma_start3A_168 = arith.constant 512 : i32
        %dma_start3A_169 = arith.constant 0 : i32
        %dma_start3A_170 = tpu.memref_slice %dma_start3A_167[%dma_start3A_168, %dma_start3A_169] : memref<640x32xf32, #tpu.memory_space<vmem>> -> memref<128x32xf32, #tpu.memory_space<vmem>>
        %dma_start3A_171 = arith.constant 0 : i32
        %dma_start3A_172 = tpu.memref_slice %arg6[%add3A_163, %dma_start3A_171] : memref<50x128xi32, #tpu.memory_space<vmem>> -> memref<1x128xi32, #tpu.memory_space<vmem>>
        %dma_start3A_173 = tpu.memref_squeeze %dma_start3A_172 : memref<1x128xi32, #tpu.memory_space<vmem>> -> memref<128xi32, #tpu.memory_space<vmem>>
        %dma_start3A_174 = arith.constant 0 : i32
        %dma_start3A_175 = arith.constant 0 : i32
        %dma_start3A_176 = tpu.memref_slice %arg2[%dma_start3A_174, %dma_start3A_175] : memref<1000000x32xf32, #tpu.memory_space<hbm>> -> memref<1000000x32xf32, #tpu.memory_space<hbm>>
        %dma_start3A_177 = tpu.memref_slice %arg10[%rem3A_58] : memref<3x!tpu.dma_semaphore, #tpu.memory_space<semaphore_mem>> -> memref<1x!tpu.dma_semaphore, #tpu.memory_space<semaphore_mem>>
        %dma_start3A_178 = tpu.memref_squeeze %dma_start3A_177 : memref<1x!tpu.dma_semaphore, #tpu.memory_space<semaphore_mem>> -> memref<!tpu.dma_semaphore, #tpu.memory_space<semaphore_mem>>
        tpu.enqueue_indirect_dma source(%dma_start3A_176 : memref<1000000x32xf32, #tpu.memory_space<hbm>>) target(%dma_start3A_170 : memref<128x32xf32, #tpu.memory_space<vmem>>) offsets(%dma_start3A_173 : memref<128xi32, #tpu.memory_space<vmem>>) semaphore(%dma_start3A_178 : memref<!tpu.dma_semaphore, #tpu.memory_space<semaphore_mem>>)
      } else {
      }
      %ge3A_77 = arith.constant 2 : i32
      %ge3A_78 = arith.cmpi sge, %scan3A_57, %ge3A_77 : i32
      %le3A_79 = arith.constant 11 : i32
      %le3A_80 = arith.cmpi sle, %scan3A_57, %le3A_79 : i32
      %and3A_81 = arith.andi %ge3A_78, %le3A_80 : i1
      %convert_element_type3A_82 = arith.extui %and3A_81 : i1 to i32
      %cond3A_83 = arith.constant 0 : i32
      %cond3A_84 = arith.cmpi ne, %convert_element_type3A_82, %cond3A_83 : i32
      scf.if %cond3A_84 {
        %dma_wait3A_85 = arith.constant 0 : i32
        %dma_wait3A_86 = arith.constant 0 : i32
        %dma_wait3A_87 = tpu.memref_slice %arg8[%rem3A_66, %dma_wait3A_85, %dma_wait3A_86] : memref<3x640x32xf32, #tpu.memory_space<vmem>> -> memref<1x640x32xf32, #tpu.memory_space<vmem>>
        %dma_wait3A_88 = tpu.memref_squeeze %dma_wait3A_87 : memref<1x640x32xf32, #tpu.memory_space<vmem>> -> memref<640x32xf32, #tpu.memory_space<vmem>>
        %dma_wait3A_89 = arith.constant 0 : i32
        %dma_wait3A_90 = arith.constant 0 : i32
        %dma_wait3A_91 = tpu.memref_slice %arg2[%dma_wait3A_89, %dma_wait3A_90] : memref<1000000x32xf32, #tpu.memory_space<hbm>> -> memref<640x32xf32, #tpu.memory_space<hbm>>
        %dma_wait3A_92 = tpu.memref_slice %arg10[%rem3A_66] : memref<3x!tpu.dma_semaphore, #tpu.memory_space<semaphore_mem>> -> memref<1x!tpu.dma_semaphore, #tpu.memory_space<semaphore_mem>>
        %dma_wait3A_93 = tpu.memref_squeeze %dma_wait3A_92 : memref<1x!tpu.dma_semaphore, #tpu.memory_space<semaphore_mem>> -> memref<!tpu.dma_semaphore, #tpu.memory_space<semaphore_mem>>
        %dma_wait3A_94 = arith.constant 0 : i32
        %dma_wait3A_95 = arith.constant 0 : i32
        %dma_wait3A_96 = tpu.memref_slice %arg8[%rem3A_66, %dma_wait3A_94, %dma_wait3A_95] : memref<3x640x32xf32, #tpu.memory_space<vmem>> -> memref<1x640x32xf32, #tpu.memory_space<vmem>>
        %dma_wait3A_97 = tpu.memref_squeeze %dma_wait3A_96 : memref<1x640x32xf32, #tpu.memory_space<vmem>> -> memref<640x32xf32, #tpu.memory_space<vmem>>
        %dma_wait3A_98 = arith.constant 0 : i32
        %dma_wait3A_99 = arith.constant 0 : i32
        %dma_wait3A_100 = tpu.memref_slice %arg2[%dma_wait3A_98, %dma_wait3A_99] : memref<1000000x32xf32, #tpu.memory_space<hbm>> -> memref<640x32xf32, #tpu.memory_space<hbm>>
        tpu.wait_dma2 semaphore(%dma_wait3A_93 : memref<!tpu.dma_semaphore, #tpu.memory_space<semaphore_mem>>) src(%dma_wait3A_100 : memref<640x32xf32, #tpu.memory_space<hbm>>) dst(%dma_wait3A_97 : memref<640x32xf32, #tpu.memory_space<vmem>>)
        %ge3A_101 = arith.constant 4 : i32
        %ge3A_102 = arith.cmpi sge, %scan3A_57, %ge3A_101 : i32
        %convert_element_type3A_103 = arith.extui %ge3A_102 : i1 to i32
        %cond3A_104 = arith.constant 0 : i32
        %cond3A_105 = arith.cmpi ne, %convert_element_type3A_103, %cond3A_104 : i32
        scf.if %cond3A_105 {
          %dma_wait3A_447 = arith.constant 0 : i32
          %dma_wait3A_448 = tpu.memref_slice %arg9[%rem3A_68, %dma_wait3A_447] : memref<2x20480xf32, #tpu.memory_space<vmem>> -> memref<1x20480xf32, #tpu.memory_space<vmem>>
          %dma_wait3A_449 = tpu.memref_squeeze %dma_wait3A_448 : memref<1x20480xf32, #tpu.memory_space<vmem>> -> memref<20480xf32, #tpu.memory_space<vmem>>
          %dma_wait3A_450 = arith.constant 0 : i32
          %dma_wait3A_451 = tpu.memref_slice %arg5[%dma_wait3A_450] : memref<6553600xf32, #tpu.memory_space<hbm>> -> memref<20480xf32, #tpu.memory_space<hbm>>
          %dma_wait3A_452 = tpu.memref_slice %arg11[%rem3A_68] : memref<2x!tpu.dma_semaphore, #tpu.memory_space<semaphore_mem>> -> memref<1x!tpu.dma_semaphore, #tpu.memory_space<semaphore_mem>>
          %dma_wait3A_453 = tpu.memref_squeeze %dma_wait3A_452 : memref<1x!tpu.dma_semaphore, #tpu.memory_space<semaphore_mem>> -> memref<!tpu.dma_semaphore, #tpu.memory_space<semaphore_mem>>
          %dma_wait3A_454 = arith.constant 0 : i32
          %dma_wait3A_455 = tpu.memref_slice %arg5[%dma_wait3A_454] : memref<6553600xf32, #tpu.memory_space<hbm>> -> memref<20480xf32, #tpu.memory_space<hbm>>
          %dma_wait3A_456 = arith.constant 0 : i32
          %dma_wait3A_457 = tpu.memref_slice %arg9[%rem3A_68, %dma_wait3A_456] : memref<2x20480xf32, #tpu.memory_space<vmem>> -> memref<1x20480xf32, #tpu.memory_space<vmem>>
          %dma_wait3A_458 = tpu.memref_squeeze %dma_wait3A_457 : memref<1x20480xf32, #tpu.memory_space<vmem>> -> memref<20480xf32, #tpu.memory_space<vmem>>
          tpu.wait_dma2 semaphore(%dma_wait3A_453 : memref<!tpu.dma_semaphore, #tpu.memory_space<semaphore_mem>>) src(%dma_wait3A_458 : memref<20480xf32, #tpu.memory_space<vmem>>) dst(%dma_wait3A_455 : memref<20480xf32, #tpu.memory_space<hbm>>)
        } else {
        }
        %mul3A_106 = arith.constant 50 : i32
        %mul3A_107 = arith.muli %add3A, %mul3A_106 : i32
        %sub3A = arith.constant 2 : i32
        %sub3A_108 = arith.subi %scan3A_57, %sub3A : i32
        %mul3A_109 = arith.constant 5 : i32
        %mul3A_110 = arith.muli %sub3A_108, %mul3A_109 : i32
        %add3A_111 = arith.addi %mul3A_107, %mul3A_110 : i32
        %add3A_112 = arith.constant 0 : i32
        %add3A_113 = arith.addi %add3A_111, %add3A_112 : i32
        %div3A = arith.constant 32 : i32
        %div3A_114 = arith.divsi %add3A_113, %div3A : i32
        %rem3A_115 = arith.constant 32 : i32
        %rem3A_116 = arith.remsi %add3A_113, %rem3A_115 : i32
        %parallel_loop3A = arith.constant 0 : i32
        %parallel_loop3A_117 = arith.constant 32 : i32
        %parallel_loop3A_118 = arith.constant 1 : i32
        scf.for %parallel_loop3A_447 = %parallel_loop3A to %parallel_loop3A_117 step %parallel_loop3A_118  : i32 {
          %parallel_loop3A_448 = vector.broadcast %parallel_loop3A_447 : i32 to vector<16xi32>
          %parallel_loop3A_449 = arith.constant 7 : i32
          %parallel_loop3A_450 = arith.shli %parallel_loop3A_447, %parallel_loop3A_449 : i32
          %parallel_loop3A_451 = arith.constant 0 : i32
          %parallel_loop3A_452 = arith.addi %parallel_loop3A_451, %parallel_loop3A_450 : i32
          %parallel_loop3A_453 = arith.constant 0 : i32
          %parallel_loop3A_454 = arith.constant 0 : i32
          %parallel_loop3A_455 = tpu.memref_slice %arg8[%rem3A_66, %parallel_loop3A_453, %parallel_loop3A_454] : memref<3x640x32xf32, #tpu.memory_space<vmem>> -> memref<1x640x32xf32, #tpu.memory_space<vmem>>
          %parallel_loop3A_456 = tpu.memref_squeeze %parallel_loop3A_455 : memref<1x640x32xf32, #tpu.memory_space<vmem>> -> memref<640x32xf32, #tpu.memory_space<vmem>>
          %parallel_loop3A_457 = arith.constant 0 : i32
          %parallel_loop3A_458 = arith.constant 0 : i32
          %parallel_loop3A_459 = tpu.memref_slice %parallel_loop3A_456[%parallel_loop3A_457, %parallel_loop3A_458] : memref<640x32xf32, #tpu.memory_space<vmem>> -> memref<128x32xf32, #tpu.memory_space<vmem>>
          %parallel_loop3A_460 = tpu.vector_load_idx %parallel_loop3A_459[%add3A_3, %parallel_loop3A_448] : memref<128x32xf32, #tpu.memory_space<vmem>>[vector<16xi32>, vector<16xi32>], vector<16xf32>,
          %parallel_loop3A_461 = arith.constant 0 : i32
          %parallel_loop3A_462 = arith.addi %parallel_loop3A_452, %parallel_loop3A_461 : i32
          %parallel_loop3A_463 = arith.index_cast %rem3A_68 : i32 to index
          %parallel_loop3A_464 = arith.index_cast %parallel_loop3A_462 : i32 to index
          %parallel_loop3A_465 = tpu.vector_load %arg9[%parallel_loop3A_463, %parallel_loop3A_464] {strides = array<i32>} : memref<2x20480xf32, #tpu.memory_space<vmem>>, vector<16xf32>,
          tpu.vector_store %arg9[%parallel_loop3A_463, %parallel_loop3A_464], %parallel_loop3A_460 {strides = array<i32>} : memref<2x20480xf32, #tpu.memory_space<vmem>>, vector<16xf32>,
          %parallel_loop3A_466 = arith.constant 0 : i32
          %parallel_loop3A_467 = arith.constant 0 : i32
          %parallel_loop3A_468 = tpu.memref_slice %arg8[%rem3A_66, %parallel_loop3A_466, %parallel_loop3A_467] : memref<3x640x32xf32, #tpu.memory_space<vmem>> -> memref<1x640x32xf32, #tpu.memory_space<vmem>>
          %parallel_loop3A_469 = tpu.memref_squeeze %parallel_loop3A_468 : memref<1x640x32xf32, #tpu.memory_space<vmem>> -> memref<640x32xf32, #tpu.memory_space<vmem>>
          %parallel_loop3A_470 = arith.constant 0 : i32
          %parallel_loop3A_471 = arith.constant 0 : i32
          %parallel_loop3A_472 = tpu.memref_slice %parallel_loop3A_469[%parallel_loop3A_470, %parallel_loop3A_471] : memref<640x32xf32, #tpu.memory_space<vmem>> -> memref<128x32xf32, #tpu.memory_space<vmem>>
          %parallel_loop3A_473 = tpu.vector_load_idx %parallel_loop3A_472[%add3A_6, %parallel_loop3A_448] : memref<128x32xf32, #tpu.memory_space<vmem>>[vector<16xi32>, vector<16xi32>], vector<16xf32>,
          %parallel_loop3A_474 = arith.constant 16 : i32
          %parallel_loop3A_475 = arith.addi %parallel_loop3A_452, %parallel_loop3A_474 : i32
          %parallel_loop3A_476 = arith.index_cast %rem3A_68 : i32 to index
          %parallel_loop3A_477 = arith.index_cast %parallel_loop3A_475 : i32 to index
          %parallel_loop3A_478 = tpu.vector_load %arg9[%parallel_loop3A_476, %parallel_loop3A_477] {strides = array<i32>} : memref<2x20480xf32, #tpu.memory_space<vmem>>, vector<16xf32>,
          tpu.vector_store %arg9[%parallel_loop3A_476, %parallel_loop3A_477], %parallel_loop3A_473 {strides = array<i32>} : memref<2x20480xf32, #tpu.memory_space<vmem>>, vector<16xf32>,
          %parallel_loop3A_479 = arith.constant 0 : i32
          %parallel_loop3A_480 = arith.constant 0 : i32
          %parallel_loop3A_481 = tpu.memref_slice %arg8[%rem3A_66, %parallel_loop3A_479, %parallel_loop3A_480] : memref<3x640x32xf32, #tpu.memory_space<vmem>> -> memref<1x640x32xf32, #tpu.memory_space<vmem>>
          %parallel_loop3A_482 = tpu.memref_squeeze %parallel_loop3A_481 : memref<1x640x32xf32, #tpu.memory_space<vmem>> -> memref<640x32xf32, #tpu.memory_space<vmem>>
          %parallel_loop3A_483 = arith.constant 0 : i32
          %parallel_loop3A_484 = arith.constant 0 : i32
          %parallel_loop3A_485 = tpu.memref_slice %parallel_loop3A_482[%parallel_loop3A_483, %parallel_loop3A_484] : memref<640x32xf32, #tpu.memory_space<vmem>> -> memref<128x32xf32, #tpu.memory_space<vmem>>
          %parallel_loop3A_486 = tpu.vector_load_idx %parallel_loop3A_485[%add3A_9, %parallel_loop3A_448] : memref<128x32xf32, #tpu.memory_space<vmem>>[vector<16xi32>, vector<16xi32>], vector<16xf32>,
          %parallel_loop3A_487 = arith.constant 32 : i32
          %parallel_loop3A_488 = arith.addi %parallel_loop3A_452, %parallel_loop3A_487 : i32
          %parallel_loop3A_489 = arith.index_cast %rem3A_68 : i32 to index
          %parallel_loop3A_490 = arith.index_cast %parallel_loop3A_488 : i32 to index
          %parallel_loop3A_491 = tpu.vector_load %arg9[%parallel_loop3A_489, %parallel_loop3A_490] {strides = array<i32>} : memref<2x20480xf32, #tpu.memory_space<vmem>>, vector<16xf32>,
          tpu.vector_store %arg9[%parallel_loop3A_489, %parallel_loop3A_490], %parallel_loop3A_486 {strides = array<i32>} : memref<2x20480xf32, #tpu.memory_space<vmem>>, vector<16xf32>,
          %parallel_loop3A_492 = arith.constant 0 : i32
          %parallel_loop3A_493 = arith.constant 0 : i32
          %parallel_loop3A_494 = tpu.memref_slice %arg8[%rem3A_66, %parallel_loop3A_492, %parallel_loop3A_493] : memref<3x640x32xf32, #tpu.memory_space<vmem>> -> memref<1x640x32xf32, #tpu.memory_space<vmem>>
          %parallel_loop3A_495 = tpu.memref_squeeze %parallel_loop3A_494 : memref<1x640x32xf32, #tpu.memory_space<vmem>> -> memref<640x32xf32, #tpu.memory_space<vmem>>
          %parallel_loop3A_496 = arith.constant 0 : i32
          %parallel_loop3A_497 = arith.constant 0 : i32
          %parallel_loop3A_498 = tpu.memref_slice %parallel_loop3A_495[%parallel_loop3A_496, %parallel_loop3A_497] : memref<640x32xf32, #tpu.memory_space<vmem>> -> memref<128x32xf32, #tpu.memory_space<vmem>>
          %parallel_loop3A_499 = tpu.vector_load_idx %parallel_loop3A_498[%add3A_12, %parallel_loop3A_448] : memref<128x32xf32, #tpu.memory_space<vmem>>[vector<16xi32>, vector<16xi32>], vector<16xf32>,
          %parallel_loop3A_500 = arith.constant 48 : i32
          %parallel_loop3A_501 = arith.addi %parallel_loop3A_452, %parallel_loop3A_500 : i32
          %parallel_loop3A_502 = arith.index_cast %rem3A_68 : i32 to index
          %parallel_loop3A_503 = arith.index_cast %parallel_loop3A_501 : i32 to index
          %parallel_loop3A_504 = tpu.vector_load %arg9[%parallel_loop3A_502, %parallel_loop3A_503] {strides = array<i32>} : memref<2x20480xf32, #tpu.memory_space<vmem>>, vector<16xf32>,
          tpu.vector_store %arg9[%parallel_loop3A_502, %parallel_loop3A_503], %parallel_loop3A_499 {strides = array<i32>} : memref<2x20480xf32, #tpu.memory_space<vmem>>, vector<16xf32>,
          %parallel_loop3A_505 = arith.constant 0 : i32
          %parallel_loop3A_506 = arith.constant 0 : i32
          %parallel_loop3A_507 = tpu.memref_slice %arg8[%rem3A_66, %parallel_loop3A_505, %parallel_loop3A_506] : memref<3x640x32xf32, #tpu.memory_space<vmem>> -> memref<1x640x32xf32, #tpu.memory_space<vmem>>
          %parallel_loop3A_508 = tpu.memref_squeeze %parallel_loop3A_507 : memref<1x640x32xf32, #tpu.memory_space<vmem>> -> memref<640x32xf32, #tpu.memory_space<vmem>>
          %parallel_loop3A_509 = arith.constant 0 : i32
          %parallel_loop3A_510 = arith.constant 0 : i32
          %parallel_loop3A_511 = tpu.memref_slice %parallel_loop3A_508[%parallel_loop3A_509, %parallel_loop3A_510] : memref<640x32xf32, #tpu.memory_space<vmem>> -> memref<128x32xf32, #tpu.memory_space<vmem>>
          %parallel_loop3A_512 = tpu.vector_load_idx %parallel_loop3A_511[%add3A_15, %parallel_loop3A_448] : memref<128x32xf32, #tpu.memory_space<vmem>>[vector<16xi32>, vector<16xi32>], vector<16xf32>,
          %parallel_loop3A_513 = arith.constant 64 : i32
          %parallel_loop3A_514 = arith.addi %parallel_loop3A_452, %parallel_loop3A_513 : i32
          %parallel_loop3A_515 = arith.index_cast %rem3A_68 : i32 to index
          %parallel_loop3A_516 = arith.index_cast %parallel_loop3A_514 : i32 to index
          %parallel_loop3A_517 = tpu.vector_load %arg9[%parallel_loop3A_515, %parallel_loop3A_516] {strides = array<i32>} : memref<2x20480xf32, #tpu.memory_space<vmem>>, vector<16xf32>,
          tpu.vector_store %arg9[%parallel_loop3A_515, %parallel_loop3A_516], %parallel_loop3A_512 {strides = array<i32>} : memref<2x20480xf32, #tpu.memory_space<vmem>>, vector<16xf32>,
          %parallel_loop3A_518 = arith.constant 0 : i32
          %parallel_loop3A_519 = arith.constant 0 : i32
          %parallel_loop3A_520 = tpu.memref_slice %arg8[%rem3A_66, %parallel_loop3A_518, %parallel_loop3A_519] : memref<3x640x32xf32, #tpu.memory_space<vmem>> -> memref<1x640x32xf32, #tpu.memory_space<vmem>>
          %parallel_loop3A_521 = tpu.memref_squeeze %parallel_loop3A_520 : memref<1x640x32xf32, #tpu.memory_space<vmem>> -> memref<640x32xf32, #tpu.memory_space<vmem>>
          %parallel_loop3A_522 = arith.constant 0 : i32
          %parallel_loop3A_523 = arith.constant 0 : i32
          %parallel_loop3A_524 = tpu.memref_slice %parallel_loop3A_521[%parallel_loop3A_522, %parallel_loop3A_523] : memref<640x32xf32, #tpu.memory_space<vmem>> -> memref<128x32xf32, #tpu.memory_space<vmem>>
          %parallel_loop3A_525 = tpu.vector_load_idx %parallel_loop3A_524[%add3A_18, %parallel_loop3A_448] : memref<128x32xf32, #tpu.memory_space<vmem>>[vector<16xi32>, vector<16xi32>], vector<16xf32>,
          %parallel_loop3A_526 = arith.constant 80 : i32
          %parallel_loop3A_527 = arith.addi %parallel_loop3A_452, %parallel_loop3A_526 : i32
          %parallel_loop3A_528 = arith.index_cast %rem3A_68 : i32 to index
          %parallel_loop3A_529 = arith.index_cast %parallel_loop3A_527 : i32 to index
          %parallel_loop3A_530 = tpu.vector_load %arg9[%parallel_loop3A_528, %parallel_loop3A_529] {strides = array<i32>} : memref<2x20480xf32, #tpu.memory_space<vmem>>, vector<16xf32>,
          tpu.vector_store %arg9[%parallel_loop3A_528, %parallel_loop3A_529], %parallel_loop3A_525 {strides = array<i32>} : memref<2x20480xf32, #tpu.memory_space<vmem>>, vector<16xf32>,
          %parallel_loop3A_531 = arith.constant 0 : i32
          %parallel_loop3A_532 = arith.constant 0 : i32
          %parallel_loop3A_533 = tpu.memref_slice %arg8[%rem3A_66, %parallel_loop3A_531, %parallel_loop3A_532] : memref<3x640x32xf32, #tpu.memory_space<vmem>> -> memref<1x640x32xf32, #tpu.memory_space<vmem>>
          %parallel_loop3A_534 = tpu.memref_squeeze %parallel_loop3A_533 : memref<1x640x32xf32, #tpu.memory_space<vmem>> -> memref<640x32xf32, #tpu.memory_space<vmem>>
          %parallel_loop3A_535 = arith.constant 0 : i32
          %parallel_loop3A_536 = arith.constant 0 : i32
          %parallel_loop3A_537 = tpu.memref_slice %parallel_loop3A_534[%parallel_loop3A_535, %parallel_loop3A_536] : memref<640x32xf32, #tpu.memory_space<vmem>> -> memref<128x32xf32, #tpu.memory_space<vmem>>
          %parallel_loop3A_538 = tpu.vector_load_idx %parallel_loop3A_537[%add3A_21, %parallel_loop3A_448] : memref<128x32xf32, #tpu.memory_space<vmem>>[vector<16xi32>, vector<16xi32>], vector<16xf32>,
          %parallel_loop3A_539 = arith.constant 96 : i32
          %parallel_loop3A_540 = arith.addi %parallel_loop3A_452, %parallel_loop3A_539 : i32
          %parallel_loop3A_541 = arith.index_cast %rem3A_68 : i32 to index
          %parallel_loop3A_542 = arith.index_cast %parallel_loop3A_540 : i32 to index
          %parallel_loop3A_543 = tpu.vector_load %arg9[%parallel_loop3A_541, %parallel_loop3A_542] {strides = array<i32>} : memref<2x20480xf32, #tpu.memory_space<vmem>>, vector<16xf32>,
          tpu.vector_store %arg9[%parallel_loop3A_541, %parallel_loop3A_542], %parallel_loop3A_538 {strides = array<i32>} : memref<2x20480xf32, #tpu.memory_space<vmem>>, vector<16xf32>,
          %parallel_loop3A_544 = arith.constant 0 : i32
          %parallel_loop3A_545 = arith.constant 0 : i32
          %parallel_loop3A_546 = tpu.memref_slice %arg8[%rem3A_66, %parallel_loop3A_544, %parallel_loop3A_545] : memref<3x640x32xf32, #tpu.memory_space<vmem>> -> memref<1x640x32xf32, #tpu.memory_space<vmem>>
          %parallel_loop3A_547 = tpu.memref_squeeze %parallel_loop3A_546 : memref<1x640x32xf32, #tpu.memory_space<vmem>> -> memref<640x32xf32, #tpu.memory_space<vmem>>
          %parallel_loop3A_548 = arith.constant 0 : i32
          %parallel_loop3A_549 = arith.constant 0 : i32
          %parallel_loop3A_550 = tpu.memref_slice %parallel_loop3A_547[%parallel_loop3A_548, %parallel_loop3A_549] : memref<640x32xf32, #tpu.memory_space<vmem>> -> memref<128x32xf32, #tpu.memory_space<vmem>>
          %parallel_loop3A_551 = tpu.vector_load_idx %parallel_loop3A_550[%add3A_24, %parallel_loop3A_448] : memref<128x32xf32, #tpu.memory_space<vmem>>[vector<16xi32>, vector<16xi32>], vector<16xf32>,
          %parallel_loop3A_552 = arith.constant 112 : i32
          %parallel_loop3A_553 = arith.addi %parallel_loop3A_452, %parallel_loop3A_552 : i32
          %parallel_loop3A_554 = arith.index_cast %rem3A_68 : i32 to index
          %parallel_loop3A_555 = arith.index_cast %parallel_loop3A_553 : i32 to index
          %parallel_loop3A_556 = tpu.vector_load %arg9[%parallel_loop3A_554, %parallel_loop3A_555] {strides = array<i32>} : memref<2x20480xf32, #tpu.memory_space<vmem>>, vector<16xf32>,
          tpu.vector_store %arg9[%parallel_loop3A_554, %parallel_loop3A_555], %parallel_loop3A_551 {strides = array<i32>} : memref<2x20480xf32, #tpu.memory_space<vmem>>, vector<16xf32>,
        } {sc.loop_unroll_factor = 8 : i64, sc.parallel_access}
        %mul3A_119 = arith.constant 131072 : i32
        %mul3A_120 = arith.muli %div3A_114, %mul3A_119 : i32
        %mul3A_121 = arith.constant 1024 : i32
        %mul3A_122 = arith.muli %rem3A_116, %mul3A_121 : i32
        %add3A_123 = arith.addi %mul3A_120, %mul3A_122 : i32
        %add3A_124 = arith.constant 0 : i32
        %add3A_125 = arith.addi %add3A_123, %add3A_124 : i32
        %dma_start3A = arith.constant 0 : i32
        %dma_start3A_126 = tpu.memref_slice %arg9[%rem3A_68, %dma_start3A] : memref<2x20480xf32, #tpu.memory_space<vmem>> -> memref<1x1024xf32, #tpu.memory_space<vmem>>
        %dma_start3A_127 = tpu.memref_squeeze %dma_start3A_126 : memref<1x1024xf32, #tpu.memory_space<vmem>> -> memref<1024xf32, #tpu.memory_space<vmem>>
        %dma_start3A_128 = tpu.memref_slice %arg5[%add3A_125] : memref<6553600xf32, #tpu.memory_space<hbm>> -> memref<1024xf32, #tpu.memory_space<hbm>>
        %dma_start3A_129 = tpu.memref_slice %arg11[%rem3A_68] : memref<2x!tpu.dma_semaphore, #tpu.memory_space<semaphore_mem>> -> memref<1x!tpu.dma_semaphore, #tpu.memory_space<semaphore_mem>>
        %dma_start3A_130 = tpu.memref_squeeze %dma_start3A_129 : memref<1x!tpu.dma_semaphore, #tpu.memory_space<semaphore_mem>> -> memref<!tpu.dma_semaphore, #tpu.memory_space<semaphore_mem>>
        %dma_start3A_131 = tpu.memref_slice %arg5[%add3A_125] : memref<6553600xf32, #tpu.memory_space<hbm>> -> memref<1024xf32, #tpu.memory_space<hbm>>
        %dma_start3A_132 = arith.constant 0 : i32
        %dma_start3A_133 = tpu.memref_slice %arg9[%rem3A_68, %dma_start3A_132] : memref<2x20480xf32, #tpu.memory_space<vmem>> -> memref<1x1024xf32, #tpu.memory_space<vmem>>
        %dma_start3A_134 = tpu.memref_squeeze %dma_start3A_133 : memref<1x1024xf32, #tpu.memory_space<vmem>> -> memref<1024xf32, #tpu.memory_space<vmem>>
        tpu.enqueue_dma source(%dma_start3A_134 : memref<1024xf32, #tpu.memory_space<vmem>>) target(%dma_start3A_131 : memref<1024xf32, #tpu.memory_space<hbm>>) target_semaphore(%dma_start3A_130 : memref<!tpu.dma_semaphore, #tpu.memory_space<semaphore_mem>>)
        %add3A_135 = arith.constant 32768 : i32
        %add3A_136 = arith.addi %add3A_123, %add3A_135 : i32
        %dma_start3A_137 = arith.constant 1024 : i32
        %dma_start3A_138 = tpu.memref_slice %arg9[%rem3A_68, %dma_start3A_137] : memref<2x20480xf32, #tpu.memory_space<vmem>> -> memref<1x1024xf32, #tpu.memory_space<vmem>>
        %dma_start3A_139 = tpu.memref_squeeze %dma_start3A_138 : memref<1x1024xf32, #tpu.memory_space<vmem>> -> memref<1024xf32, #tpu.memory_space<vmem>>
        %dma_start3A_140 = tpu.memref_slice %arg5[%add3A_136] : memref<6553600xf32, #tpu.memory_space<hbm>> -> memref<1024xf32, #tpu.memory_space<hbm>>
        %dma_start3A_141 = tpu.memref_slice %arg11[%rem3A_68] : memref<2x!tpu.dma_semaphore, #tpu.memory_space<semaphore_mem>> -> memref<1x!tpu.dma_semaphore, #tpu.memory_space<semaphore_mem>>
        %dma_start3A_142 = tpu.memref_squeeze %dma_start3A_141 : memref<1x!tpu.dma_semaphore, #tpu.memory_space<semaphore_mem>> -> memref<!tpu.dma_semaphore, #tpu.memory_space<semaphore_mem>>
        %dma_start3A_143 = tpu.memref_slice %arg5[%add3A_136] : memref<6553600xf32, #tpu.memory_space<hbm>> -> memref<1024xf32, #tpu.memory_space<hbm>>
        %dma_start3A_144 = arith.constant 1024 : i32
        %dma_start3A_145 = tpu.memref_slice %arg9[%rem3A_68, %dma_start3A_144] : memref<2x20480xf32, #tpu.memory_space<vmem>> -> memref<1x1024xf32, #tpu.memory_space<vmem>>
        %dma_start3A_146 = tpu.memref_squeeze %dma_start3A_145 : memref<1x1024xf32, #tpu.memory_space<vmem>> -> memref<1024xf32, #tpu.memory_space<vmem>>
        tpu.enqueue_dma source(%dma_start3A_146 : memref<1024xf32, #tpu.memory_space<vmem>>) target(%dma_start3A_143 : memref<1024xf32, #tpu.memory_space<hbm>>) target_semaphore(%dma_start3A_142 : memref<!tpu.dma_semaphore, #tpu.memory_space<semaphore_mem>>)
        %add3A_147 = arith.constant 65536 : i32
        %add3A_148 = arith.addi %add3A_123, %add3A_147 : i32
        %dma_start3A_149 = arith.constant 2048 : i32
        %dma_start3A_150 = tpu.memref_slice %arg9[%rem3A_68, %dma_start3A_149] : memref<2x20480xf32, #tpu.memory_space<vmem>> -> memref<1x1024xf32, #tpu.memory_space<vmem>>
        %dma_start3A_151 = tpu.memref_squeeze %dma_start3A_150 : memref<1x1024xf32, #tpu.memory_space<vmem>> -> memref<1024xf32, #tpu.memory_space<vmem>>
        %dma_start3A_152 = tpu.memref_slice %arg5[%add3A_148] : memref<6553600xf32, #tpu.memory_space<hbm>> -> memref<1024xf32, #tpu.memory_space<hbm>>
        %dma_start3A_153 = tpu.memref_slice %arg11[%rem3A_68] : memref<2x!tpu.dma_semaphore, #tpu.memory_space<semaphore_mem>> -> memref<1x!tpu.dma_semaphore, #tpu.memory_space<semaphore_mem>>
        %dma_start3A_154 = tpu.memref_squeeze %dma_start3A_153 : memref<1x!tpu.dma_semaphore, #tpu.memory_space<semaphore_mem>> -> memref<!tpu.dma_semaphore, #tpu.memory_space<semaphore_mem>>
        %dma_start3A_155 = tpu.memref_slice %arg5[%add3A_148] : memref<6553600xf32, #tpu.memory_space<hbm>> -> memref<1024xf32, #tpu.memory_space<hbm>>
        %dma_start3A_156 = arith.constant 2048 : i32
        %dma_start3A_157 = tpu.memref_slice %arg9[%rem3A_68, %dma_start3A_156] : memref<2x20480xf32, #tpu.memory_space<vmem>> -> memref<1x1024xf32, #tpu.memory_space<vmem>>
        %dma_start3A_158 = tpu.memref_squeeze %dma_start3A_157 : memref<1x1024xf32, #tpu.memory_space<vmem>> -> memref<1024xf32, #tpu.memory_space<vmem>>
        tpu.enqueue_dma source(%dma_start3A_158 : memref<1024xf32, #tpu.memory_space<vmem>>) target(%dma_start3A_155 : memref<1024xf32, #tpu.memory_space<hbm>>) target_semaphore(%dma_start3A_154 : memref<!tpu.dma_semaphore, #tpu.memory_space<semaphore_mem>>)
        %add3A_159 = arith.constant 98304 : i32
        %add3A_160 = arith.addi %add3A_123, %add3A_159 : i32
        %dma_start3A_161 = arith.constant 3072 : i32
        %dma_start3A_162 = tpu.memref_slice %arg9[%rem3A_68, %dma_start3A_161] : memref<2x20480xf32, #tpu.memory_space<vmem>> -> memref<1x1024xf32, #tpu.memory_space<vmem>>
        %dma_start3A_163 = tpu.memref_squeeze %dma_start3A_162 : memref<1x1024xf32, #tpu.memory_space<vmem>> -> memref<1024xf32, #tpu.memory_space<vmem>>
        %dma_start3A_164 = tpu.memref_slice %arg5[%add3A_160] : memref<6553600xf32, #tpu.memory_space<hbm>> -> memref<1024xf32, #tpu.memory_space<hbm>>
        %dma_start3A_165 = tpu.memref_slice %arg11[%rem3A_68] : memref<2x!tpu.dma_semaphore, #tpu.memory_space<semaphore_mem>> -> memref<1x!tpu.dma_semaphore, #tpu.memory_space<semaphore_mem>>
        %dma_start3A_166 = tpu.memref_squeeze %dma_start3A_165 : memref<1x!tpu.dma_semaphore, #tpu.memory_space<semaphore_mem>> -> memref<!tpu.dma_semaphore, #tpu.memory_space<semaphore_mem>>
        %dma_start3A_167 = tpu.memref_slice %arg5[%add3A_160] : memref<6553600xf32, #tpu.memory_space<hbm>> -> memref<1024xf32, #tpu.memory_space<hbm>>
        %dma_start3A_168 = arith.constant 3072 : i32
        %dma_start3A_169 = tpu.memref_slice %arg9[%rem3A_68, %dma_start3A_168] : memref<2x20480xf32, #tpu.memory_space<vmem>> -> memref<1x1024xf32, #tpu.memory_space<vmem>>
        %dma_start3A_170 = tpu.memref_squeeze %dma_start3A_169 : memref<1x1024xf32, #tpu.memory_space<vmem>> -> memref<1024xf32, #tpu.memory_space<vmem>>
        tpu.enqueue_dma source(%dma_start3A_170 : memref<1024xf32, #tpu.memory_space<vmem>>) target(%dma_start3A_167 : memref<1024xf32, #tpu.memory_space<hbm>>) target_semaphore(%dma_start3A_166 : memref<!tpu.dma_semaphore, #tpu.memory_space<semaphore_mem>>)
        %mul3A_171 = arith.constant 50 : i32
        %mul3A_172 = arith.muli %add3A, %mul3A_171 : i32
        %sub3A_173 = arith.constant 2 : i32
        %sub3A_174 = arith.subi %scan3A_57, %sub3A_173 : i32
        %mul3A_175 = arith.constant 5 : i32
        %mul3A_176 = arith.muli %sub3A_174, %mul3A_175 : i32
        %add3A_177 = arith.addi %mul3A_172, %mul3A_176 : i32
        %add3A_178 = arith.constant 1 : i32
        %add3A_179 = arith.addi %add3A_177, %add3A_178 : i32
        %div3A_180 = arith.constant 32 : i32
        %div3A_181 = arith.divsi %add3A_179, %div3A_180 : i32
        %rem3A_182 = arith.constant 32 : i32
        %rem3A_183 = arith.remsi %add3A_179, %rem3A_182 : i32
        %parallel_loop3A_184 = arith.constant 0 : i32
        %parallel_loop3A_185 = arith.constant 32 : i32
        %parallel_loop3A_186 = arith.constant 1 : i32
        scf.for %parallel_loop3A_447 = %parallel_loop3A_184 to %parallel_loop3A_185 step %parallel_loop3A_186  : i32 {
          %parallel_loop3A_448 = vector.broadcast %parallel_loop3A_447 : i32 to vector<16xi32>
          %parallel_loop3A_449 = arith.constant 7 : i32
          %parallel_loop3A_450 = arith.shli %parallel_loop3A_447, %parallel_loop3A_449 : i32
          %parallel_loop3A_451 = arith.constant 4096 : i32
          %parallel_loop3A_452 = arith.addi %parallel_loop3A_451, %parallel_loop3A_450 : i32
          %parallel_loop3A_453 = arith.constant 0 : i32
          %parallel_loop3A_454 = arith.constant 0 : i32
          %parallel_loop3A_455 = tpu.memref_slice %arg8[%rem3A_66, %parallel_loop3A_453, %parallel_loop3A_454] : memref<3x640x32xf32, #tpu.memory_space<vmem>> -> memref<1x640x32xf32, #tpu.memory_space<vmem>>
          %parallel_loop3A_456 = tpu.memref_squeeze %parallel_loop3A_455 : memref<1x640x32xf32, #tpu.memory_space<vmem>> -> memref<640x32xf32, #tpu.memory_space<vmem>>
          %parallel_loop3A_457 = arith.constant 128 : i32
          %parallel_loop3A_458 = arith.constant 0 : i32
          %parallel_loop3A_459 = tpu.memref_slice %parallel_loop3A_456[%parallel_loop3A_457, %parallel_loop3A_458] : memref<640x32xf32, #tpu.memory_space<vmem>> -> memref<128x32xf32, #tpu.memory_space<vmem>>
          %parallel_loop3A_460 = tpu.vector_load_idx %parallel_loop3A_459[%add3A_3, %parallel_loop3A_448] : memref<128x32xf32, #tpu.memory_space<vmem>>[vector<16xi32>, vector<16xi32>], vector<16xf32>,
          %parallel_loop3A_461 = arith.constant 0 : i32
          %parallel_loop3A_462 = arith.addi %parallel_loop3A_452, %parallel_loop3A_461 : i32
          %parallel_loop3A_463 = arith.index_cast %rem3A_68 : i32 to index
          %parallel_loop3A_464 = arith.index_cast %parallel_loop3A_462 : i32 to index
          %parallel_loop3A_465 = tpu.vector_load %arg9[%parallel_loop3A_463, %parallel_loop3A_464] {strides = array<i32>} : memref<2x20480xf32, #tpu.memory_space<vmem>>, vector<16xf32>,
          tpu.vector_store %arg9[%parallel_loop3A_463, %parallel_loop3A_464], %parallel_loop3A_460 {strides = array<i32>} : memref<2x20480xf32, #tpu.memory_space<vmem>>, vector<16xf32>,
          %parallel_loop3A_466 = arith.constant 0 : i32
          %parallel_loop3A_467 = arith.constant 0 : i32
          %parallel_loop3A_468 = tpu.memref_slice %arg8[%rem3A_66, %parallel_loop3A_466, %parallel_loop3A_467] : memref<3x640x32xf32, #tpu.memory_space<vmem>> -> memref<1x640x32xf32, #tpu.memory_space<vmem>>
          %parallel_loop3A_469 = tpu.memref_squeeze %parallel_loop3A_468 : memref<1x640x32xf32, #tpu.memory_space<vmem>> -> memref<640x32xf32, #tpu.memory_space<vmem>>
          %parallel_loop3A_470 = arith.constant 128 : i32
          %parallel_loop3A_471 = arith.constant 0 : i32
          %parallel_loop3A_472 = tpu.memref_slice %parallel_loop3A_469[%parallel_loop3A_470, %parallel_loop3A_471] : memref<640x32xf32, #tpu.memory_space<vmem>> -> memref<128x32xf32, #tpu.memory_space<vmem>>
          %parallel_loop3A_473 = tpu.vector_load_idx %parallel_loop3A_472[%add3A_6, %parallel_loop3A_448] : memref<128x32xf32, #tpu.memory_space<vmem>>[vector<16xi32>, vector<16xi32>], vector<16xf32>,
          %parallel_loop3A_474 = arith.constant 16 : i32
          %parallel_loop3A_475 = arith.addi %parallel_loop3A_452, %parallel_loop3A_474 : i32
          %parallel_loop3A_476 = arith.index_cast %rem3A_68 : i32 to index
          %parallel_loop3A_477 = arith.index_cast %parallel_loop3A_475 : i32 to index
          %parallel_loop3A_478 = tpu.vector_load %arg9[%parallel_loop3A_476, %parallel_loop3A_477] {strides = array<i32>} : memref<2x20480xf32, #tpu.memory_space<vmem>>, vector<16xf32>,
          tpu.vector_store %arg9[%parallel_loop3A_476, %parallel_loop3A_477], %parallel_loop3A_473 {strides = array<i32>} : memref<2x20480xf32, #tpu.memory_space<vmem>>, vector<16xf32>,
          %parallel_loop3A_479 = arith.constant 0 : i32
          %parallel_loop3A_480 = arith.constant 0 : i32
          %parallel_loop3A_481 = tpu.memref_slice %arg8[%rem3A_66, %parallel_loop3A_479, %parallel_loop3A_480] : memref<3x640x32xf32, #tpu.memory_space<vmem>> -> memref<1x640x32xf32, #tpu.memory_space<vmem>>
          %parallel_loop3A_482 = tpu.memref_squeeze %parallel_loop3A_481 : memref<1x640x32xf32, #tpu.memory_space<vmem>> -> memref<640x32xf32, #tpu.memory_space<vmem>>
          %parallel_loop3A_483 = arith.constant 128 : i32
          %parallel_loop3A_484 = arith.constant 0 : i32
          %parallel_loop3A_485 = tpu.memref_slice %parallel_loop3A_482[%parallel_loop3A_483, %parallel_loop3A_484] : memref<640x32xf32, #tpu.memory_space<vmem>> -> memref<128x32xf32, #tpu.memory_space<vmem>>
          %parallel_loop3A_486 = tpu.vector_load_idx %parallel_loop3A_485[%add3A_9, %parallel_loop3A_448] : memref<128x32xf32, #tpu.memory_space<vmem>>[vector<16xi32>, vector<16xi32>], vector<16xf32>,
          %parallel_loop3A_487 = arith.constant 32 : i32
          %parallel_loop3A_488 = arith.addi %parallel_loop3A_452, %parallel_loop3A_487 : i32
          %parallel_loop3A_489 = arith.index_cast %rem3A_68 : i32 to index
          %parallel_loop3A_490 = arith.index_cast %parallel_loop3A_488 : i32 to index
          %parallel_loop3A_491 = tpu.vector_load %arg9[%parallel_loop3A_489, %parallel_loop3A_490] {strides = array<i32>} : memref<2x20480xf32, #tpu.memory_space<vmem>>, vector<16xf32>,
          tpu.vector_store %arg9[%parallel_loop3A_489, %parallel_loop3A_490], %parallel_loop3A_486 {strides = array<i32>} : memref<2x20480xf32, #tpu.memory_space<vmem>>, vector<16xf32>,
          %parallel_loop3A_492 = arith.constant 0 : i32
          %parallel_loop3A_493 = arith.constant 0 : i32
          %parallel_loop3A_494 = tpu.memref_slice %arg8[%rem3A_66, %parallel_loop3A_492, %parallel_loop3A_493] : memref<3x640x32xf32, #tpu.memory_space<vmem>> -> memref<1x640x32xf32, #tpu.memory_space<vmem>>
          %parallel_loop3A_495 = tpu.memref_squeeze %parallel_loop3A_494 : memref<1x640x32xf32, #tpu.memory_space<vmem>> -> memref<640x32xf32, #tpu.memory_space<vmem>>
          %parallel_loop3A_496 = arith.constant 128 : i32
          %parallel_loop3A_497 = arith.constant 0 : i32
          %parallel_loop3A_498 = tpu.memref_slice %parallel_loop3A_495[%parallel_loop3A_496, %parallel_loop3A_497] : memref<640x32xf32, #tpu.memory_space<vmem>> -> memref<128x32xf32, #tpu.memory_space<vmem>>
          %parallel_loop3A_499 = tpu.vector_load_idx %parallel_loop3A_498[%add3A_12, %parallel_loop3A_448] : memref<128x32xf32, #tpu.memory_space<vmem>>[vector<16xi32>, vector<16xi32>], vector<16xf32>,
          %parallel_loop3A_500 = arith.constant 48 : i32
          %parallel_loop3A_501 = arith.addi %parallel_loop3A_452, %parallel_loop3A_500 : i32
          %parallel_loop3A_502 = arith.index_cast %rem3A_68 : i32 to index
          %parallel_loop3A_503 = arith.index_cast %parallel_loop3A_501 : i32 to index
          %parallel_loop3A_504 = tpu.vector_load %arg9[%parallel_loop3A_502, %parallel_loop3A_503] {strides = array<i32>} : memref<2x20480xf32, #tpu.memory_space<vmem>>, vector<16xf32>,
          tpu.vector_store %arg9[%parallel_loop3A_502, %parallel_loop3A_503], %parallel_loop3A_499 {strides = array<i32>} : memref<2x20480xf32, #tpu.memory_space<vmem>>, vector<16xf32>,
          %parallel_loop3A_505 = arith.constant 0 : i32
          %parallel_loop3A_506 = arith.constant 0 : i32
          %parallel_loop3A_507 = tpu.memref_slice %arg8[%rem3A_66, %parallel_loop3A_505, %parallel_loop3A_506] : memref<3x640x32xf32, #tpu.memory_space<vmem>> -> memref<1x640x32xf32, #tpu.memory_space<vmem>>
          %parallel_loop3A_508 = tpu.memref_squeeze %parallel_loop3A_507 : memref<1x640x32xf32, #tpu.memory_space<vmem>> -> memref<640x32xf32, #tpu.memory_space<vmem>>
          %parallel_loop3A_509 = arith.constant 128 : i32
          %parallel_loop3A_510 = arith.constant 0 : i32
          %parallel_loop3A_511 = tpu.memref_slice %parallel_loop3A_508[%parallel_loop3A_509, %parallel_loop3A_510] : memref<640x32xf32, #tpu.memory_space<vmem>> -> memref<128x32xf32, #tpu.memory_space<vmem>>
          %parallel_loop3A_512 = tpu.vector_load_idx %parallel_loop3A_511[%add3A_15, %parallel_loop3A_448] : memref<128x32xf32, #tpu.memory_space<vmem>>[vector<16xi32>, vector<16xi32>], vector<16xf32>,
          %parallel_loop3A_513 = arith.constant 64 : i32
          %parallel_loop3A_514 = arith.addi %parallel_loop3A_452, %parallel_loop3A_513 : i32
          %parallel_loop3A_515 = arith.index_cast %rem3A_68 : i32 to index
          %parallel_loop3A_516 = arith.index_cast %parallel_loop3A_514 : i32 to index
          %parallel_loop3A_517 = tpu.vector_load %arg9[%parallel_loop3A_515, %parallel_loop3A_516] {strides = array<i32>} : memref<2x20480xf32, #tpu.memory_space<vmem>>, vector<16xf32>,
          tpu.vector_store %arg9[%parallel_loop3A_515, %parallel_loop3A_516], %parallel_loop3A_512 {strides = array<i32>} : memref<2x20480xf32, #tpu.memory_space<vmem>>, vector<16xf32>,
          %parallel_loop3A_518 = arith.constant 0 : i32
          %parallel_loop3A_519 = arith.constant 0 : i32
          %parallel_loop3A_520 = tpu.memref_slice %arg8[%rem3A_66, %parallel_loop3A_518, %parallel_loop3A_519] : memref<3x640x32xf32, #tpu.memory_space<vmem>> -> memref<1x640x32xf32, #tpu.memory_space<vmem>>
          %parallel_loop3A_521 = tpu.memref_squeeze %parallel_loop3A_520 : memref<1x640x32xf32, #tpu.memory_space<vmem>> -> memref<640x32xf32, #tpu.memory_space<vmem>>
          %parallel_loop3A_522 = arith.constant 128 : i32
          %parallel_loop3A_523 = arith.constant 0 : i32
          %parallel_loop3A_524 = tpu.memref_slice %parallel_loop3A_521[%parallel_loop3A_522, %parallel_loop3A_523] : memref<640x32xf32, #tpu.memory_space<vmem>> -> memref<128x32xf32, #tpu.memory_space<vmem>>
          %parallel_loop3A_525 = tpu.vector_load_idx %parallel_loop3A_524[%add3A_18, %parallel_loop3A_448] : memref<128x32xf32, #tpu.memory_space<vmem>>[vector<16xi32>, vector<16xi32>], vector<16xf32>,
          %parallel_loop3A_526 = arith.constant 80 : i32
          %parallel_loop3A_527 = arith.addi %parallel_loop3A_452, %parallel_loop3A_526 : i32
          %parallel_loop3A_528 = arith.index_cast %rem3A_68 : i32 to index
          %parallel_loop3A_529 = arith.index_cast %parallel_loop3A_527 : i32 to index
          %parallel_loop3A_530 = tpu.vector_load %arg9[%parallel_loop3A_528, %parallel_loop3A_529] {strides = array<i32>} : memref<2x20480xf32, #tpu.memory_space<vmem>>, vector<16xf32>,
          tpu.vector_store %arg9[%parallel_loop3A_528, %parallel_loop3A_529], %parallel_loop3A_525 {strides = array<i32>} : memref<2x20480xf32, #tpu.memory_space<vmem>>, vector<16xf32>,
          %parallel_loop3A_531 = arith.constant 0 : i32
          %parallel_loop3A_532 = arith.constant 0 : i32
          %parallel_loop3A_533 = tpu.memref_slice %arg8[%rem3A_66, %parallel_loop3A_531, %parallel_loop3A_532] : memref<3x640x32xf32, #tpu.memory_space<vmem>> -> memref<1x640x32xf32, #tpu.memory_space<vmem>>
          %parallel_loop3A_534 = tpu.memref_squeeze %parallel_loop3A_533 : memref<1x640x32xf32, #tpu.memory_space<vmem>> -> memref<640x32xf32, #tpu.memory_space<vmem>>
          %parallel_loop3A_535 = arith.constant 128 : i32
          %parallel_loop3A_536 = arith.constant 0 : i32
          %parallel_loop3A_537 = tpu.memref_slice %parallel_loop3A_534[%parallel_loop3A_535, %parallel_loop3A_536] : memref<640x32xf32, #tpu.memory_space<vmem>> -> memref<128x32xf32, #tpu.memory_space<vmem>>
          %parallel_loop3A_538 = tpu.vector_load_idx %parallel_loop3A_537[%add3A_21, %parallel_loop3A_448] : memref<128x32xf32, #tpu.memory_space<vmem>>[vector<16xi32>, vector<16xi32>], vector<16xf32>,
          %parallel_loop3A_539 = arith.constant 96 : i32
          %parallel_loop3A_540 = arith.addi %parallel_loop3A_452, %parallel_loop3A_539 : i32
          %parallel_loop3A_541 = arith.index_cast %rem3A_68 : i32 to index
          %parallel_loop3A_542 = arith.index_cast %parallel_loop3A_540 : i32 to index
          %parallel_loop3A_543 = tpu.vector_load %arg9[%parallel_loop3A_541, %parallel_loop3A_542] {strides = array<i32>} : memref<2x20480xf32, #tpu.memory_space<vmem>>, vector<16xf32>,
          tpu.vector_store %arg9[%parallel_loop3A_541, %parallel_loop3A_542], %parallel_loop3A_538 {strides = array<i32>} : memref<2x20480xf32, #tpu.memory_space<vmem>>, vector<16xf32>,
          %parallel_loop3A_544 = arith.constant 0 : i32
          %parallel_loop3A_545 = arith.constant 0 : i32
          %parallel_loop3A_546 = tpu.memref_slice %arg8[%rem3A_66, %parallel_loop3A_544, %parallel_loop3A_545] : memref<3x640x32xf32, #tpu.memory_space<vmem>> -> memref<1x640x32xf32, #tpu.memory_space<vmem>>
          %parallel_loop3A_547 = tpu.memref_squeeze %parallel_loop3A_546 : memref<1x640x32xf32, #tpu.memory_space<vmem>> -> memref<640x32xf32, #tpu.memory_space<vmem>>
          %parallel_loop3A_548 = arith.constant 128 : i32
          %parallel_loop3A_549 = arith.constant 0 : i32
          %parallel_loop3A_550 = tpu.memref_slice %parallel_loop3A_547[%parallel_loop3A_548, %parallel_loop3A_549] : memref<640x32xf32, #tpu.memory_space<vmem>> -> memref<128x32xf32, #tpu.memory_space<vmem>>
          %parallel_loop3A_551 = tpu.vector_load_idx %parallel_loop3A_550[%add3A_24, %parallel_loop3A_448] : memref<128x32xf32, #tpu.memory_space<vmem>>[vector<16xi32>, vector<16xi32>], vector<16xf32>,
          %parallel_loop3A_552 = arith.constant 112 : i32
          %parallel_loop3A_553 = arith.addi %parallel_loop3A_452, %parallel_loop3A_552 : i32
          %parallel_loop3A_554 = arith.index_cast %rem3A_68 : i32 to index
          %parallel_loop3A_555 = arith.index_cast %parallel_loop3A_553 : i32 to index
          %parallel_loop3A_556 = tpu.vector_load %arg9[%parallel_loop3A_554, %parallel_loop3A_555] {strides = array<i32>} : memref<2x20480xf32, #tpu.memory_space<vmem>>, vector<16xf32>,
          tpu.vector_store %arg9[%parallel_loop3A_554, %parallel_loop3A_555], %parallel_loop3A_551 {strides = array<i32>} : memref<2x20480xf32, #tpu.memory_space<vmem>>, vector<16xf32>,
        } {sc.loop_unroll_factor = 8 : i64, sc.parallel_access}
        %mul3A_187 = arith.constant 131072 : i32
        %mul3A_188 = arith.muli %div3A_181, %mul3A_187 : i32
        %mul3A_189 = arith.constant 1024 : i32
        %mul3A_190 = arith.muli %rem3A_183, %mul3A_189 : i32
        %add3A_191 = arith.addi %mul3A_188, %mul3A_190 : i32
        %add3A_192 = arith.constant 0 : i32
        %add3A_193 = arith.addi %add3A_191, %add3A_192 : i32
        %dma_start3A_194 = arith.constant 4096 : i32
        %dma_start3A_195 = tpu.memref_slice %arg9[%rem3A_68, %dma_start3A_194] : memref<2x20480xf32, #tpu.memory_space<vmem>> -> memref<1x1024xf32, #tpu.memory_space<vmem>>
        %dma_start3A_196 = tpu.memref_squeeze %dma_start3A_195 : memref<1x1024xf32, #tpu.memory_space<vmem>> -> memref<1024xf32, #tpu.memory_space<vmem>>
        %dma_start3A_197 = tpu.memref_slice %arg5[%add3A_193] : memref<6553600xf32, #tpu.memory_space<hbm>> -> memref<1024xf32, #tpu.memory_space<hbm>>
        %dma_start3A_198 = tpu.memref_slice %arg11[%rem3A_68] : memref<2x!tpu.dma_semaphore, #tpu.memory_space<semaphore_mem>> -> memref<1x!tpu.dma_semaphore, #tpu.memory_space<semaphore_mem>>
        %dma_start3A_199 = tpu.memref_squeeze %dma_start3A_198 : memref<1x!tpu.dma_semaphore, #tpu.memory_space<semaphore_mem>> -> memref<!tpu.dma_semaphore, #tpu.memory_space<semaphore_mem>>
        %dma_start3A_200 = tpu.memref_slice %arg5[%add3A_193] : memref<6553600xf32, #tpu.memory_space<hbm>> -> memref<1024xf32, #tpu.memory_space<hbm>>
        %dma_start3A_201 = arith.constant 4096 : i32
        %dma_start3A_202 = tpu.memref_slice %arg9[%rem3A_68, %dma_start3A_201] : memref<2x20480xf32, #tpu.memory_space<vmem>> -> memref<1x1024xf32, #tpu.memory_space<vmem>>
        %dma_start3A_203 = tpu.memref_squeeze %dma_start3A_202 : memref<1x1024xf32, #tpu.memory_space<vmem>> -> memref<1024xf32, #tpu.memory_space<vmem>>
        tpu.enqueue_dma source(%dma_start3A_203 : memref<1024xf32, #tpu.memory_space<vmem>>) target(%dma_start3A_200 : memref<1024xf32, #tpu.memory_space<hbm>>) target_semaphore(%dma_start3A_199 : memref<!tpu.dma_semaphore, #tpu.memory_space<semaphore_mem>>)
        %add3A_204 = arith.constant 32768 : i32
        %add3A_205 = arith.addi %add3A_191, %add3A_204 : i32
        %dma_start3A_206 = arith.constant 5120 : i32
        %dma_start3A_207 = tpu.memref_slice %arg9[%rem3A_68, %dma_start3A_206] : memref<2x20480xf32, #tpu.memory_space<vmem>> -> memref<1x1024xf32, #tpu.memory_space<vmem>>
        %dma_start3A_208 = tpu.memref_squeeze %dma_start3A_207 : memref<1x1024xf32, #tpu.memory_space<vmem>> -> memref<1024xf32, #tpu.memory_space<vmem>>
        %dma_start3A_209 = tpu.memref_slice %arg5[%add3A_205] : memref<6553600xf32, #tpu.memory_space<hbm>> -> memref<1024xf32, #tpu.memory_space<hbm>>
        %dma_start3A_210 = tpu.memref_slice %arg11[%rem3A_68] : memref<2x!tpu.dma_semaphore, #tpu.memory_space<semaphore_mem>> -> memref<1x!tpu.dma_semaphore, #tpu.memory_space<semaphore_mem>>
        %dma_start3A_211 = tpu.memref_squeeze %dma_start3A_210 : memref<1x!tpu.dma_semaphore, #tpu.memory_space<semaphore_mem>> -> memref<!tpu.dma_semaphore, #tpu.memory_space<semaphore_mem>>
        %dma_start3A_212 = tpu.memref_slice %arg5[%add3A_205] : memref<6553600xf32, #tpu.memory_space<hbm>> -> memref<1024xf32, #tpu.memory_space<hbm>>
        %dma_start3A_213 = arith.constant 5120 : i32
        %dma_start3A_214 = tpu.memref_slice %arg9[%rem3A_68, %dma_start3A_213] : memref<2x20480xf32, #tpu.memory_space<vmem>> -> memref<1x1024xf32, #tpu.memory_space<vmem>>
        %dma_start3A_215 = tpu.memref_squeeze %dma_start3A_214 : memref<1x1024xf32, #tpu.memory_space<vmem>> -> memref<1024xf32, #tpu.memory_space<vmem>>
        tpu.enqueue_dma source(%dma_start3A_215 : memref<1024xf32, #tpu.memory_space<vmem>>) target(%dma_start3A_212 : memref<1024xf32, #tpu.memory_space<hbm>>) target_semaphore(%dma_start3A_211 : memref<!tpu.dma_semaphore, #tpu.memory_space<semaphore_mem>>)
        %add3A_216 = arith.constant 65536 : i32
        %add3A_217 = arith.addi %add3A_191, %add3A_216 : i32
        %dma_start3A_218 = arith.constant 6144 : i32
        %dma_start3A_219 = tpu.memref_slice %arg9[%rem3A_68, %dma_start3A_218] : memref<2x20480xf32, #tpu.memory_space<vmem>> -> memref<1x1024xf32, #tpu.memory_space<vmem>>
        %dma_start3A_220 = tpu.memref_squeeze %dma_start3A_219 : memref<1x1024xf32, #tpu.memory_space<vmem>> -> memref<1024xf32, #tpu.memory_space<vmem>>
        %dma_start3A_221 = tpu.memref_slice %arg5[%add3A_217] : memref<6553600xf32, #tpu.memory_space<hbm>> -> memref<1024xf32, #tpu.memory_space<hbm>>
        %dma_start3A_222 = tpu.memref_slice %arg11[%rem3A_68] : memref<2x!tpu.dma_semaphore, #tpu.memory_space<semaphore_mem>> -> memref<1x!tpu.dma_semaphore, #tpu.memory_space<semaphore_mem>>
        %dma_start3A_223 = tpu.memref_squeeze %dma_start3A_222 : memref<1x!tpu.dma_semaphore, #tpu.memory_space<semaphore_mem>> -> memref<!tpu.dma_semaphore, #tpu.memory_space<semaphore_mem>>
        %dma_start3A_224 = tpu.memref_slice %arg5[%add3A_217] : memref<6553600xf32, #tpu.memory_space<hbm>> -> memref<1024xf32, #tpu.memory_space<hbm>>
        %dma_start3A_225 = arith.constant 6144 : i32
        %dma_start3A_226 = tpu.memref_slice %arg9[%rem3A_68, %dma_start3A_225] : memref<2x20480xf32, #tpu.memory_space<vmem>> -> memref<1x1024xf32, #tpu.memory_space<vmem>>
        %dma_start3A_227 = tpu.memref_squeeze %dma_start3A_226 : memref<1x1024xf32, #tpu.memory_space<vmem>> -> memref<1024xf32, #tpu.memory_space<vmem>>
        tpu.enqueue_dma source(%dma_start3A_227 : memref<1024xf32, #tpu.memory_space<vmem>>) target(%dma_start3A_224 : memref<1024xf32, #tpu.memory_space<hbm>>) target_semaphore(%dma_start3A_223 : memref<!tpu.dma_semaphore, #tpu.memory_space<semaphore_mem>>)
        %add3A_228 = arith.constant 98304 : i32
        %add3A_229 = arith.addi %add3A_191, %add3A_228 : i32
        %dma_start3A_230 = arith.constant 7168 : i32
        %dma_start3A_231 = tpu.memref_slice %arg9[%rem3A_68, %dma_start3A_230] : memref<2x20480xf32, #tpu.memory_space<vmem>> -> memref<1x1024xf32, #tpu.memory_space<vmem>>
        %dma_start3A_232 = tpu.memref_squeeze %dma_start3A_231 : memref<1x1024xf32, #tpu.memory_space<vmem>> -> memref<1024xf32, #tpu.memory_space<vmem>>
        %dma_start3A_233 = tpu.memref_slice %arg5[%add3A_229] : memref<6553600xf32, #tpu.memory_space<hbm>> -> memref<1024xf32, #tpu.memory_space<hbm>>
        %dma_start3A_234 = tpu.memref_slice %arg11[%rem3A_68] : memref<2x!tpu.dma_semaphore, #tpu.memory_space<semaphore_mem>> -> memref<1x!tpu.dma_semaphore, #tpu.memory_space<semaphore_mem>>
        %dma_start3A_235 = tpu.memref_squeeze %dma_start3A_234 : memref<1x!tpu.dma_semaphore, #tpu.memory_space<semaphore_mem>> -> memref<!tpu.dma_semaphore, #tpu.memory_space<semaphore_mem>>
        %dma_start3A_236 = tpu.memref_slice %arg5[%add3A_229] : memref<6553600xf32, #tpu.memory_space<hbm>> -> memref<1024xf32, #tpu.memory_space<hbm>>
        %dma_start3A_237 = arith.constant 7168 : i32
        %dma_start3A_238 = tpu.memref_slice %arg9[%rem3A_68, %dma_start3A_237] : memref<2x20480xf32, #tpu.memory_space<vmem>> -> memref<1x1024xf32, #tpu.memory_space<vmem>>
        %dma_start3A_239 = tpu.memref_squeeze %dma_start3A_238 : memref<1x1024xf32, #tpu.memory_space<vmem>> -> memref<1024xf32, #tpu.memory_space<vmem>>
        tpu.enqueue_dma source(%dma_start3A_239 : memref<1024xf32, #tpu.memory_space<vmem>>) target(%dma_start3A_236 : memref<1024xf32, #tpu.memory_space<hbm>>) target_semaphore(%dma_start3A_235 : memref<!tpu.dma_semaphore, #tpu.memory_space<semaphore_mem>>)
        %mul3A_240 = arith.constant 50 : i32
        %mul3A_241 = arith.muli %add3A, %mul3A_240 : i32
        %sub3A_242 = arith.constant 2 : i32
        %sub3A_243 = arith.subi %scan3A_57, %sub3A_242 : i32
        %mul3A_244 = arith.constant 5 : i32
        %mul3A_245 = arith.muli %sub3A_243, %mul3A_244 : i32
        %add3A_246 = arith.addi %mul3A_241, %mul3A_245 : i32
        %add3A_247 = arith.constant 2 : i32
        %add3A_248 = arith.addi %add3A_246, %add3A_247 : i32
        %div3A_249 = arith.constant 32 : i32
        %div3A_250 = arith.divsi %add3A_248, %div3A_249 : i32
        %rem3A_251 = arith.constant 32 : i32
        %rem3A_252 = arith.remsi %add3A_248, %rem3A_251 : i32
        %parallel_loop3A_253 = arith.constant 0 : i32
        %parallel_loop3A_254 = arith.constant 32 : i32
        %parallel_loop3A_255 = arith.constant 1 : i32
        scf.for %parallel_loop3A_447 = %parallel_loop3A_253 to %parallel_loop3A_254 step %parallel_loop3A_255  : i32 {
          %parallel_loop3A_448 = vector.broadcast %parallel_loop3A_447 : i32 to vector<16xi32>
          %parallel_loop3A_449 = arith.constant 7 : i32
          %parallel_loop3A_450 = arith.shli %parallel_loop3A_447, %parallel_loop3A_449 : i32
          %parallel_loop3A_451 = arith.constant 8192 : i32
          %parallel_loop3A_452 = arith.addi %parallel_loop3A_451, %parallel_loop3A_450 : i32
          %parallel_loop3A_453 = arith.constant 0 : i32
          %parallel_loop3A_454 = arith.constant 0 : i32
          %parallel_loop3A_455 = tpu.memref_slice %arg8[%rem3A_66, %parallel_loop3A_453, %parallel_loop3A_454] : memref<3x640x32xf32, #tpu.memory_space<vmem>> -> memref<1x640x32xf32, #tpu.memory_space<vmem>>
          %parallel_loop3A_456 = tpu.memref_squeeze %parallel_loop3A_455 : memref<1x640x32xf32, #tpu.memory_space<vmem>> -> memref<640x32xf32, #tpu.memory_space<vmem>>
          %parallel_loop3A_457 = arith.constant 256 : i32
          %parallel_loop3A_458 = arith.constant 0 : i32
          %parallel_loop3A_459 = tpu.memref_slice %parallel_loop3A_456[%parallel_loop3A_457, %parallel_loop3A_458] : memref<640x32xf32, #tpu.memory_space<vmem>> -> memref<128x32xf32, #tpu.memory_space<vmem>>
          %parallel_loop3A_460 = tpu.vector_load_idx %parallel_loop3A_459[%add3A_3, %parallel_loop3A_448] : memref<128x32xf32, #tpu.memory_space<vmem>>[vector<16xi32>, vector<16xi32>], vector<16xf32>,
          %parallel_loop3A_461 = arith.constant 0 : i32
          %parallel_loop3A_462 = arith.addi %parallel_loop3A_452, %parallel_loop3A_461 : i32
          %parallel_loop3A_463 = arith.index_cast %rem3A_68 : i32 to index
          %parallel_loop3A_464 = arith.index_cast %parallel_loop3A_462 : i32 to index
          %parallel_loop3A_465 = tpu.vector_load %arg9[%parallel_loop3A_463, %parallel_loop3A_464] {strides = array<i32>} : memref<2x20480xf32, #tpu.memory_space<vmem>>, vector<16xf32>,
          tpu.vector_store %arg9[%parallel_loop3A_463, %parallel_loop3A_464], %parallel_loop3A_460 {strides = array<i32>} : memref<2x20480xf32, #tpu.memory_space<vmem>>, vector<16xf32>,
          %parallel_loop3A_466 = arith.constant 0 : i32
          %parallel_loop3A_467 = arith.constant 0 : i32
          %parallel_loop3A_468 = tpu.memref_slice %arg8[%rem3A_66, %parallel_loop3A_466, %parallel_loop3A_467] : memref<3x640x32xf32, #tpu.memory_space<vmem>> -> memref<1x640x32xf32, #tpu.memory_space<vmem>>
          %parallel_loop3A_469 = tpu.memref_squeeze %parallel_loop3A_468 : memref<1x640x32xf32, #tpu.memory_space<vmem>> -> memref<640x32xf32, #tpu.memory_space<vmem>>
          %parallel_loop3A_470 = arith.constant 256 : i32
          %parallel_loop3A_471 = arith.constant 0 : i32
          %parallel_loop3A_472 = tpu.memref_slice %parallel_loop3A_469[%parallel_loop3A_470, %parallel_loop3A_471] : memref<640x32xf32, #tpu.memory_space<vmem>> -> memref<128x32xf32, #tpu.memory_space<vmem>>
          %parallel_loop3A_473 = tpu.vector_load_idx %parallel_loop3A_472[%add3A_6, %parallel_loop3A_448] : memref<128x32xf32, #tpu.memory_space<vmem>>[vector<16xi32>, vector<16xi32>], vector<16xf32>,
          %parallel_loop3A_474 = arith.constant 16 : i32
          %parallel_loop3A_475 = arith.addi %parallel_loop3A_452, %parallel_loop3A_474 : i32
          %parallel_loop3A_476 = arith.index_cast %rem3A_68 : i32 to index
          %parallel_loop3A_477 = arith.index_cast %parallel_loop3A_475 : i32 to index
          %parallel_loop3A_478 = tpu.vector_load %arg9[%parallel_loop3A_476, %parallel_loop3A_477] {strides = array<i32>} : memref<2x20480xf32, #tpu.memory_space<vmem>>, vector<16xf32>,
          tpu.vector_store %arg9[%parallel_loop3A_476, %parallel_loop3A_477], %parallel_loop3A_473 {strides = array<i32>} : memref<2x20480xf32, #tpu.memory_space<vmem>>, vector<16xf32>,
          %parallel_loop3A_479 = arith.constant 0 : i32
          %parallel_loop3A_480 = arith.constant 0 : i32
          %parallel_loop3A_481 = tpu.memref_slice %arg8[%rem3A_66, %parallel_loop3A_479, %parallel_loop3A_480] : memref<3x640x32xf32, #tpu.memory_space<vmem>> -> memref<1x640x32xf32, #tpu.memory_space<vmem>>
          %parallel_loop3A_482 = tpu.memref_squeeze %parallel_loop3A_481 : memref<1x640x32xf32, #tpu.memory_space<vmem>> -> memref<640x32xf32, #tpu.memory_space<vmem>>
          %parallel_loop3A_483 = arith.constant 256 : i32
          %parallel_loop3A_484 = arith.constant 0 : i32
          %parallel_loop3A_485 = tpu.memref_slice %parallel_loop3A_482[%parallel_loop3A_483, %parallel_loop3A_484] : memref<640x32xf32, #tpu.memory_space<vmem>> -> memref<128x32xf32, #tpu.memory_space<vmem>>
          %parallel_loop3A_486 = tpu.vector_load_idx %parallel_loop3A_485[%add3A_9, %parallel_loop3A_448] : memref<128x32xf32, #tpu.memory_space<vmem>>[vector<16xi32>, vector<16xi32>], vector<16xf32>,
          %parallel_loop3A_487 = arith.constant 32 : i32
          %parallel_loop3A_488 = arith.addi %parallel_loop3A_452, %parallel_loop3A_487 : i32
          %parallel_loop3A_489 = arith.index_cast %rem3A_68 : i32 to index
          %parallel_loop3A_490 = arith.index_cast %parallel_loop3A_488 : i32 to index
          %parallel_loop3A_491 = tpu.vector_load %arg9[%parallel_loop3A_489, %parallel_loop3A_490] {strides = array<i32>} : memref<2x20480xf32, #tpu.memory_space<vmem>>, vector<16xf32>,
          tpu.vector_store %arg9[%parallel_loop3A_489, %parallel_loop3A_490], %parallel_loop3A_486 {strides = array<i32>} : memref<2x20480xf32, #tpu.memory_space<vmem>>, vector<16xf32>,
          %parallel_loop3A_492 = arith.constant 0 : i32
          %parallel_loop3A_493 = arith.constant 0 : i32
          %parallel_loop3A_494 = tpu.memref_slice %arg8[%rem3A_66, %parallel_loop3A_492, %parallel_loop3A_493] : memref<3x640x32xf32, #tpu.memory_space<vmem>> -> memref<1x640x32xf32, #tpu.memory_space<vmem>>
          %parallel_loop3A_495 = tpu.memref_squeeze %parallel_loop3A_494 : memref<1x640x32xf32, #tpu.memory_space<vmem>> -> memref<640x32xf32, #tpu.memory_space<vmem>>
          %parallel_loop3A_496 = arith.constant 256 : i32
          %parallel_loop3A_497 = arith.constant 0 : i32
          %parallel_loop3A_498 = tpu.memref_slice %parallel_loop3A_495[%parallel_loop3A_496, %parallel_loop3A_497] : memref<640x32xf32, #tpu.memory_space<vmem>> -> memref<128x32xf32, #tpu.memory_space<vmem>>
          %parallel_loop3A_499 = tpu.vector_load_idx %parallel_loop3A_498[%add3A_12, %parallel_loop3A_448] : memref<128x32xf32, #tpu.memory_space<vmem>>[vector<16xi32>, vector<16xi32>], vector<16xf32>,
          %parallel_loop3A_500 = arith.constant 48 : i32
          %parallel_loop3A_501 = arith.addi %parallel_loop3A_452, %parallel_loop3A_500 : i32
          %parallel_loop3A_502 = arith.index_cast %rem3A_68 : i32 to index
          %parallel_loop3A_503 = arith.index_cast %parallel_loop3A_501 : i32 to index
          %parallel_loop3A_504 = tpu.vector_load %arg9[%parallel_loop3A_502, %parallel_loop3A_503] {strides = array<i32>} : memref<2x20480xf32, #tpu.memory_space<vmem>>, vector<16xf32>,
          tpu.vector_store %arg9[%parallel_loop3A_502, %parallel_loop3A_503], %parallel_loop3A_499 {strides = array<i32>} : memref<2x20480xf32, #tpu.memory_space<vmem>>, vector<16xf32>,
          %parallel_loop3A_505 = arith.constant 0 : i32
          %parallel_loop3A_506 = arith.constant 0 : i32
          %parallel_loop3A_507 = tpu.memref_slice %arg8[%rem3A_66, %parallel_loop3A_505, %parallel_loop3A_506] : memref<3x640x32xf32, #tpu.memory_space<vmem>> -> memref<1x640x32xf32, #tpu.memory_space<vmem>>
          %parallel_loop3A_508 = tpu.memref_squeeze %parallel_loop3A_507 : memref<1x640x32xf32, #tpu.memory_space<vmem>> -> memref<640x32xf32, #tpu.memory_space<vmem>>
          %parallel_loop3A_509 = arith.constant 256 : i32
          %parallel_loop3A_510 = arith.constant 0 : i32
          %parallel_loop3A_511 = tpu.memref_slice %parallel_loop3A_508[%parallel_loop3A_509, %parallel_loop3A_510] : memref<640x32xf32, #tpu.memory_space<vmem>> -> memref<128x32xf32, #tpu.memory_space<vmem>>
          %parallel_loop3A_512 = tpu.vector_load_idx %parallel_loop3A_511[%add3A_15, %parallel_loop3A_448] : memref<128x32xf32, #tpu.memory_space<vmem>>[vector<16xi32>, vector<16xi32>], vector<16xf32>,
          %parallel_loop3A_513 = arith.constant 64 : i32
          %parallel_loop3A_514 = arith.addi %parallel_loop3A_452, %parallel_loop3A_513 : i32
          %parallel_loop3A_515 = arith.index_cast %rem3A_68 : i32 to index
          %parallel_loop3A_516 = arith.index_cast %parallel_loop3A_514 : i32 to index
          %parallel_loop3A_517 = tpu.vector_load %arg9[%parallel_loop3A_515, %parallel_loop3A_516] {strides = array<i32>} : memref<2x20480xf32, #tpu.memory_space<vmem>>, vector<16xf32>,
          tpu.vector_store %arg9[%parallel_loop3A_515, %parallel_loop3A_516], %parallel_loop3A_512 {strides = array<i32>} : memref<2x20480xf32, #tpu.memory_space<vmem>>, vector<16xf32>,
          %parallel_loop3A_518 = arith.constant 0 : i32
          %parallel_loop3A_519 = arith.constant 0 : i32
          %parallel_loop3A_520 = tpu.memref_slice %arg8[%rem3A_66, %parallel_loop3A_518, %parallel_loop3A_519] : memref<3x640x32xf32, #tpu.memory_space<vmem>> -> memref<1x640x32xf32, #tpu.memory_space<vmem>>
          %parallel_loop3A_521 = tpu.memref_squeeze %parallel_loop3A_520 : memref<1x640x32xf32, #tpu.memory_space<vmem>> -> memref<640x32xf32, #tpu.memory_space<vmem>>
          %parallel_loop3A_522 = arith.constant 256 : i32
          %parallel_loop3A_523 = arith.constant 0 : i32
          %parallel_loop3A_524 = tpu.memref_slice %parallel_loop3A_521[%parallel_loop3A_522, %parallel_loop3A_523] : memref<640x32xf32, #tpu.memory_space<vmem>> -> memref<128x32xf32, #tpu.memory_space<vmem>>
          %parallel_loop3A_525 = tpu.vector_load_idx %parallel_loop3A_524[%add3A_18, %parallel_loop3A_448] : memref<128x32xf32, #tpu.memory_space<vmem>>[vector<16xi32>, vector<16xi32>], vector<16xf32>,
          %parallel_loop3A_526 = arith.constant 80 : i32
          %parallel_loop3A_527 = arith.addi %parallel_loop3A_452, %parallel_loop3A_526 : i32
          %parallel_loop3A_528 = arith.index_cast %rem3A_68 : i32 to index
          %parallel_loop3A_529 = arith.index_cast %parallel_loop3A_527 : i32 to index
          %parallel_loop3A_530 = tpu.vector_load %arg9[%parallel_loop3A_528, %parallel_loop3A_529] {strides = array<i32>} : memref<2x20480xf32, #tpu.memory_space<vmem>>, vector<16xf32>,
          tpu.vector_store %arg9[%parallel_loop3A_528, %parallel_loop3A_529], %parallel_loop3A_525 {strides = array<i32>} : memref<2x20480xf32, #tpu.memory_space<vmem>>, vector<16xf32>,
          %parallel_loop3A_531 = arith.constant 0 : i32
          %parallel_loop3A_532 = arith.constant 0 : i32
          %parallel_loop3A_533 = tpu.memref_slice %arg8[%rem3A_66, %parallel_loop3A_531, %parallel_loop3A_532] : memref<3x640x32xf32, #tpu.memory_space<vmem>> -> memref<1x640x32xf32, #tpu.memory_space<vmem>>
          %parallel_loop3A_534 = tpu.memref_squeeze %parallel_loop3A_533 : memref<1x640x32xf32, #tpu.memory_space<vmem>> -> memref<640x32xf32, #tpu.memory_space<vmem>>
          %parallel_loop3A_535 = arith.constant 256 : i32
          %parallel_loop3A_536 = arith.constant 0 : i32
          %parallel_loop3A_537 = tpu.memref_slice %parallel_loop3A_534[%parallel_loop3A_535, %parallel_loop3A_536] : memref<640x32xf32, #tpu.memory_space<vmem>> -> memref<128x32xf32, #tpu.memory_space<vmem>>
          %parallel_loop3A_538 = tpu.vector_load_idx %parallel_loop3A_537[%add3A_21, %parallel_loop3A_448] : memref<128x32xf32, #tpu.memory_space<vmem>>[vector<16xi32>, vector<16xi32>], vector<16xf32>,
          %parallel_loop3A_539 = arith.constant 96 : i32
          %parallel_loop3A_540 = arith.addi %parallel_loop3A_452, %parallel_loop3A_539 : i32
          %parallel_loop3A_541 = arith.index_cast %rem3A_68 : i32 to index
          %parallel_loop3A_542 = arith.index_cast %parallel_loop3A_540 : i32 to index
          %parallel_loop3A_543 = tpu.vector_load %arg9[%parallel_loop3A_541, %parallel_loop3A_542] {strides = array<i32>} : memref<2x20480xf32, #tpu.memory_space<vmem>>, vector<16xf32>,
          tpu.vector_store %arg9[%parallel_loop3A_541, %parallel_loop3A_542], %parallel_loop3A_538 {strides = array<i32>} : memref<2x20480xf32, #tpu.memory_space<vmem>>, vector<16xf32>,
          %parallel_loop3A_544 = arith.constant 0 : i32
          %parallel_loop3A_545 = arith.constant 0 : i32
          %parallel_loop3A_546 = tpu.memref_slice %arg8[%rem3A_66, %parallel_loop3A_544, %parallel_loop3A_545] : memref<3x640x32xf32, #tpu.memory_space<vmem>> -> memref<1x640x32xf32, #tpu.memory_space<vmem>>
          %parallel_loop3A_547 = tpu.memref_squeeze %parallel_loop3A_546 : memref<1x640x32xf32, #tpu.memory_space<vmem>> -> memref<640x32xf32, #tpu.memory_space<vmem>>
          %parallel_loop3A_548 = arith.constant 256 : i32
          %parallel_loop3A_549 = arith.constant 0 : i32
          %parallel_loop3A_550 = tpu.memref_slice %parallel_loop3A_547[%parallel_loop3A_548, %parallel_loop3A_549] : memref<640x32xf32, #tpu.memory_space<vmem>> -> memref<128x32xf32, #tpu.memory_space<vmem>>
          %parallel_loop3A_551 = tpu.vector_load_idx %parallel_loop3A_550[%add3A_24, %parallel_loop3A_448] : memref<128x32xf32, #tpu.memory_space<vmem>>[vector<16xi32>, vector<16xi32>], vector<16xf32>,
          %parallel_loop3A_552 = arith.constant 112 : i32
          %parallel_loop3A_553 = arith.addi %parallel_loop3A_452, %parallel_loop3A_552 : i32
          %parallel_loop3A_554 = arith.index_cast %rem3A_68 : i32 to index
          %parallel_loop3A_555 = arith.index_cast %parallel_loop3A_553 : i32 to index
          %parallel_loop3A_556 = tpu.vector_load %arg9[%parallel_loop3A_554, %parallel_loop3A_555] {strides = array<i32>} : memref<2x20480xf32, #tpu.memory_space<vmem>>, vector<16xf32>,
          tpu.vector_store %arg9[%parallel_loop3A_554, %parallel_loop3A_555], %parallel_loop3A_551 {strides = array<i32>} : memref<2x20480xf32, #tpu.memory_space<vmem>>, vector<16xf32>,
        } {sc.loop_unroll_factor = 8 : i64, sc.parallel_access}
        %mul3A_256 = arith.constant 131072 : i32
        %mul3A_257 = arith.muli %div3A_250, %mul3A_256 : i32
        %mul3A_258 = arith.constant 1024 : i32
        %mul3A_259 = arith.muli %rem3A_252, %mul3A_258 : i32
        %add3A_260 = arith.addi %mul3A_257, %mul3A_259 : i32
        %add3A_261 = arith.constant 0 : i32
        %add3A_262 = arith.addi %add3A_260, %add3A_261 : i32
        %dma_start3A_263 = arith.constant 8192 : i32
        %dma_start3A_264 = tpu.memref_slice %arg9[%rem3A_68, %dma_start3A_263] : memref<2x20480xf32, #tpu.memory_space<vmem>> -> memref<1x1024xf32, #tpu.memory_space<vmem>>
        %dma_start3A_265 = tpu.memref_squeeze %dma_start3A_264 : memref<1x1024xf32, #tpu.memory_space<vmem>> -> memref<1024xf32, #tpu.memory_space<vmem>>
        %dma_start3A_266 = tpu.memref_slice %arg5[%add3A_262] : memref<6553600xf32, #tpu.memory_space<hbm>> -> memref<1024xf32, #tpu.memory_space<hbm>>
        %dma_start3A_267 = tpu.memref_slice %arg11[%rem3A_68] : memref<2x!tpu.dma_semaphore, #tpu.memory_space<semaphore_mem>> -> memref<1x!tpu.dma_semaphore, #tpu.memory_space<semaphore_mem>>
        %dma_start3A_268 = tpu.memref_squeeze %dma_start3A_267 : memref<1x!tpu.dma_semaphore, #tpu.memory_space<semaphore_mem>> -> memref<!tpu.dma_semaphore, #tpu.memory_space<semaphore_mem>>
        %dma_start3A_269 = tpu.memref_slice %arg5[%add3A_262] : memref<6553600xf32, #tpu.memory_space<hbm>> -> memref<1024xf32, #tpu.memory_space<hbm>>
        %dma_start3A_270 = arith.constant 8192 : i32
        %dma_start3A_271 = tpu.memref_slice %arg9[%rem3A_68, %dma_start3A_270] : memref<2x20480xf32, #tpu.memory_space<vmem>> -> memref<1x1024xf32, #tpu.memory_space<vmem>>
        %dma_start3A_272 = tpu.memref_squeeze %dma_start3A_271 : memref<1x1024xf32, #tpu.memory_space<vmem>> -> memref<1024xf32, #tpu.memory_space<vmem>>
        tpu.enqueue_dma source(%dma_start3A_272 : memref<1024xf32, #tpu.memory_space<vmem>>) target(%dma_start3A_269 : memref<1024xf32, #tpu.memory_space<hbm>>) target_semaphore(%dma_start3A_268 : memref<!tpu.dma_semaphore, #tpu.memory_space<semaphore_mem>>)
        %add3A_273 = arith.constant 32768 : i32
        %add3A_274 = arith.addi %add3A_260, %add3A_273 : i32
        %dma_start3A_275 = arith.constant 9216 : i32
        %dma_start3A_276 = tpu.memref_slice %arg9[%rem3A_68, %dma_start3A_275] : memref<2x20480xf32, #tpu.memory_space<vmem>> -> memref<1x1024xf32, #tpu.memory_space<vmem>>
        %dma_start3A_277 = tpu.memref_squeeze %dma_start3A_276 : memref<1x1024xf32, #tpu.memory_space<vmem>> -> memref<1024xf32, #tpu.memory_space<vmem>>
        %dma_start3A_278 = tpu.memref_slice %arg5[%add3A_274] : memref<6553600xf32, #tpu.memory_space<hbm>> -> memref<1024xf32, #tpu.memory_space<hbm>>
        %dma_start3A_279 = tpu.memref_slice %arg11[%rem3A_68] : memref<2x!tpu.dma_semaphore, #tpu.memory_space<semaphore_mem>> -> memref<1x!tpu.dma_semaphore, #tpu.memory_space<semaphore_mem>>
        %dma_start3A_280 = tpu.memref_squeeze %dma_start3A_279 : memref<1x!tpu.dma_semaphore, #tpu.memory_space<semaphore_mem>> -> memref<!tpu.dma_semaphore, #tpu.memory_space<semaphore_mem>>
        %dma_start3A_281 = tpu.memref_slice %arg5[%add3A_274] : memref<6553600xf32, #tpu.memory_space<hbm>> -> memref<1024xf32, #tpu.memory_space<hbm>>
        %dma_start3A_282 = arith.constant 9216 : i32
        %dma_start3A_283 = tpu.memref_slice %arg9[%rem3A_68, %dma_start3A_282] : memref<2x20480xf32, #tpu.memory_space<vmem>> -> memref<1x1024xf32, #tpu.memory_space<vmem>>
        %dma_start3A_284 = tpu.memref_squeeze %dma_start3A_283 : memref<1x1024xf32, #tpu.memory_space<vmem>> -> memref<1024xf32, #tpu.memory_space<vmem>>
        tpu.enqueue_dma source(%dma_start3A_284 : memref<1024xf32, #tpu.memory_space<vmem>>) target(%dma_start3A_281 : memref<1024xf32, #tpu.memory_space<hbm>>) target_semaphore(%dma_start3A_280 : memref<!tpu.dma_semaphore, #tpu.memory_space<semaphore_mem>>)
        %add3A_285 = arith.constant 65536 : i32
        %add3A_286 = arith.addi %add3A_260, %add3A_285 : i32
        %dma_start3A_287 = arith.constant 10240 : i32
        %dma_start3A_288 = tpu.memref_slice %arg9[%rem3A_68, %dma_start3A_287] : memref<2x20480xf32, #tpu.memory_space<vmem>> -> memref<1x1024xf32, #tpu.memory_space<vmem>>
        %dma_start3A_289 = tpu.memref_squeeze %dma_start3A_288 : memref<1x1024xf32, #tpu.memory_space<vmem>> -> memref<1024xf32, #tpu.memory_space<vmem>>
        %dma_start3A_290 = tpu.memref_slice %arg5[%add3A_286] : memref<6553600xf32, #tpu.memory_space<hbm>> -> memref<1024xf32, #tpu.memory_space<hbm>>
        %dma_start3A_291 = tpu.memref_slice %arg11[%rem3A_68] : memref<2x!tpu.dma_semaphore, #tpu.memory_space<semaphore_mem>> -> memref<1x!tpu.dma_semaphore, #tpu.memory_space<semaphore_mem>>
        %dma_start3A_292 = tpu.memref_squeeze %dma_start3A_291 : memref<1x!tpu.dma_semaphore, #tpu.memory_space<semaphore_mem>> -> memref<!tpu.dma_semaphore, #tpu.memory_space<semaphore_mem>>
        %dma_start3A_293 = tpu.memref_slice %arg5[%add3A_286] : memref<6553600xf32, #tpu.memory_space<hbm>> -> memref<1024xf32, #tpu.memory_space<hbm>>
        %dma_start3A_294 = arith.constant 10240 : i32
        %dma_start3A_295 = tpu.memref_slice %arg9[%rem3A_68, %dma_start3A_294] : memref<2x20480xf32, #tpu.memory_space<vmem>> -> memref<1x1024xf32, #tpu.memory_space<vmem>>
        %dma_start3A_296 = tpu.memref_squeeze %dma_start3A_295 : memref<1x1024xf32, #tpu.memory_space<vmem>> -> memref<1024xf32, #tpu.memory_space<vmem>>
        tpu.enqueue_dma source(%dma_start3A_296 : memref<1024xf32, #tpu.memory_space<vmem>>) target(%dma_start3A_293 : memref<1024xf32, #tpu.memory_space<hbm>>) target_semaphore(%dma_start3A_292 : memref<!tpu.dma_semaphore, #tpu.memory_space<semaphore_mem>>)
        %add3A_297 = arith.constant 98304 : i32
        %add3A_298 = arith.addi %add3A_260, %add3A_297 : i32
        %dma_start3A_299 = arith.constant 11264 : i32
        %dma_start3A_300 = tpu.memref_slice %arg9[%rem3A_68, %dma_start3A_299] : memref<2x20480xf32, #tpu.memory_space<vmem>> -> memref<1x1024xf32, #tpu.memory_space<vmem>>
        %dma_start3A_301 = tpu.memref_squeeze %dma_start3A_300 : memref<1x1024xf32, #tpu.memory_space<vmem>> -> memref<1024xf32, #tpu.memory_space<vmem>>
        %dma_start3A_302 = tpu.memref_slice %arg5[%add3A_298] : memref<6553600xf32, #tpu.memory_space<hbm>> -> memref<1024xf32, #tpu.memory_space<hbm>>
        %dma_start3A_303 = tpu.memref_slice %arg11[%rem3A_68] : memref<2x!tpu.dma_semaphore, #tpu.memory_space<semaphore_mem>> -> memref<1x!tpu.dma_semaphore, #tpu.memory_space<semaphore_mem>>
        %dma_start3A_304 = tpu.memref_squeeze %dma_start3A_303 : memref<1x!tpu.dma_semaphore, #tpu.memory_space<semaphore_mem>> -> memref<!tpu.dma_semaphore, #tpu.memory_space<semaphore_mem>>
        %dma_start3A_305 = tpu.memref_slice %arg5[%add3A_298] : memref<6553600xf32, #tpu.memory_space<hbm>> -> memref<1024xf32, #tpu.memory_space<hbm>>
        %dma_start3A_306 = arith.constant 11264 : i32
        %dma_start3A_307 = tpu.memref_slice %arg9[%rem3A_68, %dma_start3A_306] : memref<2x20480xf32, #tpu.memory_space<vmem>> -> memref<1x1024xf32, #tpu.memory_space<vmem>>
        %dma_start3A_308 = tpu.memref_squeeze %dma_start3A_307 : memref<1x1024xf32, #tpu.memory_space<vmem>> -> memref<1024xf32, #tpu.memory_space<vmem>>
        tpu.enqueue_dma source(%dma_start3A_308 : memref<1024xf32, #tpu.memory_space<vmem>>) target(%dma_start3A_305 : memref<1024xf32, #tpu.memory_space<hbm>>) target_semaphore(%dma_start3A_304 : memref<!tpu.dma_semaphore, #tpu.memory_space<semaphore_mem>>)
        %mul3A_309 = arith.constant 50 : i32
        %mul3A_310 = arith.muli %add3A, %mul3A_309 : i32
        %sub3A_311 = arith.constant 2 : i32
        %sub3A_312 = arith.subi %scan3A_57, %sub3A_311 : i32
        %mul3A_313 = arith.constant 5 : i32
        %mul3A_314 = arith.muli %sub3A_312, %mul3A_313 : i32
        %add3A_315 = arith.addi %mul3A_310, %mul3A_314 : i32
        %add3A_316 = arith.constant 3 : i32
        %add3A_317 = arith.addi %add3A_315, %add3A_316 : i32
        %div3A_318 = arith.constant 32 : i32
        %div3A_319 = arith.divsi %add3A_317, %div3A_318 : i32
        %rem3A_320 = arith.constant 32 : i32
        %rem3A_321 = arith.remsi %add3A_317, %rem3A_320 : i32
        %parallel_loop3A_322 = arith.constant 0 : i32
        %parallel_loop3A_323 = arith.constant 32 : i32
        %parallel_loop3A_324 = arith.constant 1 : i32
        scf.for %parallel_loop3A_447 = %parallel_loop3A_322 to %parallel_loop3A_323 step %parallel_loop3A_324  : i32 {
          %parallel_loop3A_448 = vector.broadcast %parallel_loop3A_447 : i32 to vector<16xi32>
          %parallel_loop3A_449 = arith.constant 7 : i32
          %parallel_loop3A_450 = arith.shli %parallel_loop3A_447, %parallel_loop3A_449 : i32
          %parallel_loop3A_451 = arith.constant 12288 : i32
          %parallel_loop3A_452 = arith.addi %parallel_loop3A_451, %parallel_loop3A_450 : i32
          %parallel_loop3A_453 = arith.constant 0 : i32
          %parallel_loop3A_454 = arith.constant 0 : i32
          %parallel_loop3A_455 = tpu.memref_slice %arg8[%rem3A_66, %parallel_loop3A_453, %parallel_loop3A_454] : memref<3x640x32xf32, #tpu.memory_space<vmem>> -> memref<1x640x32xf32, #tpu.memory_space<vmem>>
          %parallel_loop3A_456 = tpu.memref_squeeze %parallel_loop3A_455 : memref<1x640x32xf32, #tpu.memory_space<vmem>> -> memref<640x32xf32, #tpu.memory_space<vmem>>
          %parallel_loop3A_457 = arith.constant 384 : i32
          %parallel_loop3A_458 = arith.constant 0 : i32
          %parallel_loop3A_459 = tpu.memref_slice %parallel_loop3A_456[%parallel_loop3A_457, %parallel_loop3A_458] : memref<640x32xf32, #tpu.memory_space<vmem>> -> memref<128x32xf32, #tpu.memory_space<vmem>>
          %parallel_loop3A_460 = tpu.vector_load_idx %parallel_loop3A_459[%add3A_3, %parallel_loop3A_448] : memref<128x32xf32, #tpu.memory_space<vmem>>[vector<16xi32>, vector<16xi32>], vector<16xf32>,
          %parallel_loop3A_461 = arith.constant 0 : i32
          %parallel_loop3A_462 = arith.addi %parallel_loop3A_452, %parallel_loop3A_461 : i32
          %parallel_loop3A_463 = arith.index_cast %rem3A_68 : i32 to index
          %parallel_loop3A_464 = arith.index_cast %parallel_loop3A_462 : i32 to index
          %parallel_loop3A_465 = tpu.vector_load %arg9[%parallel_loop3A_463, %parallel_loop3A_464] {strides = array<i32>} : memref<2x20480xf32, #tpu.memory_space<vmem>>, vector<16xf32>,
          tpu.vector_store %arg9[%parallel_loop3A_463, %parallel_loop3A_464], %parallel_loop3A_460 {strides = array<i32>} : memref<2x20480xf32, #tpu.memory_space<vmem>>, vector<16xf32>,
          %parallel_loop3A_466 = arith.constant 0 : i32
          %parallel_loop3A_467 = arith.constant 0 : i32
          %parallel_loop3A_468 = tpu.memref_slice %arg8[%rem3A_66, %parallel_loop3A_466, %parallel_loop3A_467] : memref<3x640x32xf32, #tpu.memory_space<vmem>> -> memref<1x640x32xf32, #tpu.memory_space<vmem>>
          %parallel_loop3A_469 = tpu.memref_squeeze %parallel_loop3A_468 : memref<1x640x32xf32, #tpu.memory_space<vmem>> -> memref<640x32xf32, #tpu.memory_space<vmem>>
          %parallel_loop3A_470 = arith.constant 384 : i32
          %parallel_loop3A_471 = arith.constant 0 : i32
          %parallel_loop3A_472 = tpu.memref_slice %parallel_loop3A_469[%parallel_loop3A_470, %parallel_loop3A_471] : memref<640x32xf32, #tpu.memory_space<vmem>> -> memref<128x32xf32, #tpu.memory_space<vmem>>
          %parallel_loop3A_473 = tpu.vector_load_idx %parallel_loop3A_472[%add3A_6, %parallel_loop3A_448] : memref<128x32xf32, #tpu.memory_space<vmem>>[vector<16xi32>, vector<16xi32>], vector<16xf32>,
          %parallel_loop3A_474 = arith.constant 16 : i32
          %parallel_loop3A_475 = arith.addi %parallel_loop3A_452, %parallel_loop3A_474 : i32
          %parallel_loop3A_476 = arith.index_cast %rem3A_68 : i32 to index
          %parallel_loop3A_477 = arith.index_cast %parallel_loop3A_475 : i32 to index
          %parallel_loop3A_478 = tpu.vector_load %arg9[%parallel_loop3A_476, %parallel_loop3A_477] {strides = array<i32>} : memref<2x20480xf32, #tpu.memory_space<vmem>>, vector<16xf32>,
          tpu.vector_store %arg9[%parallel_loop3A_476, %parallel_loop3A_477], %parallel_loop3A_473 {strides = array<i32>} : memref<2x20480xf32, #tpu.memory_space<vmem>>, vector<16xf32>,
          %parallel_loop3A_479 = arith.constant 0 : i32
          %parallel_loop3A_480 = arith.constant 0 : i32
          %parallel_loop3A_481 = tpu.memref_slice %arg8[%rem3A_66, %parallel_loop3A_479, %parallel_loop3A_480] : memref<3x640x32xf32, #tpu.memory_space<vmem>> -> memref<1x640x32xf32, #tpu.memory_space<vmem>>
          %parallel_loop3A_482 = tpu.memref_squeeze %parallel_loop3A_481 : memref<1x640x32xf32, #tpu.memory_space<vmem>> -> memref<640x32xf32, #tpu.memory_space<vmem>>
          %parallel_loop3A_483 = arith.constant 384 : i32
          %parallel_loop3A_484 = arith.constant 0 : i32
          %parallel_loop3A_485 = tpu.memref_slice %parallel_loop3A_482[%parallel_loop3A_483, %parallel_loop3A_484] : memref<640x32xf32, #tpu.memory_space<vmem>> -> memref<128x32xf32, #tpu.memory_space<vmem>>
          %parallel_loop3A_486 = tpu.vector_load_idx %parallel_loop3A_485[%add3A_9, %parallel_loop3A_448] : memref<128x32xf32, #tpu.memory_space<vmem>>[vector<16xi32>, vector<16xi32>], vector<16xf32>,
          %parallel_loop3A_487 = arith.constant 32 : i32
          %parallel_loop3A_488 = arith.addi %parallel_loop3A_452, %parallel_loop3A_487 : i32
          %parallel_loop3A_489 = arith.index_cast %rem3A_68 : i32 to index
          %parallel_loop3A_490 = arith.index_cast %parallel_loop3A_488 : i32 to index
          %parallel_loop3A_491 = tpu.vector_load %arg9[%parallel_loop3A_489, %parallel_loop3A_490] {strides = array<i32>} : memref<2x20480xf32, #tpu.memory_space<vmem>>, vector<16xf32>,
          tpu.vector_store %arg9[%parallel_loop3A_489, %parallel_loop3A_490], %parallel_loop3A_486 {strides = array<i32>} : memref<2x20480xf32, #tpu.memory_space<vmem>>, vector<16xf32>,
          %parallel_loop3A_492 = arith.constant 0 : i32
          %parallel_loop3A_493 = arith.constant 0 : i32
          %parallel_loop3A_494 = tpu.memref_slice %arg8[%rem3A_66, %parallel_loop3A_492, %parallel_loop3A_493] : memref<3x640x32xf32, #tpu.memory_space<vmem>> -> memref<1x640x32xf32, #tpu.memory_space<vmem>>
          %parallel_loop3A_495 = tpu.memref_squeeze %parallel_loop3A_494 : memref<1x640x32xf32, #tpu.memory_space<vmem>> -> memref<640x32xf32, #tpu.memory_space<vmem>>
          %parallel_loop3A_496 = arith.constant 384 : i32
          %parallel_loop3A_497 = arith.constant 0 : i32
          %parallel_loop3A_498 = tpu.memref_slice %parallel_loop3A_495[%parallel_loop3A_496, %parallel_loop3A_497] : memref<640x32xf32, #tpu.memory_space<vmem>> -> memref<128x32xf32, #tpu.memory_space<vmem>>
          %parallel_loop3A_499 = tpu.vector_load_idx %parallel_loop3A_498[%add3A_12, %parallel_loop3A_448] : memref<128x32xf32, #tpu.memory_space<vmem>>[vector<16xi32>, vector<16xi32>], vector<16xf32>,
          %parallel_loop3A_500 = arith.constant 48 : i32
          %parallel_loop3A_501 = arith.addi %parallel_loop3A_452, %parallel_loop3A_500 : i32
          %parallel_loop3A_502 = arith.index_cast %rem3A_68 : i32 to index
          %parallel_loop3A_503 = arith.index_cast %parallel_loop3A_501 : i32 to index
          %parallel_loop3A_504 = tpu.vector_load %arg9[%parallel_loop3A_502, %parallel_loop3A_503] {strides = array<i32>} : memref<2x20480xf32, #tpu.memory_space<vmem>>, vector<16xf32>,
          tpu.vector_store %arg9[%parallel_loop3A_502, %parallel_loop3A_503], %parallel_loop3A_499 {strides = array<i32>} : memref<2x20480xf32, #tpu.memory_space<vmem>>, vector<16xf32>,
          %parallel_loop3A_505 = arith.constant 0 : i32
          %parallel_loop3A_506 = arith.constant 0 : i32
          %parallel_loop3A_507 = tpu.memref_slice %arg8[%rem3A_66, %parallel_loop3A_505, %parallel_loop3A_506] : memref<3x640x32xf32, #tpu.memory_space<vmem>> -> memref<1x640x32xf32, #tpu.memory_space<vmem>>
          %parallel_loop3A_508 = tpu.memref_squeeze %parallel_loop3A_507 : memref<1x640x32xf32, #tpu.memory_space<vmem>> -> memref<640x32xf32, #tpu.memory_space<vmem>>
          %parallel_loop3A_509 = arith.constant 384 : i32
          %parallel_loop3A_510 = arith.constant 0 : i32
          %parallel_loop3A_511 = tpu.memref_slice %parallel_loop3A_508[%parallel_loop3A_509, %parallel_loop3A_510] : memref<640x32xf32, #tpu.memory_space<vmem>> -> memref<128x32xf32, #tpu.memory_space<vmem>>
          %parallel_loop3A_512 = tpu.vector_load_idx %parallel_loop3A_511[%add3A_15, %parallel_loop3A_448] : memref<128x32xf32, #tpu.memory_space<vmem>>[vector<16xi32>, vector<16xi32>], vector<16xf32>,
          %parallel_loop3A_513 = arith.constant 64 : i32
          %parallel_loop3A_514 = arith.addi %parallel_loop3A_452, %parallel_loop3A_513 : i32
          %parallel_loop3A_515 = arith.index_cast %rem3A_68 : i32 to index
          %parallel_loop3A_516 = arith.index_cast %parallel_loop3A_514 : i32 to index
          %parallel_loop3A_517 = tpu.vector_load %arg9[%parallel_loop3A_515, %parallel_loop3A_516] {strides = array<i32>} : memref<2x20480xf32, #tpu.memory_space<vmem>>, vector<16xf32>,
          tpu.vector_store %arg9[%parallel_loop3A_515, %parallel_loop3A_516], %parallel_loop3A_512 {strides = array<i32>} : memref<2x20480xf32, #tpu.memory_space<vmem>>, vector<16xf32>,
          %parallel_loop3A_518 = arith.constant 0 : i32
          %parallel_loop3A_519 = arith.constant 0 : i32
          %parallel_loop3A_520 = tpu.memref_slice %arg8[%rem3A_66, %parallel_loop3A_518, %parallel_loop3A_519] : memref<3x640x32xf32, #tpu.memory_space<vmem>> -> memref<1x640x32xf32, #tpu.memory_space<vmem>>
          %parallel_loop3A_521 = tpu.memref_squeeze %parallel_loop3A_520 : memref<1x640x32xf32, #tpu.memory_space<vmem>> -> memref<640x32xf32, #tpu.memory_space<vmem>>
          %parallel_loop3A_522 = arith.constant 384 : i32
          %parallel_loop3A_523 = arith.constant 0 : i32
          %parallel_loop3A_524 = tpu.memref_slice %parallel_loop3A_521[%parallel_loop3A_522, %parallel_loop3A_523] : memref<640x32xf32, #tpu.memory_space<vmem>> -> memref<128x32xf32, #tpu.memory_space<vmem>>
          %parallel_loop3A_525 = tpu.vector_load_idx %parallel_loop3A_524[%add3A_18, %parallel_loop3A_448] : memref<128x32xf32, #tpu.memory_space<vmem>>[vector<16xi32>, vector<16xi32>], vector<16xf32>,
          %parallel_loop3A_526 = arith.constant 80 : i32
          %parallel_loop3A_527 = arith.addi %parallel_loop3A_452, %parallel_loop3A_526 : i32
          %parallel_loop3A_528 = arith.index_cast %rem3A_68 : i32 to index
          %parallel_loop3A_529 = arith.index_cast %parallel_loop3A_527 : i32 to index
          %parallel_loop3A_530 = tpu.vector_load %arg9[%parallel_loop3A_528, %parallel_loop3A_529] {strides = array<i32>} : memref<2x20480xf32, #tpu.memory_space<vmem>>, vector<16xf32>,
          tpu.vector_store %arg9[%parallel_loop3A_528, %parallel_loop3A_529], %parallel_loop3A_525 {strides = array<i32>} : memref<2x20480xf32, #tpu.memory_space<vmem>>, vector<16xf32>,
          %parallel_loop3A_531 = arith.constant 0 : i32
          %parallel_loop3A_532 = arith.constant 0 : i32
          %parallel_loop3A_533 = tpu.memref_slice %arg8[%rem3A_66, %parallel_loop3A_531, %parallel_loop3A_532] : memref<3x640x32xf32, #tpu.memory_space<vmem>> -> memref<1x640x32xf32, #tpu.memory_space<vmem>>
          %parallel_loop3A_534 = tpu.memref_squeeze %parallel_loop3A_533 : memref<1x640x32xf32, #tpu.memory_space<vmem>> -> memref<640x32xf32, #tpu.memory_space<vmem>>
          %parallel_loop3A_535 = arith.constant 384 : i32
          %parallel_loop3A_536 = arith.constant 0 : i32
          %parallel_loop3A_537 = tpu.memref_slice %parallel_loop3A_534[%parallel_loop3A_535, %parallel_loop3A_536] : memref<640x32xf32, #tpu.memory_space<vmem>> -> memref<128x32xf32, #tpu.memory_space<vmem>>
          %parallel_loop3A_538 = tpu.vector_load_idx %parallel_loop3A_537[%add3A_21, %parallel_loop3A_448] : memref<128x32xf32, #tpu.memory_space<vmem>>[vector<16xi32>, vector<16xi32>], vector<16xf32>,
          %parallel_loop3A_539 = arith.constant 96 : i32
          %parallel_loop3A_540 = arith.addi %parallel_loop3A_452, %parallel_loop3A_539 : i32
          %parallel_loop3A_541 = arith.index_cast %rem3A_68 : i32 to index
          %parallel_loop3A_542 = arith.index_cast %parallel_loop3A_540 : i32 to index
          %parallel_loop3A_543 = tpu.vector_load %arg9[%parallel_loop3A_541, %parallel_loop3A_542] {strides = array<i32>} : memref<2x20480xf32, #tpu.memory_space<vmem>>, vector<16xf32>,
          tpu.vector_store %arg9[%parallel_loop3A_541, %parallel_loop3A_542], %parallel_loop3A_538 {strides = array<i32>} : memref<2x20480xf32, #tpu.memory_space<vmem>>, vector<16xf32>,
          %parallel_loop3A_544 = arith.constant 0 : i32
          %parallel_loop3A_545 = arith.constant 0 : i32
          %parallel_loop3A_546 = tpu.memref_slice %arg8[%rem3A_66, %parallel_loop3A_544, %parallel_loop3A_545] : memref<3x640x32xf32, #tpu.memory_space<vmem>> -> memref<1x640x32xf32, #tpu.memory_space<vmem>>
          %parallel_loop3A_547 = tpu.memref_squeeze %parallel_loop3A_546 : memref<1x640x32xf32, #tpu.memory_space<vmem>> -> memref<640x32xf32, #tpu.memory_space<vmem>>
          %parallel_loop3A_548 = arith.constant 384 : i32
          %parallel_loop3A_549 = arith.constant 0 : i32
          %parallel_loop3A_550 = tpu.memref_slice %parallel_loop3A_547[%parallel_loop3A_548, %parallel_loop3A_549] : memref<640x32xf32, #tpu.memory_space<vmem>> -> memref<128x32xf32, #tpu.memory_space<vmem>>
          %parallel_loop3A_551 = tpu.vector_load_idx %parallel_loop3A_550[%add3A_24, %parallel_loop3A_448] : memref<128x32xf32, #tpu.memory_space<vmem>>[vector<16xi32>, vector<16xi32>], vector<16xf32>,
          %parallel_loop3A_552 = arith.constant 112 : i32
          %parallel_loop3A_553 = arith.addi %parallel_loop3A_452, %parallel_loop3A_552 : i32
          %parallel_loop3A_554 = arith.index_cast %rem3A_68 : i32 to index
          %parallel_loop3A_555 = arith.index_cast %parallel_loop3A_553 : i32 to index
          %parallel_loop3A_556 = tpu.vector_load %arg9[%parallel_loop3A_554, %parallel_loop3A_555] {strides = array<i32>} : memref<2x20480xf32, #tpu.memory_space<vmem>>, vector<16xf32>,
          tpu.vector_store %arg9[%parallel_loop3A_554, %parallel_loop3A_555], %parallel_loop3A_551 {strides = array<i32>} : memref<2x20480xf32, #tpu.memory_space<vmem>>, vector<16xf32>,
        } {sc.loop_unroll_factor = 8 : i64, sc.parallel_access}
        %mul3A_325 = arith.constant 131072 : i32
        %mul3A_326 = arith.muli %div3A_319, %mul3A_325 : i32
        %mul3A_327 = arith.constant 1024 : i32
        %mul3A_328 = arith.muli %rem3A_321, %mul3A_327 : i32
        %add3A_329 = arith.addi %mul3A_326, %mul3A_328 : i32
        %add3A_330 = arith.constant 0 : i32
        %add3A_331 = arith.addi %add3A_329, %add3A_330 : i32
        %dma_start3A_332 = arith.constant 12288 : i32
        %dma_start3A_333 = tpu.memref_slice %arg9[%rem3A_68, %dma_start3A_332] : memref<2x20480xf32, #tpu.memory_space<vmem>> -> memref<1x1024xf32, #tpu.memory_space<vmem>>
        %dma_start3A_334 = tpu.memref_squeeze %dma_start3A_333 : memref<1x1024xf32, #tpu.memory_space<vmem>> -> memref<1024xf32, #tpu.memory_space<vmem>>
        %dma_start3A_335 = tpu.memref_slice %arg5[%add3A_331] : memref<6553600xf32, #tpu.memory_space<hbm>> -> memref<1024xf32, #tpu.memory_space<hbm>>
        %dma_start3A_336 = tpu.memref_slice %arg11[%rem3A_68] : memref<2x!tpu.dma_semaphore, #tpu.memory_space<semaphore_mem>> -> memref<1x!tpu.dma_semaphore, #tpu.memory_space<semaphore_mem>>
        %dma_start3A_337 = tpu.memref_squeeze %dma_start3A_336 : memref<1x!tpu.dma_semaphore, #tpu.memory_space<semaphore_mem>> -> memref<!tpu.dma_semaphore, #tpu.memory_space<semaphore_mem>>
        %dma_start3A_338 = tpu.memref_slice %arg5[%add3A_331] : memref<6553600xf32, #tpu.memory_space<hbm>> -> memref<1024xf32, #tpu.memory_space<hbm>>
        %dma_start3A_339 = arith.constant 12288 : i32
        %dma_start3A_340 = tpu.memref_slice %arg9[%rem3A_68, %dma_start3A_339] : memref<2x20480xf32, #tpu.memory_space<vmem>> -> memref<1x1024xf32, #tpu.memory_space<vmem>>
        %dma_start3A_341 = tpu.memref_squeeze %dma_start3A_340 : memref<1x1024xf32, #tpu.memory_space<vmem>> -> memref<1024xf32, #tpu.memory_space<vmem>>
        tpu.enqueue_dma source(%dma_start3A_341 : memref<1024xf32, #tpu.memory_space<vmem>>) target(%dma_start3A_338 : memref<1024xf32, #tpu.memory_space<hbm>>) target_semaphore(%dma_start3A_337 : memref<!tpu.dma_semaphore, #tpu.memory_space<semaphore_mem>>)
        %add3A_342 = arith.constant 32768 : i32
        %add3A_343 = arith.addi %add3A_329, %add3A_342 : i32
        %dma_start3A_344 = arith.constant 13312 : i32
        %dma_start3A_345 = tpu.memref_slice %arg9[%rem3A_68, %dma_start3A_344] : memref<2x20480xf32, #tpu.memory_space<vmem>> -> memref<1x1024xf32, #tpu.memory_space<vmem>>
        %dma_start3A_346 = tpu.memref_squeeze %dma_start3A_345 : memref<1x1024xf32, #tpu.memory_space<vmem>> -> memref<1024xf32, #tpu.memory_space<vmem>>
        %dma_start3A_347 = tpu.memref_slice %arg5[%add3A_343] : memref<6553600xf32, #tpu.memory_space<hbm>> -> memref<1024xf32, #tpu.memory_space<hbm>>
        %dma_start3A_348 = tpu.memref_slice %arg11[%rem3A_68] : memref<2x!tpu.dma_semaphore, #tpu.memory_space<semaphore_mem>> -> memref<1x!tpu.dma_semaphore, #tpu.memory_space<semaphore_mem>>
        %dma_start3A_349 = tpu.memref_squeeze %dma_start3A_348 : memref<1x!tpu.dma_semaphore, #tpu.memory_space<semaphore_mem>> -> memref<!tpu.dma_semaphore, #tpu.memory_space<semaphore_mem>>
        %dma_start3A_350 = tpu.memref_slice %arg5[%add3A_343] : memref<6553600xf32, #tpu.memory_space<hbm>> -> memref<1024xf32, #tpu.memory_space<hbm>>
        %dma_start3A_351 = arith.constant 13312 : i32
        %dma_start3A_352 = tpu.memref_slice %arg9[%rem3A_68, %dma_start3A_351] : memref<2x20480xf32, #tpu.memory_space<vmem>> -> memref<1x1024xf32, #tpu.memory_space<vmem>>
        %dma_start3A_353 = tpu.memref_squeeze %dma_start3A_352 : memref<1x1024xf32, #tpu.memory_space<vmem>> -> memref<1024xf32, #tpu.memory_space<vmem>>
        tpu.enqueue_dma source(%dma_start3A_353 : memref<1024xf32, #tpu.memory_space<vmem>>) target(%dma_start3A_350 : memref<1024xf32, #tpu.memory_space<hbm>>) target_semaphore(%dma_start3A_349 : memref<!tpu.dma_semaphore, #tpu.memory_space<semaphore_mem>>)
        %add3A_354 = arith.constant 65536 : i32
        %add3A_355 = arith.addi %add3A_329, %add3A_354 : i32
        %dma_start3A_356 = arith.constant 14336 : i32
        %dma_start3A_357 = tpu.memref_slice %arg9[%rem3A_68, %dma_start3A_356] : memref<2x20480xf32, #tpu.memory_space<vmem>> -> memref<1x1024xf32, #tpu.memory_space<vmem>>
        %dma_start3A_358 = tpu.memref_squeeze %dma_start3A_357 : memref<1x1024xf32, #tpu.memory_space<vmem>> -> memref<1024xf32, #tpu.memory_space<vmem>>
        %dma_start3A_359 = tpu.memref_slice %arg5[%add3A_355] : memref<6553600xf32, #tpu.memory_space<hbm>> -> memref<1024xf32, #tpu.memory_space<hbm>>
        %dma_start3A_360 = tpu.memref_slice %arg11[%rem3A_68] : memref<2x!tpu.dma_semaphore, #tpu.memory_space<semaphore_mem>> -> memref<1x!tpu.dma_semaphore, #tpu.memory_space<semaphore_mem>>
        %dma_start3A_361 = tpu.memref_squeeze %dma_start3A_360 : memref<1x!tpu.dma_semaphore, #tpu.memory_space<semaphore_mem>> -> memref<!tpu.dma_semaphore, #tpu.memory_space<semaphore_mem>>
        %dma_start3A_362 = tpu.memref_slice %arg5[%add3A_355] : memref<6553600xf32, #tpu.memory_space<hbm>> -> memref<1024xf32, #tpu.memory_space<hbm>>
        %dma_start3A_363 = arith.constant 14336 : i32
        %dma_start3A_364 = tpu.memref_slice %arg9[%rem3A_68, %dma_start3A_363] : memref<2x20480xf32, #tpu.memory_space<vmem>> -> memref<1x1024xf32, #tpu.memory_space<vmem>>
        %dma_start3A_365 = tpu.memref_squeeze %dma_start3A_364 : memref<1x1024xf32, #tpu.memory_space<vmem>> -> memref<1024xf32, #tpu.memory_space<vmem>>
        tpu.enqueue_dma source(%dma_start3A_365 : memref<1024xf32, #tpu.memory_space<vmem>>) target(%dma_start3A_362 : memref<1024xf32, #tpu.memory_space<hbm>>) target_semaphore(%dma_start3A_361 : memref<!tpu.dma_semaphore, #tpu.memory_space<semaphore_mem>>)
        %add3A_366 = arith.constant 98304 : i32
        %add3A_367 = arith.addi %add3A_329, %add3A_366 : i32
        %dma_start3A_368 = arith.constant 15360 : i32
        %dma_start3A_369 = tpu.memref_slice %arg9[%rem3A_68, %dma_start3A_368] : memref<2x20480xf32, #tpu.memory_space<vmem>> -> memref<1x1024xf32, #tpu.memory_space<vmem>>
        %dma_start3A_370 = tpu.memref_squeeze %dma_start3A_369 : memref<1x1024xf32, #tpu.memory_space<vmem>> -> memref<1024xf32, #tpu.memory_space<vmem>>
        %dma_start3A_371 = tpu.memref_slice %arg5[%add3A_367] : memref<6553600xf32, #tpu.memory_space<hbm>> -> memref<1024xf32, #tpu.memory_space<hbm>>
        %dma_start3A_372 = tpu.memref_slice %arg11[%rem3A_68] : memref<2x!tpu.dma_semaphore, #tpu.memory_space<semaphore_mem>> -> memref<1x!tpu.dma_semaphore, #tpu.memory_space<semaphore_mem>>
        %dma_start3A_373 = tpu.memref_squeeze %dma_start3A_372 : memref<1x!tpu.dma_semaphore, #tpu.memory_space<semaphore_mem>> -> memref<!tpu.dma_semaphore, #tpu.memory_space<semaphore_mem>>
        %dma_start3A_374 = tpu.memref_slice %arg5[%add3A_367] : memref<6553600xf32, #tpu.memory_space<hbm>> -> memref<1024xf32, #tpu.memory_space<hbm>>
        %dma_start3A_375 = arith.constant 15360 : i32
        %dma_start3A_376 = tpu.memref_slice %arg9[%rem3A_68, %dma_start3A_375] : memref<2x20480xf32, #tpu.memory_space<vmem>> -> memref<1x1024xf32, #tpu.memory_space<vmem>>
        %dma_start3A_377 = tpu.memref_squeeze %dma_start3A_376 : memref<1x1024xf32, #tpu.memory_space<vmem>> -> memref<1024xf32, #tpu.memory_space<vmem>>
        tpu.enqueue_dma source(%dma_start3A_377 : memref<1024xf32, #tpu.memory_space<vmem>>) target(%dma_start3A_374 : memref<1024xf32, #tpu.memory_space<hbm>>) target_semaphore(%dma_start3A_373 : memref<!tpu.dma_semaphore, #tpu.memory_space<semaphore_mem>>)
        %mul3A_378 = arith.constant 50 : i32
        %mul3A_379 = arith.muli %add3A, %mul3A_378 : i32
        %sub3A_380 = arith.constant 2 : i32
        %sub3A_381 = arith.subi %scan3A_57, %sub3A_380 : i32
        %mul3A_382 = arith.constant 5 : i32
        %mul3A_383 = arith.muli %sub3A_381, %mul3A_382 : i32
        %add3A_384 = arith.addi %mul3A_379, %mul3A_383 : i32
        %add3A_385 = arith.constant 4 : i32
        %add3A_386 = arith.addi %add3A_384, %add3A_385 : i32
        %div3A_387 = arith.constant 32 : i32
        %div3A_388 = arith.divsi %add3A_386, %div3A_387 : i32
        %rem3A_389 = arith.constant 32 : i32
        %rem3A_390 = arith.remsi %add3A_386, %rem3A_389 : i32
        %parallel_loop3A_391 = arith.constant 0 : i32
        %parallel_loop3A_392 = arith.constant 32 : i32
        %parallel_loop3A_393 = arith.constant 1 : i32
        scf.for %parallel_loop3A_447 = %parallel_loop3A_391 to %parallel_loop3A_392 step %parallel_loop3A_393  : i32 {
          %parallel_loop3A_448 = vector.broadcast %parallel_loop3A_447 : i32 to vector<16xi32>
          %parallel_loop3A_449 = arith.constant 7 : i32
          %parallel_loop3A_450 = arith.shli %parallel_loop3A_447, %parallel_loop3A_449 : i32
          %parallel_loop3A_451 = arith.constant 16384 : i32
          %parallel_loop3A_452 = arith.addi %parallel_loop3A_451, %parallel_loop3A_450 : i32
          %parallel_loop3A_453 = arith.constant 0 : i32
          %parallel_loop3A_454 = arith.constant 0 : i32
          %parallel_loop3A_455 = tpu.memref_slice %arg8[%rem3A_66, %parallel_loop3A_453, %parallel_loop3A_454] : memref<3x640x32xf32, #tpu.memory_space<vmem>> -> memref<1x640x32xf32, #tpu.memory_space<vmem>>
          %parallel_loop3A_456 = tpu.memref_squeeze %parallel_loop3A_455 : memref<1x640x32xf32, #tpu.memory_space<vmem>> -> memref<640x32xf32, #tpu.memory_space<vmem>>
          %parallel_loop3A_457 = arith.constant 512 : i32
          %parallel_loop3A_458 = arith.constant 0 : i32
          %parallel_loop3A_459 = tpu.memref_slice %parallel_loop3A_456[%parallel_loop3A_457, %parallel_loop3A_458] : memref<640x32xf32, #tpu.memory_space<vmem>> -> memref<128x32xf32, #tpu.memory_space<vmem>>
          %parallel_loop3A_460 = tpu.vector_load_idx %parallel_loop3A_459[%add3A_3, %parallel_loop3A_448] : memref<128x32xf32, #tpu.memory_space<vmem>>[vector<16xi32>, vector<16xi32>], vector<16xf32>,
          %parallel_loop3A_461 = arith.constant 0 : i32
          %parallel_loop3A_462 = arith.addi %parallel_loop3A_452, %parallel_loop3A_461 : i32
          %parallel_loop3A_463 = arith.index_cast %rem3A_68 : i32 to index
          %parallel_loop3A_464 = arith.index_cast %parallel_loop3A_462 : i32 to index
          %parallel_loop3A_465 = tpu.vector_load %arg9[%parallel_loop3A_463, %parallel_loop3A_464] {strides = array<i32>} : memref<2x20480xf32, #tpu.memory_space<vmem>>, vector<16xf32>,
          tpu.vector_store %arg9[%parallel_loop3A_463, %parallel_loop3A_464], %parallel_loop3A_460 {strides = array<i32>} : memref<2x20480xf32, #tpu.memory_space<vmem>>, vector<16xf32>,
          %parallel_loop3A_466 = arith.constant 0 : i32
          %parallel_loop3A_467 = arith.constant 0 : i32
          %parallel_loop3A_468 = tpu.memref_slice %arg8[%rem3A_66, %parallel_loop3A_466, %parallel_loop3A_467] : memref<3x640x32xf32, #tpu.memory_space<vmem>> -> memref<1x640x32xf32, #tpu.memory_space<vmem>>
          %parallel_loop3A_469 = tpu.memref_squeeze %parallel_loop3A_468 : memref<1x640x32xf32, #tpu.memory_space<vmem>> -> memref<640x32xf32, #tpu.memory_space<vmem>>
          %parallel_loop3A_470 = arith.constant 512 : i32
          %parallel_loop3A_471 = arith.constant 0 : i32
          %parallel_loop3A_472 = tpu.memref_slice %parallel_loop3A_469[%parallel_loop3A_470, %parallel_loop3A_471] : memref<640x32xf32, #tpu.memory_space<vmem>> -> memref<128x32xf32, #tpu.memory_space<vmem>>
          %parallel_loop3A_473 = tpu.vector_load_idx %parallel_loop3A_472[%add3A_6, %parallel_loop3A_448] : memref<128x32xf32, #tpu.memory_space<vmem>>[vector<16xi32>, vector<16xi32>], vector<16xf32>,
          %parallel_loop3A_474 = arith.constant 16 : i32
          %parallel_loop3A_475 = arith.addi %parallel_loop3A_452, %parallel_loop3A_474 : i32
          %parallel_loop3A_476 = arith.index_cast %rem3A_68 : i32 to index
          %parallel_loop3A_477 = arith.index_cast %parallel_loop3A_475 : i32 to index
          %parallel_loop3A_478 = tpu.vector_load %arg9[%parallel_loop3A_476, %parallel_loop3A_477] {strides = array<i32>} : memref<2x20480xf32, #tpu.memory_space<vmem>>, vector<16xf32>,
          tpu.vector_store %arg9[%parallel_loop3A_476, %parallel_loop3A_477], %parallel_loop3A_473 {strides = array<i32>} : memref<2x20480xf32, #tpu.memory_space<vmem>>, vector<16xf32>,
          %parallel_loop3A_479 = arith.constant 0 : i32
          %parallel_loop3A_480 = arith.constant 0 : i32
          %parallel_loop3A_481 = tpu.memref_slice %arg8[%rem3A_66, %parallel_loop3A_479, %parallel_loop3A_480] : memref<3x640x32xf32, #tpu.memory_space<vmem>> -> memref<1x640x32xf32, #tpu.memory_space<vmem>>
          %parallel_loop3A_482 = tpu.memref_squeeze %parallel_loop3A_481 : memref<1x640x32xf32, #tpu.memory_space<vmem>> -> memref<640x32xf32, #tpu.memory_space<vmem>>
          %parallel_loop3A_483 = arith.constant 512 : i32
          %parallel_loop3A_484 = arith.constant 0 : i32
          %parallel_loop3A_485 = tpu.memref_slice %parallel_loop3A_482[%parallel_loop3A_483, %parallel_loop3A_484] : memref<640x32xf32, #tpu.memory_space<vmem>> -> memref<128x32xf32, #tpu.memory_space<vmem>>
          %parallel_loop3A_486 = tpu.vector_load_idx %parallel_loop3A_485[%add3A_9, %parallel_loop3A_448] : memref<128x32xf32, #tpu.memory_space<vmem>>[vector<16xi32>, vector<16xi32>], vector<16xf32>,
          %parallel_loop3A_487 = arith.constant 32 : i32
          %parallel_loop3A_488 = arith.addi %parallel_loop3A_452, %parallel_loop3A_487 : i32
          %parallel_loop3A_489 = arith.index_cast %rem3A_68 : i32 to index
          %parallel_loop3A_490 = arith.index_cast %parallel_loop3A_488 : i32 to index
          %parallel_loop3A_491 = tpu.vector_load %arg9[%parallel_loop3A_489, %parallel_loop3A_490] {strides = array<i32>} : memref<2x20480xf32, #tpu.memory_space<vmem>>, vector<16xf32>,
          tpu.vector_store %arg9[%parallel_loop3A_489, %parallel_loop3A_490], %parallel_loop3A_486 {strides = array<i32>} : memref<2x20480xf32, #tpu.memory_space<vmem>>, vector<16xf32>,
          %parallel_loop3A_492 = arith.constant 0 : i32
          %parallel_loop3A_493 = arith.constant 0 : i32
          %parallel_loop3A_494 = tpu.memref_slice %arg8[%rem3A_66, %parallel_loop3A_492, %parallel_loop3A_493] : memref<3x640x32xf32, #tpu.memory_space<vmem>> -> memref<1x640x32xf32, #tpu.memory_space<vmem>>
          %parallel_loop3A_495 = tpu.memref_squeeze %parallel_loop3A_494 : memref<1x640x32xf32, #tpu.memory_space<vmem>> -> memref<640x32xf32, #tpu.memory_space<vmem>>
          %parallel_loop3A_496 = arith.constant 512 : i32
          %parallel_loop3A_497 = arith.constant 0 : i32
          %parallel_loop3A_498 = tpu.memref_slice %parallel_loop3A_495[%parallel_loop3A_496, %parallel_loop3A_497] : memref<640x32xf32, #tpu.memory_space<vmem>> -> memref<128x32xf32, #tpu.memory_space<vmem>>
          %parallel_loop3A_499 = tpu.vector_load_idx %parallel_loop3A_498[%add3A_12, %parallel_loop3A_448] : memref<128x32xf32, #tpu.memory_space<vmem>>[vector<16xi32>, vector<16xi32>], vector<16xf32>,
          %parallel_loop3A_500 = arith.constant 48 : i32
          %parallel_loop3A_501 = arith.addi %parallel_loop3A_452, %parallel_loop3A_500 : i32
          %parallel_loop3A_502 = arith.index_cast %rem3A_68 : i32 to index
          %parallel_loop3A_503 = arith.index_cast %parallel_loop3A_501 : i32 to index
          %parallel_loop3A_504 = tpu.vector_load %arg9[%parallel_loop3A_502, %parallel_loop3A_503] {strides = array<i32>} : memref<2x20480xf32, #tpu.memory_space<vmem>>, vector<16xf32>,
          tpu.vector_store %arg9[%parallel_loop3A_502, %parallel_loop3A_503], %parallel_loop3A_499 {strides = array<i32>} : memref<2x20480xf32, #tpu.memory_space<vmem>>, vector<16xf32>,
          %parallel_loop3A_505 = arith.constant 0 : i32
          %parallel_loop3A_506 = arith.constant 0 : i32
          %parallel_loop3A_507 = tpu.memref_slice %arg8[%rem3A_66, %parallel_loop3A_505, %parallel_loop3A_506] : memref<3x640x32xf32, #tpu.memory_space<vmem>> -> memref<1x640x32xf32, #tpu.memory_space<vmem>>
          %parallel_loop3A_508 = tpu.memref_squeeze %parallel_loop3A_507 : memref<1x640x32xf32, #tpu.memory_space<vmem>> -> memref<640x32xf32, #tpu.memory_space<vmem>>
          %parallel_loop3A_509 = arith.constant 512 : i32
          %parallel_loop3A_510 = arith.constant 0 : i32
          %parallel_loop3A_511 = tpu.memref_slice %parallel_loop3A_508[%parallel_loop3A_509, %parallel_loop3A_510] : memref<640x32xf32, #tpu.memory_space<vmem>> -> memref<128x32xf32, #tpu.memory_space<vmem>>
          %parallel_loop3A_512 = tpu.vector_load_idx %parallel_loop3A_511[%add3A_15, %parallel_loop3A_448] : memref<128x32xf32, #tpu.memory_space<vmem>>[vector<16xi32>, vector<16xi32>], vector<16xf32>,
          %parallel_loop3A_513 = arith.constant 64 : i32
          %parallel_loop3A_514 = arith.addi %parallel_loop3A_452, %parallel_loop3A_513 : i32
          %parallel_loop3A_515 = arith.index_cast %rem3A_68 : i32 to index
          %parallel_loop3A_516 = arith.index_cast %parallel_loop3A_514 : i32 to index
          %parallel_loop3A_517 = tpu.vector_load %arg9[%parallel_loop3A_515, %parallel_loop3A_516] {strides = array<i32>} : memref<2x20480xf32, #tpu.memory_space<vmem>>, vector<16xf32>,
          tpu.vector_store %arg9[%parallel_loop3A_515, %parallel_loop3A_516], %parallel_loop3A_512 {strides = array<i32>} : memref<2x20480xf32, #tpu.memory_space<vmem>>, vector<16xf32>,
          %parallel_loop3A_518 = arith.constant 0 : i32
          %parallel_loop3A_519 = arith.constant 0 : i32
          %parallel_loop3A_520 = tpu.memref_slice %arg8[%rem3A_66, %parallel_loop3A_518, %parallel_loop3A_519] : memref<3x640x32xf32, #tpu.memory_space<vmem>> -> memref<1x640x32xf32, #tpu.memory_space<vmem>>
          %parallel_loop3A_521 = tpu.memref_squeeze %parallel_loop3A_520 : memref<1x640x32xf32, #tpu.memory_space<vmem>> -> memref<640x32xf32, #tpu.memory_space<vmem>>
          %parallel_loop3A_522 = arith.constant 512 : i32
          %parallel_loop3A_523 = arith.constant 0 : i32
          %parallel_loop3A_524 = tpu.memref_slice %parallel_loop3A_521[%parallel_loop3A_522, %parallel_loop3A_523] : memref<640x32xf32, #tpu.memory_space<vmem>> -> memref<128x32xf32, #tpu.memory_space<vmem>>
          %parallel_loop3A_525 = tpu.vector_load_idx %parallel_loop3A_524[%add3A_18, %parallel_loop3A_448] : memref<128x32xf32, #tpu.memory_space<vmem>>[vector<16xi32>, vector<16xi32>], vector<16xf32>,
          %parallel_loop3A_526 = arith.constant 80 : i32
          %parallel_loop3A_527 = arith.addi %parallel_loop3A_452, %parallel_loop3A_526 : i32
          %parallel_loop3A_528 = arith.index_cast %rem3A_68 : i32 to index
          %parallel_loop3A_529 = arith.index_cast %parallel_loop3A_527 : i32 to index
          %parallel_loop3A_530 = tpu.vector_load %arg9[%parallel_loop3A_528, %parallel_loop3A_529] {strides = array<i32>} : memref<2x20480xf32, #tpu.memory_space<vmem>>, vector<16xf32>,
          tpu.vector_store %arg9[%parallel_loop3A_528, %parallel_loop3A_529], %parallel_loop3A_525 {strides = array<i32>} : memref<2x20480xf32, #tpu.memory_space<vmem>>, vector<16xf32>,
          %parallel_loop3A_531 = arith.constant 0 : i32
          %parallel_loop3A_532 = arith.constant 0 : i32
          %parallel_loop3A_533 = tpu.memref_slice %arg8[%rem3A_66, %parallel_loop3A_531, %parallel_loop3A_532] : memref<3x640x32xf32, #tpu.memory_space<vmem>> -> memref<1x640x32xf32, #tpu.memory_space<vmem>>
          %parallel_loop3A_534 = tpu.memref_squeeze %parallel_loop3A_533 : memref<1x640x32xf32, #tpu.memory_space<vmem>> -> memref<640x32xf32, #tpu.memory_space<vmem>>
          %parallel_loop3A_535 = arith.constant 512 : i32
          %parallel_loop3A_536 = arith.constant 0 : i32
          %parallel_loop3A_537 = tpu.memref_slice %parallel_loop3A_534[%parallel_loop3A_535, %parallel_loop3A_536] : memref<640x32xf32, #tpu.memory_space<vmem>> -> memref<128x32xf32, #tpu.memory_space<vmem>>
          %parallel_loop3A_538 = tpu.vector_load_idx %parallel_loop3A_537[%add3A_21, %parallel_loop3A_448] : memref<128x32xf32, #tpu.memory_space<vmem>>[vector<16xi32>, vector<16xi32>], vector<16xf32>,
          %parallel_loop3A_539 = arith.constant 96 : i32
          %parallel_loop3A_540 = arith.addi %parallel_loop3A_452, %parallel_loop3A_539 : i32
          %parallel_loop3A_541 = arith.index_cast %rem3A_68 : i32 to index
          %parallel_loop3A_542 = arith.index_cast %parallel_loop3A_540 : i32 to index
          %parallel_loop3A_543 = tpu.vector_load %arg9[%parallel_loop3A_541, %parallel_loop3A_542] {strides = array<i32>} : memref<2x20480xf32, #tpu.memory_space<vmem>>, vector<16xf32>,
          tpu.vector_store %arg9[%parallel_loop3A_541, %parallel_loop3A_542], %parallel_loop3A_538 {strides = array<i32>} : memref<2x20480xf32, #tpu.memory_space<vmem>>, vector<16xf32>,
          %parallel_loop3A_544 = arith.constant 0 : i32
          %parallel_loop3A_545 = arith.constant 0 : i32
          %parallel_loop3A_546 = tpu.memref_slice %arg8[%rem3A_66, %parallel_loop3A_544, %parallel_loop3A_545] : memref<3x640x32xf32, #tpu.memory_space<vmem>> -> memref<1x640x32xf32, #tpu.memory_space<vmem>>
          %parallel_loop3A_547 = tpu.memref_squeeze %parallel_loop3A_546 : memref<1x640x32xf32, #tpu.memory_space<vmem>> -> memref<640x32xf32, #tpu.memory_space<vmem>>
          %parallel_loop3A_548 = arith.constant 512 : i32
          %parallel_loop3A_549 = arith.constant 0 : i32
          %parallel_loop3A_550 = tpu.memref_slice %parallel_loop3A_547[%parallel_loop3A_548, %parallel_loop3A_549] : memref<640x32xf32, #tpu.memory_space<vmem>> -> memref<128x32xf32, #tpu.memory_space<vmem>>
          %parallel_loop3A_551 = tpu.vector_load_idx %parallel_loop3A_550[%add3A_24, %parallel_loop3A_448] : memref<128x32xf32, #tpu.memory_space<vmem>>[vector<16xi32>, vector<16xi32>], vector<16xf32>,
          %parallel_loop3A_552 = arith.constant 112 : i32
          %parallel_loop3A_553 = arith.addi %parallel_loop3A_452, %parallel_loop3A_552 : i32
          %parallel_loop3A_554 = arith.index_cast %rem3A_68 : i32 to index
          %parallel_loop3A_555 = arith.index_cast %parallel_loop3A_553 : i32 to index
          %parallel_loop3A_556 = tpu.vector_load %arg9[%parallel_loop3A_554, %parallel_loop3A_555] {strides = array<i32>} : memref<2x20480xf32, #tpu.memory_space<vmem>>, vector<16xf32>,
          tpu.vector_store %arg9[%parallel_loop3A_554, %parallel_loop3A_555], %parallel_loop3A_551 {strides = array<i32>} : memref<2x20480xf32, #tpu.memory_space<vmem>>, vector<16xf32>,
        } {sc.loop_unroll_factor = 8 : i64, sc.parallel_access}
        %mul3A_394 = arith.constant 131072 : i32
        %mul3A_395 = arith.muli %div3A_388, %mul3A_394 : i32
        %mul3A_396 = arith.constant 1024 : i32
        %mul3A_397 = arith.muli %rem3A_390, %mul3A_396 : i32
        %add3A_398 = arith.addi %mul3A_395, %mul3A_397 : i32
        %add3A_399 = arith.constant 0 : i32
        %add3A_400 = arith.addi %add3A_398, %add3A_399 : i32
        %dma_start3A_401 = arith.constant 16384 : i32
        %dma_start3A_402 = tpu.memref_slice %arg9[%rem3A_68, %dma_start3A_401] : memref<2x20480xf32, #tpu.memory_space<vmem>> -> memref<1x1024xf32, #tpu.memory_space<vmem>>
        %dma_start3A_403 = tpu.memref_squeeze %dma_start3A_402 : memref<1x1024xf32, #tpu.memory_space<vmem>> -> memref<1024xf32, #tpu.memory_space<vmem>>
        %dma_start3A_404 = tpu.memref_slice %arg5[%add3A_400] : memref<6553600xf32, #tpu.memory_space<hbm>> -> memref<1024xf32, #tpu.memory_space<hbm>>
        %dma_start3A_405 = tpu.memref_slice %arg11[%rem3A_68] : memref<2x!tpu.dma_semaphore, #tpu.memory_space<semaphore_mem>> -> memref<1x!tpu.dma_semaphore, #tpu.memory_space<semaphore_mem>>
        %dma_start3A_406 = tpu.memref_squeeze %dma_start3A_405 : memref<1x!tpu.dma_semaphore, #tpu.memory_space<semaphore_mem>> -> memref<!tpu.dma_semaphore, #tpu.memory_space<semaphore_mem>>
        %dma_start3A_407 = tpu.memref_slice %arg5[%add3A_400] : memref<6553600xf32, #tpu.memory_space<hbm>> -> memref<1024xf32, #tpu.memory_space<hbm>>
        %dma_start3A_408 = arith.constant 16384 : i32
        %dma_start3A_409 = tpu.memref_slice %arg9[%rem3A_68, %dma_start3A_408] : memref<2x20480xf32, #tpu.memory_space<vmem>> -> memref<1x1024xf32, #tpu.memory_space<vmem>>
        %dma_start3A_410 = tpu.memref_squeeze %dma_start3A_409 : memref<1x1024xf32, #tpu.memory_space<vmem>> -> memref<1024xf32, #tpu.memory_space<vmem>>
        tpu.enqueue_dma source(%dma_start3A_410 : memref<1024xf32, #tpu.memory_space<vmem>>) target(%dma_start3A_407 : memref<1024xf32, #tpu.memory_space<hbm>>) target_semaphore(%dma_start3A_406 : memref<!tpu.dma_semaphore, #tpu.memory_space<semaphore_mem>>)
        %add3A_411 = arith.constant 32768 : i32
        %add3A_412 = arith.addi %add3A_398, %add3A_411 : i32
        %dma_start3A_413 = arith.constant 17408 : i32
        %dma_start3A_414 = tpu.memref_slice %arg9[%rem3A_68, %dma_start3A_413] : memref<2x20480xf32, #tpu.memory_space<vmem>> -> memref<1x1024xf32, #tpu.memory_space<vmem>>
        %dma_start3A_415 = tpu.memref_squeeze %dma_start3A_414 : memref<1x1024xf32, #tpu.memory_space<vmem>> -> memref<1024xf32, #tpu.memory_space<vmem>>
        %dma_start3A_416 = tpu.memref_slice %arg5[%add3A_412] : memref<6553600xf32, #tpu.memory_space<hbm>> -> memref<1024xf32, #tpu.memory_space<hbm>>
        %dma_start3A_417 = tpu.memref_slice %arg11[%rem3A_68] : memref<2x!tpu.dma_semaphore, #tpu.memory_space<semaphore_mem>> -> memref<1x!tpu.dma_semaphore, #tpu.memory_space<semaphore_mem>>
        %dma_start3A_418 = tpu.memref_squeeze %dma_start3A_417 : memref<1x!tpu.dma_semaphore, #tpu.memory_space<semaphore_mem>> -> memref<!tpu.dma_semaphore, #tpu.memory_space<semaphore_mem>>
        %dma_start3A_419 = tpu.memref_slice %arg5[%add3A_412] : memref<6553600xf32, #tpu.memory_space<hbm>> -> memref<1024xf32, #tpu.memory_space<hbm>>
        %dma_start3A_420 = arith.constant 17408 : i32
        %dma_start3A_421 = tpu.memref_slice %arg9[%rem3A_68, %dma_start3A_420] : memref<2x20480xf32, #tpu.memory_space<vmem>> -> memref<1x1024xf32, #tpu.memory_space<vmem>>
        %dma_start3A_422 = tpu.memref_squeeze %dma_start3A_421 : memref<1x1024xf32, #tpu.memory_space<vmem>> -> memref<1024xf32, #tpu.memory_space<vmem>>
        tpu.enqueue_dma source(%dma_start3A_422 : memref<1024xf32, #tpu.memory_space<vmem>>) target(%dma_start3A_419 : memref<1024xf32, #tpu.memory_space<hbm>>) target_semaphore(%dma_start3A_418 : memref<!tpu.dma_semaphore, #tpu.memory_space<semaphore_mem>>)
        %add3A_423 = arith.constant 65536 : i32
        %add3A_424 = arith.addi %add3A_398, %add3A_423 : i32
        %dma_start3A_425 = arith.constant 18432 : i32
        %dma_start3A_426 = tpu.memref_slice %arg9[%rem3A_68, %dma_start3A_425] : memref<2x20480xf32, #tpu.memory_space<vmem>> -> memref<1x1024xf32, #tpu.memory_space<vmem>>
        %dma_start3A_427 = tpu.memref_squeeze %dma_start3A_426 : memref<1x1024xf32, #tpu.memory_space<vmem>> -> memref<1024xf32, #tpu.memory_space<vmem>>
        %dma_start3A_428 = tpu.memref_slice %arg5[%add3A_424] : memref<6553600xf32, #tpu.memory_space<hbm>> -> memref<1024xf32, #tpu.memory_space<hbm>>
        %dma_start3A_429 = tpu.memref_slice %arg11[%rem3A_68] : memref<2x!tpu.dma_semaphore, #tpu.memory_space<semaphore_mem>> -> memref<1x!tpu.dma_semaphore, #tpu.memory_space<semaphore_mem>>
        %dma_start3A_430 = tpu.memref_squeeze %dma_start3A_429 : memref<1x!tpu.dma_semaphore, #tpu.memory_space<semaphore_mem>> -> memref<!tpu.dma_semaphore, #tpu.memory_space<semaphore_mem>>
        %dma_start3A_431 = tpu.memref_slice %arg5[%add3A_424] : memref<6553600xf32, #tpu.memory_space<hbm>> -> memref<1024xf32, #tpu.memory_space<hbm>>
        %dma_start3A_432 = arith.constant 18432 : i32
        %dma_start3A_433 = tpu.memref_slice %arg9[%rem3A_68, %dma_start3A_432] : memref<2x20480xf32, #tpu.memory_space<vmem>> -> memref<1x1024xf32, #tpu.memory_space<vmem>>
        %dma_start3A_434 = tpu.memref_squeeze %dma_start3A_433 : memref<1x1024xf32, #tpu.memory_space<vmem>> -> memref<1024xf32, #tpu.memory_space<vmem>>
        tpu.enqueue_dma source(%dma_start3A_434 : memref<1024xf32, #tpu.memory_space<vmem>>) target(%dma_start3A_431 : memref<1024xf32, #tpu.memory_space<hbm>>) target_semaphore(%dma_start3A_430 : memref<!tpu.dma_semaphore, #tpu.memory_space<semaphore_mem>>)
        %add3A_435 = arith.constant 98304 : i32
        %add3A_436 = arith.addi %add3A_398, %add3A_435 : i32
        %dma_start3A_437 = arith.constant 19456 : i32
        %dma_start3A_438 = tpu.memref_slice %arg9[%rem3A_68, %dma_start3A_437] : memref<2x20480xf32, #tpu.memory_space<vmem>> -> memref<1x1024xf32, #tpu.memory_space<vmem>>
        %dma_start3A_439 = tpu.memref_squeeze %dma_start3A_438 : memref<1x1024xf32, #tpu.memory_space<vmem>> -> memref<1024xf32, #tpu.memory_space<vmem>>
        %dma_start3A_440 = tpu.memref_slice %arg5[%add3A_436] : memref<6553600xf32, #tpu.memory_space<hbm>> -> memref<1024xf32, #tpu.memory_space<hbm>>
        %dma_start3A_441 = tpu.memref_slice %arg11[%rem3A_68] : memref<2x!tpu.dma_semaphore, #tpu.memory_space<semaphore_mem>> -> memref<1x!tpu.dma_semaphore, #tpu.memory_space<semaphore_mem>>
        %dma_start3A_442 = tpu.memref_squeeze %dma_start3A_441 : memref<1x!tpu.dma_semaphore, #tpu.memory_space<semaphore_mem>> -> memref<!tpu.dma_semaphore, #tpu.memory_space<semaphore_mem>>
        %dma_start3A_443 = tpu.memref_slice %arg5[%add3A_436] : memref<6553600xf32, #tpu.memory_space<hbm>> -> memref<1024xf32, #tpu.memory_space<hbm>>
        %dma_start3A_444 = arith.constant 19456 : i32
        %dma_start3A_445 = tpu.memref_slice %arg9[%rem3A_68, %dma_start3A_444] : memref<2x20480xf32, #tpu.memory_space<vmem>> -> memref<1x1024xf32, #tpu.memory_space<vmem>>
        %dma_start3A_446 = tpu.memref_squeeze %dma_start3A_445 : memref<1x1024xf32, #tpu.memory_space<vmem>> -> memref<1024xf32, #tpu.memory_space<vmem>>
        tpu.enqueue_dma source(%dma_start3A_446 : memref<1024xf32, #tpu.memory_space<vmem>>) target(%dma_start3A_443 : memref<1024xf32, #tpu.memory_space<hbm>>) target_semaphore(%dma_start3A_442 : memref<!tpu.dma_semaphore, #tpu.memory_space<semaphore_mem>>)
      } else {
      }
    }
    %scan3A_29 = arith.constant 12 : i32
    %dma_wait3A = arith.constant 0 : i32
    %dma_wait3A_30 = arith.constant 0 : i32
    %dma_wait3A_31 = arith.constant 0 : i32
    %dma_wait3A_32 = tpu.memref_slice %arg9[%dma_wait3A, %dma_wait3A_31] : memref<2x20480xf32, #tpu.memory_space<vmem>> -> memref<1x20480xf32, #tpu.memory_space<vmem>>
    %dma_wait3A_33 = tpu.memref_squeeze %dma_wait3A_32 : memref<1x20480xf32, #tpu.memory_space<vmem>> -> memref<20480xf32, #tpu.memory_space<vmem>>
    %dma_wait3A_34 = arith.constant 0 : i32
    %dma_wait3A_35 = tpu.memref_slice %arg5[%dma_wait3A_34] : memref<6553600xf32, #tpu.memory_space<hbm>> -> memref<20480xf32, #tpu.memory_space<hbm>>
    %dma_wait3A_36 = tpu.memref_slice %arg11[%dma_wait3A_30] : memref<2x!tpu.dma_semaphore, #tpu.memory_space<semaphore_mem>> -> memref<1x!tpu.dma_semaphore, #tpu.memory_space<semaphore_mem>>
    %dma_wait3A_37 = tpu.memref_squeeze %dma_wait3A_36 : memref<1x!tpu.dma_semaphore, #tpu.memory_space<semaphore_mem>> -> memref<!tpu.dma_semaphore, #tpu.memory_space<semaphore_mem>>
    %dma_wait3A_38 = arith.constant 0 : i32
    %dma_wait3A_39 = tpu.memref_slice %arg5[%dma_wait3A_38] : memref<6553600xf32, #tpu.memory_space<hbm>> -> memref<20480xf32, #tpu.memory_space<hbm>>
    %dma_wait3A_40 = arith.constant 0 : i32
    %dma_wait3A_41 = tpu.memref_slice %arg9[%dma_wait3A, %dma_wait3A_40] : memref<2x20480xf32, #tpu.memory_space<vmem>> -> memref<1x20480xf32, #tpu.memory_space<vmem>>
    %dma_wait3A_42 = tpu.memref_squeeze %dma_wait3A_41 : memref<1x20480xf32, #tpu.memory_space<vmem>> -> memref<20480xf32, #tpu.memory_space<vmem>>
    tpu.wait_dma2 semaphore(%dma_wait3A_37 : memref<!tpu.dma_semaphore, #tpu.memory_space<semaphore_mem>>) src(%dma_wait3A_42 : memref<20480xf32, #tpu.memory_space<vmem>>) dst(%dma_wait3A_39 : memref<20480xf32, #tpu.memory_space<hbm>>)
    %dma_wait3A_43 = arith.constant 1 : i32
    %dma_wait3A_44 = arith.constant 1 : i32
    %dma_wait3A_45 = arith.constant 0 : i32
    %dma_wait3A_46 = tpu.memref_slice %arg9[%dma_wait3A_43, %dma_wait3A_45] : memref<2x20480xf32, #tpu.memory_space<vmem>> -> memref<1x20480xf32, #tpu.memory_space<vmem>>
    %dma_wait3A_47 = tpu.memref_squeeze %dma_wait3A_46 : memref<1x20480xf32, #tpu.memory_space<vmem>> -> memref<20480xf32, #tpu.memory_space<vmem>>
    %dma_wait3A_48 = arith.constant 0 : i32
    %dma_wait3A_49 = tpu.memref_slice %arg5[%dma_wait3A_48] : memref<6553600xf32, #tpu.memory_space<hbm>> -> memref<20480xf32, #tpu.memory_space<hbm>>
    %dma_wait3A_50 = tpu.memref_slice %arg11[%dma_wait3A_44] : memref<2x!tpu.dma_semaphore, #tpu.memory_space<semaphore_mem>> -> memref<1x!tpu.dma_semaphore, #tpu.memory_space<semaphore_mem>>
    %dma_wait3A_51 = tpu.memref_squeeze %dma_wait3A_50 : memref<1x!tpu.dma_semaphore, #tpu.memory_space<semaphore_mem>> -> memref<!tpu.dma_semaphore, #tpu.memory_space<semaphore_mem>>
    %dma_wait3A_52 = arith.constant 0 : i32
    %dma_wait3A_53 = tpu.memref_slice %arg5[%dma_wait3A_52] : memref<6553600xf32, #tpu.memory_space<hbm>> -> memref<20480xf32, #tpu.memory_space<hbm>>
    %dma_wait3A_54 = arith.constant 0 : i32
    %dma_wait3A_55 = tpu.memref_slice %arg9[%dma_wait3A_43, %dma_wait3A_54] : memref<2x20480xf32, #tpu.memory_space<vmem>> -> memref<1x20480xf32, #tpu.memory_space<vmem>>
    %dma_wait3A_56 = tpu.memref_squeeze %dma_wait3A_55 : memref<1x20480xf32, #tpu.memory_space<vmem>> -> memref<20480xf32, #tpu.memory_space<vmem>>
    tpu.wait_dma2 semaphore(%dma_wait3A_51 : memref<!tpu.dma_semaphore, #tpu.memory_space<semaphore_mem>>) src(%dma_wait3A_56 : memref<20480xf32, #tpu.memory_space<vmem>>) dst(%dma_wait3A_53 : memref<20480xf32, #tpu.memory_space<hbm>>)
    return
  }
}

</mosaic_0001>

<sc_bundles>
// kernel: kernel.3.cloned.1.call-start
scs
__scs_entry_jumppad:
0x0: {  	(pc) =	sbr.rel $0x88, $3  }
0x1: {  	(tag) =	ssettag $0x0;
	lr =	simm.s32 $0x1  }
0x2: {  	[smem:$0x3F9E] =	sst lr;
	_ =	strace $0xD0000000  }
0x3: {  	_ = 	snop  }
0x4: {  	_ = 	snop  }
0x5: {  	_ = 	snop  }
0x6: {  	_ = 	snop  }
0x7: {  	_ = 	snop  }
__scs_overlays_trampoline_lowered:
0x8: {  	[smem:$0x3FAD] =	sst s0  }
0x9: {  	[smem:$0x3FAE] =	sst s1  }
0xa: {  	[smem:$0x3FAF] =	sst s2  }
0xb: {  	[smem:$0x3FB0] =	sst s3  }
0xc: {  	[smem:$0x3FB1] =	sst s4  }
0xd: {  	[smem:$0x3FB2] =	sst s5  }
0xe: {  	[smem:$0x3FB3] =	sst s6  }
0xf: {  	[smem:$0x3FB4] =	sst s7  }
0x10: {  	[smem:$0x3FB5] =	sst s8  }
0x11: {  	[smem:$0x3FB6] =	sst s9;
	s0 =	simm.s32 @!p0 $0x0  }
0x12: {  	s1 =	sld [smem:$0x3F9C];
	s0 =	simm.s32 @p0 $0x1  }
0x13: {  	[smem:$0x3FB7] =	sst s0;
	s0 =	simm.s32 @!p1 $0x0  }
0x14: {  	s2 =	sld [smem:$0x3F9B];
	s0 =	simm.s32 @p1 $0x1  }
0x15: {  	[smem:$0x3FB8] =	sst s0;
	s0 =	simm.s32 @!p2 $0x0  }
0x16: {  	s3 =	sld [smem:$0x3FDB];
	s0 =	simm.s32 @p2 $0x1  }
0x17: {  	s4 =	simm.s32 $0x1BF5;
	[smem:$0x3FBA] =	sst s0  }
0x18: {  	s0 =	sld [smem:$0x3F9D];
	_ =	swait.ge [sflag:s4], $0x0  }
0x19: {  	s7 =	sld [smem:$0x3F9E]  }
0x1a: {  	s8 =	sadd.s32 $0xFFFFE003, lr  }
0x1b: {  	s9 =	sadd.s32 $0xFFFFFEF7, lr;
	s5 =	simm.s32 $0xFFFFFFFF;
	p2 =	slt.u32 s8, $0xFFFFF086  }
0x1c: {  	p1 =	slt.u32 s9, $0xF7A;
	s5 =	simm.s32 @!p2 $0x0  }
0x1d: {  	s5 =	simm.s32 @p1 $0x1;
	p0 =	seq.s32 s7, s2  }
0x1e: {  	s7 =	smul.u32 @!p0 $0xF7A, s2;
	p2 =	seq.s32 @!p0 s5, $0x0  }
0x1f: {  	s9 =	smul.u32 $0xF7A, s1;
	s8 =	simm.s32 @!p0 $0x1BF5;
	p2 =	por !p2, p0  }
0x20: {  	[sflag:s8] =	ssyncset.s32 @!p0 $0xFFFFF086;
	s6 =	sadd.s32 @!p0 s3, s7;
	s7 =	simm.s32 @!p0 $0x108  }
0x21: {  	s3 =	sadd.s32 s3, s9;
	s6 =	sadd.s32 @!p0 $0x88, s6;
	s7 =	simm.s32 @p2 $0x1082  }
0x22: {  	[simem:s7], [sflag:s8] =	dma.local @!p0 [hbm:s6], $0xF7A  }
0x23: {  	s9 =	sor.u32 $0xD0000000, s2;
	s6 =	simm.s32 $0x108;
	_ =	swait.ge @!p0 [sflag:s8], $0x0  }
0x24: {  	s3 =	sadd.s32 $0x88, s3;
	s6 =	simm.s32 @!p1 $0x1082;
	[sflag:s4] =	ssyncset.s32 $0xFFFFF086  }
0x25: {  	[simem:s6], [sflag:s4] =	dma.local [hbm:s3], $0xF7A  }
0x26: {  	[smem:$0x3F9E] =	sst s1;
	(tag) =	ssettag s2;
	_ =	strace s9  }
0x27: {  	s1 =	sld [smem:$0x3FAE]  }
0x28: {  	s2 =	sld [smem:$0x3FAF]  }
0x29: {  	s4 =	sld [smem:$0x3FB1]  }
0x2a: {  	p0 =	seq.s32 s5, $0x0;
	s5 =	sld [smem:$0x3FB2]  }
0x2b: {  	s6 =	sld [smem:$0x3FB3]  }
0x2c: {  	s7 =	sld [smem:$0x3FB4]  }
0x2d: {  	s3 =	simm.s32 $0x108;
	s8 =	sld [smem:$0x3FB5]  }
0x2e: {  	s3 =	simm.s32 @!p0 $0x1082;
	s9 =	sld [smem:$0x3FB6]  }
0x2f: {  	lr =	sadd.s32 s0, s3;
	s0 =	sld [smem:$0x3FAD]  }
0x30: {  	s3 =	sld [smem:$0x3FB0]  }
0x31: {  	[smem:$0x3FB9] =	sst s10  }
0x32: {  	s10 =	sld [smem:$0x3FB7];
	_ =	sdelay $0x3  }
0x33: {  	p0 =	seq.s32 s10, $0x1;
	s10 =	sld [smem:$0x3FB9];
	_ =	sdelay $0x3  }
0x34: {  	[smem:$0x3FB9] =	sst s10  }
0x35: {  	s10 =	sld [smem:$0x3FB8];
	_ =	sdelay $0x3  }
0x36: {  	p1 =	seq.s32 s10, $0x1;
	s10 =	sld [smem:$0x3FB9];
	_ =	sdelay $0x3  }
0x37: {  	[smem:$0x3FB9] =	sst s10  }
0x38: {  	s10 =	sld [smem:$0x3FBA]  }
0x39: {  	_ = 	snop;
	(pc) =	sbr.ind lr, $3  }
0x3a: {  	_ = 	snop  }
0x3b: {  	_ = 	snop  }
0x3c: {  	p2 =	seq.s32 s10, $0x1;
	s10 =	sld [smem:$0x3FB9]  }
0x3d: {  	_ =	shalt  }
0x3e: {  	_ =	shalt  }
0x3f: {  	_ =	shalt  }
0x40: {  	_ =	shalt  }
0x41: {  	_ =	shalt  }
0x42: {  	_ =	shalt  }
0x43: {  	_ =	shalt  }
0x44: {  	_ =	shalt  }
0x45: {  	_ =	shalt  }
0x46: {  	_ =	shalt  }
0x47: {  	_ =	shalt  }
0x48: {  	_ =	shalt  }
0x49: {  	_ =	shalt  }
0x4a: {  	_ =	shalt  }
0x4b: {  	_ =	shalt  }
0x4c: {  	_ =	shalt  }
0x4d: {  	_ =	shalt  }
0x4e: {  	_ =	shalt  }
0x4f: {  	_ =	shalt  }
0x50: {  	_ =	shalt  }
0x51: {  	_ =	shalt  }
0x52: {  	_ =	shalt  }
0x53: {  	_ =	shalt  }
0x54: {  	_ =	shalt  }
0x55: {  	_ =	shalt  }
0x56: {  	_ =	shalt  }
0x57: {  	_ =	shalt  }
0x58: {  	_ =	shalt  }
0x59: {  	_ =	shalt  }
0x5a: {  	_ =	shalt  }
0x5b: {  	_ =	shalt  }
0x5c: {  	_ =	shalt  }
0x5d: {  	_ =	shalt  }
0x5e: {  	_ =	shalt  }
0x5f: {  	_ =	shalt  }
0x60: {  	_ =	shalt  }
0x61: {  	_ =	shalt  }
0x62: {  	_ =	shalt  }
0x63: {  	_ =	shalt  }
0x64: {  	_ =	shalt  }
0x65: {  	_ =	shalt  }
0x66: {  	_ =	shalt  }
0x67: {  	_ =	shalt  }
0x68: {  	_ =	shalt  }
0x69: {  	_ =	shalt  }
0x6a: {  	_ =	shalt  }
0x6b: {  	_ =	shalt  }
0x6c: {  	_ =	shalt  }
0x6d: {  	_ =	shalt  }
0x6e: {  	_ =	shalt  }
0x6f: {  	_ =	shalt  }
0x70: {  	_ =	shalt  }
0x71: {  	_ =	shalt  }
0x72: {  	_ =	shalt  }
0x73: {  	_ =	shalt  }
0x74: {  	_ =	shalt  }
0x75: {  	_ =	shalt  }
0x76: {  	_ =	shalt  }
0x77: {  	_ =	shalt  }
0x78: {  	_ =	shalt  }
0x79: {  	_ =	shalt  }
0x7a: {  	_ =	shalt  }
0x7b: {  	_ =	shalt  }
0x7c: {  	_ =	shalt  }
0x7d: {  	_ =	shalt  }
0x7e: {  	_ =	shalt  }
0x7f: {  	_ =	shalt  }
0x80: {  	_ =	shalt  }
0x81: {  	_ =	shalt  }
0x82: {  	_ =	shalt  }
0x83: {  	_ =	shalt  }
0x84: {  	_ =	shalt  }
0x85: {  	_ =	shalt  }
0x86: {  	_ =	shalt  }
0x87: {  	_ =	shalt  }
.Lfunc_end0:
.L_simem_size_0:
called_computation_lowered:
.L_overlay_start_0:
0x88: {  	s2 =	sld [smem:$0x3FD9]  }
0x89: {  	s3 =	sld [smem:$0x3FFE];
	_ =	sdelay $0x1  }
0x8a: {  	s1 =	srdreg.scid  }
0x8b: {  	s0 =	sand.u32 $0x1, s1  }
0x8c: {  	s17 =	sshll.u32 s0, $0xA;
	s2 =	sadd.s32 s3, s2  }
0x8d: {  	s2 =	sadd.s32 s2, s17  }
0x8e: {  	[smem:$0x3FC5] =	sst s2  }
0x8f: {  	_ = 	snop  }
0x90: {  	s2 =	sld [smem:$0x3FD0];
	(tm) =	ssettm $0x1  }
0x91: {  	s18 =	sld [smem:$0x3FFB];
	_ =	sdelay $0x3  }
0x92: {  	_ =	strace s18  }
0x93: {  	s3 =	sld [smem:$0x3FFC];
	_ =	sdelay $0x3  }
0x94: {  	_ =	strace s3  }
0x95: {  	s3 =	sld [smem:$0x3FFD];
	_ =	sdelay $0x3  }
0x96: {  	_ =	strace s3  }
0x97: {  	_ =	strace $0x8FFFFFFF  }
0x98: {  	s19 =	sld [smem:$0x3FDB];
	_ =	sdelay $0x1  }
0x99: {  	s4 =	simm.s32 $_scs_section_size  }
0x9a: {  	s5 =	simm.s32 $_size__tile_overlayer_lowered;
	s6 =	simm.s32 $_tile_overlayer_lowered  }
0x9b: {  	s22 =	simm.s32 $0x1BFF;
	s21 =	sshll.u32 s6, $0x1;
	s3 =	sadd.s32 s4, s19  }
0x9c: {  	s7 =	simm.s32 $0x0;
	s20 =	sshll.u32 s5, $0x1;
	s5 =	sadd.s32 s21, s3  }
0x9d: {  	[timem:s7], [sflag:s22] =	dma.local [hbm:s5], s20  }
0x9e: {  	_ =	swait.ge [sflag:s22], s20  }
0x9f: {  	s4 =	ssub.s32 $0x0, s20;
	[sflag:s22] =	ssyncset.done $0x0  }
0xa0: {  	[sflag:s22] =	ssyncadd.s32 s4;
	_ =	sdelay $0x1  }
0xa1: {  	s23 =	simm.s32 $0x1B8B  }
0xa2: {  	_ =	swait.ge [sflag:s23], $0x1  }
0xa3: {  	[sflag:s23] =	ssyncset.done $0x0  }
0xa4: {  	s25 =	simm.s32 $0x1B8E;
	s24 =	sld [smem:$0x3FFE];
	[sflag:s23] =	ssyncadd.s32 $0xFFFFFFFF  }
0xa5: {  	s26 =	simm.s32 $execute0_lowered;
	[smem:$0x3FD2] =	sst s25  }
0xa6: {  	s5 =	sshll.u32 s26, $0x1;
	_ =	strace $0x80000046;
	[dreg:$0x1] =	wrdreg $0xFFFFFFFF  }
0xa7: {  	s28 =	simm.s32 $_size_execute0_lowered;
	s3 =	sadd.s32 s3, s5;
	[dreg:$0x0] =	wrdreg $0x0  }
0xa8: {  	s5 =	sshll.u32 s28, $0x1;
	[dreg:$0x2] =	wrdreg s3  }
0xa9: {  	[dreg:$0x3] =	wrdreg s5  }
0xaa: {  	[dreg:$0x4] =	wrdreg $0xC0  }
0xab: {  	_ =	task [dreg:s7], $0x5FFFF  }
0xac: {  	[dreg:$0x1] =	wrdreg $0xFFFFFFFF  }
0xad: {  	[dreg:$0x0] =	wrdreg $0x60  }
0xae: {  	[dreg:$0x2] =	wrdreg s24  }
0xaf: {  	[dreg:$0x3] =	wrdreg s2  }
0xb0: {  	[dreg:$0x4] =	wrdreg $0x9  }
0xb1: {  	_ =	task.clear_ibuf [dreg:s7], $0x5FFFF;
	_ =	strace $0x90000046  }
0xb2: {  	s29 =	simm.s32 $0x9;
	_ =	strace $0x80000048  }
0xb3: {  	_ =	swait.ge [sflag:s29], $0x1  }
0xb4: {  	[sflag:s29] =	ssyncadd.s32 $0xFFFFFFFF  }
0xb5: {  	_ =	strace $0x90000048  }
0xb6: {  	_ =	sfence  }
0xb7: {  	s30 =	sld [smem:$0x0];
	_ =	sdelay $0x2  }
0xb8: {  	s31 =	sshll.u32 s1, $0xD;
	s1 =	sshrl.u32 s1, $0x2  }
0xb9: {  	s3 =	sand.u32 $0x4000, s31;
	s1 =	sadd.s32 s1, s30  }
0xba: {  	s0 =	sor.u32 s3, s0;
	s1 =	sshll.u32 s1, $0x11  }
0xbb: {  	s0 =	sor.u32 s1, s0  }
0xbc: {  	s0 =	sadd.s32 $0x8F2B, s0  }
0xbd: {  	[sflag:s0] =	ssyncadd.remote.s32 $0x1  }
0xbe: {  	_ =	sfence.sel $0xFFFF  }
0xbf: {  	[dreg:$0x0] =	wrdreg $0xFFFFFFFF;
	(pc) =	sbr.abs _section_cstart, $3  }
0xc0: {  	[dreg:$0x1] =	wrdreg $0xFFFFFFFF  }
0xc1: {  	_ =	task.clear_ibuf [dreg:s7], $0x2FFFF;
	_ =	strace $0x9FFFFFFF  }
0xc2: {  	(tm) =	ssettm $0x7FFFFFFF  }
0xc3: {  	_ =	shalt  }
tec
execute0_lowered:
.L_overlay_start_1:
0x0: {  	(tag) =	ssettag $0x1  }
0x1: {  	v0 =	vlaneseq.u32  }
0x2: {  	v5 =	vmul.u32 $0x20, v0  }
0x3: {  	vm0 =	vcmask $0x300;
	v0 =	vimm.s32 $0x0  }
0x4: {  	v1 =	vsel vm0, $0x3, v0;
	v0 =	vor.u32 $0xC00, v5  }
0x5: {  	v2 =	vor.u32 $0x204, v5;
	[tilespmem:$0x1FCF0] =	vst v0  }
0x6: {  	v0 =	vor.u32 $0xE02, v5;
	[tilespmem:$0x1FD10] =	vst v2  }
0x7: {  	v2 =	vor.u32 $0x404, v5;
	[tilespmem:$0x1FD00] =	vst v0  }
0x8: {  	[tilespmem:$0x1FD20] =	vst v2;
	v2 =	vor.u32 $0x604, v5  }
0x9: {  	[tilespmem:$0x1FD30] =	vst v2;
	v2 =	vor.u32 $0x804, v5  }
0xa: {  	[tilespmem:$0x1FD40] =	vst v2;
	v2 =	vor.u32 $0xA04, v5  }
0xb: {  	[tilespmem:$0x1FD50] =	vst v2;
	v2 =	vor.u32 $0x405, v5  }
0xc: {  	s5 =	rddreg [dreg:$0x0];
	s3 =	simm.s32 $0x0;
	[tilespmem:$0x1FD60] =	vst v2;
	v2 =	vor.u32 $0x805, v5  }
0xd: {  	[smem:$0x7FF] =	sst s3;
	v33 =	vor.u32 $0x200, v5;
	[tilespmem:$0x1FD70] =	vst v2  }
0xe: {  	s2 =	rddreg [dreg:$0x1];
	v35 =	vor.u32 $0x400, v5;
	_ =	strace $0x80000047;
	[tilespmem:$0x1FD80] =	vst v33  }
0xf: {  	v37 =	vor.u32 $0x600, v5;
	[tilespmem:$0x1FD90] =	vst v35  }
0x10: {  	v39 =	vor.u32 $0x800, v5;
	[tilespmem:$0x1FDA0] =	vst v37  }
0x11: {  	v41 =	vor.u32 $0xA00, v5;
	[tilespmem:$0x1FDB0] =	vst v39  }
0x12: {  	v44 =	vor.u32 $0xE00, v5;
	[tilespmem:$0x1FDC0] =	vst v41  }
0x13: {  	v63 =	vor.u32 $0x202, v5;
	[tilespmem:$0x1FDD0] =	vst v44  }
0x14: {  	v30 =	vor.u32 $0x402, v5;
	[tilespmem:$0x1FDE0] =	vst v63  }
0x15: {  	v2 =	vor.u32 $0x206, v5;
	[tilespmem:$0x1FDF0] =	vst v30  }
0x16: {  	v3 =	vor.u32 $0x406, v5;
	[tilespmem:$0x1FE00] =	vst v2  }
0x17: {  	v10 =	vor.u32 $0x607, v5;
	[tilespmem:$0x1FE10] =	vst v3  }
0x18: {  	v51 =	vor.u32 $0x606, v5;
	[tilespmem:$0x1FE20] =	vst v10  }
0x19: {  	v53 =	vor.u32 $0x806, v5;
	[tilespmem:$0x1FE30] =	vst v51  }
0x1a: {  	v25 =	vor.u32 $0xA06, v5;
	[tilespmem:$0x1FE40] =	vst v53  }
0x1b: {  	v8 =	vor.u32 $0x407, v5;
	[tilespmem:$0x1FE50] =	vst v25  }
0x1c: {  	[tilespmem:$0x1FE60] =	vst v8  }
0x1d: {  	v60 =	vor.u32 $0x807, v5;
	[tilespmem:$0x1FE70] =	vst v5  }
0x1e: {  	v12 =	vor.u32 $0xE06, v5;
	[tilespmem:$0x1FE80] =	vst v60  }
0x1f: {  	v9 =	vor.u32 $0xE05, v5;
	[tilespmem:$0x1FE90] =	vst v12  }
0x20: {  	v13 =	vor.u32 $0xA07, v5;
	[tilespmem:$0x1FEA0] =	vst v9  }
0x21: {  	v15 =	vor.u32 $0xC07, v5;
	[tilespmem:$0x1FEB0] =	vst v13  }
0x22: {  	v14 =	vor.u32 $0x7, v5;
	[tilespmem:$0x1FEC0] =	vst v15  }
0x23: {  	v17 =	vor.u32 $0x207, v5;
	[tilespmem:$0x1FED0] =	vst v14  }
0x24: {  	v16 =	vor.u32 $0x6, v5;
	[tilespmem:$0x1FEE0] =	vst v17  }
0x25: {  	v21 =	vor.u32 $0xC05, v5;
	[tilespmem:$0x1FEF0] =	vst v16  }
0x26: {  	v19 =	vor.u32 $0xC06, v5;
	[tilespmem:$0x1FF00] =	vst v21  }
0x27: {  	v18 =	vor.u32 $0xC04, v5;
	[tilespmem:$0x1FF10] =	vst v19  }
0x28: {  	v42 =	vor.u32 $0xE04, v5;
	[tilespmem:$0x1FF20] =	vst v18  }
0x29: {  	v20 =	vor.u32 $0x5, v5;
	[tilespmem:$0x1FF30] =	vst v42  }
0x2a: {  	v57 =	vor.u32 $0x205, v5;
	[tilespmem:$0x1FF40] =	vst v20  }
0x2b: {  	v49 =	vor.u32 $0x605, v5;
	[tilespmem:$0x1FF50] =	vst v57  }
0x2c: {  	v23 =	vor.u32 $0xA05, v5;
	[tilespmem:$0x1FF60] =	vst v49  }
0x2d: {  	s1 =	srdreg.scid;
	s0 =	stileid.u32;
	v28 =	vor.u32 $0xA02, v5;
	[tilespmem:$0x1FF70] =	vst v23  }
0x2e: {  	s4 =	sand.u32 $0x1, s1;
	s6 =	sshll.u32 s0, $0x1;
	v27 =	vor.u32 $0x802, v5;
	[tilespmem:$0x1FF80] =	vst v28  }
0x2f: {  	s12 =	simm.s32 $0x6;
	s13 =	simm.s32 $0x1900;
	s6 =	sor.u32 s4, s6;
	v46 =	vor.u32 $0x1, v5;
	v31 =	vor.u32 $0x602, v5;
	[tilespmem:$0x1FF90] =	vst v27  }
0x30: {  	s14 =	simm.s32 $0x4;
	s15 =	simm.s32 $0x5;
	v48 =	vor.u32 $0x201, v5;
	v50 =	vor.u32 $0x401, v5;
	v29 =	vor.u32 $0x3, v5;
	s7 =	smul.u32 $0x320, s6;
	[tilespmem:$0x1FFA0] =	vst v31  }
.Ltmp0:
0x31: {  	s16 =	simm.s32 $0x0;
	s8 =	ssub.s32 $0x2, s4;
	v52 =	vor.u32 $0x601, v5;
	v54 =	vor.u32 $0x801, v5;
	v58 =	vor.u32 $0xC01, v5;
	[tilespmem:$0x1FFB0] =	vst v29;
	(pc) =	sbr.rel .LBB2_1-.Ltmp0, $4  }
0x32: {  	s4 =	sadd.s32 $0xF42C00, s5;
	v56 =	vor.u32 $0xA01, v5;
	v26 =	vor.u32 $0xE01, v5;
	v61 =	vor.u32 $0x2, v5;
	s9 =	sshrl.u32 s8, $0x1;
	s10 =	smul.u32 $0x32, s6;
	[tilespmem:$0x1FFC0] =	vst v58  }
0x33: {  	v32 =	vor.u32 $0xC02, v5;
	v34 =	vor.u32 $0x203, v5;
	v36 =	vor.u32 $0x403, v5;
	s11 =	ssub.s32 s8, s9;
	s8 =	sadd.s32 $0x1000, s2;
	s9 =	sadd.s32 $0x2000, s2;
	[tilespmem:$0x1FFD0] =	vst v46  }
0x34: {  	v38 =	vor.u32 $0x603, v5;
	v40 =	vor.u32 $0x803, v5;
	v59 =	vor.u32 $0x4, v5;
	s31 =	sadd.s32 s7, s5;
	s7 =	sadd.s32 $0xFFFFFFF6, s10;
	s10 =	sadd.s32 $0x3000, s2;
	[tilespmem:$0x1FFE0] =	vst v54  }
0x35: {  	v43 =	vor.u32 $0xA03, v5;
	v62 =	vor.u32 $0xC03, v5;
	v0 =	vor.u32 $0xE03, v5;
	s11 =	smax.u32 s11, $0x1;
	s5 =	sadd.s32 $0x6C00, s31;
	s6 =	sadd.s32 $0x800, s31;
	[tilespmem:$0x1FFF0] =	vst v59  }
.LBB2_15:
0x36: {  	s16 =	sadd.s32 $0x1, s16  }
0x37: {  	_ =	swait.ge [sflag:s14], $0x5000;
	p0 =	sne.s32 s16, s11  }
.Ltmp1:
0x38: {  	[sflag:s14] =	ssyncset.done $0x0;
	(pc) =	sbr.rel @!p0 .LBB2_16-.Ltmp1, $4  }
0x39: {  	[sflag:s14] =	ssyncadd.s32 $0xFFFFB000  }
0x3a: {  	_ =	swait.ge [sflag:s15], $0x5000  }
0x3b: {  	[sflag:s15] =	ssyncset.done $0x0  }
0x3c: {  	[sflag:s15] =	ssyncadd.s32 $0xFFFFB000  }
.LBB2_1:
0x3d: {  	[tilespmem:s3], [sflag:$0x6] =	stream.linear.gather [hbm4b:s5+s3], $0x1900, $0x38;
	[tilespmem:$0x1C200] =	vst v63  }
0x3e: {  	_ =	swait.ge [sflag:s12], $0x1900  }
0x3f: {  	[sflag:s12] =	ssyncset.done $0x0  }
.Ltmp2:
0x40: {  	[sflag:s12] =	ssyncadd.s32 $0xFFFFE700;
	(pc) =	sbr.rel .LBB2_2-.Ltmp2, $4  }
0x41: {  	[tilespmem:s13], [sflag:$0x6] =	stream.linear.gather [hbm4b:s6+s3], $0x1900, $0x38;
	[tilespmem:$0x1C200] =	vst v63  }
0x42: {  	_ =	swait.ge [sflag:s12], $0x1900  }
0x43: {  	[sflag:s12] =	ssyncset.done $0x0  }
0x44: {  	p0 =	por $0x0, $0x0;
	s21 =	simm.s32 $0x0;
	[sflag:s12] =	ssyncadd.s32 $0xFFFFE700  }
.LBB2_14:
0x45: {  	p1 =	sne.s32 s17, $0xC  }
.Ltmp3:
0x46: {  	_ = 	snop;
	(pc) =	sbr.rel @!p1 .LBB2_15-.Ltmp3, $2  }
0x47: {  	_ =	sdelay $0x2  }
0x48: {  	p0 =	por !p0, !p0;
	s21 =	smov.u32 s17  }
.LBB2_2:
0x49: {  	p1 =	seq.s32 s21, $0x0  }
0x4a: {  	p2 =	seq.s32 @!p1 s21, $0xB  }
0x4b: {  	p1 =	por p2, p1  }
0x4c: {  	s17 =	sadd.s32 @!p1 $0x2, s21  }
0x4d: {  	s18 =	sand.u32 @!p1 $0xFF, s17  }
0x4e: {  	s18 =	smul.u32 @!p1 $0xAB, s18;
	_ =	sdelay $0x1  }
0x4f: {  	s18 =	sshrl.u32 @!p1 s18, $0x9  }
0x50: {  	s18 =	smul.u32 @!p1 $0x3, s18;
	_ =	sdelay $0x1  }
0x51: {  	s20 =	smul.u32 @!p1 $0xA00, s21;
	s17 =	ssub.s32 @!p1 s17, s18  }
0x52: {  	p2 =	sgt.u32 s21, $0x9;
	s18 =	smul.u32 $0xAB, s21;
	s17 =	sand.u32 @!p1 $0xFF, s17  }
0x53: {  	s20 =	sshra.s32 @!p1 s20, $0x2;
	s19 =	smul.u32 @!p1 $0x14000, s17;
	s17 =	sadd.s32 @!p1 $0x1, s17  }
0x54: {  	s25 =	simm.s32 @!p1 $0x80;
	s24 =	sadd.s32 @!p1 $0x1680, s20;
	_ =	swait.ge @!p1 [sflag:s17], $0x5000  }
0x55: {  	s22 =	sshrl.u32 s18, $0x9;
	s19 =	sshrl.u32 @!p1 s19, $0x2;
	[sflag:s17] =	ssyncset.done @!p1 $0x0  }
0x56: {  	s22 =	sand.u32 $0x7F, s22;
	s23 =	sadd.s32 @!p1 $0x3200, s19;
	[sflag:s17] =	ssyncadd.s32 @!p1 $0xFFFFB000  }
0x57: {  	[tilespmem:s23], [sflag:s17] =	stream.indirect.gather.add.f32 @!p1 [hbm:s4], $0x20, s24, s25, $0xb8;
	[tilespmem:$0x1C200] =	vst v63  }
0x58: {  	s22 =	smul.u32 $0x3, s22;
	s23 =	sadd.s32 @!p1 $0x4200, s19;
	s24 =	sadd.s32 @!p1 $0x1700, s20  }
0x59: {  	[tilespmem:s23], [sflag:s17] =	stream.indirect.gather.add.f32 @!p1 [hbm:s4], $0x20, s24, s25, $0xb8;
	[tilespmem:$0x1C200] =	vst v63  }
0x5a: {  	s22 =	ssub.s32 s21, s22;
	s23 =	sadd.s32 @!p1 $0x5200, s19;
	s24 =	sadd.s32 @!p1 $0x1780, s20  }
0x5b: {  	[tilespmem:s23], [sflag:s17] =	stream.indirect.gather.add.f32 @!p1 [hbm:s4], $0x20, s24, s25, $0xb8;
	[tilespmem:$0x1C200] =	vst v63  }
0x5c: {  	s22 =	sand.u32 $0xFF, s22;
	s23 =	sadd.s32 @!p1 $0x6200, s19;
	s24 =	sadd.s32 @!p1 $0x1800, s20  }
0x5d: {  	[tilespmem:s23], [sflag:s17] =	stream.indirect.gather.add.f32 @!p1 [hbm:s4], $0x20, s24, s25, $0xb8;
	[tilespmem:$0x1C200] =	vst v63  }
0x5e: {  	s19 =	sadd.s32 @!p1 $0x7200, s19;
	s20 =	sadd.s32 @!p1 $0x1880, s20;
	s23 =	smul.u32 @!p2 $0x14000, s22  }
0x5f: {  	[tilespmem:s19], [sflag:s17] =	stream.indirect.gather.add.f32 @!p1 [hbm:s4], $0x20, s20, s25, $0xb8;
	[tilespmem:$0x1C200] =	vst v63  }
0x60: {  	s19 =	smul.u32 @!p2 $0xA00, s21  }
0x61: {  	s22 =	sadd.s32 @!p2 $0x1, s22;
	s17 =	sshrl.u32 @!p2 s23, $0x2  }
0x62: {  	s23 =	simm.s32 @!p2 $0x80;
	s20 =	sadd.s32 @!p2 $0x3200, s17;
	s19 =	sshra.s32 @!p2 s19, $0x2  }
0x63: {  	[tilespmem:s20], [sflag:s22] =	stream.indirect.gather @!p2 [hbm4b:s4+s23], $0x20, s19, s23, $0xb8;
	[tilespmem:$0x1C200] =	vst v63  }
0x64: {  	p1 =	slt.u32 @!p2 s21, $0x2;
	s20 =	sadd.s32 @!p2 $0x4200, s17;
	s24 =	sadd.s32 @!p2 $0x80, s19  }
0x65: {  	[tilespmem:s20], [sflag:s22] =	stream.indirect.gather @!p2 [hbm4b:s4+s23], $0x20, s24, s23, $0xb8;
	[tilespmem:$0x1C200] =	vst v63  }
0x66: {  	p1 =	por p2, !p1;
	s20 =	sadd.s32 @!p2 $0x5200, s17;
	s24 =	sadd.s32 @!p2 $0x100, s19  }
0x67: {  	[tilespmem:s20], [sflag:s22] =	stream.indirect.gather @!p2 [hbm4b:s4+s23], $0x20, s24, s23, $0xb8;
	[tilespmem:$0x1C200] =	vst v63  }
.Ltmp4:
0x68: {  	s20 =	sadd.s32 @!p2 $0x6200, s17;
	s24 =	sadd.s32 @!p2 $0x180, s19;
	(pc) =	sbr.rel @!p1 .LBB2_14-.Ltmp4, $4  }
0x69: {  	[tilespmem:s20], [sflag:s22] =	stream.indirect.gather @!p2 [hbm4b:s4+s23], $0x20, s24, s23, $0xb8;
	[tilespmem:$0x1C200] =	vst v63  }
0x6a: {  	s17 =	sadd.s32 @!p2 $0x7200, s17;
	s19 =	sadd.s32 @!p2 $0x200, s19  }
0x6b: {  	[tilespmem:s17], [sflag:s22] =	stream.indirect.gather @!p2 [hbm4b:s4+s23], $0x20, s19, s23, $0xb8;
	[tilespmem:$0x1C200] =	vst v63  }
0x6c: {  	s17 =	sadd.s32 $0x1, s21  }
0x6d: {  	s19 =	simm.s32 $0x0;
	s18 =	sadd.s32 $0xAB, s18  }
0x6e: {  	v24 =	vmov v57;
	s20 =	simm.s32 $0x2;
	s24 =	simm.s32 $0x3;
	s18 =	sshrl.u32 s18, $0x9  }
0x6f: {  	v57 =	vmovc v0;
	v45 =	vmovc v3;
	s26 =	simm.s32 $0x5;
	s0 =	simm.s32 $0x7;
	v0 =	vmov s19;
	v3 =	vmov s20;
	v4 =	vmov s24;
	s18 =	sand.u32 $0x7F, s18  }
0x70: {  	s1 =	simm.s32 $0x6;
	v6 =	vmov s26;
	v7 =	vmov s0;
	v0 =	vshrl.u32 v0, $0x3;
	s18 =	smul.u32 $0x3, s18  }
0x71: {  	s23 =	simm.s32 $0x1;
	v55 =	vmovc v8;
	v8 =	vmov s1;
	v3 =	vshrl.u32 v3, $0x3;
	v0 =	vshll.u32 v0, v1  }
0x72: {  	v47 =	vmovc v2;
	v7 =	vshrl.u32 v7, $0x3;
	v2 =	vbroadcast v0, $0x0;
	v0 =	vmov s23;
	s18 =	ssub.s32 s17, s18  }
0x73: {  	s25 =	simm.s32 $0x4;
	v4 =	vshrl.u32 v4, $0x3;
	v12 =	vshrl.u32 v6, $0x3;
	v0 =	vshrl.u32 v0, $0x3;
	s18 =	sand.u32 $0xFF, s18  }
0x74: {  	v49 =	vmovc v10;
	v10 =	vor.u32 v5, v2;
	v5 =	vmov s25;
	v0 =	vshll.u32 v0, v1;
	s20 =	sadd.s32 $0x1, s18  }
0x75: {  	v11 =	vshrl.u32 v5, $0x3;
	v5 =	vshll.u32 v7, v1;
	v9 =	vbroadcast v0, $0x0;
	_ =	swait.ge [sflag:s20], $0x5000  }
0x76: {  	s22 =	sand.u32 $0x1, s21;
	p1 =	slt.u32 s21, $0x4;
	v23 =	vmovc v13;
	v13 =	vshrl.u32 v8, $0x3;
	v0 =	vshll.u32 v3, v1;
	v7 =	vbroadcast v5, $0x0;
	[sflag:s20] =	ssyncset.done $0x0  }
0x77: {  	s19 =	sor.u32 @!p1 $0x4, s22;
	v8 =	vmovc v15;
	s18 =	smul.u32 $0x14000, s18;
	v42 =	vbroadcast v0, $0x0;
	v0 =	vshll.u32 v4, v1;
	v15 =	vor.u32 v46, v9;
	[sflag:s20] =	ssyncadd.s32 $0xFFFFB000  }
0x78: {  	v5 =	vbroadcast v0, $0x0;
	v0 =	vshll.u32 v11, v1;
	v14 =	vor.u32 v14, v7;
	_ =	swait.ge @!p1 [sflag:s19], $0x5000  }
0x79: {  	s20 =	sshrl.u32 s18, $0x2;
	v11 =	vor.u32 v61, v42;
	v6 =	vbroadcast v0, $0x0;
	v0 =	vshll.u32 v12, v1;
	[sflag:s19] =	ssyncset.done @!p1 $0x0  }
0x7a: {  	v22 =	vmovc v53;
	v53 =	vmovc v21;
	s26 =	sadd.s32 $0x3200, s20;
	v12 =	vor.u32 v29, v5;
	v4 =	vbroadcast v0, $0x0;
	v0 =	vshll.u32 v13, v1;
	v21 =	vld [tilespmem:$0x1FD10];
	[sflag:s19] =	ssyncadd.s32 @!p1 $0xFFFFB000  }
0x7b: {  	s18 =	simm.s32 $0x1;
	v13 =	vor.u32 v59, v6;
	v3 =	vbroadcast v0, $0x0;
	v10 =	vld.idx.msk [tilespmem:v10+s26+$0x0], $0xffff  }
0x7c: {  	s18 =	simm.s32 @!p0 $0x0;
	v0 =	vor.u32 v20, v4;
	v15 =	vld.idx.msk [tilespmem:v15+s26+$0x0], $0xffff  }
0x7d: {  	s18 =	smul.u32 $0x14000, s18;
	v16 =	vor.u32 v16, v3;
	v14 =	vld.idx.msk [tilespmem:v14+s26+$0x0], $0xffff  }
0x7e: {  	v17 =	vor.u32 v17, v7;
	v11 =	vld.idx.msk [tilespmem:v11+s26+$0x0], $0xffff  }
0x7f: {  	v18 =	vor.u32 v48, v9;
	s18 =	sshrl.u32 s18, $0x2;
	v12 =	vld.idx.msk [tilespmem:v12+s26+$0x0], $0xffff  }
0x80: {  	v19 =	vor.u32 v63, v42;
	s29 =	sadd.s32 $0x12400, s18;
	v13 =	vld.idx.msk [tilespmem:v13+s26+$0x0], $0xffff  }
0x81: {  	v20 =	vor.u32 v34, v5;
	v0 =	vld.idx.msk [tilespmem:v0+s26+$0x0], $0xffff;
	[tilespmem:s29+$0xFFFFFE80] =	vst v15  }
0x82: {  	v21 =	vor.u32 v21, v6;
	v16 =	vld.idx.msk [tilespmem:v16+s26+$0x0], $0xffff;
	[tilespmem:s29+$0x180] =	vst v14  }
0x83: {  	[tilespmem:s29+$0xFFFFFE00] =	vst v10;
	v14 =	vor.u32 v24, v4;
	v15 =	vld.idx.msk [tilespmem:v17+s26+$0x0], $0xffff  }
0x84: {  	[tilespmem:s29+$0xFFFFFF00] =	vst v11;
	v11 =	vor.u32 v47, v3;
	v17 =	vld.idx.msk [tilespmem:v18+s26+$0x0], $0xffff  }
0x85: {  	v18 =	vld.idx.msk [tilespmem:v19+s26+$0x0], $0xffff;
	[tilespmem:s29+$0xFFFFFF80] =	vst v12  }
0x86: {  	v12 =	vor.u32 v55, v7;
	v20 =	vld.idx.msk [tilespmem:v20+s26+$0x0], $0xffff;
	[tilespmem:s29+$0x0] =	vst v13  }
0x87: {  	v21 =	vld.idx.msk [tilespmem:v21+s26+$0x0], $0xffff;
	[tilespmem:s29+$0x80] =	vst v0  }
0x88: {  	v19 =	vor.u32 v33, v2;
	[tilespmem:s29+$0x100] =	vst v16;
	v14 =	vld.idx.msk [tilespmem:v14+s26+$0x0], $0xffff  }
0x89: {  	v11 =	vld.idx.msk [tilespmem:v11+s26+$0x0], $0xffff;
	[tilespmem:s29+$0x190] =	vst v15  }
0x8a: {  	v13 =	vor.u32 v50, v9;
	v47 =	vld [tilespmem:$0x1FD20]  }
0x8b: {  	v0 =	vor.u32 v30, v42;
	v12 =	vld.idx.msk [tilespmem:v12+s26+$0x0], $0xffff;
	[tilespmem:s29+$0xFFFFFE90] =	vst v17  }
0x8c: {  	v16 =	vor.u32 v36, v5;
	v17 =	vld [tilespmem:$0x1FD60];
	[tilespmem:s29+$0xFFFFFF10] =	vst v18  }
0x8d: {  	v15 =	vld.idx.msk [tilespmem:v19+s26+$0x0], $0xffff;
	v18 =	vor.u32 v49, v7;
	[tilespmem:s29+$0xFFFFFF90] =	vst v20  }
0x8e: {  	[tilespmem:s29+$0x10] =	vst v21  }
0x8f: {  	v19 =	vor.u32 v45, v3;
	v13 =	vld.idx.msk [tilespmem:v13+s26+$0x0], $0xffff;
	[tilespmem:s29+$0x90] =	vst v14  }
0x90: {  	v20 =	vor.u32 v35, v2;
	v0 =	vld.idx.msk [tilespmem:v0+s26+$0x0], $0xffff;
	[tilespmem:s29+$0x110] =	vst v11  }
0x91: {  	v21 =	vor.u32 v52, v9;
	v16 =	vld.idx.msk [tilespmem:v16+s26+$0x0], $0xffff;
	[tilespmem:s29+$0x1A0] =	vst v12  }
0x92: {  	[tilespmem:s29+$0xFFFFFE10] =	vst v15;
	v11 =	vld.idx.msk [tilespmem:v18+s26+$0x0], $0xffff  }
0x93: {  	v10 =	vor.u32 v47, v6;
	v49 =	vld [tilespmem:$0x1FD30]  }
0x94: {  	v17 =	vor.u32 v17, v4;
	v18 =	vld.idx.msk [tilespmem:v19+s26+$0x0], $0xffff  }
0x95: {  	v19 =	vld.idx.msk [tilespmem:v20+s26+$0x0], $0xffff;
	[tilespmem:s29+$0xFFFFFEA0] =	vst v13  }
0x96: {  	v20 =	vld.idx.msk [tilespmem:v21+s26+$0x0], $0xffff;
	[tilespmem:s29+$0xFFFFFF20] =	vst v0  }
0x97: {  	v14 =	vor.u32 v31, v42;
	v55 =	vld [tilespmem:$0x1FF60]  }
0x98: {  	v12 =	vor.u32 v38, v5;
	[tilespmem:s29+$0xFFFFFFA0] =	vst v16;
	v10 =	vld.idx.msk [tilespmem:v10+s26+$0x0], $0xffff  }
0x99: {  	v13 =	vor.u32 v60, v7;
	v17 =	vld.idx.msk [tilespmem:v17+s26+$0x0], $0xffff;
	[tilespmem:s29+$0x1B0] =	vst v11  }
0x9a: {  	[tilespmem:s29+$0x120] =	vst v18  }
0x9b: {  	v21 =	vor.u32 v37, v2;
	[tilespmem:s29+$0xFFFFFE20] =	vst v19  }
0x9c: {  	v14 =	vld.idx.msk [tilespmem:v14+s26+$0x0], $0xffff;
	v16 =	vor.u32 v51, v3;
	[tilespmem:s29+$0xFFFFFEB0] =	vst v20  }
0x9d: {  	v12 =	vld.idx.msk [tilespmem:v12+s26+$0x0], $0xffff;
	v15 =	vor.u32 v49, v6;
	[tilespmem:s29+$0x20] =	vst v10  }
0x9e: {  	v13 =	vld.idx.msk [tilespmem:v13+s26+$0x0], $0xffff;
	v0 =	vor.u32 v55, v4;
	[tilespmem:s29+$0xA0] =	vst v17  }
0x9f: {  	v24 =	vld [tilespmem:$0x1FD40]  }
0xa0: {  	v19 =	vld.idx.msk [tilespmem:v21+s26+$0x0], $0xffff;
	v10 =	vor.u32 v54, v9  }
0xa1: {  	v11 =	vor.u32 v27, v42;
	v16 =	vld.idx.msk [tilespmem:v16+s26+$0x0], $0xffff  }
0xa2: {  	v18 =	vor.u32 v23, v7;
	v15 =	vld.idx.msk [tilespmem:v15+s26+$0x0], $0xffff  }
0xa3: {  	v17 =	vor.u32 v40, v5;
	[tilespmem:s29+$0xFFFFFF30] =	vst v14;
	v0 =	vld.idx.msk [tilespmem:v0+s26+$0x0], $0xffff  }
0xa4: {  	v60 =	vld [tilespmem:$0x1FD70];
	[tilespmem:s29+$0xFFFFFFB0] =	vst v12;
	v20 =	vor.u32 v24, v6  }
0xa5: {  	[tilespmem:s29+$0x1C0] =	vst v13;
	v10 =	vld.idx.msk [tilespmem:v10+s26+$0x0], $0xffff  }
0xa6: {  	v11 =	vld.idx.msk [tilespmem:v11+s26+$0x0], $0xffff;
	[tilespmem:s29+$0x130] =	vst v16  }
0xa7: {  	[tilespmem:s29+$0x30] =	vst v15;
	v15 =	vld.idx.msk [tilespmem:v18+s26+$0x0], $0xffff  }
0xa8: {  	v21 =	vor.u32 v39, v2;
	[tilespmem:s29+$0xFFFFFE30] =	vst v19;
	v17 =	vld.idx.msk [tilespmem:v17+s26+$0x0], $0xffff  }
0xa9: {  	v14 =	vor.u32 v60, v4;
	[tilespmem:s29+$0xB0] =	vst v0;
	v20 =	vld.idx.msk [tilespmem:v20+s26+$0x0], $0xffff  }
0xaa: {  	[tilespmem:s29+$0xFFFFFEC0] =	vst v10  }
0xab: {  	v12 =	vor.u32 v22, v3;
	v0 =	vor.u32 v8, v7;
	v8 =	vld [tilespmem:$0x1FD50];
	[tilespmem:s29+$0xFFFFFF40] =	vst v11  }
0xac: {  	v13 =	vor.u32 v56, v9;
	v45 =	vld [tilespmem:$0x1FF70];
	[tilespmem:s29+$0x1D0] =	vst v15  }
0xad: {  	v19 =	vld.idx.msk [tilespmem:v21+s26+$0x0], $0xffff;
	v18 =	vor.u32 v28, v42;
	[tilespmem:s29+$0xFFFFFFC0] =	vst v17  }
0xae: {  	v14 =	vld.idx.msk [tilespmem:v14+s26+$0x0], $0xffff;
	[tilespmem:s29+$0x40] =	vst v20  }
0xaf: {  	v16 =	vor.u32 v43, v5;
	v55 =	vld [tilespmem:$0x1FE70]  }
0xb0: {  	v12 =	vld.idx.msk [tilespmem:v12+s26+$0x0], $0xffff;
	v10 =	vor.u32 v8, v6  }
0xb1: {  	v13 =	vld.idx.msk [tilespmem:v13+s26+$0x0], $0xffff;
	v11 =	vor.u32 v45, v4  }
0xb2: {  	v21 =	vor.u32 v25, v3;
	v18 =	vld.idx.msk [tilespmem:v18+s26+$0x0], $0xffff  }
0xb3: {  	v15 =	vor.u32 v41, v2;
	v17 =	vld.idx.msk [tilespmem:v0+s26+$0x0], $0xffff  }
0xb4: {  	v22 =	vor.u32 v58, v9;
	v25 =	vld.idx.msk [tilespmem:v16+s26+$0x0], $0xffff;
	[tilespmem:s29+$0xC0] =	vst v14;
	v0 =	vor.u32 $0xE07, v55  }
0xb5: {  	v23 =	vld.idx.msk [tilespmem:v10+s26+$0x0], $0xffff;
	[tilespmem:$0x1FCD0] =	vst v0  }
0xb6: {  	v24 =	vld.idx.msk [tilespmem:v11+s26+$0x0], $0xffff;
	[tilespmem:s29+$0x140] =	vst v12  }
0xb7: {  	[tilespmem:s29+$0xFFFFFE40] =	vst v19;
	v45 =	vld.idx.msk [tilespmem:v21+s26+$0x0], $0xffff  }
0xb8: {  	v10 =	vor.u32 v0, v7;
	v0 =	vor.u32 v53, v4;
	[tilespmem:s29+$0xFFFFFED0] =	vst v13;
	v12 =	vld.idx.msk [tilespmem:v15+s26+$0x0], $0xffff  }
0xb9: {  	v11 =	vld.idx.msk [tilespmem:v22+s26+$0x0], $0xffff;
	[tilespmem:$0x1FCE0] =	vst v0  }
0xba: {  	v47 =	vld [tilespmem:$0x1FF20];
	[tilespmem:s29+$0x1E0] =	vst v17  }
0xbb: {  	[tilespmem:s29+$0xFFFFFF50] =	vst v18  }
0xbc: {  	v0 =	vld [tilespmem:$0x1FF10]  }
0xbd: {  	v60 =	vld [tilespmem:$0x1FCF0];
	[tilespmem:s29+$0xFFFFFFD0] =	vst v25  }
0xbe: {  	[tilespmem:s29+$0x50] =	vst v23  }
0xbf: {  	v14 =	vor.u32 v32, v42;
	[tilespmem:s29+$0xD0] =	vst v24  }
0xc0: {  	v20 =	vor.u32 v62, v5;
	[tilespmem:s29+$0x150] =	vst v45  }
0xc1: {  	v17 =	vor.u32 v0, v3;
	v0 =	vld [tilespmem:$0x1FD00];
	_ =	sdelay $0x1  }
0xc2: {  	s23 =	simm.s32 $0x8  }
0xc3: {  	v7 =	vmov s23;
	s23 =	simm.s32 $0xB;
	v13 =	vld.idx.msk [tilespmem:v14+s26+$0x0], $0xffff  }
0xc4: {  	v8 =	vmov s23;
	v14 =	vld.idx.msk [tilespmem:v20+s26+$0x0], $0xffff  }
0xc5: {  	v20 =	vshrl.u32 v8, $0x3;
	v45 =	vmov v0;
	v8 =	vor.u32 v0, v42;
	v0 =	vld [tilespmem:$0x1FCE0];
	_ =	sdelay $0x1  }
0xc6: {  	v16 =	vor.u32 v47, v6;
	_ =	sdelay $0x1  }
0xc7: {  	s30 =	simm.s32 $0xE;
	s24 =	simm.s32 $0x9;
	v7 =	vshrl.u32 v7, $0x3  }
0xc8: {  	s28 =	smul.u32 $0x14000, s22;
	s25 =	simm.s32 $0xA;
	s19 =	sadd.s32 $0x165F0, s18;
	v9 =	vor.u32 v26, v9;
	v7 =	vshll.u32 v7, v1;
	v21 =	vmov s24  }
0xc9: {  	s23 =	sadd.s32 $0x155F0, s18;
	s24 =	simm.s32 $0xC;
	v7 =	vbroadcast v7, $0x0;
	v18 =	vmov s25;
	s25 =	simm.s32 $0xD;
	v21 =	vshrl.u32 v21, $0x3;
	v15 =	vld.idx.msk [tilespmem:v10+s26+$0x0], $0xffff  }
0xca: {  	v25 =	vmov s24;
	v23 =	vmov s25;
	s24 =	sadd.s32 $0x145F0, s18;
	s25 =	sadd.s32 $0x135F0, s18;
	s18 =	sshrl.u32 s28, $0x2;
	v22 =	vshrl.u32 v18, $0x3;
	v16 =	vld.idx.msk [tilespmem:v16+s26+$0x0], $0xffff  }
0xcb: {  	s31 =	simm.s32 $0xF;
	v53 =	vmovc v26;
	v10 =	vor.u32 v55, v7;
	s28 =	sadd.s32 $0x12200, s18;
	v24 =	vmov s30;
	s30 =	simm.s32 $0x10;
	v19 =	vor.u32 v60, v2;
	v18 =	vld.idx.msk [tilespmem:v0+s26+$0x0], $0xffff  }
.LBB2_4:
0xcc: {  	v0 =	vld [tilespmem:$0x1FF30];
	_ =	sdelay $0x4  }
0xcd: {  	v6 =	vor.u32 v0, v6;
	v0 =	vld [tilespmem:$0x1FEA0];
	_ =	sdelay $0x4  }
0xce: {  	v4 =	vor.u32 v0, v4;
	v0 =	vld [tilespmem:$0x1FE90];
	_ =	sdelay $0x2  }
0xcf: {  	[tilespmem:s29+$0xFFFFFE50] =	vst v12;
	v12 =	vld.idx.msk [tilespmem:v17+s26+$0x0], $0xffff  }
0xd0: {  	v5 =	vor.u32 v57, v5;
	v19 =	vld.idx.msk [tilespmem:v19+s26+$0x0], $0xffff  }
0xd1: {  	v26 =	vmov s31;
	[tilespmem:s29+$0x1F0] =	vst v15;
	v3 =	vor.u32 v0, v3;
	v0 =	vld [tilespmem:$0x1FED0]  }
0xd2: {  	v17 =	vshrl.u32 v23, $0x3;
	v23 =	vshrl.u32 v26, $0x3;
	v15 =	vld.idx.msk [tilespmem:v10+s26+$0x0], $0xffff;
	[tilespmem:s29+$0xFFFFFEE0] =	vst v11  }
0xd3: {  	v10 =	vshll.u32 v23, v1;
	v11 =	vshll.u32 v21, v1;
	v21 =	vld.idx.msk [tilespmem:v9+s26+$0x0], $0xffff;
	[tilespmem:s29+$0xFFFFFF60] =	vst v13  }
0xd4: {  	v10 =	vbroadcast v10, $0x0;
	v9 =	vbroadcast v11, $0x0;
	v11 =	vshll.u32 v22, v1;
	[tilespmem:s29+$0xFFFFFFE0] =	vst v14;
	v13 =	vld.idx.msk [tilespmem:v8+s26+$0x0], $0xffff  }
0xd5: {  	v2 =	vor.u32 v44, v2;
	v8 =	vbroadcast v11, $0x0;
	v11 =	vshll.u32 v20, v1;
	v20 =	vld.idx.msk [tilespmem:v5+s26+$0x0], $0xffff  }
0xd6: {  	v25 =	vshrl.u32 v25, $0x3;
	[tilespmem:s29+$0x60] =	vst v16;
	v14 =	vor.u32 v0, v10;
	v0 =	vld [tilespmem:$0x1FF40]  }
0xd7: {  	[tilespmem:s29+$0xE0] =	vst v18;
	v5 =	vbroadcast v11, $0x0;
	v11 =	vshll.u32 v25, v1;
	v22 =	vld.idx.msk [tilespmem:v6+s26+$0x0], $0xffff  }
0xd8: {  	v24 =	vshrl.u32 v24, $0x3;
	[tilespmem:s29+$0x160] =	vst v12;
	v6 =	vbroadcast v11, $0x0;
	v11 =	vshll.u32 v17, v1;
	v17 =	vld.idx.msk [tilespmem:v4+s26+$0x0], $0xffff  }
0xd9: {  	[tilespmem:s29+$0xFFFFFE60] =	vst v19;
	v4 =	vbroadcast v11, $0x0;
	v11 =	vshll.u32 v24, v1;
	v19 =	vld.idx.msk [tilespmem:v3+s26+$0x0], $0xffff  }
0xda: {  	v16 =	vor.u32 v46, v9;
	v3 =	vbroadcast v11, $0x0;
	v11 =	vld.idx.msk [tilespmem:v2+s26+$0x0], $0xffff  }
0xdb: {  	v2 =	vmov v7;
	v7 =	vor.u32 v0, v4;
	v0 =	vld [tilespmem:$0x1FEF0];
	_ =	sdelay $0x2  }
0xdc: {  	[tilespmem:s29+$0xFFFFFEF0] =	vst v21  }
0xdd: {  	[tilespmem:s29+$0xFFFFFF70] =	vst v13;
	v13 =	vld.idx.msk [tilespmem:v16+s26+$0x0], $0xffff  }
0xde: {  	v16 =	vor.u32 v0, v3;
	v0 =	vld [tilespmem:$0x1FEE0];
	_ =	sdelay $0x4  }
0xdf: {  	[tilespmem:s29+$0xFFFFFFF0] =	vst v20;
	v20 =	vor.u32 v0, v10;
	v0 =	vld [tilespmem:$0x1FD10];
	_ =	sdelay $0x3  }
0xe0: {  	v18 =	vor.u32 v61, v8  }
0xe1: {  	[tilespmem:s29+$0xFFFFFE70] =	vst v11;
	v11 =	vor.u32 v0, v6;
	v0 =	vld [tilespmem:$0x1FF50];
	_ =	sdelay $0x1  }
0xe2: {  	[tilespmem:s29+$0x70] =	vst v22  }
0xe3: {  	[tilespmem:s29+$0xF0] =	vst v17  }
0xe4: {  	v12 =	vor.u32 v29, v5;
	v18 =	vld.idx.msk [tilespmem:v18+s26+$0x0], $0xffff;
	[tilespmem:s29+$0x170] =	vst v19;
	s29 =	sadd.s32 $0x400, s29  }
0xe5: {  	[tilespmem:s29+$0xFFFFFE80] =	vst v13;
	v13 =	vor.u32 v0, v4;
	v0 =	vld [tilespmem:$0x1FE00];
	_ =	sdelay $0x2  }
0xe6: {  	v14 =	vld.idx.msk [tilespmem:v14+s26+$0x0], $0xffff  }
0xe7: {  	v12 =	vld.idx.msk [tilespmem:v12+s26+$0x0], $0xffff  }
0xe8: {  	[tilespmem:s29+$0xFFFFFF00] =	vst v18;
	v18 =	vor.u32 v0, v3;
	v0 =	vld [tilespmem:$0x1FE60];
	_ =	sdelay $0x2  }
0xe9: {  	[tilespmem:s29+$0x180] =	vst v14  }
0xea: {  	v21 =	vor.u32 v48, v9;
	v14 =	vld.idx.msk [tilespmem:v20+s26+$0x0], $0xffff  }
0xeb: {  	[tilespmem:s29+$0xFFFFFF80] =	vst v12;
	v12 =	vor.u32 v0, v10;
	v0 =	vld [tilespmem:$0x1FD20];
	_ =	sdelay $0x3  }
0xec: {  	v17 =	vor.u32 v63, v8;
	v20 =	vld.idx.msk [tilespmem:v21+s26+$0x0], $0xffff  }
0xed: {  	[tilespmem:s29+$0x190] =	vst v14;
	v14 =	vor.u32 v0, v6;
	v0 =	vld [tilespmem:$0x1FD60];
	_ =	sdelay $0x2  }
0xee: {  	v23 =	vor.u32 v59, v6  }
0xef: {  	v19 =	vor.u32 v34, v5;
	v17 =	vld.idx.msk [tilespmem:v17+s26+$0x0], $0xffff  }
0xf0: {  	[tilespmem:s29+$0xFFFFFE90] =	vst v20;
	v20 =	vor.u32 v0, v4;
	v0 =	vld [tilespmem:$0x1FE20];
	_ =	sdelay $0x2  }
0xf1: {  	v22 =	vld.idx.msk [tilespmem:v23+s26+$0x0], $0xffff  }
0xf2: {  	v19 =	vld.idx.msk [tilespmem:v19+s26+$0x0], $0xffff;
	v21 =	vor.u32 v33, v2  }
0xf3: {  	[tilespmem:s29+$0xFFFFFF10] =	vst v17;
	v17 =	vor.u32 v0, v10;
	v0 =	vld [tilespmem:$0x1FE10];
	_ =	sdelay $0x2  }
0xf4: {  	[tilespmem:s29+$0xFFFFFE00] =	vst v15;
	v7 =	vld.idx.msk [tilespmem:v7+s26+$0x0], $0xffff  }
0xf5: {  	[tilespmem:s29+$0x0] =	vst v22;
	v22 =	vor.u32 v50, v9;
	v15 =	vld.idx.msk [tilespmem:v21+s26+$0x0], $0xffff  }
0xf6: {  	[tilespmem:s29+$0xFFFFFF90] =	vst v19;
	v19 =	vor.u32 v0, v3;
	v0 =	vld [tilespmem:$0x1FD30];
	_ =	sdelay $0x2  }
0xf7: {  	v16 =	vld.idx.msk [tilespmem:v16+s26+$0x0], $0xffff  }
0xf8: {  	[tilespmem:s29+$0x80] =	vst v7;
	v7 =	vor.u32 v30, v8;
	v21 =	vld.idx.msk [tilespmem:v22+s26+$0x0], $0xffff  }
0xf9: {  	[tilespmem:s29+$0xFFFFFE10] =	vst v15;
	v15 =	vor.u32 v0, v6;
	v0 =	vld [tilespmem:$0x1FE80];
	_ =	sdelay $0x3  }
0xfa: {  	[tilespmem:s29+$0x100] =	vst v16;
	v16 =	vor.u32 v36, v5;
	v7 =	vld.idx.msk [tilespmem:v7+s26+$0x0], $0xffff  }
0xfb: {  	[tilespmem:s29+$0xFFFFFEA0] =	vst v21;
	v21 =	vor.u32 v0, v10;
	v0 =	vld [tilespmem:$0x1FF60];
	_ =	sdelay $0x1  }
0xfc: {  	v11 =	vld.idx.msk [tilespmem:v11+s26+$0x0], $0xffff  }
0xfd: {  	v18 =	vld.idx.msk [tilespmem:v18+s26+$0x0], $0xffff  }
0xfe: {  	v16 =	vld.idx.msk [tilespmem:v16+s26+$0x0], $0xffff  }
0xff: {  	[tilespmem:s29+$0xFFFFFF20] =	vst v7;
	v7 =	vor.u32 v0, v4;
	v0 =	vld [tilespmem:$0x1FE30];
	_ =	sdelay $0x1  }
0x100: {  	[tilespmem:s29+$0x10] =	vst v11  }
0x101: {  	v13 =	vld.idx.msk [tilespmem:v13+s26+$0x0], $0xffff;
	v11 =	vor.u32 v52, v9;
	[tilespmem:s29+$0x110] =	vst v18  }
0x102: {  	v18 =	vld.idx.msk [tilespmem:v19+s26+$0x0], $0xffff  }
0x103: {  	[tilespmem:s29+$0xFFFFFFA0] =	vst v16;
	v16 =	vor.u32 v0, v3;
	v0 =	vld [tilespmem:$0x1FEB0];
	_ =	sdelay $0x2  }
0x104: {  	v11 =	vld.idx.msk [tilespmem:v11+s26+$0x0], $0xffff  }
0x105: {  	[tilespmem:s29+$0x90] =	vst v13;
	v13 =	vor.u32 v31, v8;
	v12 =	vld.idx.msk [tilespmem:v12+s26+$0x0], $0xffff  }
0x106: {  	[tilespmem:s29+$0x120] =	vst v18;
	v18 =	vor.u32 v0, v10;
	v0 =	vld [tilespmem:$0x1FD40]  }
0x107: {  	v44 =	vld [tilespmem:$0x1FDD0];
	v46 =	vmov v59  }
0x108: {  	v59 =	vmov v46;
	v46 =	vld [tilespmem:$0x1FFD0]  }
0x109: {  	v63 =	vld [tilespmem:$0x1FDE0]  }
0x10a: {  	v13 =	vld.idx.msk [tilespmem:v13+s26+$0x0], $0xffff;
	[tilespmem:s29+$0x1A0] =	vst v12;
	v12 =	vor.u32 v38, v5  }
0x10b: {  	[tilespmem:s29+$0xFFFFFEB0] =	vst v11;
	v11 =	vor.u32 v0, v6;
	v0 =	vld [tilespmem:$0x1FD70]  }
0x10c: {  	v14 =	vld.idx.msk [tilespmem:v14+s26+$0x0], $0xffff  }
0x10d: {  	v20 =	vld.idx.msk [tilespmem:v20+s26+$0x0], $0xffff  }
0x10e: {  	v33 =	vld [tilespmem:$0x1FD80]  }
0x10f: {  	v12 =	vld.idx.msk [tilespmem:v12+s26+$0x0], $0xffff  }
0x110: {  	[tilespmem:s29+$0xFFFFFF30] =	vst v13;
	v13 =	vor.u32 v0, v4;
	v0 =	vld [tilespmem:$0x1FE40]  }
0x111: {  	v22 =	vor.u32 v35, v2;
	v35 =	vld [tilespmem:$0x1FD90];
	[tilespmem:s29+$0x20] =	vst v14;
	v14 =	vor.u32 v54, v9  }
0x112: {  	v17 =	vld.idx.msk [tilespmem:v17+s26+$0x0], $0xffff;
	[tilespmem:s29+$0xA0] =	vst v20  }
0x113: {  	v7 =	vld.idx.msk [tilespmem:v7+s26+$0x0], $0xffff  }
0x114: {  	v54 =	vld [tilespmem:$0x1FFE0]  }
0x115: {  	[tilespmem:s29+$0xFFFFFFB0] =	vst v12;
	v12 =	vor.u32 v0, v3;
	v0 =	vld [tilespmem:$0x1FEC0]  }
0x116: {  	v14 =	vld.idx.msk [tilespmem:v14+s26+$0x0], $0xffff  }
0x117: {  	v19 =	vld.idx.msk [tilespmem:v22+s26+$0x0], $0xffff;
	[tilespmem:s29+$0x1B0] =	vst v17  }
0x118: {  	v22 =	vor.u32 v37, v2;
	v17 =	vor.u32 v27, v8;
	v37 =	vld [tilespmem:$0x1FDA0];
	[tilespmem:s29+$0xB0] =	vst v7  }
0x119: {  	v7 =	vld.idx.msk [tilespmem:v13+s26+$0x0], $0xffff  }
0x11a: {  	v13 =	vor.u32 v0, v10;
	v0 =	vld [tilespmem:$0x1FD50]  }
0x11b: {  	v15 =	vld.idx.msk [tilespmem:v15+s26+$0x0], $0xffff  }
0x11c: {  	v20 =	vld.idx.msk [tilespmem:v21+s26+$0x0], $0xffff;
	v21 =	vor.u32 v40, v5  }
0x11d: {  	[tilespmem:s29+$0xFFFFFE20] =	vst v19;
	v17 =	vld.idx.msk [tilespmem:v17+s26+$0x0], $0xffff  }
0x11e: {  	v19 =	vld.idx.msk [tilespmem:v22+s26+$0x0], $0xffff  }
0x11f: {  	[tilespmem:s29+$0xFFFFFEC0] =	vst v14;
	v14 =	vor.u32 v0, v6;
	v0 =	vld [tilespmem:$0x1FF70]  }
0x120: {  	v22 =	vor.u32 v39, v2;
	v39 =	vld [tilespmem:$0x1FDB0]  }
0x121: {  	v21 =	vld.idx.msk [tilespmem:v21+s26+$0x0], $0xffff;
	[tilespmem:s29+$0x1C0] =	vst v20;
	v20 =	vor.u32 v56, v9  }
0x122: {  	[tilespmem:s29+$0x30] =	vst v15;
	v16 =	vld.idx.msk [tilespmem:v16+s26+$0x0], $0xffff  }
0x123: {  	[tilespmem:s29+$0xFFFFFF40] =	vst v17;
	v15 =	vld.idx.msk [tilespmem:v18+s26+$0x0], $0xffff  }
0x124: {  	[tilespmem:s29+$0xFFFFFE30] =	vst v19;
	v17 =	vor.u32 v0, v4;
	v0 =	vld [tilespmem:$0x1FE50]  }
0x125: {  	v19 =	vld.idx.msk [tilespmem:v22+s26+$0x0], $0xffff  }
0x126: {  	v20 =	vld.idx.msk [tilespmem:v20+s26+$0x0], $0xffff;
	[tilespmem:s29+$0xFFFFFFC0] =	vst v21;
	v18 =	vor.u32 v28, v8  }
0x127: {  	v21 =	vor.u32 v58, v9;
	v58 =	vld [tilespmem:$0x1FFC0];
	[tilespmem:s29+$0x130] =	vst v16  }
0x128: {  	[tilespmem:s29+$0x1D0] =	vst v15;
	v15 =	vor.u32 v41, v2;
	v12 =	vld.idx.msk [tilespmem:v12+s26+$0x0], $0xffff  }
0x129: {  	v22 =	vor.u32 v0, v3;
	v0 =	vld [tilespmem:$0x1FCD0]  }
0x12a: {  	v16 =	vor.u32 v43, v5;
	v11 =	vld.idx.msk [tilespmem:v11+s26+$0x0], $0xffff  }
0x12b: {  	v18 =	vld.idx.msk [tilespmem:v18+s26+$0x0], $0xffff  }
0x12c: {  	[tilespmem:s29+$0xFFFFFE40] =	vst v19;
	v13 =	vld.idx.msk [tilespmem:v13+s26+$0x0], $0xffff  }
0x12d: {  	[tilespmem:s29+$0x140] =	vst v12;
	v12 =	vld.idx.msk [tilespmem:v15+s26+$0x0], $0xffff  }
0x12e: {  	v15 =	vld [tilespmem:$0x1FF00];
	v10 =	vor.u32 v0, v10  }
0x12f: {  	v16 =	vld.idx.msk [tilespmem:v16+s26+$0x0], $0xffff  }
0x130: {  	v41 =	vld [tilespmem:$0x1FDC0]  }
0x131: {  	[tilespmem:s29+$0x1E0] =	vst v13;
	v13 =	vld [tilespmem:$0x1FF10]  }
0x132: {  	v0 =	vld [tilespmem:$0x1FF20]  }
0x133: {  	v51 =	vmov v29;
	v29 =	vor.u32 v15, v4;
	v15 =	vld.idx.msk [tilespmem:v10+s26+$0x0], $0xffff  }
0x134: {  	[tilespmem:s29+$0x40] =	vst v11;
	v10 =	vld [tilespmem:$0x1FCF0]  }
0x135: {  	s1 =	sadd.s32 $0x3, s30;
	s0 =	sadd.s32 $0x4, s30;
	[tilespmem:s29+$0xC0] =	vst v7;
	v24 =	vld.idx.msk [tilespmem:v14+s26+$0x0], $0xffff;
	v14 =	vor.u32 v32, v8  }
0x136: {  	s31 =	sadd.s32 $0x1, s30;
	v25 =	vmov s0;
	v47 =	vor.u32 v62, v5;
	v30 =	vmov s1;
	[tilespmem:s29+$0xFFFFFED0] =	vst v20;
	v26 =	vld.idx.msk [tilespmem:v17+s26+$0x0], $0xffff  }
0x137: {  	v9 =	vor.u32 v53, v9;
	v11 =	vld.idx.msk [tilespmem:v21+s26+$0x0], $0xffff;
	v21 =	vmov s31;
	s31 =	sadd.s32 $0x2, s30;
	v7 =	vmov s30  }
0x138: {  	v42 =	vmovc v32;
	[tilespmem:s29+$0xFFFFFF50] =	vst v18;
	v18 =	vmov s31;
	v7 =	vshrl.u32 v7, $0x3;
	v32 =	vmovc v28;
	v28 =	vld.idx.msk [tilespmem:v22+s26+$0x0], $0xffff;
	v20 =	vor.u32 v0, v6  }
0x139: {  	p1 =	slt.u32 s30, $0x18;
	v7 =	vshll.u32 v7, v1;
	v17 =	vor.u32 v13, v3;
	v19 =	vor.u32 v10, v2;
	v10 =	vld [tilespmem:$0x1FE70]  }
.Ltmp5:
0x13a: {  	[tilespmem:s29+$0xFFFFFFD0] =	vst v16;
	s31 =	sadd.s32 $0x5, s30;
	v13 =	vld.idx.msk [tilespmem:v14+s26+$0x0], $0xffff;
	v0 =	vmovc v62;
	v62 =	vmovc v43;
	v43 =	vmov v40;
	v40 =	vmov v38;
	v38 =	vmov v36;
	(pc) =	sbr.rel @p1 .LBB2_4-.Ltmp5, $4  }
0x13b: {  	v49 =	vmovc v34;
	s0 =	sadd.s32 $0x6, s30;
	v21 =	vshrl.u32 v21, $0x3;
	v23 =	vmov s31;
	v7 =	vbroadcast v7, $0x0;
	v14 =	vld.idx.msk [tilespmem:v47+s26+$0x0], $0xffff;
	[tilespmem:s29+$0xD0] =	vst v26  }
0x13c: {  	v34 =	vmovc v49;
	v8 =	vor.u32 v45, v8;
	[tilespmem:s29+$0x50] =	vst v24;
	v24 =	vmov s0;
	v22 =	vshrl.u32 v18, $0x3;
	v18 =	vld.idx.msk [tilespmem:v29+s26+$0x0], $0xffff  }
0x13d: {  	v29 =	vmovc v51;
	[tilespmem:s29+$0x150] =	vst v28;
	v28 =	vmovc v32;
	v32 =	vmov v42;
	v36 =	vmov v38;
	v38 =	vmov v40;
	v16 =	vld.idx.msk [tilespmem:v20+s26+$0x0], $0xffff  }
0x13e: {  	s31 =	sadd.s32 $0x7, s30;
	s30 =	sadd.s32 $0x8, s30;
	v40 =	vmovc v43;
	v43 =	vmovc v62;
	v62 =	vmov v0;
	v20 =	vshrl.u32 v30, $0x3;
	v30 =	vld [tilespmem:$0x1FDF0];
	v10 =	vor.u32 v10, v7  }
0x13f: {  	_ =	sdelay $0x2  }
0x140: {  	[tilespmem:s29+$0xFFFFFE50] =	vst v12  }
0x141: {  	v12 =	vshrl.u32 v25, $0x3;
	v25 =	vmov s31;
	[tilespmem:s29+$0x1F0] =	vst v15;
	v15 =	vld.idx.msk [tilespmem:v17+s26+$0x0], $0xffff  }
0x142: {  	v17 =	vshrl.u32 v23, $0x3;
	v23 =	vshrl.u32 v25, $0x3;
	v25 =	vld [tilespmem:$0x1FF30]  }
0x143: {  	[tilespmem:s29+$0xFFFFFEE0] =	vst v11;
	v19 =	vld.idx.msk [tilespmem:v19+s26+$0x0], $0xffff  }
0x144: {  	v26 =	vld [tilespmem:$0x1FEA0];
	[tilespmem:s29+$0xFFFFFF60] =	vst v13  }
0x145: {  	v0 =	vld [tilespmem:$0x1FE90]  }
0x146: {  	[tilespmem:s29+$0xFFFFFFE0] =	vst v14;
	v14 =	vor.u32 v44, v2  }
0x147: {  	v5 =	vor.u32 v57, v5  }
0x148: {  	v11 =	vshll.u32 v23, v1;
	v9 =	vld.idx.msk [tilespmem:v9+s26+$0x0], $0xffff;
	v6 =	vor.u32 v25, v6  }
0x149: {  	[tilespmem:s29+$0x60] =	vst v16;
	v23 =	vor.u32 v26, v4;
	v4 =	vshll.u32 v21, v1;
	v21 =	vld.idx.msk [tilespmem:v8+s26+$0x0], $0xffff  }
0x14a: {  	v8 =	vld [tilespmem:$0x1FED0];
	[tilespmem:s29+$0xFFFFFE60] =	vst v19;
	v13 =	vor.u32 v0, v3;
	v3 =	vbroadcast v4, $0x0  }
0x14b: {  	[tilespmem:s29+$0xE0] =	vst v18;
	v4 =	vshll.u32 v22, v1;
	v14 =	vld.idx.msk [tilespmem:v14+s26+$0x0], $0xffff  }
0x14c: {  	[tilespmem:s29+$0x160] =	vst v15;
	v2 =	vbroadcast v4, $0x0;
	v4 =	vshll.u32 v20, v1;
	v20 =	vld.idx.msk [tilespmem:v5+s26+$0x0], $0xffff;
	v18 =	vor.u32 v46, v3  }
0x14d: {  	v11 =	vbroadcast v11, $0x0;
	[tilespmem:s29+$0xFFFFFEF0] =	vst v9;
	v5 =	vshll.u32 v12, v1;
	v12 =	vld.idx.msk [tilespmem:v6+s26+$0x0], $0xffff  }
0x14e: {  	v15 =	vor.u32 v61, v2;
	v6 =	vshll.u32 v17, v1;
	v17 =	vld.idx.msk [tilespmem:v23+s26+$0x0], $0xffff;
	[tilespmem:s29+$0xFFFFFF70] =	vst v21  }
0x14f: {  	v16 =	vor.u32 v8, v11;
	v21 =	vld [tilespmem:$0x1FF40]  }
0x150: {  	v4 =	vbroadcast v4, $0x0;
	v13 =	vld.idx.msk [tilespmem:v13+s26+$0x0], $0xffff  }
0x151: {  	v5 =	vbroadcast v5, $0x0;
	[tilespmem:s29+$0xFFFFFFF0] =	vst v20;
	v18 =	vld.idx.msk [tilespmem:v18+s26+$0x0], $0xffff  }
0x152: {  	v19 =	vor.u32 v29, v4;
	v6 =	vbroadcast v6, $0x0;
	v20 =	vld [tilespmem:$0x1FEF0]  }
0x153: {  	v9 =	vor.u32 v59, v5;
	[tilespmem:s29+$0x70] =	vst v12;
	v12 =	vld.idx.msk [tilespmem:v15+s26+$0x0], $0xffff  }
0x154: {  	v24 =	vshrl.u32 v24, $0x3;
	v16 =	vld.idx.msk [tilespmem:v16+s26+$0x0], $0xffff;
	v21 =	vor.u32 v21, v6  }
0x155: {  	v8 =	vshll.u32 v24, v1;
	v15 =	vld [tilespmem:$0x1FEE0];
	[tilespmem:s29+$0xF0] =	vst v17  }
0x156: {  	v10 =	vld.idx.msk [tilespmem:v10+s26+$0x0], $0xffff;
	v8 =	vbroadcast v8, $0x0;
	[tilespmem:s29+$0x170] =	vst v13;
	v13 =	vor.u32 v48, v3  }
0x157: {  	v17 =	vld.idx.msk [tilespmem:v19+s26+$0x0], $0xffff;
	[tilespmem:s29+$0xFFFFFE70] =	vst v14;
	s29 =	sadd.s32 $0x400, s29  }
0x158: {  	v9 =	vld.idx.msk [tilespmem:v9+s26+$0x0], $0xffff;
	v20 =	vor.u32 v20, v8;
	[tilespmem:s29+$0xFFFFFE80] =	vst v18  }
0x159: {  	[tilespmem:s29+$0x180] =	vst v16;
	v19 =	vld.idx.msk [tilespmem:v21+s26+$0x0], $0xffff  }
0x15a: {  	v15 =	vor.u32 v15, v11;
	v22 =	vld [tilespmem:$0x1FD10]  }
0x15b: {  	[tilespmem:s29+$0xFFFFFF00] =	vst v12;
	v13 =	vld.idx.msk [tilespmem:v13+s26+$0x0], $0xffff  }
0x15c: {  	v14 =	vor.u32 v63, v2;
	v12 =	vld [tilespmem:$0x1FF50]  }
0x15d: {  	[tilespmem:s29+$0xFFFFFF80] =	vst v17;
	v20 =	vld.idx.msk [tilespmem:v20+s26+$0x0], $0xffff  }
0x15e: {  	v16 =	vor.u32 v34, v4;
	v17 =	vld [tilespmem:$0x1FE60]  }
0x15f: {  	[tilespmem:s29+$0x0] =	vst v9;
	v15 =	vld.idx.msk [tilespmem:v15+s26+$0x0], $0xffff;
	v18 =	vor.u32 v22, v5  }
0x160: {  	v24 =	vld [tilespmem:$0x1FE00];
	[tilespmem:s29+$0xFFFFFE00] =	vst v10  }
0x161: {  	v14 =	vld.idx.msk [tilespmem:v14+s26+$0x0], $0xffff;
	[tilespmem:s29+$0x80] =	vst v19;
	v19 =	vor.u32 v33, v7  }
0x162: {  	[tilespmem:s29+$0xFFFFFE90] =	vst v13;
	v12 =	vor.u32 v12, v6  }
0x163: {  	v16 =	vld.idx.msk [tilespmem:v16+s26+$0x0], $0xffff;
	[tilespmem:s29+$0x100] =	vst v20  }
0x164: {  	v17 =	vor.u32 v17, v11;
	[tilespmem:s29+$0x190] =	vst v15;
	v18 =	vld.idx.msk [tilespmem:v18+s26+$0x0], $0xffff  }
0x165: {  	v13 =	vld [tilespmem:$0x1FD20]  }
0x166: {  	v20 =	vor.u32 v50, v3;
	[tilespmem:s29+$0xFFFFFF10] =	vst v14;
	v14 =	vld.idx.msk [tilespmem:v19+s26+$0x0], $0xffff  }
0x167: {  	v9 =	vor.u32 v24, v8;
	v12 =	vld.idx.msk [tilespmem:v12+s26+$0x0], $0xffff  }
0x168: {  	v19 =	vld [tilespmem:$0x1FE20]  }
0x169: {  	v15 =	vor.u32 v30, v2;
	[tilespmem:s29+$0xFFFFFF90] =	vst v16;
	v17 =	vld.idx.msk [tilespmem:v17+s26+$0x0], $0xffff  }
0x16a: {  	v42 =	vld [tilespmem:$0x1FD60]  }
0x16b: {  	v10 =	vor.u32 v36, v4;
	v20 =	vld.idx.msk [tilespmem:v20+s26+$0x0], $0xffff  }
0x16c: {  	v9 =	vld.idx.msk [tilespmem:v9+s26+$0x0], $0xffff;
	[tilespmem:s29+$0x10] =	vst v18  }
0x16d: {  	v18 =	vld [tilespmem:$0x1FE10];
	[tilespmem:s29+$0x90] =	vst v12  }
0x16e: {  	v15 =	vld.idx.msk [tilespmem:v15+s26+$0x0], $0xffff;
	v13 =	vor.u32 v13, v5;
	[tilespmem:s29+$0xFFFFFE10] =	vst v14  }
0x16f: {  	[tilespmem:s29+$0x1A0] =	vst v17  }
0x170: {  	v10 =	vld.idx.msk [tilespmem:v10+s26+$0x0], $0xffff;
	v17 =	vor.u32 v52, v3;
	[tilespmem:s29+$0xFFFFFEA0] =	vst v20  }
0x171: {  	[tilespmem:s29+$0x110] =	vst v9  }
0x172: {  	v19 =	vor.u32 v19, v11;
	v20 =	vld [tilespmem:$0x1FE80]  }
0x173: {  	v12 =	vor.u32 v35, v7;
	[tilespmem:s29+$0xFFFFFF20] =	vst v15;
	v13 =	vld.idx.msk [tilespmem:v13+s26+$0x0], $0xffff  }
0x174: {  	v16 =	vor.u32 v42, v6;
	v23 =	vld [tilespmem:$0x1FD30]  }
0x175: {  	[tilespmem:s29+$0xFFFFFFA0] =	vst v10;
	v10 =	vld.idx.msk [tilespmem:v17+s26+$0x0], $0xffff  }
0x176: {  	v18 =	vor.u32 v18, v8;
	v17 =	vld [tilespmem:$0x1FF60]  }
0x177: {  	v9 =	vor.u32 v31, v2;
	v19 =	vld.idx.msk [tilespmem:v19+s26+$0x0], $0xffff  }
0x178: {  	v12 =	vld.idx.msk [tilespmem:v12+s26+$0x0], $0xffff  }
0x179: {  	v14 =	vld.idx.msk [tilespmem:v16+s26+$0x0], $0xffff;
	v16 =	vor.u32 v38, v4  }
0x17a: {  	v20 =	vor.u32 v20, v11  }
0x17b: {  	v18 =	vld.idx.msk [tilespmem:v18+s26+$0x0], $0xffff;
	v17 =	vor.u32 v17, v6  }
0x17c: {  	v9 =	vld.idx.msk [tilespmem:v9+s26+$0x0], $0xffff;
	[tilespmem:s29+$0x20] =	vst v13  }
0x17d: {  	v13 =	vld [tilespmem:$0x1FE30];
	[tilespmem:s29+$0x1B0] =	vst v19;
	v19 =	vor.u32 v37, v7  }
0x17e: {  	[tilespmem:s29+$0xFFFFFE20] =	vst v12;
	v16 =	vld.idx.msk [tilespmem:v16+s26+$0x0], $0xffff  }
0x17f: {  	[tilespmem:s29+$0xA0] =	vst v14;
	v20 =	vld.idx.msk [tilespmem:v20+s26+$0x0], $0xffff  }
0x180: {  	v15 =	vor.u32 v23, v5;
	[tilespmem:s29+$0x120] =	vst v18;
	v12 =	vld.idx.msk [tilespmem:v17+s26+$0x0], $0xffff  }
0x181: {  	v17 =	vld [tilespmem:$0x1FEB0];
	[tilespmem:s29+$0xFFFFFEB0] =	vst v10  }
0x182: {  	v14 =	vor.u32 v54, v3;
	[tilespmem:s29+$0xFFFFFF30] =	vst v9;
	v9 =	vld.idx.msk [tilespmem:v19+s26+$0x0], $0xffff  }
0x183: {  	v13 =	vor.u32 v13, v8;
	v19 =	vld [tilespmem:$0x1FD40];
	_ =	sdelay $0x1  }
0x184: {  	v15 =	vld.idx.msk [tilespmem:v15+s26+$0x0], $0xffff;
	v18 =	vor.u32 v27, v2;
	[tilespmem:s29+$0xFFFFFFB0] =	vst v16  }
0x185: {  	v10 =	vor.u32 v40, v4;
	v16 =	vld [tilespmem:$0x1FD70]  }
0x186: {  	v14 =	vld.idx.msk [tilespmem:v14+s26+$0x0], $0xffff;
	v17 =	vor.u32 v17, v11  }
0x187: {  	[tilespmem:s29+$0x1C0] =	vst v20;
	v13 =	vld.idx.msk [tilespmem:v13+s26+$0x0], $0xffff;
	v19 =	vor.u32 v19, v5  }
0x188: {  	v20 =	vld [tilespmem:$0x1FE40]  }
0x189: {  	v18 =	vld.idx.msk [tilespmem:v18+s26+$0x0], $0xffff  }
0x18a: {  	[tilespmem:s29+$0x30] =	vst v15;
	v10 =	vld.idx.msk [tilespmem:v10+s26+$0x0], $0xffff;
	v16 =	vor.u32 v16, v6  }
0x18b: {  	v15 =	vor.u32 v39, v7;
	[tilespmem:s29+$0xB0] =	vst v12;
	v17 =	vld.idx.msk [tilespmem:v17+s26+$0x0], $0xffff  }
0x18c: {  	[tilespmem:s29+$0x130] =	vst v13;
	v13 =	vld.idx.msk [tilespmem:v19+s26+$0x0], $0xffff  }
0x18d: {  	v19 =	vld [tilespmem:$0x1FEC0]  }
0x18e: {  	[tilespmem:s29+$0xFFFFFE30] =	vst v9  }
0x18f: {  	v20 =	vor.u32 v20, v8;
	[tilespmem:s29+$0xFFFFFEC0] =	vst v14;
	v16 =	vld.idx.msk [tilespmem:v16+s26+$0x0], $0xffff  }
0x190: {  	[tilespmem:s29+$0xFFFFFF40] =	vst v18;
	v15 =	vld.idx.msk [tilespmem:v15+s26+$0x0], $0xffff  }
0x191: {  	v12 =	vor.u32 v56, v3;
	v18 =	vld [tilespmem:$0x1FD50];
	[tilespmem:s29+$0x1D0] =	vst v17  }
0x192: {  	v19 =	vor.u32 v19, v11;
	v17 =	vld [tilespmem:$0x1FF70];
	[tilespmem:s29+$0xFFFFFFC0] =	vst v10  }
0x193: {  	v9 =	vor.u32 v28, v2;
	v10 =	vld [tilespmem:$0x1FE50];
	[tilespmem:s29+$0x40] =	vst v13  }
0x194: {  	v20 =	vld.idx.msk [tilespmem:v20+s26+$0x0], $0xffff;
	[tilespmem:s29+$0xC0] =	vst v16  }
0x195: {  	v14 =	vor.u32 v43, v4;
	v16 =	vld [tilespmem:$0x1FCD0]  }
0x196: {  	v12 =	vld.idx.msk [tilespmem:v12+s26+$0x0], $0xffff;
	v18 =	vor.u32 v18, v5  }
0x197: {  	v13 =	vor.u32 v41, v7;
	v19 =	vld.idx.msk [tilespmem:v19+s26+$0x0], $0xffff  }
0x198: {  	v9 =	vld.idx.msk [tilespmem:v9+s26+$0x0], $0xffff  }
0x199: {  	[tilespmem:s29+$0x140] =	vst v20  }
0x19a: {  	v14 =	vld.idx.msk [tilespmem:v14+s26+$0x0], $0xffff;
	[tilespmem:s29+$0xFFFFFE40] =	vst v15;
	v11 =	vor.u32 v16, v11;
	v16 =	vor.u32 v58, v3  }
0x19b: {  	[tilespmem:s29+$0xFFFFFED0] =	vst v12;
	v18 =	vld.idx.msk [tilespmem:v18+s26+$0x0], $0xffff  }
0x19c: {  	v13 =	vld.idx.msk [tilespmem:v13+s26+$0x0], $0xffff;
	[tilespmem:s29+$0x1E0] =	vst v19  }
0x19d: {  	v17 =	vor.u32 v17, v6;
	v19 =	vld [tilespmem:$0x1FF20];
	[tilespmem:s29+$0xFFFFFF50] =	vst v9  }
0x19e: {  	v10 =	vor.u32 v10, v8;
	v9 =	vld [tilespmem:$0x1FF00]  }
0x19f: {  	[tilespmem:s29+$0xFFFFFFD0] =	vst v14;
	v14 =	vld.idx.msk [tilespmem:v16+s26+$0x0], $0xffff  }
0x1a0: {  	v15 =	vor.u32 v32, v2;
	v16 =	vld [tilespmem:$0x1FF10];
	[tilespmem:s29+$0x50] =	vst v18  }
0x1a1: {  	v12 =	vor.u32 v62, v4;
	v18 =	vld [tilespmem:$0x1FCF0]  }
0x1a2: {  	v3 =	vor.u32 v53, v3;
	v17 =	vld.idx.msk [tilespmem:v17+s26+$0x0], $0xffff  }
0x1a3: {  	v10 =	vld.idx.msk [tilespmem:v10+s26+$0x0], $0xffff;
	v19 =	vor.u32 v19, v5  }
0x1a4: {  	v11 =	vld.idx.msk [tilespmem:v11+s26+$0x0], $0xffff;
	v9 =	vor.u32 v9, v6  }
0x1a5: {  	v15 =	vld.idx.msk [tilespmem:v15+s26+$0x0], $0xffff;
	[tilespmem:s29+$0xFFFFFE50] =	vst v13;
	v16 =	vor.u32 v16, v8  }
0x1a6: {  	v12 =	vld.idx.msk [tilespmem:v12+s26+$0x0], $0xffff;
	[tilespmem:s29+$0xFFFFFEE0] =	vst v14;
	v18 =	vor.u32 v18, v7  }
0x1a7: {  	v2 =	vor.u32 v45, v2;
	[tilespmem:s29+$0xD0] =	vst v17;
	v3 =	vld.idx.msk [tilespmem:v3+s26+$0x0], $0xffff  }
0x1a8: {  	v4 =	vor.u32 v57, v4;
	[tilespmem:s29+$0x150] =	vst v10;
	v10 =	vld.idx.msk [tilespmem:v19+s26+$0x0], $0xffff  }
0x1a9: {  	v5 =	vor.u32 v25, v5;
	[tilespmem:s29+$0x1F0] =	vst v11;
	v9 =	vld.idx.msk [tilespmem:v9+s26+$0x0], $0xffff  }
0x1aa: {  	v6 =	vor.u32 v26, v6;
	[tilespmem:s29+$0xFFFFFF60] =	vst v15;
	v11 =	vld.idx.msk [tilespmem:v16+s26+$0x0], $0xffff  }
0x1ab: {  	v8 =	vor.u32 v0, v8;
	[tilespmem:s29+$0xFFFFFFE0] =	vst v12;
	v13 =	vld.idx.msk [tilespmem:v18+s26+$0x0], $0xffff  }
0x1ac: {  	v2 =	vld.idx.msk [tilespmem:v2+s26+$0x0], $0xffff;
	v7 =	vor.u32 v44, v7;
	[tilespmem:s29+$0xFFFFFEF0] =	vst v3  }
0x1ad: {  	s1 =	smul.u32 $0x5, s21;
	v4 =	vld.idx.msk [tilespmem:v4+s26+$0x0], $0xffff;
	[tilespmem:s29+$0x60] =	vst v10  }
0x1ae: {  	[tilespmem:s29+$0xE0] =	vst v9;
	v5 =	vld.idx.msk [tilespmem:v5+s26+$0x0], $0xffff  }
0x1af: {  	s21 =	sadd.s32 s1, s7;
	[tilespmem:s29+$0x160] =	vst v11;
	v6 =	vld.idx.msk [tilespmem:v6+s26+$0x0], $0xffff  }
0x1b0: {  	s31 =	sshll.u32 s21, $0xC;
	s30 =	sshll.u32 s21, $0xA;
	[tilespmem:s29+$0xFFFFFE60] =	vst v13;
	v8 =	vld.idx.msk [tilespmem:v8+s26+$0x0], $0xffff  }
0x1b1: {  	s30 =	sand.u32 $0x7C00, s30;
	[tilespmem:s29+$0xFFFFFF70] =	vst v2;
	v3 =	vld.idx.msk [tilespmem:v7+s26+$0x0], $0xffff;
	s26 =	sand.u32 $0xFFFE0000, s31  }
0x1b2: {  	s1 =	simm.s32 $0x0;
	[tilespmem:s29+$0xFFFFFFF0] =	vst v4;
	s26 =	sor.u32 s30, s26;
	s30 =	simm.s32 $0x1  }
0x1b3: {  	s0 =	simm.s32 $0x2;
	v2 =	vmov s1;
	s31 =	simm.s32 $0x4;
	[tilespmem:s29+$0x70] =	vst v5;
	v4 =	vmov s30;
	s30 =	simm.s32 $0x3  }
0x1b4: {  	v7 =	vmov s31;
	v5 =	vmov s0;
	[tilespmem:s29+$0xF0] =	vst v6;
	v6 =	vmov s30;
	s30 =	simm.s32 $0x7  }
0x1b5: {  	v11 =	vshrl.u32 v7, $0x3;
	v4 =	vshrl.u32 v4, $0x3;
	[tilespmem:s29+$0x170] =	vst v8;
	v9 =	vmov s30  }
0x1b6: {  	s26 =	sshrl.u32 s26, $0x3;
	v5 =	vshrl.u32 v5, $0x3;
	v4 =	vshll.u32 v4, v1;
	[tilespmem:s29+$0xFFFFFE70] =	vst v3;
	v9 =	vshrl.u32 v9, $0x3  }
0x1b7: {  	s22 =	sor.u32 $0x4, s22;
	s31 =	simm.s32 $0x6;
	s29 =	sadd.s32 s2, s26;
	v7 =	vshll.u32 v9, v1;
	v9 =	vbroadcast v4, $0x0;
	v4 =	vshll.u32 v5, v1;
	v5 =	vld [tilespmem:$0x1FED0]  }
0x1b8: {  	v2 =	vshrl.u32 v2, $0x3;
	v0 =	vld [tilespmem:$0x1FE70];
	[hbm4b:s29+s1] =	stream.linear.scatter [tilespmem:s28], [sflag:s22], $0x400, $0x38  }
0x1b9: {  	v2 =	vshll.u32 v2, v1;
	s0 =	simm.s32 $0x5;
	s30 =	sadd.s32 s26, s8;
	s28 =	sadd.s32 $0x12600, s18  }
0x1ba: {  	v2 =	vbroadcast v2, $0x0;
	v7 =	vbroadcast v7, $0x0;
	[hbm4b:s30+s1] =	stream.linear.scatter [tilespmem:s28], [sflag:s22], $0x400, $0x38;
	[tilespmem:$0x1C200] =	vst v63  }
0x1bb: {  	v10 =	vmov s31;
	s31 =	sadd.s32 s26, s9;
	v8 =	vmov s0;
	s28 =	sadd.s32 $0x12A00, s18;
	v14 =	vor.u32 v46, v9  }
0x1bc: {  	v6 =	vshrl.u32 v6, $0x3;
	v12 =	vshrl.u32 v8, $0x3;
	[hbm4b:s31+s1] =	stream.linear.scatter [tilespmem:s28], [sflag:s22], $0x400, $0x38;
	v13 =	vor.u32 v5, v7;
	[tilespmem:$0x1C200] =	vst v63  }
0x1bd: {  	s26 =	sadd.s32 s26, s10;
	v8 =	vbroadcast v4, $0x0;
	v4 =	vshll.u32 v6, v1;
	s30 =	sadd.s32 $0x12E00, s18;
	v3 =	vor.u32 v0, v2  }
0x1be: {  	v18 =	vld [tilespmem:$0x1FEE0];
	v6 =	vbroadcast v4, $0x0;
	v4 =	vshll.u32 v11, v1;
	[hbm4b:s26+s1] =	stream.linear.scatter [tilespmem:s30], [sflag:s22], $0x400, $0x38  }
0x1bf: {  	v17 =	vld [tilespmem:$0x1FEF0];
	v11 =	vor.u32 v61, v8;
	v5 =	vbroadcast v4, $0x0;
	s26 =	sadd.s32 $0x4200, s20  }
0x1c0: {  	v4 =	vshll.u32 v12, v1;
	v12 =	vor.u32 v29, v6;
	v14 =	vld.idx.msk [tilespmem:v14+s26+$0x0], $0xffff  }
0x1c1: {  	v10 =	vshrl.u32 v10, $0x3;
	v16 =	vor.u32 v59, v5;
	v13 =	vld.idx.msk [tilespmem:v13+s26+$0x0], $0xffff  }
0x1c2: {  	v10 =	vshll.u32 v10, v1;
	v15 =	vld.idx.msk [tilespmem:v3+s26+$0x0], $0xffff  }
0x1c3: {  	v18 =	vor.u32 v18, v7;
	v3 =	vbroadcast v10, $0x0;
	v10 =	vld [tilespmem:$0x1FF40]  }
0x1c4: {  	v19 =	vor.u32 v48, v9;
	v11 =	vld.idx.msk [tilespmem:v11+s26+$0x0], $0xffff  }
0x1c5: {  	v12 =	vld.idx.msk [tilespmem:v12+s26+$0x0], $0xffff;
	v17 =	vor.u32 v17, v3;
	[tilespmem:s25+$0xFFFFFC90] =	vst v14  }
0x1c6: {  	v4 =	vbroadcast v4, $0x0;
	v16 =	vld.idx.msk [tilespmem:v16+s26+$0x0], $0xffff;
	[tilespmem:s25+$0xFFFFFF90] =	vst v13  }
0x1c7: {  	v20 =	vor.u32 v63, v8;
	v13 =	vld [tilespmem:$0x1FF50]  }
0x1c8: {  	v10 =	vor.u32 v10, v4;
	v14 =	vld.idx.msk [tilespmem:v18+s26+$0x0], $0xffff  }
0x1c9: {  	v18 =	vld.idx.msk [tilespmem:v19+s26+$0x0], $0xffff;
	[tilespmem:s25+$0xFFFFFD10] =	vst v11  }
0x1ca: {  	v21 =	vor.u32 v34, v6;
	[tilespmem:s25+$0xFFFFFD90] =	vst v12;
	v17 =	vld.idx.msk [tilespmem:v17+s26+$0x0], $0xffff  }
0x1cb: {  	v22 =	vor.u32 v22, v5;
	v12 =	vld [tilespmem:$0x1FE60]  }
0x1cc: {  	v19 =	vld.idx.msk [tilespmem:v20+s26+$0x0], $0xffff;
	v20 =	vor.u32 v33, v2  }
0x1cd: {  	v11 =	vor.u32 v24, v3;
	v10 =	vld.idx.msk [tilespmem:v10+s26+$0x0], $0xffff  }
0x1ce: {  	v13 =	vor.u32 v13, v4  }
0x1cf: {  	v21 =	vld.idx.msk [tilespmem:v21+s26+$0x0], $0xffff;
	[tilespmem:s25+$0xFFFFFE10] =	vst v16  }
0x1d0: {  	[tilespmem:s25+$0xFFFFFC10] =	vst v15;
	v22 =	vld.idx.msk [tilespmem:v22+s26+$0x0], $0xffff;
	v12 =	vor.u32 v12, v7  }
0x1d1: {  	v16 =	vor.u32 v50, v9;
	[tilespmem:s25+$0xFFFFFF10] =	vst v17;
	v15 =	vld.idx.msk [tilespmem:v20+s26+$0x0], $0xffff  }
0x1d2: {  	v11 =	vld.idx.msk [tilespmem:v11+s26+$0x0], $0xffff;
	[tilespmem:s25+$0xFFFFFE90] =	vst v10  }
0x1d3: {  	[tilespmem:s25+$0xFFFFFFA0] =	vst v14;
	v13 =	vld.idx.msk [tilespmem:v13+s26+$0x0], $0xffff  }
0x1d4: {  	v14 =	vld [tilespmem:$0x1FD20]  }
0x1d5: {  	v10 =	vor.u32 v30, v8;
	[tilespmem:s25+$0xFFFFFCA0] =	vst v18;
	v12 =	vld.idx.msk [tilespmem:v12+s26+$0x0], $0xffff  }
0x1d6: {  	[tilespmem:s25+$0xFFFFFD20] =	vst v19;
	v16 =	vld.idx.msk [tilespmem:v16+s26+$0x0], $0xffff  }
0x1d7: {  	v17 =	vor.u32 v36, v6;
	v19 =	vld [tilespmem:$0x1FE20];
	[tilespmem:s25+$0xFFFFFDA0] =	vst v21  }
0x1d8: {  	v18 =	vor.u32 v42, v4;
	v20 =	vld [tilespmem:$0x1FE10];
	[tilespmem:s25+$0xFFFFFE20] =	vst v22  }
0x1d9: {  	[tilespmem:s25+$0xFFFFFF20] =	vst v11  }
0x1da: {  	[tilespmem:s25+$0xFFFFFC20] =	vst v15;
	v10 =	vld.idx.msk [tilespmem:v10+s26+$0x0], $0xffff;
	v14 =	vor.u32 v14, v5  }
0x1db: {  	[tilespmem:s25+$0xFFFFFEA0] =	vst v13  }
0x1dc: {  	v17 =	vld.idx.msk [tilespmem:v17+s26+$0x0], $0xffff;
	v19 =	vor.u32 v19, v7;
	[tilespmem:s25+$0xFFFFFFB0] =	vst v12  }
0x1dd: {  	v18 =	vld.idx.msk [tilespmem:v18+s26+$0x0], $0xffff;
	[tilespmem:s25+$0xFFFFFCB0] =	vst v16  }
0x1de: {  	v20 =	vor.u32 v20, v3;
	v16 =	vld [tilespmem:$0x1FE80]  }
0x1df: {  	v21 =	vor.u32 v35, v2;
	[tilespmem:s25+$0xFFFFFD30] =	vst v10;
	v14 =	vld.idx.msk [tilespmem:v14+s26+$0x0], $0xffff  }
0x1e0: {  	v22 =	vor.u32 v52, v9;
	v10 =	vld [tilespmem:$0x1FF60]  }
0x1e1: {  	v13 =	vor.u32 v31, v8;
	[tilespmem:s25+$0xFFFFFDB0] =	vst v17;
	v11 =	vld.idx.msk [tilespmem:v19+s26+$0x0], $0xffff  }
0x1e2: {  	v12 =	vor.u32 v38, v6;
	v17 =	vld [tilespmem:$0x1FE30]  }
0x1e3: {  	v15 =	vor.u32 v23, v5;
	v19 =	vld.idx.msk [tilespmem:v20+s26+$0x0], $0xffff  }
0x1e4: {  	v20 =	vld.idx.msk [tilespmem:v21+s26+$0x0], $0xffff;
	v16 =	vor.u32 v16, v7  }
0x1e5: {  	[tilespmem:s25+$0xFFFFFEB0] =	vst v18;
	v21 =	vld.idx.msk [tilespmem:v22+s26+$0x0], $0xffff  }
0x1e6: {  	v13 =	vld.idx.msk [tilespmem:v13+s26+$0x0], $0xffff;
	[tilespmem:s25+$0xFFFFFE30] =	vst v14  }
0x1e7: {  	v12 =	vld.idx.msk [tilespmem:v12+s26+$0x0], $0xffff;
	[tilespmem:s25+$0xFFFFFFC0] =	vst v11  }
0x1e8: {  	v22 =	vor.u32 v37, v2;
	v15 =	vld.idx.msk [tilespmem:v15+s26+$0x0], $0xffff;
	[tilespmem:s25+$0xFFFFFF30] =	vst v19  }
0x1e9: {  	v16 =	vld.idx.msk [tilespmem:v16+s26+$0x0], $0xffff;
	[tilespmem:s25+$0xFFFFFC30] =	vst v20  }
0x1ea: {  	v10 =	vor.u32 v10, v4;
	v19 =	vld [tilespmem:$0x1FEB0];
	[tilespmem:s25+$0xFFFFFCC0] =	vst v21  }
0x1eb: {  	v14 =	vor.u32 v54, v9;
	v21 =	vld [tilespmem:$0x1FD40];
	[tilespmem:s25+$0xFFFFFD40] =	vst v13  }
0x1ec: {  	v17 =	vor.u32 v17, v3;
	v13 =	vld [tilespmem:$0x1FD70]  }
0x1ed: {  	v11 =	vor.u32 v27, v8;
	v20 =	vld.idx.msk [tilespmem:v22+s26+$0x0], $0xffff;
	[tilespmem:s25+$0xFFFFFDC0] =	vst v12  }
0x1ee: {  	v18 =	vor.u32 v40, v6;
	v12 =	vld [tilespmem:$0x1FE40]  }
0x1ef: {  	v10 =	vld.idx.msk [tilespmem:v10+s26+$0x0], $0xffff;
	v19 =	vor.u32 v19, v7  }
0x1f0: {  	v14 =	vld.idx.msk [tilespmem:v14+s26+$0x0], $0xffff;
	v21 =	vor.u32 v21, v5  }
0x1f1: {  	v17 =	vld.idx.msk [tilespmem:v17+s26+$0x0], $0xffff;
	v13 =	vor.u32 v13, v4  }
0x1f2: {  	v11 =	vld.idx.msk [tilespmem:v11+s26+$0x0], $0xffff  }
0x1f3: {  	v18 =	vld.idx.msk [tilespmem:v18+s26+$0x0], $0xffff;
	[tilespmem:s25+$0xFFFFFFD0] =	vst v16;
	v12 =	vor.u32 v12, v3  }
0x1f4: {  	v22 =	vor.u32 v39, v2;
	[tilespmem:s25+$0xFFFFFE40] =	vst v15;
	v15 =	vld.idx.msk [tilespmem:v19+s26+$0x0], $0xffff  }
0x1f5: {  	[tilespmem:s25+$0xFFFFFEC0] =	vst v10;
	v21 =	vld.idx.msk [tilespmem:v21+s26+$0x0], $0xffff  }
0x1f6: {  	[tilespmem:s25+$0xFFFFFF40] =	vst v17;
	v10 =	vld.idx.msk [tilespmem:v13+s26+$0x0], $0xffff  }
0x1f7: {  	v13 =	vld [tilespmem:$0x1FEC0]  }
0x1f8: {  	v16 =	vor.u32 v56, v9;
	[tilespmem:s25+$0xFFFFFC40] =	vst v20;
	v12 =	vld.idx.msk [tilespmem:v12+s26+$0x0], $0xffff  }
0x1f9: {  	[tilespmem:s25+$0xFFFFFCD0] =	vst v14;
	v20 =	vld.idx.msk [tilespmem:v22+s26+$0x0], $0xffff  }
0x1fa: {  	v14 =	vld [tilespmem:$0x1FD50];
	[tilespmem:s25+$0xFFFFFD50] =	vst v11  }
0x1fb: {  	v11 =	vld [tilespmem:$0x1FF70]  }
0x1fc: {  	v19 =	vor.u32 v28, v8;
	v22 =	vld [tilespmem:$0x1FE50];
	[tilespmem:s25+$0xFFFFFDD0] =	vst v18  }
0x1fd: {  	v17 =	vor.u32 v43, v6;
	v16 =	vld.idx.msk [tilespmem:v16+s26+$0x0], $0xffff;
	[tilespmem:s25+$0xFFFFFFE0] =	vst v15  }
0x1fe: {  	[tilespmem:s25+$0xFFFFFE50] =	vst v21  }
0x1ff: {  	v13 =	vor.u32 v13, v7;
	[tilespmem:s25+$0xFFFFFED0] =	vst v10  }
0x200: {  	v15 =	vor.u32 v41, v2;
	v10 =	vld [tilespmem:$0x1FCD0];
	[tilespmem:s25+$0xFFFFFF50] =	vst v12  }
0x201: {  	v19 =	vld.idx.msk [tilespmem:v19+s26+$0x0], $0xffff;
	[tilespmem:s25+$0xFFFFFC50] =	vst v20;
	v11 =	vor.u32 v11, v4  }
0x202: {  	v23 =	vld.idx.msk [tilespmem:v17+s26+$0x0], $0xffff;
	[tilespmem:s25+$0xFFFFFCE0] =	vst v16  }
0x203: {  	v14 =	vor.u32 v14, v5;
	v16 =	vld [tilespmem:$0x1FF00]  }
0x204: {  	v22 =	vor.u32 v22, v3;
	v13 =	vld.idx.msk [tilespmem:v13+s26+$0x0], $0xffff  }
0x205: {  	v12 =	vld.idx.msk [tilespmem:v15+s26+$0x0], $0xffff  }
0x206: {  	v10 =	vor.u32 v10, v7;
	v26 =	vld.idx.msk [tilespmem:v11+s26+$0x0], $0xffff  }
0x207: {  	v11 =	vld [tilespmem:$0x1FF20]  }
0x208: {  	v18 =	vor.u32 v58, v9;
	v14 =	vld.idx.msk [tilespmem:v14+s26+$0x0], $0xffff;
	[tilespmem:s25+$0xFFFFFD60] =	vst v19  }
0x209: {  	v27 =	vor.u32 v62, v6;
	v28 =	vld.idx.msk [tilespmem:v22+s26+$0x0], $0xffff;
	[tilespmem:s25+$0xFFFFFFF0] =	vst v13  }
0x20a: {  	s30 =	simm.s32 $0xA;
	v16 =	vor.u32 v16, v4;
	v13 =	vld [tilespmem:$0x1FF10]  }
0x20b: {  	v47 =	vmov v48;
	s31 =	simm.s32 $0x8;
	v29 =	vmov s30;
	s30 =	simm.s32 $0xD;
	v21 =	vor.u32 v32, v8;
	v17 =	vld.idx.msk [tilespmem:v10+s26+$0x0], $0xffff  }
0x20c: {  	v49 =	vmovc v50;
	v51 =	vmovc v52;
	v24 =	vmov s30;
	v7 =	vmov s31;
	v10 =	vld [tilespmem:$0x1FCF0];
	[tilespmem:s25+$0xFFFFFDE0] =	vst v23;
	v15 =	vor.u32 v11, v5  }
0x20d: {  	s1 =	simm.s32 $0x9;
	v9 =	vor.u32 v53, v9;
	v8 =	vor.u32 v45, v8;
	s31 =	simm.s32 $0xB;
	v7 =	vshrl.u32 v7, $0x3;
	[tilespmem:s25+$0xFFFFFE60] =	vst v14;
	v11 =	vld.idx.msk [tilespmem:v18+s26+$0x0], $0xffff  }
0x20e: {  	v55 =	vmovc v56;
	v31 =	vmovc v30;
	v30 =	vmov s31;
	s31 =	simm.s32 $0xE;
	v7 =	vshll.u32 v7, v1;
	v18 =	vmov s1;
	s1 =	simm.s32 $0xC;
	v14 =	vld.idx.msk [tilespmem:v27+s26+$0x0], $0xffff;
	[tilespmem:s25+$0xFFFFFEE0] =	vst v26  }
0x20f: {  	v60 =	vmovc v61;
	v42 =	vmovc v57;
	v7 =	vbroadcast v7, $0x0;
	v23 =	vmov s31;
	v25 =	vmov s1;
	v16 =	vld.idx.msk [tilespmem:v16+s26+$0x0], $0xffff  }
0x210: {  	[tilespmem:s25+$0xFFFFFF60] =	vst v28;
	v26 =	vmovc v53;
	v22 =	vshrl.u32 v18, $0x3;
	v18 =	vshrl.u32 v30, $0x3;
	v19 =	vor.u32 v13, v3;
	v13 =	vld.idx.msk [tilespmem:v21+s26+$0x0], $0xffff  }
0x211: {  	s29 =	simm.s32 $0xF;
	s28 =	simm.s32 $0x10;
	v20 =	vor.u32 v10, v2;
	v10 =	vor.u32 v0, v7;
	v21 =	vshrl.u32 v29, $0x3;
	v0 =	vmovc v59;
	v15 =	vld.idx.msk [tilespmem:v15+s26+$0x0], $0xffff  }
.LBB2_6:
0x212: {  	_ =	sdelay $0x1  }
0x213: {  	[tilespmem:s25+$0xFFFFFCF0] =	vst v11;
	v11 =	vld [tilespmem:$0x1FEA0]  }
0x214: {  	v59 =	vmov v26;
	v26 =	vmov s29;
	[tilespmem:s25+$0xFFFFFC60] =	vst v12;
	v12 =	vld.idx.msk [tilespmem:v19+s26+$0x0], $0xffff  }
0x215: {  	v19 =	vshrl.u32 v24, $0x3;
	v24 =	vshrl.u32 v26, $0x3;
	v26 =	vld [tilespmem:$0x1FF30];
	_ =	sdelay $0x2  }
0x216: {  	v4 =	vor.u32 v11, v4;
	v11 =	vshll.u32 v22, v1;
	v22 =	vld.idx.msk [tilespmem:v9+s26+$0x0], $0xffff  }
0x217: {  	v9 =	vld [tilespmem:$0x1FE90]  }
0x218: {  	[tilespmem:s25+$0xFFFFFDF0] =	vst v14;
	v14 =	vld [tilespmem:$0x1FED0];
	v5 =	vor.u32 v26, v5  }
0x219: {  	v6 =	vor.u32 v42, v6  }
0x21a: {  	[tilespmem:s25+$0x0] =	vst v17;
	v17 =	vld.idx.msk [tilespmem:v10+s26+$0x0], $0xffff;
	v10 =	vshll.u32 v24, v1  }
0x21b: {  	v25 =	vshrl.u32 v25, $0x3;
	v20 =	vld.idx.msk [tilespmem:v20+s26+$0x0], $0xffff;
	v10 =	vbroadcast v10, $0x0;
	[tilespmem:s25+$0xFFFFFD70] =	vst v13  }
0x21c: {  	[tilespmem:s25+$0xFFFFFE70] =	vst v15;
	v13 =	vld.idx.msk [tilespmem:v8+s26+$0x0], $0xffff;
	v3 =	vor.u32 v9, v3;
	v9 =	vbroadcast v11, $0x0;
	v11 =	vshll.u32 v21, v1  }
0x21d: {  	v14 =	vor.u32 v14, v10;
	v21 =	vld.idx.msk [tilespmem:v5+s26+$0x0], $0xffff;
	v8 =	vbroadcast v11, $0x0;
	v11 =	vshll.u32 v18, v1  }
0x21e: {  	[tilespmem:s25+$0xFFFFFEF0] =	vst v16;
	v18 =	vld.idx.msk [tilespmem:v6+s26+$0x0], $0xffff;
	v6 =	vbroadcast v11, $0x0;
	v11 =	vshll.u32 v25, v1  }
0x21f: {  	v5 =	vbroadcast v11, $0x0;
	v11 =	vshll.u32 v19, v1;
	v19 =	vld.idx.msk [tilespmem:v4+s26+$0x0], $0xffff  }
0x220: {  	v15 =	vor.u32 v46, v9;
	v4 =	vld [tilespmem:$0x1FFB0]  }
0x221: {  	v2 =	vor.u32 v44, v2;
	[tilespmem:s25+$0xFFFFFF70] =	vst v12  }
0x222: {  	[tilespmem:s25+$0xFFFFFC70] =	vst v20;
	v14 =	vld.idx.msk [tilespmem:v14+s26+$0x0], $0xffff  }
0x223: {  	[tilespmem:s25+$0xFFFFFD00] =	vst v22;
	v16 =	vor.u32 v61, v8;
	v20 =	vld.idx.msk [tilespmem:v3+s26+$0x0], $0xffff  }
0x224: {  	v23 =	vshrl.u32 v23, $0x3;
	[tilespmem:s25+$0xFFFFFE00] =	vst v18;
	v18 =	vld [tilespmem:$0x1FEE0]  }
0x225: {  	[tilespmem:s25+$0xFFFFFD80] =	vst v13;
	v13 =	vld.idx.msk [tilespmem:v15+s26+$0x0], $0xffff;
	v12 =	vor.u32 v4, v6;
	v4 =	vbroadcast v11, $0x0;
	v11 =	vshll.u32 v23, v1  }
0x226: {  	v23 =	vor.u32 v0, v5;
	v3 =	vbroadcast v11, $0x0;
	v11 =	vld.idx.msk [tilespmem:v2+s26+$0x0], $0xffff  }
0x227: {  	v15 =	vld [tilespmem:$0x1FEF0]  }
0x228: {  	[tilespmem:s25+$0xFFFFFE80] =	vst v21;
	v16 =	vld.idx.msk [tilespmem:v16+s26+$0x0], $0xffff  }
0x229: {  	[tilespmem:s25+$0xFFFFFF00] =	vst v19;
	v2 =	vmov v7;
	v7 =	vld [tilespmem:$0x1FF40]  }
0x22a: {  	[tilespmem:s25+$0xFFFFFF80] =	vst v20;
	v18 =	vor.u32 v18, v10;
	v12 =	vld.idx.msk [tilespmem:v12+s26+$0x0], $0xffff  }
0x22b: {  	v21 =	vor.u32 v48, v9;
	v22 =	vld.idx.msk [tilespmem:v23+s26+$0x0], $0xffff;
	[tilespmem:s25+$0xFFFFFC80] =	vst v11;
	s25 =	sadd.s32 $0x400, s25  }
0x22c: {  	v19 =	vor.u32 v63, v8;
	v11 =	vld [tilespmem:$0x1FD10];
	[tilespmem:s25+$0xFFFFFF90] =	vst v14  }
0x22d: {  	v15 =	vor.u32 v15, v3;
	[tilespmem:s25+$0xFFFFFC90] =	vst v13;
	v13 =	vld [tilespmem:$0x1FF50]  }
0x22e: {  	[tilespmem:s25+$0xFFFFFD10] =	vst v16;
	v16 =	vld [tilespmem:$0x1FE00]  }
0x22f: {  	v7 =	vor.u32 v7, v4;
	v14 =	vld.idx.msk [tilespmem:v18+s26+$0x0], $0xffff  }
0x230: {  	v20 =	vor.u32 v34, v6;
	v18 =	vld.idx.msk [tilespmem:v21+s26+$0x0], $0xffff  }
0x231: {  	v19 =	vld.idx.msk [tilespmem:v19+s26+$0x0], $0xffff  }
0x232: {  	v21 =	vor.u32 v33, v2;
	v15 =	vld.idx.msk [tilespmem:v15+s26+$0x0], $0xffff  }
0x233: {  	[tilespmem:s25+$0xFFFFFD90] =	vst v12;
	v12 =	vld [tilespmem:$0x1FE60]  }
0x234: {  	[tilespmem:s25+$0xFFFFFC10] =	vst v17;
	v7 =	vld.idx.msk [tilespmem:v7+s26+$0x0], $0xffff  }
0x235: {  	[tilespmem:s25+$0xFFFFFE10] =	vst v22;
	v22 =	vor.u32 v50, v9;
	v20 =	vld.idx.msk [tilespmem:v20+s26+$0x0], $0xffff  }
0x236: {  	v11 =	vor.u32 v11, v5;
	[tilespmem:s25+$0xFFFFFFA0] =	vst v14;
	v14 =	vld [tilespmem:$0x1FD20]  }
0x237: {  	v17 =	vld.idx.msk [tilespmem:v21+s26+$0x0], $0xffff  }
0x238: {  	v13 =	vor.u32 v13, v4;
	[tilespmem:s25+$0xFFFFFCA0] =	vst v18;
	v18 =	vld [tilespmem:$0x1FD60]  }
0x239: {  	v16 =	vor.u32 v16, v3;
	[tilespmem:s25+$0xFFFFFD20] =	vst v19;
	v19 =	vld [tilespmem:$0x1FE20]  }
0x23a: {  	[tilespmem:s25+$0xFFFFFF10] =	vst v15;
	v21 =	vld.idx.msk [tilespmem:v22+s26+$0x0], $0xffff  }
0x23b: {  	v15 =	vor.u32 v36, v6;
	v11 =	vld.idx.msk [tilespmem:v11+s26+$0x0], $0xffff;
	[tilespmem:s25+$0xFFFFFE90] =	vst v7  }
0x23c: {  	v12 =	vor.u32 v12, v10;
	[tilespmem:s25+$0xFFFFFDA0] =	vst v20;
	v20 =	vld [tilespmem:$0x1FE10]  }
0x23d: {  	v13 =	vld.idx.msk [tilespmem:v13+s26+$0x0], $0xffff  }
0x23e: {  	v7 =	vor.u32 v31, v8;
	v16 =	vld.idx.msk [tilespmem:v16+s26+$0x0], $0xffff  }
0x23f: {  	[tilespmem:s25+$0xFFFFFC20] =	vst v17;
	v17 =	vld [tilespmem:$0x1FD30]  }
0x240: {  	v14 =	vor.u32 v14, v5;
	v15 =	vld.idx.msk [tilespmem:v15+s26+$0x0], $0xffff  }
0x241: {  	v18 =	vor.u32 v18, v4;
	v12 =	vld.idx.msk [tilespmem:v12+s26+$0x0], $0xffff  }
0x242: {  	[tilespmem:s25+$0xFFFFFCB0] =	vst v21;
	v21 =	vld [tilespmem:$0x1FE80]  }
0x243: {  	v19 =	vor.u32 v19, v10;
	v7 =	vld.idx.msk [tilespmem:v7+s26+$0x0], $0xffff;
	[tilespmem:s25+$0xFFFFFE20] =	vst v11  }
0x244: {  	v20 =	vor.u32 v20, v3;
	[tilespmem:s25+$0xFFFFFEA0] =	vst v13;
	v13 =	vld [tilespmem:$0x1FFA0]  }
0x245: {  	v22 =	vor.u32 v35, v2;
	v14 =	vld.idx.msk [tilespmem:v14+s26+$0x0], $0xffff  }
0x246: {  	v11 =	vor.u32 v52, v9;
	v18 =	vld.idx.msk [tilespmem:v18+s26+$0x0], $0xffff;
	[tilespmem:s25+$0xFFFFFDB0] =	vst v15  }
0x247: {  	v15 =	vld [tilespmem:$0x1FE30];
	[tilespmem:s25+$0xFFFFFFB0] =	vst v12  }
0x248: {  	[tilespmem:s25+$0xFFFFFF20] =	vst v16;
	v17 =	vor.u32 v17, v5;
	v16 =	vld.idx.msk [tilespmem:v19+s26+$0x0], $0xffff  }
0x249: {  	v12 =	vor.u32 v38, v6;
	v19 =	vld.idx.msk [tilespmem:v20+s26+$0x0], $0xffff  }
0x24a: {  	v20 =	vld.idx.msk [tilespmem:v22+s26+$0x0], $0xffff;
	v13 =	vor.u32 v13, v8  }
0x24b: {  	v11 =	vld.idx.msk [tilespmem:v11+s26+$0x0], $0xffff;
	[tilespmem:s25+$0xFFFFFD30] =	vst v7  }
0x24c: {  	v7 =	vld [tilespmem:$0x1FF60];
	[tilespmem:s25+$0xFFFFFE30] =	vst v14  }
0x24d: {  	v17 =	vld.idx.msk [tilespmem:v17+s26+$0x0], $0xffff  }
0x24e: {  	v21 =	vor.u32 v21, v10;
	v12 =	vld.idx.msk [tilespmem:v12+s26+$0x0], $0xffff  }
0x24f: {  	[tilespmem:s25+$0xFFFFFEB0] =	vst v18;
	v13 =	vld.idx.msk [tilespmem:v13+s26+$0x0], $0xffff  }
0x250: {  	v22 =	vor.u32 v37, v2;
	[tilespmem:s25+$0xFFFFFFC0] =	vst v16;
	v16 =	vld [tilespmem:$0x1FF90]  }
0x251: {  	v14 =	vor.u32 v54, v9;
	[tilespmem:s25+$0xFFFFFF30] =	vst v19;
	v19 =	vld [tilespmem:$0x1FEB0]  }
0x252: {  	v15 =	vor.u32 v15, v3;
	[tilespmem:s25+$0xFFFFFCC0] =	vst v11;
	v11 =	vld [tilespmem:$0x1FD40]  }
0x253: {  	v7 =	vor.u32 v7, v4;
	[tilespmem:s25+$0xFFFFFC30] =	vst v20;
	v18 =	vld.idx.msk [tilespmem:v21+s26+$0x0], $0xffff  }
0x254: {  	[tilespmem:s25+$0xFFFFFD40] =	vst v13;
	v13 =	vld [tilespmem:$0x1FD70]  }
0x255: {  	v21 =	vor.u32 v40, v6;
	v20 =	vld.idx.msk [tilespmem:v22+s26+$0x0], $0xffff  }
0x256: {  	v22 =	vor.u32 v39, v2;
	v14 =	vld.idx.msk [tilespmem:v14+s26+$0x0], $0xffff  }
0x257: {  	v15 =	vld.idx.msk [tilespmem:v15+s26+$0x0], $0xffff;
	v16 =	vor.u32 v16, v8  }
0x258: {  	v7 =	vld.idx.msk [tilespmem:v7+s26+$0x0], $0xffff;
	v19 =	vor.u32 v19, v10  }
0x259: {  	[tilespmem:s25+$0xFFFFFDC0] =	vst v12;
	v12 =	vld [tilespmem:$0x1FE40];
	v13 =	vor.u32 v13, v4  }
0x25a: {  	v21 =	vld.idx.msk [tilespmem:v21+s26+$0x0], $0xffff;
	[tilespmem:s25+$0xFFFFFC40] =	vst v20  }
0x25b: {  	[tilespmem:s25+$0xFFFFFE40] =	vst v17;
	v20 =	vld.idx.msk [tilespmem:v22+s26+$0x0], $0xffff  }
0x25c: {  	[tilespmem:s25+$0xFFFFFFD0] =	vst v18;
	v16 =	vld.idx.msk [tilespmem:v16+s26+$0x0], $0xffff  }
0x25d: {  	v17 =	vld.idx.msk [tilespmem:v19+s26+$0x0], $0xffff;
	[tilespmem:s25+$0xFFFFFEC0] =	vst v7  }
0x25e: {  	v12 =	vor.u32 v12, v3;
	v7 =	vld.idx.msk [tilespmem:v13+s26+$0x0], $0xffff  }
0x25f: {  	v13 =	vld [tilespmem:$0x1FEC0]  }
0x260: {  	[tilespmem:s25+$0xFFFFFCD0] =	vst v14;
	v14 =	vld [tilespmem:$0x1FD50]  }
0x261: {  	v11 =	vor.u32 v11, v5;
	v22 =	vld [tilespmem:$0x1FE50]  }
0x262: {  	v18 =	vor.u32 v56, v9;
	[tilespmem:s25+$0xFFFFFF40] =	vst v15;
	v19 =	vld [tilespmem:$0x1FF80]  }
0x263: {  	v12 =	vld.idx.msk [tilespmem:v12+s26+$0x0], $0xffff;
	[tilespmem:s25+$0xFFFFFFE0] =	vst v17;
	v17 =	vor.u32 v41, v2  }
0x264: {  	[tilespmem:s25+$0xFFFFFD50] =	vst v16;
	v16 =	vld [tilespmem:$0x1FF70];
	v13 =	vor.u32 v13, v10  }
0x265: {  	[tilespmem:s25+$0xFFFFFED0] =	vst v7;
	v7 =	vld [tilespmem:$0x1FCD0]  }
0x266: {  	v15 =	vor.u32 v43, v6;
	v11 =	vld.idx.msk [tilespmem:v11+s26+$0x0], $0xffff  }
0x267: {  	v18 =	vld.idx.msk [tilespmem:v18+s26+$0x0], $0xffff;
	[tilespmem:s25+$0xFFFFFC50] =	vst v20  }
0x268: {  	v14 =	vor.u32 v14, v5;
	[tilespmem:s25+$0xFFFFFF50] =	vst v12;
	v12 =	vld.idx.msk [tilespmem:v17+s26+$0x0], $0xffff  }
0x269: {  	v16 =	vor.u32 v16, v4;
	v13 =	vld.idx.msk [tilespmem:v13+s26+$0x0], $0xffff  }
0x26a: {  	[tilespmem:s25+$0xFFFFFDD0] =	vst v21;
	v17 =	vld [tilespmem:$0x1FF00];
	v10 =	vor.u32 v7, v10  }
0x26b: {  	v15 =	vld.idx.msk [tilespmem:v15+s26+$0x0], $0xffff  }
0x26c: {  	v19 =	vor.u32 v19, v8;
	[tilespmem:s25+$0xFFFFFE50] =	vst v11;
	v11 =	vld [tilespmem:$0x1FF20]  }
0x26d: {  	v22 =	vor.u32 v22, v3;
	v23 =	vld.idx.msk [tilespmem:v14+s26+$0x0], $0xffff  }
0x26e: {  	v16 =	vld.idx.msk [tilespmem:v16+s26+$0x0], $0xffff;
	[tilespmem:s25+$0xFFFFFFF0] =	vst v13  }
0x26f: {  	v28 =	vor.u32 v17, v4;
	v17 =	vld.idx.msk [tilespmem:v10+s26+$0x0], $0xffff  }
0x270: {  	v10 =	vld [tilespmem:$0x1FCF0]  }
0x271: {  	v21 =	vor.u32 v58, v9;
	v19 =	vld.idx.msk [tilespmem:v19+s26+$0x0], $0xffff  }
0x272: {  	[tilespmem:s25+$0xFFFFFCE0] =	vst v18;
	v27 =	vld.idx.msk [tilespmem:v22+s26+$0x0], $0xffff;
	v18 =	vor.u32 v11, v5  }
0x273: {  	s31 =	sadd.s32 $0x2, s28;
	[tilespmem:s25+$0xFFFFFEE0] =	vst v16;
	v16 =	vld [tilespmem:$0x1FD00]  }
0x274: {  	v29 =	vmov s31;
	v14 =	vor.u32 v32, v8;
	v13 =	vld [tilespmem:$0x1FF10]  }
0x275: {  	p1 =	slt.u32 s28, $0x18;
	s1 =	sadd.s32 $0x3, s28;
	s30 =	sadd.s32 $0x5, s28;
	v26 =	vor.u32 v62, v6;
	v7 =	vmov s28;
	v20 =	vor.u32 v10, v2;
	v10 =	vld [tilespmem:$0x1FE70]  }
.Ltmp6:
0x276: {  	v30 =	vmov s1;
	s1 =	sadd.s32 $0x4, s28;
	v24 =	vmov s30;
	v11 =	vld.idx.msk [tilespmem:v21+s26+$0x0], $0xffff;
	[tilespmem:s25+$0xFFFFFE60] =	vst v23;
	v7 =	vshrl.u32 v7, $0x3;
	(pc) =	sbr.rel @p1 .LBB2_6-.Ltmp6, $4  }
0x277: {  	s0 =	sadd.s32 $0x1, s28;
	v25 =	vmov s1;
	v9 =	vor.u32 v59, v9;
	[tilespmem:s25+$0xFFFFFDE0] =	vst v15;
	v15 =	vld.idx.msk [tilespmem:v18+s26+$0x0], $0xffff;
	v7 =	vshll.u32 v7, v1  }
0x278: {  	v21 =	vmov s0;
	[tilespmem:s25+$0xFFFFFD60] =	vst v19;
	v7 =	vbroadcast v7, $0x0;
	v8 =	vor.u32 v16, v8;
	v16 =	vld.idx.msk [tilespmem:v28+s26+$0x0], $0xffff  }
0x279: {  	s31 =	sadd.s32 $0x6, s28;
	v22 =	vshrl.u32 v21, $0x3;
	v21 =	vshrl.u32 v29, $0x3;
	v19 =	vor.u32 v13, v3;
	v13 =	vld.idx.msk [tilespmem:v14+s26+$0x0], $0xffff  }
0x27a: {  	s29 =	sadd.s32 $0x7, s28;
	v23 =	vmov s31;
	v18 =	vshrl.u32 v30, $0x3;
	[tilespmem:s25+$0xFFFFFF60] =	vst v27;
	s28 =	sadd.s32 $0x8, s28;
	v14 =	vld.idx.msk [tilespmem:v26+s26+$0x0], $0xffff;
	v26 =	vmovc v59;
	v10 =	vor.u32 v10, v7  }
0x27b: {  	_ =	sdelay $0x2  }
0x27c: {  	[tilespmem:s25+$0xFFFFFC60] =	vst v12  }
0x27d: {  	[tilespmem:s25+$0x0] =	vst v17;
	v17 =	vld.idx.msk [tilespmem:v19+s26+$0x0], $0xffff  }
0x27e: {  	v12 =	vshrl.u32 v25, $0x3;
	v25 =	vmov s29;
	v27 =	vld [tilespmem:$0x1FF30];
	[tilespmem:s25+$0xFFFFFCF0] =	vst v11  }
0x27f: {  	v19 =	vshrl.u32 v24, $0x3;
	v24 =	vshrl.u32 v25, $0x3;
	v25 =	vld [tilespmem:$0x1FEA0];
	_ =	sdelay $0x3  }
0x280: {  	v20 =	vld.idx.msk [tilespmem:v20+s26+$0x0], $0xffff;
	[tilespmem:s25+$0xFFFFFD70] =	vst v13  }
0x281: {  	v11 =	vshll.u32 v24, v1;
	v24 =	vor.u32 v25, v4;
	v4 =	vshll.u32 v22, v1;
	v22 =	vld [tilespmem:$0x1FE90]  }
0x282: {  	[tilespmem:s25+$0xFFFFFDF0] =	vst v14  }
0x283: {  	v14 =	vor.u32 v44, v2;
	[tilespmem:s25+$0xFFFFFE70] =	vst v15  }
0x284: {  	v6 =	vor.u32 v42, v6;
	v53 =	vld [tilespmem:$0x1FED0];
	[tilespmem:s25+$0xFFFFFEF0] =	vst v16  }
0x285: {  	v9 =	vld.idx.msk [tilespmem:v9+s26+$0x0], $0xffff;
	v5 =	vor.u32 v27, v5;
	[tilespmem:s25+$0xFFFFFF70] =	vst v17  }
0x286: {  	[tilespmem:s25+$0xFFFFFC70] =	vst v20;
	v13 =	vor.u32 v22, v3;
	v3 =	vbroadcast v4, $0x0;
	v4 =	vshll.u32 v21, v1;
	v21 =	vld.idx.msk [tilespmem:v8+s26+$0x0], $0xffff  }
0x287: {  	v11 =	vbroadcast v11, $0x0;
	v8 =	vld [tilespmem:$0x1FFB0]  }
0x288: {  	v14 =	vld.idx.msk [tilespmem:v14+s26+$0x0], $0xffff  }
0x289: {  	v2 =	vbroadcast v4, $0x0;
	v4 =	vshll.u32 v18, v1;
	v15 =	vor.u32 v53, v11;
	v18 =	vld.idx.msk [tilespmem:v6+s26+$0x0], $0xffff  }
0x28a: {  	v6 =	vshll.u32 v12, v1;
	v12 =	vld.idx.msk [tilespmem:v5+s26+$0x0], $0xffff;
	v16 =	vor.u32 v46, v3  }
0x28b: {  	[tilespmem:s25+$0xFFFFFD00] =	vst v9;
	v5 =	vbroadcast v6, $0x0;
	v6 =	vshll.u32 v19, v1;
	v19 =	vld.idx.msk [tilespmem:v24+s26+$0x0], $0xffff  }
0x28c: {  	v17 =	vor.u32 v61, v2;
	v13 =	vld.idx.msk [tilespmem:v13+s26+$0x0], $0xffff;
	[tilespmem:s25+$0xFFFFFD80] =	vst v21  }
0x28d: {  	v21 =	vld [tilespmem:$0x1FF40]  }
0x28e: {  	v4 =	vbroadcast v4, $0x0;
	v15 =	vld.idx.msk [tilespmem:v15+s26+$0x0], $0xffff  }
0x28f: {  	[tilespmem:s25+$0xFFFFFE00] =	vst v18;
	v16 =	vld.idx.msk [tilespmem:v16+s26+$0x0], $0xffff  }
0x290: {  	v20 =	vor.u32 v8, v4;
	v18 =	vld [tilespmem:$0x1FEF0]  }
0x291: {  	v9 =	vor.u32 v0, v5;
	[tilespmem:s25+$0xFFFFFE80] =	vst v12;
	v12 =	vld.idx.msk [tilespmem:v17+s26+$0x0], $0xffff  }
0x292: {  	v17 =	vld [tilespmem:$0x1FEE0];
	[tilespmem:s25+$0xFFFFFF00] =	vst v19  }
0x293: {  	v23 =	vshrl.u32 v23, $0x3;
	v6 =	vbroadcast v6, $0x0;
	[tilespmem:s25+$0xFFFFFC80] =	vst v14  }
0x294: {  	v10 =	vld.idx.msk [tilespmem:v10+s26+$0x0], $0xffff;
	v8 =	vshll.u32 v23, v1;
	[tilespmem:s25+$0xFFFFFF80] =	vst v13;
	v13 =	vor.u32 v48, v3;
	s25 =	sadd.s32 $0x400, s25  }
0x295: {  	v8 =	vbroadcast v8, $0x0;
	v19 =	vld.idx.msk [tilespmem:v20+s26+$0x0], $0xffff;
	v21 =	vor.u32 v21, v6;
	[tilespmem:s25+$0xFFFFFF90] =	vst v15  }
0x296: {  	v9 =	vld.idx.msk [tilespmem:v9+s26+$0x0], $0xffff;
	[tilespmem:s25+$0xFFFFFC90] =	vst v16  }
0x297: {  	v18 =	vor.u32 v18, v8;
	v16 =	vld [tilespmem:$0x1FD10];
	[tilespmem:s25+$0xFFFFFD10] =	vst v12  }
0x298: {  	v12 =	vld [tilespmem:$0x1FF50]  }
0x299: {  	v17 =	vor.u32 v17, v11;
	v13 =	vld.idx.msk [tilespmem:v13+s26+$0x0], $0xffff  }
0x29a: {  	[tilespmem:s25+$0xFFFFFD90] =	vst v19;
	v20 =	vld.idx.msk [tilespmem:v21+s26+$0x0], $0xffff  }
0x29b: {  	v14 =	vor.u32 v63, v2;
	v19 =	vld [tilespmem:$0x1FE60]  }
0x29c: {  	v15 =	vor.u32 v34, v4;
	[tilespmem:s25+$0xFFFFFE10] =	vst v9;
	v18 =	vld.idx.msk [tilespmem:v18+s26+$0x0], $0xffff  }
0x29d: {  	v9 =	vld [tilespmem:$0x1FE00];
	v16 =	vor.u32 v16, v5  }
0x29e: {  	v17 =	vld.idx.msk [tilespmem:v17+s26+$0x0], $0xffff;
	v12 =	vor.u32 v12, v6  }
0x29f: {  	[tilespmem:s25+$0xFFFFFC10] =	vst v10  }
0x2a0: {  	v14 =	vld.idx.msk [tilespmem:v14+s26+$0x0], $0xffff;
	[tilespmem:s25+$0xFFFFFCA0] =	vst v13;
	v19 =	vor.u32 v19, v11  }
0x2a1: {  	v15 =	vld.idx.msk [tilespmem:v15+s26+$0x0], $0xffff;
	[tilespmem:s25+$0xFFFFFE90] =	vst v20;
	v20 =	vor.u32 v33, v7  }
0x2a2: {  	[tilespmem:s25+$0xFFFFFF10] =	vst v18;
	v16 =	vld.idx.msk [tilespmem:v16+s26+$0x0], $0xffff  }
0x2a3: {  	v9 =	vor.u32 v9, v8;
	[tilespmem:s25+$0xFFFFFFA0] =	vst v17;
	v12 =	vld.idx.msk [tilespmem:v12+s26+$0x0], $0xffff  }
0x2a4: {  	v13 =	vld [tilespmem:$0x1FD20]  }
0x2a5: {  	v18 =	vor.u32 v50, v3;
	v19 =	vld.idx.msk [tilespmem:v19+s26+$0x0], $0xffff  }
0x2a6: {  	v17 =	vor.u32 v31, v2;
	[tilespmem:s25+$0xFFFFFD20] =	vst v14;
	v14 =	vld.idx.msk [tilespmem:v20+s26+$0x0], $0xffff  }
0x2a7: {  	v20 =	vld [tilespmem:$0x1FE20]  }
0x2a8: {  	[tilespmem:s25+$0xFFFFFDA0] =	vst v15;
	v9 =	vld.idx.msk [tilespmem:v9+s26+$0x0], $0xffff  }
0x2a9: {  	v10 =	vor.u32 v36, v4;
	v15 =	vld [tilespmem:$0x1FD60]  }
0x2aa: {  	v18 =	vld.idx.msk [tilespmem:v18+s26+$0x0], $0xffff  }
0x2ab: {  	[tilespmem:s25+$0xFFFFFE20] =	vst v16;
	v16 =	vld.idx.msk [tilespmem:v17+s26+$0x0], $0xffff;
	v13 =	vor.u32 v13, v5  }
0x2ac: {  	v17 =	vld [tilespmem:$0x1FE10];
	[tilespmem:s25+$0xFFFFFEA0] =	vst v12  }
0x2ad: {  	[tilespmem:s25+$0xFFFFFFB0] =	vst v19  }
0x2ae: {  	v10 =	vld.idx.msk [tilespmem:v10+s26+$0x0], $0xffff;
	v20 =	vor.u32 v20, v11;
	[tilespmem:s25+$0xFFFFFF20] =	vst v9  }
0x2af: {  	v19 =	vor.u32 v52, v3;
	v9 =	vld [tilespmem:$0x1FFA0];
	[tilespmem:s25+$0xFFFFFC20] =	vst v14  }
0x2b0: {  	[tilespmem:s25+$0xFFFFFCB0] =	vst v18;
	v13 =	vld.idx.msk [tilespmem:v13+s26+$0x0], $0xffff  }
0x2b1: {  	v15 =	vor.u32 v15, v6;
	v18 =	vld [tilespmem:$0x1FE80];
	[tilespmem:s25+$0xFFFFFD30] =	vst v16  }
0x2b2: {  	v29 =	vld [tilespmem:$0x1FD30]  }
0x2b3: {  	v17 =	vor.u32 v17, v8;
	v20 =	vld.idx.msk [tilespmem:v20+s26+$0x0], $0xffff  }
0x2b4: {  	v12 =	vor.u32 v35, v7;
	[tilespmem:s25+$0xFFFFFDB0] =	vst v10;
	v10 =	vld.idx.msk [tilespmem:v19+s26+$0x0], $0xffff  }
0x2b5: {  	v19 =	vld [tilespmem:$0x1FF60]  }
0x2b6: {  	v14 =	vld.idx.msk [tilespmem:v15+s26+$0x0], $0xffff;
	v15 =	vor.u32 v38, v4  }
0x2b7: {  	v9 =	vor.u32 v9, v2  }
0x2b8: {  	v17 =	vld.idx.msk [tilespmem:v17+s26+$0x0], $0xffff;
	v18 =	vor.u32 v18, v11  }
0x2b9: {  	v12 =	vld.idx.msk [tilespmem:v12+s26+$0x0], $0xffff;
	[tilespmem:s25+$0xFFFFFE30] =	vst v13  }
0x2ba: {  	v13 =	vld [tilespmem:$0x1FE30];
	v19 =	vor.u32 v19, v6  }
0x2bb: {  	[tilespmem:s25+$0xFFFFFFC0] =	vst v20;
	v15 =	vld.idx.msk [tilespmem:v15+s26+$0x0], $0xffff  }
0x2bc: {  	v20 =	vor.u32 v37, v7;
	[tilespmem:s25+$0xFFFFFEB0] =	vst v14;
	v9 =	vld.idx.msk [tilespmem:v9+s26+$0x0], $0xffff  }
0x2bd: {  	v18 =	vld.idx.msk [tilespmem:v18+s26+$0x0], $0xffff;
	[tilespmem:s25+$0xFFFFFF30] =	vst v17  }
0x2be: {  	v30 =	vld [tilespmem:$0x1FF90]  }
0x2bf: {  	v16 =	vor.u32 v29, v5;
	[tilespmem:s25+$0xFFFFFC30] =	vst v12;
	v12 =	vld.idx.msk [tilespmem:v19+s26+$0x0], $0xffff  }
0x2c0: {  	v19 =	vld [tilespmem:$0x1FEB0];
	[tilespmem:s25+$0xFFFFFCC0] =	vst v10  }
0x2c1: {  	v14 =	vor.u32 v54, v3;
	[tilespmem:s25+$0xFFFFFD40] =	vst v9;
	v9 =	vld.idx.msk [tilespmem:v20+s26+$0x0], $0xffff  }
0x2c2: {  	v13 =	vor.u32 v13, v8;
	v20 =	vld [tilespmem:$0x1FD40];
	_ =	sdelay $0x1  }
0x2c3: {  	v16 =	vld.idx.msk [tilespmem:v16+s26+$0x0], $0xffff;
	v10 =	vor.u32 v40, v4;
	[tilespmem:s25+$0xFFFFFDC0] =	vst v15  }
0x2c4: {  	v17 =	vor.u32 v30, v2;
	v15 =	vld [tilespmem:$0x1FD70]  }
0x2c5: {  	v14 =	vld.idx.msk [tilespmem:v14+s26+$0x0], $0xffff;
	v19 =	vor.u32 v19, v11  }
0x2c6: {  	v13 =	vld.idx.msk [tilespmem:v13+s26+$0x0], $0xffff;
	[tilespmem:s25+$0xFFFFFFD0] =	vst v18;
	v20 =	vor.u32 v20, v5  }
0x2c7: {  	v18 =	vld [tilespmem:$0x1FE40]  }
0x2c8: {  	v10 =	vld.idx.msk [tilespmem:v10+s26+$0x0], $0xffff  }
0x2c9: {  	[tilespmem:s25+$0xFFFFFE40] =	vst v16;
	v15 =	vor.u32 v15, v6;
	v17 =	vld.idx.msk [tilespmem:v17+s26+$0x0], $0xffff  }
0x2ca: {  	[tilespmem:s25+$0xFFFFFEC0] =	vst v12;
	v19 =	vld.idx.msk [tilespmem:v19+s26+$0x0], $0xffff  }
0x2cb: {  	[tilespmem:s25+$0xFFFFFF40] =	vst v13;
	v13 =	vld.idx.msk [tilespmem:v20+s26+$0x0], $0xffff  }
0x2cc: {  	v20 =	vld [tilespmem:$0x1FEC0];
	[tilespmem:s25+$0xFFFFFC40] =	vst v9  }
0x2cd: {  	v16 =	vor.u32 v39, v7;
	v23 =	vld [tilespmem:$0x1FF80];
	[tilespmem:s25+$0xFFFFFCD0] =	vst v14  }
0x2ce: {  	v18 =	vor.u32 v18, v8;
	v15 =	vld.idx.msk [tilespmem:v15+s26+$0x0], $0xffff;
	[tilespmem:s25+$0xFFFFFD50] =	vst v17  }
0x2cf: {  	v17 =	vld [tilespmem:$0x1FD50];
	[tilespmem:s25+$0xFFFFFFE0] =	vst v19  }
0x2d0: {  	v12 =	vor.u32 v56, v3;
	v19 =	vld [tilespmem:$0x1FF70];
	[tilespmem:s25+$0xFFFFFDD0] =	vst v10  }
0x2d1: {  	v10 =	vld [tilespmem:$0x1FE50];
	v20 =	vor.u32 v20, v11  }
0x2d2: {  	v16 =	vld.idx.msk [tilespmem:v16+s26+$0x0], $0xffff;
	[tilespmem:s25+$0xFFFFFE50] =	vst v13;
	v9 =	vor.u32 v23, v2  }
0x2d3: {  	v14 =	vor.u32 v43, v4;
	v18 =	vld.idx.msk [tilespmem:v18+s26+$0x0], $0xffff;
	[tilespmem:s25+$0xFFFFFED0] =	vst v15  }
0x2d4: {  	v17 =	vor.u32 v17, v5;
	v15 =	vld [tilespmem:$0x1FCD0]  }
0x2d5: {  	v12 =	vld.idx.msk [tilespmem:v12+s26+$0x0], $0xffff;
	v19 =	vor.u32 v19, v6  }
0x2d6: {  	v10 =	vor.u32 v10, v8;
	v20 =	vld.idx.msk [tilespmem:v20+s26+$0x0], $0xffff  }
0x2d7: {  	v9 =	vld.idx.msk [tilespmem:v9+s26+$0x0], $0xffff  }
0x2d8: {  	v14 =	vld.idx.msk [tilespmem:v14+s26+$0x0], $0xffff;
	[tilespmem:s25+$0xFFFFFF50] =	vst v18  }
0x2d9: {  	[tilespmem:s25+$0xFFFFFC50] =	vst v16;
	v11 =	vor.u32 v15, v11;
	v15 =	vor.u32 v58, v3;
	v17 =	vld.idx.msk [tilespmem:v17+s26+$0x0], $0xffff  }
0x2da: {  	[tilespmem:s25+$0xFFFFFCE0] =	vst v12;
	v18 =	vld.idx.msk [tilespmem:v19+s26+$0x0], $0xffff  }
0x2db: {  	v10 =	vld.idx.msk [tilespmem:v10+s26+$0x0], $0xffff;
	[tilespmem:s25+$0xFFFFFFF0] =	vst v20  }
0x2dc: {  	v13 =	vor.u32 v41, v7;
	v19 =	vld [tilespmem:$0x1FF20];
	[tilespmem:s25+$0xFFFFFD60] =	vst v9  }
0x2dd: {  	v9 =	vld [tilespmem:$0x1FF00]  }
0x2de: {  	[tilespmem:s25+$0xFFFFFDE0] =	vst v14;
	v14 =	vld.idx.msk [tilespmem:v15+s26+$0x0], $0xffff  }
0x2df: {  	v16 =	vor.u32 v32, v2;
	v15 =	vld [tilespmem:$0x1FF10];
	[tilespmem:s25+$0xFFFFFE60] =	vst v17  }
0x2e0: {  	v12 =	vor.u32 v62, v4;
	v57 =	vld [tilespmem:$0x1FCF0];
	[tilespmem:s25+$0xFFFFFEE0] =	vst v18  }
0x2e1: {  	v13 =	vld.idx.msk [tilespmem:v13+s26+$0x0], $0xffff;
	v3 =	vor.u32 v26, v3;
	[tilespmem:s25+$0xFFFFFF60] =	vst v10  }
0x2e2: {  	v45 =	vld [tilespmem:$0x1FD00];
	v19 =	vor.u32 v19, v5  }
0x2e3: {  	v11 =	vld.idx.msk [tilespmem:v11+s26+$0x0], $0xffff;
	v9 =	vor.u32 v9, v6  }
0x2e4: {  	v16 =	vld.idx.msk [tilespmem:v16+s26+$0x0], $0xffff;
	v15 =	vor.u32 v15, v8  }
0x2e5: {  	v12 =	vld.idx.msk [tilespmem:v12+s26+$0x0], $0xffff;
	[tilespmem:s25+$0xFFFFFCF0] =	vst v14;
	v17 =	vor.u32 v57, v7  }
0x2e6: {  	v4 =	vor.u32 v42, v4;
	v3 =	vld.idx.msk [tilespmem:v3+s26+$0x0], $0xffff  }
0x2e7: {  	[tilespmem:s25+$0xFFFFFC60] =	vst v13;
	v2 =	vor.u32 v45, v2;
	v10 =	vld.idx.msk [tilespmem:v19+s26+$0x0], $0xffff  }
0x2e8: {  	v5 =	vor.u32 v27, v5;
	[tilespmem:s25+$0x0] =	vst v11;
	v9 =	vld.idx.msk [tilespmem:v9+s26+$0x0], $0xffff  }
0x2e9: {  	v6 =	vor.u32 v25, v6;
	[tilespmem:s25+$0xFFFFFD70] =	vst v16;
	v11 =	vld.idx.msk [tilespmem:v15+s26+$0x0], $0xffff  }
0x2ea: {  	v8 =	vor.u32 v22, v8;
	[tilespmem:s25+$0xFFFFFDF0] =	vst v12;
	v13 =	vld.idx.msk [tilespmem:v17+s26+$0x0], $0xffff  }
0x2eb: {  	v7 =	vor.u32 v44, v7;
	v4 =	vld.idx.msk [tilespmem:v4+s26+$0x0], $0xffff;
	[tilespmem:s25+$0xFFFFFD00] =	vst v3  }
0x2ec: {  	v2 =	vld.idx.msk [tilespmem:v2+s26+$0x0], $0xffff;
	[tilespmem:s25+$0xFFFFFE70] =	vst v10  }
0x2ed: {  	[tilespmem:s25+$0xFFFFFEF0] =	vst v9;
	v5 =	vld.idx.msk [tilespmem:v5+s26+$0x0], $0xffff  }
0x2ee: {  	[tilespmem:s25+$0xFFFFFF70] =	vst v11;
	v6 =	vld.idx.msk [tilespmem:v6+s26+$0x0], $0xffff  }
0x2ef: {  	[tilespmem:s25+$0xFFFFFC70] =	vst v13;
	v8 =	vld.idx.msk [tilespmem:v8+s26+$0x0], $0xffff  }
0x2f0: {  	[tilespmem:s25+$0xFFFFFE00] =	vst v4;
	v3 =	vld.idx.msk [tilespmem:v7+s26+$0x0], $0xffff  }
0x2f1: {  	[tilespmem:s25+$0xFFFFFD80] =	vst v2  }
0x2f2: {  	[tilespmem:s25+$0xFFFFFE80] =	vst v5  }
0x2f3: {  	s0 =	sadd.s32 $0x1, s21;
	s29 =	simm.s32 $0x1;
	[tilespmem:s25+$0xFFFFFF00] =	vst v6  }
0x2f4: {  	s1 =	simm.s32 $0x0;
	s31 =	sshll.u32 s0, $0xC;
	s0 =	sshll.u32 s0, $0xA;
	v4 =	vmov s29;
	[tilespmem:s25+$0xFFFFFF80] =	vst v8  }
0x2f5: {  	s0 =	sand.u32 $0x7C00, s0;
	s29 =	simm.s32 $0x7;
	v4 =	vshrl.u32 v4, $0x3;
	v2 =	vmov s1;
	s26 =	sand.u32 $0xFFFE0000, s31;
	[tilespmem:s25+$0xFFFFFC80] =	vst v3  }
0x2f6: {  	s28 =	simm.s32 $0x2;
	v4 =	vshll.u32 v4, v1;
	v9 =	vmov s29;
	v2 =	vshrl.u32 v2, $0x3;
	s0 =	sor.u32 s0, s26;
	v24 =	vld [tilespmem:$0x1FE70]  }
0x2f7: {  	s30 =	simm.s32 $0x3;
	v9 =	vshrl.u32 v9, $0x3;
	v2 =	vshll.u32 v2, v1;
	v5 =	vmov s28;
	s28 =	simm.s32 $0x4;
	s0 =	sshrl.u32 s0, $0x3  }
0x2f8: {  	s31 =	simm.s32 $0x5;
	v2 =	vbroadcast v2, $0x0;
	v6 =	vmov s30;
	v7 =	vmov s28;
	s30 =	sadd.s32 s2, s0;
	s28 =	sadd.s32 $0x13200, s18  }
0x2f9: {  	v5 =	vshrl.u32 v5, $0x3;
	v8 =	vmov s31;
	v6 =	vshrl.u32 v6, $0x3;
	[hbm4b:s30+s1] =	stream.linear.scatter [tilespmem:s28], [sflag:s22], $0x400, $0x38;
	[tilespmem:$0x1C200] =	vst v63  }
0x2fa: {  	s29 =	sadd.s32 $0x13600, s18;
	s26 =	sadd.s32 s0, s8;
	s31 =	simm.s32 $0x6;
	v11 =	vshrl.u32 v7, $0x3;
	v7 =	vshll.u32 v9, v1;
	v9 =	vbroadcast v4, $0x0  }
0x2fb: {  	v4 =	vshll.u32 v5, v1;
	v10 =	vmov s31;
	[hbm4b:s26+s1] =	stream.linear.scatter [tilespmem:s29], [sflag:s22], $0x400, $0x38;
	v3 =	vor.u32 v24, v2;
	[tilespmem:$0x1C200] =	vst v63  }
0x2fc: {  	v12 =	vshrl.u32 v8, $0x3;
	s31 =	sadd.s32 $0x13A00, s18;
	v8 =	vbroadcast v4, $0x0;
	v4 =	vshll.u32 v6, v1;
	s30 =	sadd.s32 s0, s9  }
0x2fd: {  	v7 =	vbroadcast v7, $0x0;
	v6 =	vbroadcast v4, $0x0;
	v4 =	vshll.u32 v11, v1;
	[hbm4b:s30+s1] =	stream.linear.scatter [tilespmem:s31], [sflag:s22], $0x400, $0x38;
	[tilespmem:$0x1C200] =	vst v63  }
0x2fe: {  	s25 =	sadd.s32 $0x5200, s20;
	s0 =	sadd.s32 s0, s10;
	v5 =	vbroadcast v4, $0x0;
	v4 =	vshll.u32 v12, v1;
	v12 =	vld [tilespmem:$0x1FFB0];
	s29 =	sadd.s32 $0x13E00, s18  }
0x2ff: {  	v13 =	vor.u32 v53, v7;
	[hbm4b:s0+s1] =	stream.linear.scatter [tilespmem:s29], [sflag:s22], $0x400, $0x38;
	[tilespmem:$0x1C200] =	vst v63  }
0x300: {  	v14 =	vor.u32 v46, v9;
	v15 =	vld.idx.msk [tilespmem:v3+s25+$0x0], $0xffff  }
0x301: {  	v3 =	vld [tilespmem:$0x1FFF0]  }
0x302: {  	v18 =	vld [tilespmem:$0x1FEE0];
	v11 =	vor.u32 v61, v8  }
0x303: {  	v17 =	vld [tilespmem:$0x1FEF0];
	v12 =	vor.u32 v12, v6  }
0x304: {  	v10 =	vshrl.u32 v10, $0x3;
	v13 =	vld.idx.msk [tilespmem:v13+s25+$0x0], $0xffff  }
0x305: {  	v10 =	vshll.u32 v10, v1;
	v14 =	vld.idx.msk [tilespmem:v14+s25+$0x0], $0xffff  }
0x306: {  	v16 =	vor.u32 v3, v5;
	v3 =	vbroadcast v10, $0x0;
	v10 =	vld [tilespmem:$0x1FF40]  }
0x307: {  	v18 =	vor.u32 v18, v7;
	v11 =	vld.idx.msk [tilespmem:v11+s25+$0x0], $0xffff  }
0x308: {  	v12 =	vld.idx.msk [tilespmem:v12+s25+$0x0], $0xffff  }
0x309: {  	v22 =	vld [tilespmem:$0x1FD10];
	v4 =	vbroadcast v4, $0x0;
	[tilespmem:s24+$0xFFFFFF90] =	vst v13  }
0x30a: {  	[tilespmem:s24+$0xFFFFFC90] =	vst v14  }
0x30b: {  	v13 =	vld [tilespmem:$0x1FF50];
	v10 =	vor.u32 v10, v4  }
0x30c: {  	v14 =	vld.idx.msk [tilespmem:v18+s25+$0x0], $0xffff;
	[tilespmem:s24+$0xFFFFFD10] =	vst v11;
	v17 =	vor.u32 v17, v3  }
0x30d: {  	v19 =	vor.u32 v48, v9;
	v11 =	vld [tilespmem:$0x1FE00];
	[tilespmem:s24+$0xFFFFFD90] =	vst v12  }
0x30e: {  	v20 =	vor.u32 v63, v8;
	v12 =	vld [tilespmem:$0x1FE60]  }
0x30f: {  	v21 =	vor.u32 v34, v6;
	v16 =	vld.idx.msk [tilespmem:v16+s25+$0x0], $0xffff  }
0x310: {  	v22 =	vor.u32 v22, v5;
	v10 =	vld.idx.msk [tilespmem:v10+s25+$0x0], $0xffff  }
0x311: {  	v17 =	vld.idx.msk [tilespmem:v17+s25+$0x0], $0xffff  }
0x312: {  	v18 =	vld.idx.msk [tilespmem:v19+s25+$0x0], $0xffff;
	v13 =	vor.u32 v13, v4  }
0x313: {  	v19 =	vld.idx.msk [tilespmem:v20+s25+$0x0], $0xffff;
	v11 =	vor.u32 v11, v3  }
0x314: {  	v21 =	vld.idx.msk [tilespmem:v21+s25+$0x0], $0xffff;
	[tilespmem:s24+$0xFFFFFE10] =	vst v16  }
0x315: {  	v12 =	vor.u32 v12, v7;
	v22 =	vld.idx.msk [tilespmem:v22+s25+$0x0], $0xffff;
	[tilespmem:s24+$0xFFFFFE90] =	vst v10  }
0x316: {  	v20 =	vor.u32 v33, v2;
	v10 =	vld [tilespmem:$0x1FDF0];
	[tilespmem:s24+$0xFFFFFF10] =	vst v17  }
0x317: {  	v13 =	vld.idx.msk [tilespmem:v13+s25+$0x0], $0xffff;
	[tilespmem:s24+$0xFFFFFFA0] =	vst v14  }
0x318: {  	v16 =	vor.u32 v50, v9;
	[tilespmem:s24+$0xFFFFFC10] =	vst v15;
	v11 =	vld.idx.msk [tilespmem:v11+s25+$0x0], $0xffff  }
0x319: {  	v14 =	vld [tilespmem:$0x1FD20]  }
0x31a: {  	v12 =	vld.idx.msk [tilespmem:v12+s25+$0x0], $0xffff  }
0x31b: {  	v15 =	vld.idx.msk [tilespmem:v20+s25+$0x0], $0xffff;
	[tilespmem:s24+$0xFFFFFCA0] =	vst v18  }
0x31c: {  	v18 =	vld [tilespmem:$0x1FD60]  }
0x31d: {  	v16 =	vld.idx.msk [tilespmem:v16+s25+$0x0], $0xffff;
	[tilespmem:s24+$0xFFFFFD20] =	vst v19  }
0x31e: {  	v19 =	vld [tilespmem:$0x1FE20];
	[tilespmem:s24+$0xFFFFFDA0] =	vst v21  }
0x31f: {  	v17 =	vor.u32 v36, v6;
	v20 =	vld [tilespmem:$0x1FE10];
	[tilespmem:s24+$0xFFFFFE20] =	vst v22  }
0x320: {  	[tilespmem:s24+$0xFFFFFEA0] =	vst v13  }
0x321: {  	v10 =	vor.u32 v10, v8;
	v13 =	vld [tilespmem:$0x1FFA0];
	[tilespmem:s24+$0xFFFFFFB0] =	vst v12  }
0x322: {  	v14 =	vor.u32 v14, v5;
	[tilespmem:s24+$0xFFFFFF20] =	vst v11  }
0x323: {  	[tilespmem:s24+$0xFFFFFC20] =	vst v15;
	v18 =	vor.u32 v18, v4  }
0x324: {  	v17 =	vld.idx.msk [tilespmem:v17+s25+$0x0], $0xffff;
	[tilespmem:s24+$0xFFFFFCB0] =	vst v16;
	v19 =	vor.u32 v19, v7  }
0x325: {  	v16 =	vld [tilespmem:$0x1FE80];
	v20 =	vor.u32 v20, v3  }
0x326: {  	v21 =	vor.u32 v35, v2;
	v10 =	vld.idx.msk [tilespmem:v10+s25+$0x0], $0xffff  }
0x327: {  	v22 =	vor.u32 v52, v9;
	v14 =	vld.idx.msk [tilespmem:v14+s25+$0x0], $0xffff  }
0x328: {  	v18 =	vld.idx.msk [tilespmem:v18+s25+$0x0], $0xffff  }
0x329: {  	v11 =	vld.idx.msk [tilespmem:v19+s25+$0x0], $0xffff  }
0x32a: {  	v13 =	vor.u32 v13, v8;
	v19 =	vld.idx.msk [tilespmem:v20+s25+$0x0], $0xffff  }
0x32b: {  	v12 =	vor.u32 v38, v6;
	v20 =	vld.idx.msk [tilespmem:v21+s25+$0x0], $0xffff  }
0x32c: {  	v15 =	vor.u32 v29, v5;
	v21 =	vld.idx.msk [tilespmem:v22+s25+$0x0], $0xffff;
	[tilespmem:s24+$0xFFFFFD30] =	vst v10  }
0x32d: {  	v16 =	vor.u32 v16, v7;
	v10 =	vld [tilespmem:$0x1FF60];
	[tilespmem:s24+$0xFFFFFDB0] =	vst v17  }
0x32e: {  	v17 =	vld [tilespmem:$0x1FE30];
	[tilespmem:s24+$0xFFFFFE30] =	vst v14  }
0x32f: {  	v13 =	vld.idx.msk [tilespmem:v13+s25+$0x0], $0xffff;
	[tilespmem:s24+$0xFFFFFEB0] =	vst v18  }
0x330: {  	v12 =	vld.idx.msk [tilespmem:v12+s25+$0x0], $0xffff;
	[tilespmem:s24+$0xFFFFFFC0] =	vst v11  }
0x331: {  	v22 =	vor.u32 v37, v2;
	v15 =	vld.idx.msk [tilespmem:v15+s25+$0x0], $0xffff;
	[tilespmem:s24+$0xFFFFFF30] =	vst v19  }
0x332: {  	v16 =	vld.idx.msk [tilespmem:v16+s25+$0x0], $0xffff;
	[tilespmem:s24+$0xFFFFFC30] =	vst v20  }
0x333: {  	v14 =	vor.u32 v54, v9;
	v19 =	vld [tilespmem:$0x1FEB0];
	[tilespmem:s24+$0xFFFFFCC0] =	vst v21  }
0x334: {  	v10 =	vor.u32 v10, v4;
	v21 =	vld [tilespmem:$0x1FD40];
	[tilespmem:s24+$0xFFFFFD40] =	vst v13  }
0x335: {  	v17 =	vor.u32 v17, v3;
	v13 =	vld [tilespmem:$0x1FD70]  }
0x336: {  	v11 =	vor.u32 v30, v8;
	v20 =	vld.idx.msk [tilespmem:v22+s25+$0x0], $0xffff;
	[tilespmem:s24+$0xFFFFFDC0] =	vst v12  }
0x337: {  	v18 =	vor.u32 v40, v6;
	v12 =	vld [tilespmem:$0x1FE40]  }
0x338: {  	v14 =	vld.idx.msk [tilespmem:v14+s25+$0x0], $0xffff;
	v19 =	vor.u32 v19, v7  }
0x339: {  	v10 =	vld.idx.msk [tilespmem:v10+s25+$0x0], $0xffff;
	v21 =	vor.u32 v21, v5  }
0x33a: {  	v17 =	vld.idx.msk [tilespmem:v17+s25+$0x0], $0xffff;
	v13 =	vor.u32 v13, v4  }
0x33b: {  	v11 =	vld.idx.msk [tilespmem:v11+s25+$0x0], $0xffff  }
0x33c: {  	v18 =	vld.idx.msk [tilespmem:v18+s25+$0x0], $0xffff;
	[tilespmem:s24+$0xFFFFFFD0] =	vst v16;
	v12 =	vor.u32 v12, v3  }
0x33d: {  	v22 =	vor.u32 v39, v2;
	[tilespmem:s24+$0xFFFFFE40] =	vst v15;
	v15 =	vld.idx.msk [tilespmem:v19+s25+$0x0], $0xffff  }
0x33e: {  	v21 =	vld.idx.msk [tilespmem:v21+s25+$0x0], $0xffff;
	[tilespmem:s24+$0xFFFFFEC0] =	vst v10  }
0x33f: {  	v10 =	vld.idx.msk [tilespmem:v13+s25+$0x0], $0xffff;
	[tilespmem:s24+$0xFFFFFF40] =	vst v17  }
0x340: {  	v13 =	vld [tilespmem:$0x1FEC0]  }
0x341: {  	v16 =	vor.u32 v56, v9;
	[tilespmem:s24+$0xFFFFFC40] =	vst v20;
	v12 =	vld.idx.msk [tilespmem:v12+s25+$0x0], $0xffff  }
0x342: {  	[tilespmem:s24+$0xFFFFFCD0] =	vst v14;
	v20 =	vld.idx.msk [tilespmem:v22+s25+$0x0], $0xffff  }
0x343: {  	v14 =	vld [tilespmem:$0x1FD50];
	[tilespmem:s24+$0xFFFFFD50] =	vst v11  }
0x344: {  	v11 =	vld [tilespmem:$0x1FF70]  }
0x345: {  	v19 =	vor.u32 v23, v8;
	v22 =	vld [tilespmem:$0x1FE50];
	[tilespmem:s24+$0xFFFFFFE0] =	vst v15  }
0x346: {  	v17 =	vor.u32 v43, v6;
	v16 =	vld.idx.msk [tilespmem:v16+s25+$0x0], $0xffff;
	[tilespmem:s24+$0xFFFFFDD0] =	vst v18  }
0x347: {  	[tilespmem:s24+$0xFFFFFE50] =	vst v21  }
0x348: {  	[tilespmem:s24+$0xFFFFFED0] =	vst v10;
	v13 =	vor.u32 v13, v7  }
0x349: {  	v10 =	vld [tilespmem:$0x1FCD0];
	[tilespmem:s24+$0xFFFFFF50] =	vst v12;
	v11 =	vor.u32 v11, v4  }
0x34a: {  	v19 =	vld.idx.msk [tilespmem:v19+s25+$0x0], $0xffff;
	[tilespmem:s24+$0xFFFFFC50] =	vst v20  }
0x34b: {  	v23 =	vld.idx.msk [tilespmem:v17+s25+$0x0], $0xffff;
	v14 =	vor.u32 v14, v5;
	[tilespmem:s24+$0xFFFFFCE0] =	vst v16  }
0x34c: {  	v15 =	vor.u32 v41, v2;
	v16 =	vld [tilespmem:$0x1FF00]  }
0x34d: {  	v22 =	vor.u32 v22, v3;
	v13 =	vld.idx.msk [tilespmem:v13+s25+$0x0], $0xffff  }
0x34e: {  	v26 =	vld.idx.msk [tilespmem:v11+s25+$0x0], $0xffff  }
0x34f: {  	v10 =	vor.u32 v10, v7;
	v11 =	vld [tilespmem:$0x1FF20]  }
0x350: {  	v18 =	vor.u32 v58, v9;
	v14 =	vld.idx.msk [tilespmem:v14+s25+$0x0], $0xffff  }
0x351: {  	v27 =	vor.u32 v62, v6;
	s30 =	simm.s32 $0x8;
	v12 =	vld.idx.msk [tilespmem:v15+s25+$0x0], $0xffff;
	[tilespmem:s24+$0xFFFFFD60] =	vst v19  }
0x352: {  	v7 =	vmov s30;
	v28 =	vld.idx.msk [tilespmem:v22+s25+$0x0], $0xffff;
	v16 =	vor.u32 v16, v4;
	[tilespmem:s24+$0xFFFFFFF0] =	vst v13  }
0x353: {  	v21 =	vor.u32 v32, v8;
	v7 =	vshrl.u32 v7, $0x3;
	v13 =	vld [tilespmem:$0x1FF10]  }
0x354: {  	s1 =	simm.s32 $0xA;
	s29 =	simm.s32 $0xC;
	v7 =	vshll.u32 v7, v1;
	v17 =	vld.idx.msk [tilespmem:v10+s25+$0x0], $0xffff;
	[tilespmem:s24+$0xFFFFFDE0] =	vst v23;
	v15 =	vor.u32 v11, v5  }
0x355: {  	s26 =	simm.s32 $0xB;
	v25 =	vmov s29;
	v29 =	vmov s1;
	v7 =	vbroadcast v7, $0x0;
	[tilespmem:s24+$0xFFFFFE60] =	vst v14;
	v11 =	vld.idx.msk [tilespmem:v18+s25+$0x0], $0xffff  }
0x356: {  	s31 =	simm.s32 $0x9;
	v30 =	vmov s26;
	v9 =	vor.u32 v59, v9;
	v8 =	vor.u32 v45, v8;
	v14 =	vld.idx.msk [tilespmem:v27+s25+$0x0], $0xffff;
	[tilespmem:s24+$0xFFFFFEE0] =	vst v26  }
0x357: {  	v20 =	vor.u32 v57, v2;
	s30 =	simm.s32 $0xD;
	v10 =	vor.u32 v24, v7;
	v18 =	vmov s31;
	v16 =	vld.idx.msk [tilespmem:v16+s25+$0x0], $0xffff  }
0x358: {  	v24 =	vmov s30;
	s31 =	simm.s32 $0xE;
	v22 =	vshrl.u32 v18, $0x3;
	v19 =	vor.u32 v13, v3;
	v13 =	vld.idx.msk [tilespmem:v21+s25+$0x0], $0xffff  }
0x359: {  	s28 =	simm.s32 $0xF;
	s26 =	simm.s32 $0x10;
	[tilespmem:s24+$0xFFFFFF60] =	vst v28;
	v23 =	vmov s31;
	v18 =	vshrl.u32 v30, $0x3;
	v21 =	vshrl.u32 v29, $0x3;
	v15 =	vld.idx.msk [tilespmem:v15+s25+$0x0], $0xffff  }
.LBB2_8:
0x35a: {  	_ =	sdelay $0x1  }
0x35b: {  	[tilespmem:s24+$0xFFFFFCF0] =	vst v11;
	v11 =	vld [tilespmem:$0x1FEA0]  }
0x35c: {  	v26 =	vmov s28;
	[tilespmem:s24+$0xFFFFFC60] =	vst v12;
	v12 =	vld.idx.msk [tilespmem:v19+s25+$0x0], $0xffff  }
0x35d: {  	v19 =	vshrl.u32 v24, $0x3;
	v24 =	vshrl.u32 v26, $0x3;
	v26 =	vld [tilespmem:$0x1FF30];
	_ =	sdelay $0x2  }
0x35e: {  	v4 =	vor.u32 v11, v4;
	v11 =	vshll.u32 v22, v1;
	v22 =	vld.idx.msk [tilespmem:v9+s25+$0x0], $0xffff  }
0x35f: {  	v9 =	vld [tilespmem:$0x1FE90]  }
0x360: {  	[tilespmem:s24+$0xFFFFFDF0] =	vst v14;
	v14 =	vld [tilespmem:$0x1FED0];
	v5 =	vor.u32 v26, v5  }
0x361: {  	v6 =	vor.u32 v42, v6  }
0x362: {  	[tilespmem:s24+$0x0] =	vst v17;
	v17 =	vld.idx.msk [tilespmem:v10+s25+$0x0], $0xffff;
	v10 =	vshll.u32 v24, v1  }
0x363: {  	v25 =	vshrl.u32 v25, $0x3;
	v20 =	vld.idx.msk [tilespmem:v20+s25+$0x0], $0xffff;
	v10 =	vbroadcast v10, $0x0;
	[tilespmem:s24+$0xFFFFFD70] =	vst v13  }
0x364: {  	[tilespmem:s24+$0xFFFFFE70] =	vst v15;
	v13 =	vld.idx.msk [tilespmem:v8+s25+$0x0], $0xffff;
	v3 =	vor.u32 v9, v3;
	v9 =	vbroadcast v11, $0x0;
	v11 =	vshll.u32 v21, v1  }
0x365: {  	v14 =	vor.u32 v14, v10;
	v21 =	vld.idx.msk [tilespmem:v5+s25+$0x0], $0xffff;
	v8 =	vbroadcast v11, $0x0;
	v11 =	vshll.u32 v18, v1  }
0x366: {  	[tilespmem:s24+$0xFFFFFEF0] =	vst v16;
	v18 =	vld.idx.msk [tilespmem:v6+s25+$0x0], $0xffff;
	v6 =	vbroadcast v11, $0x0;
	v11 =	vshll.u32 v25, v1  }
0x367: {  	v5 =	vbroadcast v11, $0x0;
	v11 =	vshll.u32 v19, v1;
	v19 =	vld.idx.msk [tilespmem:v4+s25+$0x0], $0xffff  }
0x368: {  	v15 =	vor.u32 v46, v9;
	v4 =	vld [tilespmem:$0x1FFB0]  }
0x369: {  	v2 =	vor.u32 v44, v2;
	[tilespmem:s24+$0xFFFFFF70] =	vst v12  }
0x36a: {  	[tilespmem:s24+$0xFFFFFC70] =	vst v20;
	v14 =	vld.idx.msk [tilespmem:v14+s25+$0x0], $0xffff  }
0x36b: {  	[tilespmem:s24+$0xFFFFFD00] =	vst v22;
	v16 =	vor.u32 v61, v8;
	v20 =	vld.idx.msk [tilespmem:v3+s25+$0x0], $0xffff  }
0x36c: {  	v23 =	vshrl.u32 v23, $0x3;
	[tilespmem:s24+$0xFFFFFE00] =	vst v18;
	v18 =	vld [tilespmem:$0x1FEE0]  }
0x36d: {  	[tilespmem:s24+$0xFFFFFD80] =	vst v13;
	v13 =	vld.idx.msk [tilespmem:v15+s25+$0x0], $0xffff;
	v12 =	vor.u32 v4, v6;
	v4 =	vbroadcast v11, $0x0;
	v11 =	vshll.u32 v23, v1  }
0x36e: {  	v23 =	vor.u32 v0, v5;
	v3 =	vbroadcast v11, $0x0;
	v11 =	vld.idx.msk [tilespmem:v2+s25+$0x0], $0xffff  }
0x36f: {  	v15 =	vld [tilespmem:$0x1FEF0]  }
0x370: {  	[tilespmem:s24+$0xFFFFFE80] =	vst v21;
	v16 =	vld.idx.msk [tilespmem:v16+s25+$0x0], $0xffff  }
0x371: {  	[tilespmem:s24+$0xFFFFFF00] =	vst v19;
	v2 =	vmov v7;
	v7 =	vld [tilespmem:$0x1FF40]  }
0x372: {  	[tilespmem:s24+$0xFFFFFF80] =	vst v20;
	v18 =	vor.u32 v18, v10;
	v12 =	vld.idx.msk [tilespmem:v12+s25+$0x0], $0xffff  }
0x373: {  	v21 =	vor.u32 v48, v9;
	v22 =	vld.idx.msk [tilespmem:v23+s25+$0x0], $0xffff;
	[tilespmem:s24+$0xFFFFFC80] =	vst v11;
	s24 =	sadd.s32 $0x400, s24  }
0x374: {  	v19 =	vor.u32 v63, v8;
	v11 =	vld [tilespmem:$0x1FD10];
	[tilespmem:s24+$0xFFFFFF90] =	vst v14  }
0x375: {  	v15 =	vor.u32 v15, v3;
	[tilespmem:s24+$0xFFFFFC90] =	vst v13;
	v13 =	vld [tilespmem:$0x1FF50]  }
0x376: {  	[tilespmem:s24+$0xFFFFFD10] =	vst v16;
	v16 =	vld [tilespmem:$0x1FE00]  }
0x377: {  	v7 =	vor.u32 v7, v4;
	v14 =	vld.idx.msk [tilespmem:v18+s25+$0x0], $0xffff  }
0x378: {  	v20 =	vor.u32 v34, v6;
	v18 =	vld.idx.msk [tilespmem:v21+s25+$0x0], $0xffff  }
0x379: {  	v19 =	vld.idx.msk [tilespmem:v19+s25+$0x0], $0xffff  }
0x37a: {  	v21 =	vor.u32 v33, v2;
	v15 =	vld.idx.msk [tilespmem:v15+s25+$0x0], $0xffff  }
0x37b: {  	[tilespmem:s24+$0xFFFFFD90] =	vst v12;
	v12 =	vld [tilespmem:$0x1FE60]  }
0x37c: {  	[tilespmem:s24+$0xFFFFFC10] =	vst v17;
	v7 =	vld.idx.msk [tilespmem:v7+s25+$0x0], $0xffff  }
0x37d: {  	[tilespmem:s24+$0xFFFFFE10] =	vst v22;
	v22 =	vor.u32 v50, v9;
	v20 =	vld.idx.msk [tilespmem:v20+s25+$0x0], $0xffff  }
0x37e: {  	v11 =	vor.u32 v11, v5;
	[tilespmem:s24+$0xFFFFFFA0] =	vst v14;
	v14 =	vld [tilespmem:$0x1FD20]  }
0x37f: {  	v17 =	vld.idx.msk [tilespmem:v21+s25+$0x0], $0xffff  }
0x380: {  	v13 =	vor.u32 v13, v4;
	[tilespmem:s24+$0xFFFFFCA0] =	vst v18;
	v18 =	vld [tilespmem:$0x1FD60]  }
0x381: {  	v16 =	vor.u32 v16, v3;
	[tilespmem:s24+$0xFFFFFD20] =	vst v19;
	v19 =	vld [tilespmem:$0x1FE20]  }
0x382: {  	[tilespmem:s24+$0xFFFFFF10] =	vst v15;
	v21 =	vld.idx.msk [tilespmem:v22+s25+$0x0], $0xffff  }
0x383: {  	v15 =	vor.u32 v36, v6;
	v11 =	vld.idx.msk [tilespmem:v11+s25+$0x0], $0xffff;
	[tilespmem:s24+$0xFFFFFE90] =	vst v7  }
0x384: {  	v12 =	vor.u32 v12, v10;
	[tilespmem:s24+$0xFFFFFDA0] =	vst v20;
	v20 =	vld [tilespmem:$0x1FE10]  }
0x385: {  	v13 =	vld.idx.msk [tilespmem:v13+s25+$0x0], $0xffff  }
0x386: {  	v7 =	vor.u32 v31, v8;
	v16 =	vld.idx.msk [tilespmem:v16+s25+$0x0], $0xffff  }
0x387: {  	[tilespmem:s24+$0xFFFFFC20] =	vst v17;
	v17 =	vld [tilespmem:$0x1FD30]  }
0x388: {  	v14 =	vor.u32 v14, v5;
	v15 =	vld.idx.msk [tilespmem:v15+s25+$0x0], $0xffff  }
0x389: {  	v18 =	vor.u32 v18, v4;
	v12 =	vld.idx.msk [tilespmem:v12+s25+$0x0], $0xffff  }
0x38a: {  	[tilespmem:s24+$0xFFFFFCB0] =	vst v21;
	v21 =	vld [tilespmem:$0x1FE80]  }
0x38b: {  	v19 =	vor.u32 v19, v10;
	v7 =	vld.idx.msk [tilespmem:v7+s25+$0x0], $0xffff;
	[tilespmem:s24+$0xFFFFFE20] =	vst v11  }
0x38c: {  	v20 =	vor.u32 v20, v3;
	[tilespmem:s24+$0xFFFFFEA0] =	vst v13;
	v13 =	vld [tilespmem:$0x1FFA0]  }
0x38d: {  	v22 =	vor.u32 v35, v2;
	v14 =	vld.idx.msk [tilespmem:v14+s25+$0x0], $0xffff  }
0x38e: {  	v11 =	vor.u32 v52, v9;
	v18 =	vld.idx.msk [tilespmem:v18+s25+$0x0], $0xffff;
	[tilespmem:s24+$0xFFFFFDB0] =	vst v15  }
0x38f: {  	v15 =	vld [tilespmem:$0x1FE30];
	[tilespmem:s24+$0xFFFFFFB0] =	vst v12  }
0x390: {  	[tilespmem:s24+$0xFFFFFF20] =	vst v16;
	v17 =	vor.u32 v17, v5;
	v16 =	vld.idx.msk [tilespmem:v19+s25+$0x0], $0xffff  }
0x391: {  	v12 =	vor.u32 v38, v6;
	v19 =	vld.idx.msk [tilespmem:v20+s25+$0x0], $0xffff  }
0x392: {  	v20 =	vld.idx.msk [tilespmem:v22+s25+$0x0], $0xffff;
	v13 =	vor.u32 v13, v8  }
0x393: {  	v11 =	vld.idx.msk [tilespmem:v11+s25+$0x0], $0xffff;
	[tilespmem:s24+$0xFFFFFD30] =	vst v7  }
0x394: {  	v7 =	vld [tilespmem:$0x1FF60];
	[tilespmem:s24+$0xFFFFFE30] =	vst v14  }
0x395: {  	v17 =	vld.idx.msk [tilespmem:v17+s25+$0x0], $0xffff  }
0x396: {  	v21 =	vor.u32 v21, v10;
	v12 =	vld.idx.msk [tilespmem:v12+s25+$0x0], $0xffff  }
0x397: {  	[tilespmem:s24+$0xFFFFFEB0] =	vst v18;
	v13 =	vld.idx.msk [tilespmem:v13+s25+$0x0], $0xffff  }
0x398: {  	v22 =	vor.u32 v37, v2;
	[tilespmem:s24+$0xFFFFFFC0] =	vst v16;
	v16 =	vld [tilespmem:$0x1FF90]  }
0x399: {  	v14 =	vor.u32 v54, v9;
	[tilespmem:s24+$0xFFFFFF30] =	vst v19;
	v19 =	vld [tilespmem:$0x1FEB0]  }
0x39a: {  	v15 =	vor.u32 v15, v3;
	[tilespmem:s24+$0xFFFFFCC0] =	vst v11;
	v11 =	vld [tilespmem:$0x1FD40]  }
0x39b: {  	v7 =	vor.u32 v7, v4;
	[tilespmem:s24+$0xFFFFFC30] =	vst v20;
	v18 =	vld.idx.msk [tilespmem:v21+s25+$0x0], $0xffff  }
0x39c: {  	[tilespmem:s24+$0xFFFFFD40] =	vst v13;
	v13 =	vld [tilespmem:$0x1FD70]  }
0x39d: {  	v21 =	vor.u32 v40, v6;
	v20 =	vld.idx.msk [tilespmem:v22+s25+$0x0], $0xffff  }
0x39e: {  	v22 =	vor.u32 v39, v2;
	v14 =	vld.idx.msk [tilespmem:v14+s25+$0x0], $0xffff  }
0x39f: {  	v15 =	vld.idx.msk [tilespmem:v15+s25+$0x0], $0xffff;
	v16 =	vor.u32 v16, v8  }
0x3a0: {  	v7 =	vld.idx.msk [tilespmem:v7+s25+$0x0], $0xffff;
	v19 =	vor.u32 v19, v10  }
0x3a1: {  	[tilespmem:s24+$0xFFFFFDC0] =	vst v12;
	v12 =	vld [tilespmem:$0x1FE40];
	v13 =	vor.u32 v13, v4  }
0x3a2: {  	v21 =	vld.idx.msk [tilespmem:v21+s25+$0x0], $0xffff;
	[tilespmem:s24+$0xFFFFFC40] =	vst v20  }
0x3a3: {  	[tilespmem:s24+$0xFFFFFE40] =	vst v17;
	v20 =	vld.idx.msk [tilespmem:v22+s25+$0x0], $0xffff  }
0x3a4: {  	[tilespmem:s24+$0xFFFFFFD0] =	vst v18;
	v16 =	vld.idx.msk [tilespmem:v16+s25+$0x0], $0xffff  }
0x3a5: {  	v17 =	vld.idx.msk [tilespmem:v19+s25+$0x0], $0xffff;
	[tilespmem:s24+$0xFFFFFEC0] =	vst v7  }
0x3a6: {  	v12 =	vor.u32 v12, v3;
	v7 =	vld.idx.msk [tilespmem:v13+s25+$0x0], $0xffff  }
0x3a7: {  	v13 =	vld [tilespmem:$0x1FEC0]  }
0x3a8: {  	[tilespmem:s24+$0xFFFFFCD0] =	vst v14;
	v14 =	vld [tilespmem:$0x1FD50]  }
0x3a9: {  	v11 =	vor.u32 v11, v5;
	v22 =	vld [tilespmem:$0x1FE50]  }
0x3aa: {  	v18 =	vor.u32 v56, v9;
	[tilespmem:s24+$0xFFFFFF40] =	vst v15;
	v19 =	vld [tilespmem:$0x1FF80]  }
0x3ab: {  	v12 =	vld.idx.msk [tilespmem:v12+s25+$0x0], $0xffff;
	[tilespmem:s24+$0xFFFFFFE0] =	vst v17;
	v17 =	vor.u32 v41, v2  }
0x3ac: {  	[tilespmem:s24+$0xFFFFFD50] =	vst v16;
	v16 =	vld [tilespmem:$0x1FF70];
	v13 =	vor.u32 v13, v10  }
0x3ad: {  	[tilespmem:s24+$0xFFFFFED0] =	vst v7;
	v7 =	vld [tilespmem:$0x1FCD0]  }
0x3ae: {  	v15 =	vor.u32 v43, v6;
	v11 =	vld.idx.msk [tilespmem:v11+s25+$0x0], $0xffff  }
0x3af: {  	v18 =	vld.idx.msk [tilespmem:v18+s25+$0x0], $0xffff;
	[tilespmem:s24+$0xFFFFFC50] =	vst v20  }
0x3b0: {  	v14 =	vor.u32 v14, v5;
	[tilespmem:s24+$0xFFFFFF50] =	vst v12;
	v12 =	vld.idx.msk [tilespmem:v17+s25+$0x0], $0xffff  }
0x3b1: {  	v16 =	vor.u32 v16, v4;
	v13 =	vld.idx.msk [tilespmem:v13+s25+$0x0], $0xffff  }
0x3b2: {  	[tilespmem:s24+$0xFFFFFDD0] =	vst v21;
	v17 =	vld [tilespmem:$0x1FF00];
	v10 =	vor.u32 v7, v10  }
0x3b3: {  	v15 =	vld.idx.msk [tilespmem:v15+s25+$0x0], $0xffff  }
0x3b4: {  	v19 =	vor.u32 v19, v8;
	[tilespmem:s24+$0xFFFFFE50] =	vst v11;
	v11 =	vld [tilespmem:$0x1FF20]  }
0x3b5: {  	v22 =	vor.u32 v22, v3;
	v23 =	vld.idx.msk [tilespmem:v14+s25+$0x0], $0xffff  }
0x3b6: {  	v16 =	vld.idx.msk [tilespmem:v16+s25+$0x0], $0xffff;
	[tilespmem:s24+$0xFFFFFFF0] =	vst v13  }
0x3b7: {  	v28 =	vor.u32 v17, v4;
	v17 =	vld.idx.msk [tilespmem:v10+s25+$0x0], $0xffff  }
0x3b8: {  	v10 =	vld [tilespmem:$0x1FCF0]  }
0x3b9: {  	v21 =	vor.u32 v58, v9;
	v19 =	vld.idx.msk [tilespmem:v19+s25+$0x0], $0xffff  }
0x3ba: {  	[tilespmem:s24+$0xFFFFFCE0] =	vst v18;
	v27 =	vld.idx.msk [tilespmem:v22+s25+$0x0], $0xffff;
	v18 =	vor.u32 v11, v5  }
0x3bb: {  	s31 =	sadd.s32 $0x2, s26;
	[tilespmem:s24+$0xFFFFFEE0] =	vst v16;
	v16 =	vld [tilespmem:$0x1FD00]  }
0x3bc: {  	v29 =	vmov s31;
	v14 =	vor.u32 v32, v8;
	v13 =	vld [tilespmem:$0x1FF10]  }
0x3bd: {  	p1 =	slt.u32 s26, $0x18;
	s1 =	sadd.s32 $0x3, s26;
	s30 =	sadd.s32 $0x5, s26;
	v26 =	vor.u32 v62, v6;
	v7 =	vmov s26;
	v20 =	vor.u32 v10, v2;
	v10 =	vld [tilespmem:$0x1FE70]  }
.Ltmp7:
0x3be: {  	s29 =	sadd.s32 $0x4, s26;
	v30 =	vmov s1;
	v24 =	vmov s30;
	v11 =	vld.idx.msk [tilespmem:v21+s25+$0x0], $0xffff;
	[tilespmem:s24+$0xFFFFFE60] =	vst v23;
	v7 =	vshrl.u32 v7, $0x3;
	(pc) =	sbr.rel @p1 .LBB2_8-.Ltmp7, $4  }
0x3bf: {  	s0 =	sadd.s32 $0x1, s26;
	v25 =	vmov s29;
	v9 =	vor.u32 v59, v9;
	[tilespmem:s24+$0xFFFFFDE0] =	vst v15;
	v15 =	vld.idx.msk [tilespmem:v18+s25+$0x0], $0xffff;
	v7 =	vshll.u32 v7, v1  }
0x3c0: {  	v21 =	vmov s0;
	[tilespmem:s24+$0xFFFFFD60] =	vst v19;
	v7 =	vbroadcast v7, $0x0;
	v8 =	vor.u32 v16, v8;
	v16 =	vld.idx.msk [tilespmem:v28+s25+$0x0], $0xffff  }
0x3c1: {  	s31 =	sadd.s32 $0x6, s26;
	v22 =	vshrl.u32 v21, $0x3;
	v21 =	vshrl.u32 v29, $0x3;
	v19 =	vor.u32 v13, v3;
	v13 =	vld.idx.msk [tilespmem:v14+s25+$0x0], $0xffff  }
0x3c2: {  	s28 =	sadd.s32 $0x7, s26;
	v23 =	vmov s31;
	v18 =	vshrl.u32 v30, $0x3;
	[tilespmem:s24+$0xFFFFFF60] =	vst v27;
	s26 =	sadd.s32 $0x8, s26;
	v14 =	vld.idx.msk [tilespmem:v26+s25+$0x0], $0xffff;
	v10 =	vor.u32 v10, v7  }
0x3c3: {  	_ =	sdelay $0x2  }
0x3c4: {  	[tilespmem:s24+$0xFFFFFC60] =	vst v12  }
0x3c5: {  	[tilespmem:s24+$0x0] =	vst v17;
	v17 =	vld.idx.msk [tilespmem:v19+s25+$0x0], $0xffff  }
0x3c6: {  	v12 =	vshrl.u32 v25, $0x3;
	v25 =	vmov s28;
	v27 =	vld [tilespmem:$0x1FF30];
	[tilespmem:s24+$0xFFFFFCF0] =	vst v11  }
0x3c7: {  	v19 =	vshrl.u32 v24, $0x3;
	v24 =	vshrl.u32 v25, $0x3;
	v25 =	vld [tilespmem:$0x1FEA0];
	_ =	sdelay $0x3  }
0x3c8: {  	v20 =	vld.idx.msk [tilespmem:v20+s25+$0x0], $0xffff;
	[tilespmem:s24+$0xFFFFFD70] =	vst v13  }
0x3c9: {  	v11 =	vshll.u32 v24, v1;
	v24 =	vor.u32 v25, v4;
	v4 =	vshll.u32 v22, v1;
	v22 =	vld [tilespmem:$0x1FE90]  }
0x3ca: {  	[tilespmem:s24+$0xFFFFFDF0] =	vst v14  }
0x3cb: {  	v14 =	vor.u32 v44, v2;
	[tilespmem:s24+$0xFFFFFE70] =	vst v15  }
0x3cc: {  	v6 =	vor.u32 v42, v6;
	v53 =	vld [tilespmem:$0x1FED0];
	[tilespmem:s24+$0xFFFFFEF0] =	vst v16  }
0x3cd: {  	v9 =	vld.idx.msk [tilespmem:v9+s25+$0x0], $0xffff;
	v5 =	vor.u32 v27, v5;
	[tilespmem:s24+$0xFFFFFF70] =	vst v17  }
0x3ce: {  	[tilespmem:s24+$0xFFFFFC70] =	vst v20;
	v13 =	vor.u32 v22, v3;
	v3 =	vbroadcast v4, $0x0;
	v4 =	vshll.u32 v21, v1;
	v21 =	vld.idx.msk [tilespmem:v8+s25+$0x0], $0xffff  }
0x3cf: {  	v11 =	vbroadcast v11, $0x0;
	v8 =	vld [tilespmem:$0x1FFB0]  }
0x3d0: {  	v14 =	vld.idx.msk [tilespmem:v14+s25+$0x0], $0xffff  }
0x3d1: {  	v2 =	vbroadcast v4, $0x0;
	v4 =	vshll.u32 v18, v1;
	v15 =	vor.u32 v53, v11;
	v18 =	vld.idx.msk [tilespmem:v6+s25+$0x0], $0xffff  }
0x3d2: {  	v6 =	vshll.u32 v12, v1;
	v12 =	vld.idx.msk [tilespmem:v5+s25+$0x0], $0xffff;
	v16 =	vor.u32 v46, v3  }
0x3d3: {  	[tilespmem:s24+$0xFFFFFD00] =	vst v9;
	v5 =	vbroadcast v6, $0x0;
	v6 =	vshll.u32 v19, v1;
	v19 =	vld.idx.msk [tilespmem:v24+s25+$0x0], $0xffff  }
0x3d4: {  	v17 =	vor.u32 v61, v2;
	v13 =	vld.idx.msk [tilespmem:v13+s25+$0x0], $0xffff;
	[tilespmem:s24+$0xFFFFFD80] =	vst v21  }
0x3d5: {  	v21 =	vld [tilespmem:$0x1FF40]  }
0x3d6: {  	v4 =	vbroadcast v4, $0x0;
	v15 =	vld.idx.msk [tilespmem:v15+s25+$0x0], $0xffff  }
0x3d7: {  	[tilespmem:s24+$0xFFFFFE00] =	vst v18;
	v16 =	vld.idx.msk [tilespmem:v16+s25+$0x0], $0xffff  }
0x3d8: {  	v20 =	vor.u32 v8, v4;
	v18 =	vld [tilespmem:$0x1FEF0]  }
0x3d9: {  	v9 =	vor.u32 v0, v5;
	[tilespmem:s24+$0xFFFFFE80] =	vst v12;
	v12 =	vld.idx.msk [tilespmem:v17+s25+$0x0], $0xffff  }
0x3da: {  	v17 =	vld [tilespmem:$0x1FEE0];
	[tilespmem:s24+$0xFFFFFF00] =	vst v19  }
0x3db: {  	v23 =	vshrl.u32 v23, $0x3;
	v6 =	vbroadcast v6, $0x0;
	[tilespmem:s24+$0xFFFFFC80] =	vst v14  }
0x3dc: {  	v10 =	vld.idx.msk [tilespmem:v10+s25+$0x0], $0xffff;
	v8 =	vshll.u32 v23, v1;
	[tilespmem:s24+$0xFFFFFF80] =	vst v13;
	v13 =	vor.u32 v48, v3;
	s24 =	sadd.s32 $0x400, s24  }
0x3dd: {  	v8 =	vbroadcast v8, $0x0;
	v19 =	vld.idx.msk [tilespmem:v20+s25+$0x0], $0xffff;
	v21 =	vor.u32 v21, v6;
	[tilespmem:s24+$0xFFFFFF90] =	vst v15  }
0x3de: {  	v9 =	vld.idx.msk [tilespmem:v9+s25+$0x0], $0xffff;
	[tilespmem:s24+$0xFFFFFC90] =	vst v16  }
0x3df: {  	v18 =	vor.u32 v18, v8;
	v16 =	vld [tilespmem:$0x1FD10];
	[tilespmem:s24+$0xFFFFFD10] =	vst v12  }
0x3e0: {  	v12 =	vld [tilespmem:$0x1FF50]  }
0x3e1: {  	v17 =	vor.u32 v17, v11;
	v13 =	vld.idx.msk [tilespmem:v13+s25+$0x0], $0xffff  }
0x3e2: {  	[tilespmem:s24+$0xFFFFFD90] =	vst v19;
	v20 =	vld.idx.msk [tilespmem:v21+s25+$0x0], $0xffff  }
0x3e3: {  	v14 =	vor.u32 v63, v2;
	v19 =	vld [tilespmem:$0x1FE60]  }
0x3e4: {  	v15 =	vor.u32 v34, v4;
	[tilespmem:s24+$0xFFFFFE10] =	vst v9;
	v18 =	vld.idx.msk [tilespmem:v18+s25+$0x0], $0xffff  }
0x3e5: {  	v9 =	vld [tilespmem:$0x1FE00];
	v16 =	vor.u32 v16, v5  }
0x3e6: {  	v17 =	vld.idx.msk [tilespmem:v17+s25+$0x0], $0xffff;
	v12 =	vor.u32 v12, v6  }
0x3e7: {  	[tilespmem:s24+$0xFFFFFC10] =	vst v10  }
0x3e8: {  	v14 =	vld.idx.msk [tilespmem:v14+s25+$0x0], $0xffff;
	[tilespmem:s24+$0xFFFFFCA0] =	vst v13;
	v19 =	vor.u32 v19, v11  }
0x3e9: {  	v15 =	vld.idx.msk [tilespmem:v15+s25+$0x0], $0xffff;
	[tilespmem:s24+$0xFFFFFE90] =	vst v20;
	v20 =	vor.u32 v33, v7  }
0x3ea: {  	[tilespmem:s24+$0xFFFFFF10] =	vst v18;
	v16 =	vld.idx.msk [tilespmem:v16+s25+$0x0], $0xffff  }
0x3eb: {  	v9 =	vor.u32 v9, v8;
	[tilespmem:s24+$0xFFFFFFA0] =	vst v17;
	v12 =	vld.idx.msk [tilespmem:v12+s25+$0x0], $0xffff  }
0x3ec: {  	v13 =	vld [tilespmem:$0x1FD20]  }
0x3ed: {  	v18 =	vor.u32 v50, v3;
	v19 =	vld.idx.msk [tilespmem:v19+s25+$0x0], $0xffff  }
0x3ee: {  	v17 =	vor.u32 v31, v2;
	[tilespmem:s24+$0xFFFFFD20] =	vst v14;
	v14 =	vld.idx.msk [tilespmem:v20+s25+$0x0], $0xffff  }
0x3ef: {  	v20 =	vld [tilespmem:$0x1FE20]  }
0x3f0: {  	[tilespmem:s24+$0xFFFFFDA0] =	vst v15;
	v9 =	vld.idx.msk [tilespmem:v9+s25+$0x0], $0xffff  }
0x3f1: {  	v10 =	vor.u32 v36, v4;
	v15 =	vld [tilespmem:$0x1FD60]  }
0x3f2: {  	v18 =	vld.idx.msk [tilespmem:v18+s25+$0x0], $0xffff  }
0x3f3: {  	[tilespmem:s24+$0xFFFFFE20] =	vst v16;
	v16 =	vld.idx.msk [tilespmem:v17+s25+$0x0], $0xffff;
	v13 =	vor.u32 v13, v5  }
0x3f4: {  	v17 =	vld [tilespmem:$0x1FE10];
	[tilespmem:s24+$0xFFFFFEA0] =	vst v12  }
0x3f5: {  	[tilespmem:s24+$0xFFFFFFB0] =	vst v19  }
0x3f6: {  	v10 =	vld.idx.msk [tilespmem:v10+s25+$0x0], $0xffff;
	v20 =	vor.u32 v20, v11;
	[tilespmem:s24+$0xFFFFFF20] =	vst v9  }
0x3f7: {  	v19 =	vor.u32 v52, v3;
	v9 =	vld [tilespmem:$0x1FFA0];
	[tilespmem:s24+$0xFFFFFC20] =	vst v14  }
0x3f8: {  	[tilespmem:s24+$0xFFFFFCB0] =	vst v18;
	v13 =	vld.idx.msk [tilespmem:v13+s25+$0x0], $0xffff  }
0x3f9: {  	v15 =	vor.u32 v15, v6;
	v18 =	vld [tilespmem:$0x1FE80];
	[tilespmem:s24+$0xFFFFFD30] =	vst v16  }
0x3fa: {  	v29 =	vld [tilespmem:$0x1FD30]  }
0x3fb: {  	v17 =	vor.u32 v17, v8;
	v20 =	vld.idx.msk [tilespmem:v20+s25+$0x0], $0xffff  }
0x3fc: {  	v12 =	vor.u32 v35, v7;
	[tilespmem:s24+$0xFFFFFDB0] =	vst v10;
	v10 =	vld.idx.msk [tilespmem:v19+s25+$0x0], $0xffff  }
0x3fd: {  	v19 =	vld [tilespmem:$0x1FF60]  }
0x3fe: {  	v14 =	vld.idx.msk [tilespmem:v15+s25+$0x0], $0xffff;
	v15 =	vor.u32 v38, v4  }
0x3ff: {  	v9 =	vor.u32 v9, v2  }
0x400: {  	v17 =	vld.idx.msk [tilespmem:v17+s25+$0x0], $0xffff;
	v18 =	vor.u32 v18, v11  }
0x401: {  	v12 =	vld.idx.msk [tilespmem:v12+s25+$0x0], $0xffff;
	[tilespmem:s24+$0xFFFFFE30] =	vst v13  }
0x402: {  	v13 =	vld [tilespmem:$0x1FE30];
	v19 =	vor.u32 v19, v6  }
0x403: {  	[tilespmem:s24+$0xFFFFFFC0] =	vst v20;
	v15 =	vld.idx.msk [tilespmem:v15+s25+$0x0], $0xffff  }
0x404: {  	v20 =	vor.u32 v37, v7;
	[tilespmem:s24+$0xFFFFFEB0] =	vst v14;
	v9 =	vld.idx.msk [tilespmem:v9+s25+$0x0], $0xffff  }
0x405: {  	v18 =	vld.idx.msk [tilespmem:v18+s25+$0x0], $0xffff;
	[tilespmem:s24+$0xFFFFFF30] =	vst v17  }
0x406: {  	v30 =	vld [tilespmem:$0x1FF90]  }
0x407: {  	v16 =	vor.u32 v29, v5;
	[tilespmem:s24+$0xFFFFFC30] =	vst v12;
	v12 =	vld.idx.msk [tilespmem:v19+s25+$0x0], $0xffff  }
0x408: {  	v19 =	vld [tilespmem:$0x1FEB0];
	[tilespmem:s24+$0xFFFFFCC0] =	vst v10  }
0x409: {  	v14 =	vor.u32 v54, v3;
	[tilespmem:s24+$0xFFFFFD40] =	vst v9;
	v9 =	vld.idx.msk [tilespmem:v20+s25+$0x0], $0xffff  }
0x40a: {  	v13 =	vor.u32 v13, v8;
	v20 =	vld [tilespmem:$0x1FD40];
	_ =	sdelay $0x1  }
0x40b: {  	v16 =	vld.idx.msk [tilespmem:v16+s25+$0x0], $0xffff;
	v10 =	vor.u32 v40, v4;
	[tilespmem:s24+$0xFFFFFDC0] =	vst v15  }
0x40c: {  	v17 =	vor.u32 v30, v2;
	v15 =	vld [tilespmem:$0x1FD70]  }
0x40d: {  	v14 =	vld.idx.msk [tilespmem:v14+s25+$0x0], $0xffff;
	v19 =	vor.u32 v19, v11  }
0x40e: {  	v13 =	vld.idx.msk [tilespmem:v13+s25+$0x0], $0xffff;
	[tilespmem:s24+$0xFFFFFFD0] =	vst v18;
	v20 =	vor.u32 v20, v5  }
0x40f: {  	v18 =	vld [tilespmem:$0x1FE40]  }
0x410: {  	v10 =	vld.idx.msk [tilespmem:v10+s25+$0x0], $0xffff  }
0x411: {  	[tilespmem:s24+$0xFFFFFE40] =	vst v16;
	v15 =	vor.u32 v15, v6;
	v17 =	vld.idx.msk [tilespmem:v17+s25+$0x0], $0xffff  }
0x412: {  	[tilespmem:s24+$0xFFFFFEC0] =	vst v12;
	v19 =	vld.idx.msk [tilespmem:v19+s25+$0x0], $0xffff  }
0x413: {  	[tilespmem:s24+$0xFFFFFF40] =	vst v13;
	v13 =	vld.idx.msk [tilespmem:v20+s25+$0x0], $0xffff  }
0x414: {  	v20 =	vld [tilespmem:$0x1FEC0];
	[tilespmem:s24+$0xFFFFFC40] =	vst v9  }
0x415: {  	v16 =	vor.u32 v39, v7;
	v23 =	vld [tilespmem:$0x1FF80];
	[tilespmem:s24+$0xFFFFFCD0] =	vst v14  }
0x416: {  	v18 =	vor.u32 v18, v8;
	v15 =	vld.idx.msk [tilespmem:v15+s25+$0x0], $0xffff;
	[tilespmem:s24+$0xFFFFFD50] =	vst v17  }
0x417: {  	v17 =	vld [tilespmem:$0x1FD50];
	[tilespmem:s24+$0xFFFFFFE0] =	vst v19  }
0x418: {  	v12 =	vor.u32 v56, v3;
	v19 =	vld [tilespmem:$0x1FF70];
	[tilespmem:s24+$0xFFFFFDD0] =	vst v10  }
0x419: {  	v10 =	vld [tilespmem:$0x1FE50];
	v20 =	vor.u32 v20, v11  }
0x41a: {  	v16 =	vld.idx.msk [tilespmem:v16+s25+$0x0], $0xffff;
	[tilespmem:s24+$0xFFFFFE50] =	vst v13;
	v9 =	vor.u32 v23, v2  }
0x41b: {  	v14 =	vor.u32 v43, v4;
	v18 =	vld.idx.msk [tilespmem:v18+s25+$0x0], $0xffff;
	[tilespmem:s24+$0xFFFFFED0] =	vst v15  }
0x41c: {  	v17 =	vor.u32 v17, v5;
	v15 =	vld [tilespmem:$0x1FCD0]  }
0x41d: {  	v12 =	vld.idx.msk [tilespmem:v12+s25+$0x0], $0xffff;
	v19 =	vor.u32 v19, v6  }
0x41e: {  	v10 =	vor.u32 v10, v8;
	v20 =	vld.idx.msk [tilespmem:v20+s25+$0x0], $0xffff  }
0x41f: {  	v9 =	vld.idx.msk [tilespmem:v9+s25+$0x0], $0xffff  }
0x420: {  	v14 =	vld.idx.msk [tilespmem:v14+s25+$0x0], $0xffff;
	[tilespmem:s24+$0xFFFFFF50] =	vst v18  }
0x421: {  	[tilespmem:s24+$0xFFFFFC50] =	vst v16;
	v11 =	vor.u32 v15, v11;
	v15 =	vor.u32 v58, v3;
	v17 =	vld.idx.msk [tilespmem:v17+s25+$0x0], $0xffff  }
0x422: {  	[tilespmem:s24+$0xFFFFFCE0] =	vst v12;
	v18 =	vld.idx.msk [tilespmem:v19+s25+$0x0], $0xffff  }
0x423: {  	v10 =	vld.idx.msk [tilespmem:v10+s25+$0x0], $0xffff;
	[tilespmem:s24+$0xFFFFFFF0] =	vst v20  }
0x424: {  	v13 =	vor.u32 v41, v7;
	v19 =	vld [tilespmem:$0x1FF20];
	[tilespmem:s24+$0xFFFFFD60] =	vst v9  }
0x425: {  	v9 =	vld [tilespmem:$0x1FF00]  }
0x426: {  	[tilespmem:s24+$0xFFFFFDE0] =	vst v14;
	v14 =	vld.idx.msk [tilespmem:v15+s25+$0x0], $0xffff  }
0x427: {  	v16 =	vor.u32 v32, v2;
	v15 =	vld [tilespmem:$0x1FF10];
	[tilespmem:s24+$0xFFFFFE60] =	vst v17  }
0x428: {  	v12 =	vor.u32 v62, v4;
	v57 =	vld [tilespmem:$0x1FCF0];
	[tilespmem:s24+$0xFFFFFEE0] =	vst v18  }
0x429: {  	v13 =	vld.idx.msk [tilespmem:v13+s25+$0x0], $0xffff;
	v3 =	vor.u32 v59, v3;
	[tilespmem:s24+$0xFFFFFF60] =	vst v10  }
0x42a: {  	v45 =	vld [tilespmem:$0x1FD00];
	v19 =	vor.u32 v19, v5  }
0x42b: {  	v11 =	vld.idx.msk [tilespmem:v11+s25+$0x0], $0xffff;
	v9 =	vor.u32 v9, v6  }
0x42c: {  	v16 =	vld.idx.msk [tilespmem:v16+s25+$0x0], $0xffff;
	v15 =	vor.u32 v15, v8  }
0x42d: {  	v12 =	vld.idx.msk [tilespmem:v12+s25+$0x0], $0xffff;
	[tilespmem:s24+$0xFFFFFCF0] =	vst v14;
	v17 =	vor.u32 v57, v7  }
0x42e: {  	v4 =	vor.u32 v42, v4;
	v3 =	vld.idx.msk [tilespmem:v3+s25+$0x0], $0xffff  }
0x42f: {  	[tilespmem:s24+$0xFFFFFC60] =	vst v13;
	v2 =	vor.u32 v45, v2;
	v10 =	vld.idx.msk [tilespmem:v19+s25+$0x0], $0xffff  }
0x430: {  	v5 =	vor.u32 v27, v5;
	[tilespmem:s24+$0x0] =	vst v11;
	v9 =	vld.idx.msk [tilespmem:v9+s25+$0x0], $0xffff  }
0x431: {  	v6 =	vor.u32 v25, v6;
	[tilespmem:s24+$0xFFFFFD70] =	vst v16;
	v11 =	vld.idx.msk [tilespmem:v15+s25+$0x0], $0xffff  }
0x432: {  	v8 =	vor.u32 v22, v8;
	[tilespmem:s24+$0xFFFFFDF0] =	vst v12;
	v13 =	vld.idx.msk [tilespmem:v17+s25+$0x0], $0xffff  }
0x433: {  	v7 =	vor.u32 v44, v7;
	v4 =	vld.idx.msk [tilespmem:v4+s25+$0x0], $0xffff;
	[tilespmem:s24+$0xFFFFFD00] =	vst v3  }
0x434: {  	v2 =	vld.idx.msk [tilespmem:v2+s25+$0x0], $0xffff;
	[tilespmem:s24+$0xFFFFFE70] =	vst v10  }
0x435: {  	[tilespmem:s24+$0xFFFFFEF0] =	vst v9;
	v5 =	vld.idx.msk [tilespmem:v5+s25+$0x0], $0xffff  }
0x436: {  	[tilespmem:s24+$0xFFFFFF70] =	vst v11;
	v6 =	vld.idx.msk [tilespmem:v6+s25+$0x0], $0xffff  }
0x437: {  	[tilespmem:s24+$0xFFFFFC70] =	vst v13;
	v8 =	vld.idx.msk [tilespmem:v8+s25+$0x0], $0xffff  }
0x438: {  	[tilespmem:s24+$0xFFFFFE00] =	vst v4;
	v3 =	vld.idx.msk [tilespmem:v7+s25+$0x0], $0xffff  }
0x439: {  	[tilespmem:s24+$0xFFFFFD80] =	vst v2  }
0x43a: {  	[tilespmem:s24+$0xFFFFFE80] =	vst v5  }
0x43b: {  	s0 =	sadd.s32 $0x2, s21;
	s28 =	simm.s32 $0x1;
	[tilespmem:s24+$0xFFFFFF00] =	vst v6  }
0x43c: {  	s1 =	simm.s32 $0x0;
	s26 =	sshll.u32 s0, $0xC;
	s0 =	sshll.u32 s0, $0xA;
	v4 =	vmov s28;
	[tilespmem:s24+$0xFFFFFF80] =	vst v8  }
0x43d: {  	s0 =	sand.u32 $0x7C00, s0;
	s28 =	simm.s32 $0x7;
	v4 =	vshrl.u32 v4, $0x3;
	s25 =	sand.u32 $0xFFFE0000, s26;
	[tilespmem:s24+$0xFFFFFC80] =	vst v3  }
0x43e: {  	s30 =	simm.s32 $0x4;
	v4 =	vshll.u32 v4, v1;
	v9 =	vmov s28;
	v2 =	vmov s1;
	s0 =	sor.u32 s0, s25;
	v24 =	vld [tilespmem:$0x1FE70]  }
0x43f: {  	s29 =	simm.s32 $0x3;
	s31 =	simm.s32 $0x5;
	v9 =	vshrl.u32 v9, $0x3;
	v7 =	vmov s30;
	v2 =	vshrl.u32 v2, $0x3;
	s0 =	sshrl.u32 s0, $0x3  }
0x440: {  	s26 =	simm.s32 $0x2;
	s30 =	sadd.s32 $0x14200, s18;
	v11 =	vshrl.u32 v7, $0x3;
	v2 =	vshll.u32 v2, v1;
	v6 =	vmov s29;
	s29 =	sadd.s32 s2, s0  }
0x441: {  	v7 =	vshll.u32 v9, v1;
	v5 =	vmov s26;
	v2 =	vbroadcast v2, $0x0;
	[hbm4b:s29+s1] =	stream.linear.scatter [tilespmem:s30], [sflag:s22], $0x400, $0x38;
	[tilespmem:$0x1C200] =	vst v63  }
0x442: {  	s28 =	sadd.s32 $0x14600, s18;
	v9 =	vbroadcast v4, $0x0;
	v5 =	vshrl.u32 v5, $0x3;
	s26 =	sadd.s32 s0, s8;
	v8 =	vmov s31  }
0x443: {  	v6 =	vshrl.u32 v6, $0x3;
	v4 =	vshll.u32 v5, v1;
	[hbm4b:s26+s1] =	stream.linear.scatter [tilespmem:s28], [sflag:s22], $0x400, $0x38;
	v3 =	vor.u32 v24, v2;
	[tilespmem:$0x1C200] =	vst v63  }
0x444: {  	s31 =	simm.s32 $0x6;
	v12 =	vshrl.u32 v8, $0x3;
	v8 =	vbroadcast v4, $0x0;
	v4 =	vshll.u32 v6, v1;
	s29 =	sadd.s32 s0, s9;
	s30 =	sadd.s32 $0x14A00, s18  }
0x445: {  	v7 =	vbroadcast v7, $0x0;
	v6 =	vbroadcast v4, $0x0;
	v4 =	vshll.u32 v11, v1;
	[hbm4b:s29+s1] =	stream.linear.scatter [tilespmem:s30], [sflag:s22], $0x400, $0x38;
	[tilespmem:$0x1C200] =	vst v63  }
0x446: {  	v10 =	vmov s31;
	s31 =	sadd.s32 $0x14E00, s18;
	s24 =	sadd.s32 $0x6200, s20;
	s0 =	sadd.s32 s0, s10;
	v5 =	vbroadcast v4, $0x0;
	v4 =	vshll.u32 v12, v1;
	v12 =	vld [tilespmem:$0x1FFB0]  }
0x447: {  	v13 =	vor.u32 v53, v7;
	[hbm4b:s0+s1] =	stream.linear.scatter [tilespmem:s31], [sflag:s22], $0x400, $0x38;
	[tilespmem:$0x1C200] =	vst v63  }
0x448: {  	v14 =	vor.u32 v46, v9;
	v15 =	vld.idx.msk [tilespmem:v3+s24+$0x0], $0xffff  }
0x449: {  	v3 =	vld [tilespmem:$0x1FFF0]  }
0x44a: {  	v18 =	vld [tilespmem:$0x1FEE0];
	v11 =	vor.u32 v61, v8  }
0x44b: {  	v17 =	vld [tilespmem:$0x1FEF0];
	v12 =	vor.u32 v12, v6  }
0x44c: {  	v10 =	vshrl.u32 v10, $0x3;
	v13 =	vld.idx.msk [tilespmem:v13+s24+$0x0], $0xffff  }
0x44d: {  	v10 =	vshll.u32 v10, v1;
	v14 =	vld.idx.msk [tilespmem:v14+s24+$0x0], $0xffff  }
0x44e: {  	v16 =	vor.u32 v3, v5;
	v3 =	vbroadcast v10, $0x0;
	v10 =	vld [tilespmem:$0x1FF40]  }
0x44f: {  	v18 =	vor.u32 v18, v7;
	v11 =	vld.idx.msk [tilespmem:v11+s24+$0x0], $0xffff  }
0x450: {  	v12 =	vld.idx.msk [tilespmem:v12+s24+$0x0], $0xffff  }
0x451: {  	v22 =	vld [tilespmem:$0x1FD10];
	v4 =	vbroadcast v4, $0x0;
	[tilespmem:s23+$0xFFFFFF90] =	vst v13  }
0x452: {  	[tilespmem:s23+$0xFFFFFC90] =	vst v14  }
0x453: {  	v13 =	vld [tilespmem:$0x1FF50];
	v10 =	vor.u32 v10, v4  }
0x454: {  	v14 =	vld.idx.msk [tilespmem:v18+s24+$0x0], $0xffff;
	[tilespmem:s23+$0xFFFFFD10] =	vst v11;
	v17 =	vor.u32 v17, v3  }
0x455: {  	v19 =	vor.u32 v48, v9;
	v11 =	vld [tilespmem:$0x1FE00];
	[tilespmem:s23+$0xFFFFFD90] =	vst v12  }
0x456: {  	v20 =	vor.u32 v63, v8;
	v12 =	vld [tilespmem:$0x1FE60]  }
0x457: {  	v21 =	vor.u32 v34, v6;
	v16 =	vld.idx.msk [tilespmem:v16+s24+$0x0], $0xffff  }
0x458: {  	v22 =	vor.u32 v22, v5;
	v10 =	vld.idx.msk [tilespmem:v10+s24+$0x0], $0xffff  }
0x459: {  	v17 =	vld.idx.msk [tilespmem:v17+s24+$0x0], $0xffff  }
0x45a: {  	v18 =	vld.idx.msk [tilespmem:v19+s24+$0x0], $0xffff;
	v13 =	vor.u32 v13, v4  }
0x45b: {  	v19 =	vld.idx.msk [tilespmem:v20+s24+$0x0], $0xffff;
	v11 =	vor.u32 v11, v3  }
0x45c: {  	v21 =	vld.idx.msk [tilespmem:v21+s24+$0x0], $0xffff;
	[tilespmem:s23+$0xFFFFFE10] =	vst v16  }
0x45d: {  	v12 =	vor.u32 v12, v7;
	v22 =	vld.idx.msk [tilespmem:v22+s24+$0x0], $0xffff;
	[tilespmem:s23+$0xFFFFFE90] =	vst v10  }
0x45e: {  	v20 =	vor.u32 v33, v2;
	v10 =	vld [tilespmem:$0x1FDF0];
	[tilespmem:s23+$0xFFFFFF10] =	vst v17  }
0x45f: {  	v13 =	vld.idx.msk [tilespmem:v13+s24+$0x0], $0xffff;
	[tilespmem:s23+$0xFFFFFFA0] =	vst v14  }
0x460: {  	v16 =	vor.u32 v50, v9;
	[tilespmem:s23+$0xFFFFFC10] =	vst v15;
	v11 =	vld.idx.msk [tilespmem:v11+s24+$0x0], $0xffff  }
0x461: {  	v14 =	vld [tilespmem:$0x1FD20]  }
0x462: {  	v12 =	vld.idx.msk [tilespmem:v12+s24+$0x0], $0xffff  }
0x463: {  	v15 =	vld.idx.msk [tilespmem:v20+s24+$0x0], $0xffff;
	[tilespmem:s23+$0xFFFFFCA0] =	vst v18  }
0x464: {  	v18 =	vld [tilespmem:$0x1FD60]  }
0x465: {  	v16 =	vld.idx.msk [tilespmem:v16+s24+$0x0], $0xffff;
	[tilespmem:s23+$0xFFFFFD20] =	vst v19  }
0x466: {  	v19 =	vld [tilespmem:$0x1FE20];
	[tilespmem:s23+$0xFFFFFDA0] =	vst v21  }
0x467: {  	v17 =	vor.u32 v36, v6;
	v20 =	vld [tilespmem:$0x1FE10];
	[tilespmem:s23+$0xFFFFFE20] =	vst v22  }
0x468: {  	[tilespmem:s23+$0xFFFFFEA0] =	vst v13  }
0x469: {  	v10 =	vor.u32 v10, v8;
	v13 =	vld [tilespmem:$0x1FFA0];
	[tilespmem:s23+$0xFFFFFFB0] =	vst v12  }
0x46a: {  	v14 =	vor.u32 v14, v5;
	[tilespmem:s23+$0xFFFFFF20] =	vst v11  }
0x46b: {  	[tilespmem:s23+$0xFFFFFC20] =	vst v15;
	v18 =	vor.u32 v18, v4  }
0x46c: {  	v17 =	vld.idx.msk [tilespmem:v17+s24+$0x0], $0xffff;
	[tilespmem:s23+$0xFFFFFCB0] =	vst v16;
	v19 =	vor.u32 v19, v7  }
0x46d: {  	v16 =	vld [tilespmem:$0x1FE80];
	v20 =	vor.u32 v20, v3  }
0x46e: {  	v21 =	vor.u32 v35, v2;
	v10 =	vld.idx.msk [tilespmem:v10+s24+$0x0], $0xffff  }
0x46f: {  	v22 =	vor.u32 v52, v9;
	v14 =	vld.idx.msk [tilespmem:v14+s24+$0x0], $0xffff  }
0x470: {  	v18 =	vld.idx.msk [tilespmem:v18+s24+$0x0], $0xffff  }
0x471: {  	v11 =	vld.idx.msk [tilespmem:v19+s24+$0x0], $0xffff  }
0x472: {  	v13 =	vor.u32 v13, v8;
	v19 =	vld.idx.msk [tilespmem:v20+s24+$0x0], $0xffff  }
0x473: {  	v12 =	vor.u32 v38, v6;
	v20 =	vld.idx.msk [tilespmem:v21+s24+$0x0], $0xffff  }
0x474: {  	v15 =	vor.u32 v29, v5;
	v21 =	vld.idx.msk [tilespmem:v22+s24+$0x0], $0xffff;
	[tilespmem:s23+$0xFFFFFD30] =	vst v10  }
0x475: {  	v16 =	vor.u32 v16, v7;
	v10 =	vld [tilespmem:$0x1FF60];
	[tilespmem:s23+$0xFFFFFDB0] =	vst v17  }
0x476: {  	v17 =	vld [tilespmem:$0x1FE30];
	[tilespmem:s23+$0xFFFFFE30] =	vst v14  }
0x477: {  	v13 =	vld.idx.msk [tilespmem:v13+s24+$0x0], $0xffff;
	[tilespmem:s23+$0xFFFFFEB0] =	vst v18  }
0x478: {  	v12 =	vld.idx.msk [tilespmem:v12+s24+$0x0], $0xffff;
	[tilespmem:s23+$0xFFFFFFC0] =	vst v11  }
0x479: {  	v22 =	vor.u32 v37, v2;
	v15 =	vld.idx.msk [tilespmem:v15+s24+$0x0], $0xffff;
	[tilespmem:s23+$0xFFFFFF30] =	vst v19  }
0x47a: {  	v16 =	vld.idx.msk [tilespmem:v16+s24+$0x0], $0xffff;
	[tilespmem:s23+$0xFFFFFC30] =	vst v20  }
0x47b: {  	v14 =	vor.u32 v54, v9;
	v19 =	vld [tilespmem:$0x1FEB0];
	[tilespmem:s23+$0xFFFFFCC0] =	vst v21  }
0x47c: {  	v10 =	vor.u32 v10, v4;
	v21 =	vld [tilespmem:$0x1FD40];
	[tilespmem:s23+$0xFFFFFD40] =	vst v13  }
0x47d: {  	v17 =	vor.u32 v17, v3;
	v13 =	vld [tilespmem:$0x1FD70]  }
0x47e: {  	v11 =	vor.u32 v30, v8;
	v20 =	vld.idx.msk [tilespmem:v22+s24+$0x0], $0xffff;
	[tilespmem:s23+$0xFFFFFDC0] =	vst v12  }
0x47f: {  	v18 =	vor.u32 v40, v6;
	v12 =	vld [tilespmem:$0x1FE40]  }
0x480: {  	v14 =	vld.idx.msk [tilespmem:v14+s24+$0x0], $0xffff;
	v19 =	vor.u32 v19, v7  }
0x481: {  	v10 =	vld.idx.msk [tilespmem:v10+s24+$0x0], $0xffff;
	v21 =	vor.u32 v21, v5  }
0x482: {  	v17 =	vld.idx.msk [tilespmem:v17+s24+$0x0], $0xffff;
	v13 =	vor.u32 v13, v4  }
0x483: {  	v11 =	vld.idx.msk [tilespmem:v11+s24+$0x0], $0xffff  }
0x484: {  	v18 =	vld.idx.msk [tilespmem:v18+s24+$0x0], $0xffff;
	[tilespmem:s23+$0xFFFFFFD0] =	vst v16;
	v12 =	vor.u32 v12, v3  }
0x485: {  	v22 =	vor.u32 v39, v2;
	[tilespmem:s23+$0xFFFFFE40] =	vst v15;
	v15 =	vld.idx.msk [tilespmem:v19+s24+$0x0], $0xffff  }
0x486: {  	v21 =	vld.idx.msk [tilespmem:v21+s24+$0x0], $0xffff;
	[tilespmem:s23+$0xFFFFFEC0] =	vst v10  }
0x487: {  	v10 =	vld.idx.msk [tilespmem:v13+s24+$0x0], $0xffff;
	[tilespmem:s23+$0xFFFFFF40] =	vst v17  }
0x488: {  	v13 =	vld [tilespmem:$0x1FEC0]  }
0x489: {  	v16 =	vor.u32 v56, v9;
	[tilespmem:s23+$0xFFFFFC40] =	vst v20;
	v12 =	vld.idx.msk [tilespmem:v12+s24+$0x0], $0xffff  }
0x48a: {  	[tilespmem:s23+$0xFFFFFCD0] =	vst v14;
	v20 =	vld.idx.msk [tilespmem:v22+s24+$0x0], $0xffff  }
0x48b: {  	v14 =	vld [tilespmem:$0x1FD50];
	[tilespmem:s23+$0xFFFFFD50] =	vst v11  }
0x48c: {  	v11 =	vld [tilespmem:$0x1FF70]  }
0x48d: {  	v19 =	vor.u32 v23, v8;
	v22 =	vld [tilespmem:$0x1FE50];
	[tilespmem:s23+$0xFFFFFFE0] =	vst v15  }
0x48e: {  	v17 =	vor.u32 v43, v6;
	v16 =	vld.idx.msk [tilespmem:v16+s24+$0x0], $0xffff;
	[tilespmem:s23+$0xFFFFFDD0] =	vst v18  }
0x48f: {  	[tilespmem:s23+$0xFFFFFE50] =	vst v21  }
0x490: {  	[tilespmem:s23+$0xFFFFFED0] =	vst v10;
	v13 =	vor.u32 v13, v7  }
0x491: {  	v10 =	vld [tilespmem:$0x1FCD0];
	[tilespmem:s23+$0xFFFFFF50] =	vst v12;
	v11 =	vor.u32 v11, v4  }
0x492: {  	v19 =	vld.idx.msk [tilespmem:v19+s24+$0x0], $0xffff;
	[tilespmem:s23+$0xFFFFFC50] =	vst v20  }
0x493: {  	v23 =	vld.idx.msk [tilespmem:v17+s24+$0x0], $0xffff;
	v14 =	vor.u32 v14, v5;
	[tilespmem:s23+$0xFFFFFCE0] =	vst v16  }
0x494: {  	v15 =	vor.u32 v41, v2;
	v16 =	vld [tilespmem:$0x1FF00]  }
0x495: {  	v22 =	vor.u32 v22, v3;
	v13 =	vld.idx.msk [tilespmem:v13+s24+$0x0], $0xffff  }
0x496: {  	v26 =	vld.idx.msk [tilespmem:v11+s24+$0x0], $0xffff  }
0x497: {  	v10 =	vor.u32 v10, v7;
	v11 =	vld [tilespmem:$0x1FF20]  }
0x498: {  	v18 =	vor.u32 v58, v9;
	v14 =	vld.idx.msk [tilespmem:v14+s24+$0x0], $0xffff  }
0x499: {  	v27 =	vor.u32 v62, v6;
	s1 =	simm.s32 $0x8;
	v12 =	vld.idx.msk [tilespmem:v15+s24+$0x0], $0xffff;
	[tilespmem:s23+$0xFFFFFD60] =	vst v19  }
0x49a: {  	v7 =	vmov s1;
	v28 =	vld.idx.msk [tilespmem:v22+s24+$0x0], $0xffff;
	v16 =	vor.u32 v16, v4;
	[tilespmem:s23+$0xFFFFFFF0] =	vst v13  }
0x49b: {  	v21 =	vor.u32 v32, v8;
	v7 =	vshrl.u32 v7, $0x3;
	v13 =	vld [tilespmem:$0x1FF10]  }
0x49c: {  	s26 =	simm.s32 $0xA;
	s29 =	simm.s32 $0xC;
	v7 =	vshll.u32 v7, v1;
	v17 =	vld.idx.msk [tilespmem:v10+s24+$0x0], $0xffff;
	[tilespmem:s23+$0xFFFFFDE0] =	vst v23;
	v15 =	vor.u32 v11, v5  }
0x49d: {  	s28 =	simm.s32 $0xB;
	v25 =	vmov s29;
	v29 =	vmov s26;
	v7 =	vbroadcast v7, $0x0;
	[tilespmem:s23+$0xFFFFFE60] =	vst v14;
	v11 =	vld.idx.msk [tilespmem:v18+s24+$0x0], $0xffff  }
0x49e: {  	s30 =	simm.s32 $0xD;
	v30 =	vmov s28;
	v9 =	vor.u32 v59, v9;
	v8 =	vor.u32 v45, v8;
	v14 =	vld.idx.msk [tilespmem:v27+s24+$0x0], $0xffff;
	[tilespmem:s23+$0xFFFFFEE0] =	vst v26  }
0x49f: {  	s25 =	simm.s32 $0x9;
	s31 =	simm.s32 $0xE;
	v20 =	vor.u32 v57, v2;
	v10 =	vor.u32 v24, v7;
	v24 =	vmov s30;
	v16 =	vld.idx.msk [tilespmem:v16+s24+$0x0], $0xffff  }
0x4a0: {  	v23 =	vmov s31;
	v18 =	vmov s25;
	v19 =	vor.u32 v13, v3;
	v13 =	vld.idx.msk [tilespmem:v21+s24+$0x0], $0xffff  }
0x4a1: {  	s26 =	simm.s32 $0xF;
	[tilespmem:s23+$0xFFFFFF60] =	vst v28;
	s25 =	simm.s32 $0x10;
	v22 =	vshrl.u32 v18, $0x3;
	v18 =	vshrl.u32 v30, $0x3;
	v21 =	vshrl.u32 v29, $0x3;
	v15 =	vld.idx.msk [tilespmem:v15+s24+$0x0], $0xffff  }
.LBB2_10:
0x4a2: {  	_ =	sdelay $0x1  }
0x4a3: {  	[tilespmem:s23+$0xFFFFFCF0] =	vst v11;
	v11 =	vld [tilespmem:$0x1FEA0]  }
0x4a4: {  	v26 =	vmov s26;
	[tilespmem:s23+$0xFFFFFC60] =	vst v12;
	v12 =	vld.idx.msk [tilespmem:v19+s24+$0x0], $0xffff  }
0x4a5: {  	v19 =	vshrl.u32 v24, $0x3;
	v24 =	vshrl.u32 v26, $0x3;
	v26 =	vld [tilespmem:$0x1FF30];
	_ =	sdelay $0x2  }
0x4a6: {  	v4 =	vor.u32 v11, v4;
	v11 =	vshll.u32 v22, v1;
	v22 =	vld.idx.msk [tilespmem:v9+s24+$0x0], $0xffff  }
0x4a7: {  	v9 =	vld [tilespmem:$0x1FE90]  }
0x4a8: {  	[tilespmem:s23+$0xFFFFFDF0] =	vst v14;
	v14 =	vld [tilespmem:$0x1FED0];
	v5 =	vor.u32 v26, v5  }
0x4a9: {  	v6 =	vor.u32 v42, v6  }
0x4aa: {  	[tilespmem:s23+$0x0] =	vst v17;
	v17 =	vld.idx.msk [tilespmem:v10+s24+$0x0], $0xffff;
	v10 =	vshll.u32 v24, v1  }
0x4ab: {  	v25 =	vshrl.u32 v25, $0x3;
	v20 =	vld.idx.msk [tilespmem:v20+s24+$0x0], $0xffff;
	v10 =	vbroadcast v10, $0x0;
	[tilespmem:s23+$0xFFFFFD70] =	vst v13  }
0x4ac: {  	[tilespmem:s23+$0xFFFFFE70] =	vst v15;
	v13 =	vld.idx.msk [tilespmem:v8+s24+$0x0], $0xffff;
	v3 =	vor.u32 v9, v3;
	v9 =	vbroadcast v11, $0x0;
	v11 =	vshll.u32 v21, v1  }
0x4ad: {  	v14 =	vor.u32 v14, v10;
	v21 =	vld.idx.msk [tilespmem:v5+s24+$0x0], $0xffff;
	v8 =	vbroadcast v11, $0x0;
	v11 =	vshll.u32 v18, v1  }
0x4ae: {  	[tilespmem:s23+$0xFFFFFEF0] =	vst v16;
	v18 =	vld.idx.msk [tilespmem:v6+s24+$0x0], $0xffff;
	v6 =	vbroadcast v11, $0x0;
	v11 =	vshll.u32 v25, v1  }
0x4af: {  	v5 =	vbroadcast v11, $0x0;
	v11 =	vshll.u32 v19, v1;
	v19 =	vld.idx.msk [tilespmem:v4+s24+$0x0], $0xffff  }
0x4b0: {  	v15 =	vor.u32 v46, v9;
	v4 =	vld [tilespmem:$0x1FFB0]  }
0x4b1: {  	v2 =	vor.u32 v44, v2;
	[tilespmem:s23+$0xFFFFFF70] =	vst v12  }
0x4b2: {  	[tilespmem:s23+$0xFFFFFC70] =	vst v20;
	v14 =	vld.idx.msk [tilespmem:v14+s24+$0x0], $0xffff  }
0x4b3: {  	[tilespmem:s23+$0xFFFFFD00] =	vst v22;
	v16 =	vor.u32 v61, v8;
	v20 =	vld.idx.msk [tilespmem:v3+s24+$0x0], $0xffff  }
0x4b4: {  	v23 =	vshrl.u32 v23, $0x3;
	[tilespmem:s23+$0xFFFFFE00] =	vst v18;
	v18 =	vld [tilespmem:$0x1FEE0]  }
0x4b5: {  	[tilespmem:s23+$0xFFFFFD80] =	vst v13;
	v13 =	vld.idx.msk [tilespmem:v15+s24+$0x0], $0xffff;
	v12 =	vor.u32 v4, v6;
	v4 =	vbroadcast v11, $0x0;
	v11 =	vshll.u32 v23, v1  }
0x4b6: {  	v23 =	vor.u32 v0, v5;
	v3 =	vbroadcast v11, $0x0;
	v11 =	vld.idx.msk [tilespmem:v2+s24+$0x0], $0xffff  }
0x4b7: {  	v15 =	vld [tilespmem:$0x1FEF0]  }
0x4b8: {  	[tilespmem:s23+$0xFFFFFE80] =	vst v21;
	v16 =	vld.idx.msk [tilespmem:v16+s24+$0x0], $0xffff  }
0x4b9: {  	[tilespmem:s23+$0xFFFFFF00] =	vst v19;
	v2 =	vmov v7;
	v7 =	vld [tilespmem:$0x1FF40]  }
0x4ba: {  	[tilespmem:s23+$0xFFFFFF80] =	vst v20;
	v18 =	vor.u32 v18, v10;
	v12 =	vld.idx.msk [tilespmem:v12+s24+$0x0], $0xffff  }
0x4bb: {  	v21 =	vor.u32 v48, v9;
	v22 =	vld.idx.msk [tilespmem:v23+s24+$0x0], $0xffff;
	[tilespmem:s23+$0xFFFFFC80] =	vst v11;
	s23 =	sadd.s32 $0x400, s23  }
0x4bc: {  	v19 =	vor.u32 v63, v8;
	v11 =	vld [tilespmem:$0x1FD10];
	[tilespmem:s23+$0xFFFFFF90] =	vst v14  }
0x4bd: {  	v15 =	vor.u32 v15, v3;
	[tilespmem:s23+$0xFFFFFC90] =	vst v13;
	v13 =	vld [tilespmem:$0x1FF50]  }
0x4be: {  	[tilespmem:s23+$0xFFFFFD10] =	vst v16;
	v16 =	vld [tilespmem:$0x1FE00]  }
0x4bf: {  	v7 =	vor.u32 v7, v4;
	v14 =	vld.idx.msk [tilespmem:v18+s24+$0x0], $0xffff  }
0x4c0: {  	v20 =	vor.u32 v34, v6;
	v18 =	vld.idx.msk [tilespmem:v21+s24+$0x0], $0xffff  }
0x4c1: {  	v19 =	vld.idx.msk [tilespmem:v19+s24+$0x0], $0xffff  }
0x4c2: {  	v21 =	vor.u32 v33, v2;
	v15 =	vld.idx.msk [tilespmem:v15+s24+$0x0], $0xffff  }
0x4c3: {  	[tilespmem:s23+$0xFFFFFD90] =	vst v12;
	v12 =	vld [tilespmem:$0x1FE60]  }
0x4c4: {  	[tilespmem:s23+$0xFFFFFC10] =	vst v17;
	v7 =	vld.idx.msk [tilespmem:v7+s24+$0x0], $0xffff  }
0x4c5: {  	[tilespmem:s23+$0xFFFFFE10] =	vst v22;
	v22 =	vor.u32 v50, v9;
	v20 =	vld.idx.msk [tilespmem:v20+s24+$0x0], $0xffff  }
0x4c6: {  	v11 =	vor.u32 v11, v5;
	[tilespmem:s23+$0xFFFFFFA0] =	vst v14;
	v14 =	vld [tilespmem:$0x1FD20]  }
0x4c7: {  	v17 =	vld.idx.msk [tilespmem:v21+s24+$0x0], $0xffff  }
0x4c8: {  	v13 =	vor.u32 v13, v4;
	[tilespmem:s23+$0xFFFFFCA0] =	vst v18;
	v18 =	vld [tilespmem:$0x1FD60]  }
0x4c9: {  	v16 =	vor.u32 v16, v3;
	[tilespmem:s23+$0xFFFFFD20] =	vst v19;
	v19 =	vld [tilespmem:$0x1FE20]  }
0x4ca: {  	[tilespmem:s23+$0xFFFFFF10] =	vst v15;
	v21 =	vld.idx.msk [tilespmem:v22+s24+$0x0], $0xffff  }
0x4cb: {  	v15 =	vor.u32 v36, v6;
	v11 =	vld.idx.msk [tilespmem:v11+s24+$0x0], $0xffff;
	[tilespmem:s23+$0xFFFFFE90] =	vst v7  }
0x4cc: {  	v12 =	vor.u32 v12, v10;
	[tilespmem:s23+$0xFFFFFDA0] =	vst v20;
	v20 =	vld [tilespmem:$0x1FE10]  }
0x4cd: {  	v13 =	vld.idx.msk [tilespmem:v13+s24+$0x0], $0xffff  }
0x4ce: {  	v7 =	vor.u32 v31, v8;
	v16 =	vld.idx.msk [tilespmem:v16+s24+$0x0], $0xffff  }
0x4cf: {  	[tilespmem:s23+$0xFFFFFC20] =	vst v17;
	v17 =	vld [tilespmem:$0x1FD30]  }
0x4d0: {  	v14 =	vor.u32 v14, v5;
	v15 =	vld.idx.msk [tilespmem:v15+s24+$0x0], $0xffff  }
0x4d1: {  	v18 =	vor.u32 v18, v4;
	v12 =	vld.idx.msk [tilespmem:v12+s24+$0x0], $0xffff  }
0x4d2: {  	[tilespmem:s23+$0xFFFFFCB0] =	vst v21;
	v21 =	vld [tilespmem:$0x1FE80]  }
0x4d3: {  	v19 =	vor.u32 v19, v10;
	v7 =	vld.idx.msk [tilespmem:v7+s24+$0x0], $0xffff;
	[tilespmem:s23+$0xFFFFFE20] =	vst v11  }
0x4d4: {  	v20 =	vor.u32 v20, v3;
	[tilespmem:s23+$0xFFFFFEA0] =	vst v13;
	v13 =	vld [tilespmem:$0x1FFA0]  }
0x4d5: {  	v22 =	vor.u32 v35, v2;
	v14 =	vld.idx.msk [tilespmem:v14+s24+$0x0], $0xffff  }
0x4d6: {  	v11 =	vor.u32 v52, v9;
	v18 =	vld.idx.msk [tilespmem:v18+s24+$0x0], $0xffff;
	[tilespmem:s23+$0xFFFFFDB0] =	vst v15  }
0x4d7: {  	v15 =	vld [tilespmem:$0x1FE30];
	[tilespmem:s23+$0xFFFFFFB0] =	vst v12  }
0x4d8: {  	[tilespmem:s23+$0xFFFFFF20] =	vst v16;
	v17 =	vor.u32 v17, v5;
	v16 =	vld.idx.msk [tilespmem:v19+s24+$0x0], $0xffff  }
0x4d9: {  	v12 =	vor.u32 v38, v6;
	v19 =	vld.idx.msk [tilespmem:v20+s24+$0x0], $0xffff  }
0x4da: {  	v20 =	vld.idx.msk [tilespmem:v22+s24+$0x0], $0xffff;
	v13 =	vor.u32 v13, v8  }
0x4db: {  	v11 =	vld.idx.msk [tilespmem:v11+s24+$0x0], $0xffff;
	[tilespmem:s23+$0xFFFFFD30] =	vst v7  }
0x4dc: {  	v7 =	vld [tilespmem:$0x1FF60];
	[tilespmem:s23+$0xFFFFFE30] =	vst v14  }
0x4dd: {  	v17 =	vld.idx.msk [tilespmem:v17+s24+$0x0], $0xffff  }
0x4de: {  	v21 =	vor.u32 v21, v10;
	v12 =	vld.idx.msk [tilespmem:v12+s24+$0x0], $0xffff  }
0x4df: {  	[tilespmem:s23+$0xFFFFFEB0] =	vst v18;
	v13 =	vld.idx.msk [tilespmem:v13+s24+$0x0], $0xffff  }
0x4e0: {  	v22 =	vor.u32 v37, v2;
	[tilespmem:s23+$0xFFFFFFC0] =	vst v16;
	v16 =	vld [tilespmem:$0x1FF90]  }
0x4e1: {  	v14 =	vor.u32 v54, v9;
	[tilespmem:s23+$0xFFFFFF30] =	vst v19;
	v19 =	vld [tilespmem:$0x1FEB0]  }
0x4e2: {  	v15 =	vor.u32 v15, v3;
	[tilespmem:s23+$0xFFFFFCC0] =	vst v11;
	v11 =	vld [tilespmem:$0x1FD40]  }
0x4e3: {  	v7 =	vor.u32 v7, v4;
	[tilespmem:s23+$0xFFFFFC30] =	vst v20;
	v18 =	vld.idx.msk [tilespmem:v21+s24+$0x0], $0xffff  }
0x4e4: {  	[tilespmem:s23+$0xFFFFFD40] =	vst v13;
	v13 =	vld [tilespmem:$0x1FD70]  }
0x4e5: {  	v21 =	vor.u32 v40, v6;
	v20 =	vld.idx.msk [tilespmem:v22+s24+$0x0], $0xffff  }
0x4e6: {  	v22 =	vor.u32 v39, v2;
	v14 =	vld.idx.msk [tilespmem:v14+s24+$0x0], $0xffff  }
0x4e7: {  	v15 =	vld.idx.msk [tilespmem:v15+s24+$0x0], $0xffff;
	v16 =	vor.u32 v16, v8  }
0x4e8: {  	v7 =	vld.idx.msk [tilespmem:v7+s24+$0x0], $0xffff;
	v19 =	vor.u32 v19, v10  }
0x4e9: {  	[tilespmem:s23+$0xFFFFFDC0] =	vst v12;
	v12 =	vld [tilespmem:$0x1FE40];
	v13 =	vor.u32 v13, v4  }
0x4ea: {  	v21 =	vld.idx.msk [tilespmem:v21+s24+$0x0], $0xffff;
	[tilespmem:s23+$0xFFFFFC40] =	vst v20  }
0x4eb: {  	[tilespmem:s23+$0xFFFFFE40] =	vst v17;
	v20 =	vld.idx.msk [tilespmem:v22+s24+$0x0], $0xffff  }
0x4ec: {  	[tilespmem:s23+$0xFFFFFFD0] =	vst v18;
	v16 =	vld.idx.msk [tilespmem:v16+s24+$0x0], $0xffff  }
0x4ed: {  	v17 =	vld.idx.msk [tilespmem:v19+s24+$0x0], $0xffff;
	[tilespmem:s23+$0xFFFFFEC0] =	vst v7  }
0x4ee: {  	v12 =	vor.u32 v12, v3;
	v7 =	vld.idx.msk [tilespmem:v13+s24+$0x0], $0xffff  }
0x4ef: {  	v13 =	vld [tilespmem:$0x1FEC0]  }
0x4f0: {  	[tilespmem:s23+$0xFFFFFCD0] =	vst v14;
	v14 =	vld [tilespmem:$0x1FD50]  }
0x4f1: {  	v11 =	vor.u32 v11, v5;
	v22 =	vld [tilespmem:$0x1FE50]  }
0x4f2: {  	v18 =	vor.u32 v56, v9;
	[tilespmem:s23+$0xFFFFFF40] =	vst v15;
	v19 =	vld [tilespmem:$0x1FF80]  }
0x4f3: {  	v12 =	vld.idx.msk [tilespmem:v12+s24+$0x0], $0xffff;
	[tilespmem:s23+$0xFFFFFFE0] =	vst v17;
	v17 =	vor.u32 v41, v2  }
0x4f4: {  	[tilespmem:s23+$0xFFFFFD50] =	vst v16;
	v16 =	vld [tilespmem:$0x1FF70];
	v13 =	vor.u32 v13, v10  }
0x4f5: {  	[tilespmem:s23+$0xFFFFFED0] =	vst v7;
	v7 =	vld [tilespmem:$0x1FCD0]  }
0x4f6: {  	v15 =	vor.u32 v43, v6;
	v11 =	vld.idx.msk [tilespmem:v11+s24+$0x0], $0xffff  }
0x4f7: {  	v18 =	vld.idx.msk [tilespmem:v18+s24+$0x0], $0xffff;
	[tilespmem:s23+$0xFFFFFC50] =	vst v20  }
0x4f8: {  	v14 =	vor.u32 v14, v5;
	[tilespmem:s23+$0xFFFFFF50] =	vst v12;
	v12 =	vld.idx.msk [tilespmem:v17+s24+$0x0], $0xffff  }
0x4f9: {  	v16 =	vor.u32 v16, v4;
	v13 =	vld.idx.msk [tilespmem:v13+s24+$0x0], $0xffff  }
0x4fa: {  	[tilespmem:s23+$0xFFFFFDD0] =	vst v21;
	v17 =	vld [tilespmem:$0x1FF00];
	v10 =	vor.u32 v7, v10  }
0x4fb: {  	v15 =	vld.idx.msk [tilespmem:v15+s24+$0x0], $0xffff  }
0x4fc: {  	v19 =	vor.u32 v19, v8;
	[tilespmem:s23+$0xFFFFFE50] =	vst v11;
	v11 =	vld [tilespmem:$0x1FF20]  }
0x4fd: {  	v22 =	vor.u32 v22, v3;
	v23 =	vld.idx.msk [tilespmem:v14+s24+$0x0], $0xffff  }
0x4fe: {  	v16 =	vld.idx.msk [tilespmem:v16+s24+$0x0], $0xffff;
	[tilespmem:s23+$0xFFFFFFF0] =	vst v13  }
0x4ff: {  	v28 =	vor.u32 v17, v4;
	v17 =	vld.idx.msk [tilespmem:v10+s24+$0x0], $0xffff  }
0x500: {  	v10 =	vld [tilespmem:$0x1FCF0]  }
0x501: {  	v21 =	vor.u32 v58, v9;
	v19 =	vld.idx.msk [tilespmem:v19+s24+$0x0], $0xffff  }
0x502: {  	[tilespmem:s23+$0xFFFFFCE0] =	vst v18;
	v27 =	vld.idx.msk [tilespmem:v22+s24+$0x0], $0xffff;
	v18 =	vor.u32 v11, v5  }
0x503: {  	s28 =	sadd.s32 $0x2, s25;
	[tilespmem:s23+$0xFFFFFEE0] =	vst v16;
	v16 =	vld [tilespmem:$0x1FD00]  }
0x504: {  	v29 =	vmov s28;
	v14 =	vor.u32 v32, v8;
	v13 =	vld [tilespmem:$0x1FF10]  }
0x505: {  	p1 =	slt.u32 s25, $0x18;
	s1 =	sadd.s32 $0x3, s25;
	s30 =	sadd.s32 $0x5, s25;
	v26 =	vor.u32 v62, v6;
	v7 =	vmov s25;
	v20 =	vor.u32 v10, v2;
	v10 =	vld [tilespmem:$0x1FE70]  }
.Ltmp8:
0x506: {  	s29 =	sadd.s32 $0x4, s25;
	v30 =	vmov s1;
	v24 =	vmov s30;
	v11 =	vld.idx.msk [tilespmem:v21+s24+$0x0], $0xffff;
	[tilespmem:s23+$0xFFFFFE60] =	vst v23;
	v7 =	vshrl.u32 v7, $0x3;
	(pc) =	sbr.rel @p1 .LBB2_10-.Ltmp8, $4  }
0x507: {  	s0 =	sadd.s32 $0x1, s25;
	v25 =	vmov s29;
	v9 =	vor.u32 v59, v9;
	[tilespmem:s23+$0xFFFFFDE0] =	vst v15;
	v15 =	vld.idx.msk [tilespmem:v18+s24+$0x0], $0xffff;
	v7 =	vshll.u32 v7, v1  }
0x508: {  	v21 =	vmov s0;
	[tilespmem:s23+$0xFFFFFD60] =	vst v19;
	v7 =	vbroadcast v7, $0x0;
	v8 =	vor.u32 v16, v8;
	v16 =	vld.idx.msk [tilespmem:v28+s24+$0x0], $0xffff  }
0x509: {  	s31 =	sadd.s32 $0x6, s25;
	v22 =	vshrl.u32 v21, $0x3;
	v21 =	vshrl.u32 v29, $0x3;
	v19 =	vor.u32 v13, v3;
	v13 =	vld.idx.msk [tilespmem:v14+s24+$0x0], $0xffff  }
0x50a: {  	s26 =	sadd.s32 $0x7, s25;
	v23 =	vmov s31;
	v18 =	vshrl.u32 v30, $0x3;
	[tilespmem:s23+$0xFFFFFF60] =	vst v27;
	s25 =	sadd.s32 $0x8, s25;
	v14 =	vld.idx.msk [tilespmem:v26+s24+$0x0], $0xffff;
	v10 =	vor.u32 v10, v7  }
0x50b: {  	_ =	sdelay $0x2  }
0x50c: {  	[tilespmem:s23+$0xFFFFFC60] =	vst v12  }
0x50d: {  	[tilespmem:s23+$0x0] =	vst v17;
	v17 =	vld.idx.msk [tilespmem:v19+s24+$0x0], $0xffff  }
0x50e: {  	v12 =	vshrl.u32 v25, $0x3;
	v25 =	vmov s26;
	v27 =	vld [tilespmem:$0x1FF30];
	[tilespmem:s23+$0xFFFFFCF0] =	vst v11  }
0x50f: {  	v19 =	vshrl.u32 v24, $0x3;
	v24 =	vshrl.u32 v25, $0x3;
	v25 =	vld [tilespmem:$0x1FEA0];
	_ =	sdelay $0x3  }
0x510: {  	v20 =	vld.idx.msk [tilespmem:v20+s24+$0x0], $0xffff;
	[tilespmem:s23+$0xFFFFFD70] =	vst v13  }
0x511: {  	v11 =	vshll.u32 v24, v1;
	v24 =	vor.u32 v25, v4;
	v4 =	vshll.u32 v22, v1;
	v22 =	vld [tilespmem:$0x1FE90]  }
0x512: {  	[tilespmem:s23+$0xFFFFFDF0] =	vst v14  }
0x513: {  	v14 =	vor.u32 v44, v2;
	[tilespmem:s23+$0xFFFFFE70] =	vst v15  }
0x514: {  	v6 =	vor.u32 v42, v6;
	v53 =	vld [tilespmem:$0x1FED0];
	[tilespmem:s23+$0xFFFFFEF0] =	vst v16  }
0x515: {  	v9 =	vld.idx.msk [tilespmem:v9+s24+$0x0], $0xffff;
	v5 =	vor.u32 v27, v5;
	[tilespmem:s23+$0xFFFFFF70] =	vst v17  }
0x516: {  	[tilespmem:s23+$0xFFFFFC70] =	vst v20;
	v13 =	vor.u32 v22, v3;
	v3 =	vbroadcast v4, $0x0;
	v4 =	vshll.u32 v21, v1;
	v21 =	vld.idx.msk [tilespmem:v8+s24+$0x0], $0xffff  }
0x517: {  	v11 =	vbroadcast v11, $0x0;
	v8 =	vld [tilespmem:$0x1FFB0]  }
0x518: {  	v14 =	vld.idx.msk [tilespmem:v14+s24+$0x0], $0xffff  }
0x519: {  	v2 =	vbroadcast v4, $0x0;
	v4 =	vshll.u32 v18, v1;
	v15 =	vor.u32 v53, v11;
	v18 =	vld.idx.msk [tilespmem:v6+s24+$0x0], $0xffff  }
0x51a: {  	v6 =	vshll.u32 v12, v1;
	v12 =	vld.idx.msk [tilespmem:v5+s24+$0x0], $0xffff;
	v16 =	vor.u32 v46, v3  }
0x51b: {  	[tilespmem:s23+$0xFFFFFD00] =	vst v9;
	v5 =	vbroadcast v6, $0x0;
	v6 =	vshll.u32 v19, v1;
	v19 =	vld.idx.msk [tilespmem:v24+s24+$0x0], $0xffff  }
0x51c: {  	v17 =	vor.u32 v61, v2;
	v13 =	vld.idx.msk [tilespmem:v13+s24+$0x0], $0xffff;
	[tilespmem:s23+$0xFFFFFD80] =	vst v21  }
0x51d: {  	v21 =	vld [tilespmem:$0x1FF40]  }
0x51e: {  	v4 =	vbroadcast v4, $0x0;
	v15 =	vld.idx.msk [tilespmem:v15+s24+$0x0], $0xffff  }
0x51f: {  	[tilespmem:s23+$0xFFFFFE00] =	vst v18;
	v16 =	vld.idx.msk [tilespmem:v16+s24+$0x0], $0xffff  }
0x520: {  	v20 =	vor.u32 v8, v4;
	v18 =	vld [tilespmem:$0x1FEF0]  }
0x521: {  	v9 =	vor.u32 v0, v5;
	[tilespmem:s23+$0xFFFFFE80] =	vst v12;
	v12 =	vld.idx.msk [tilespmem:v17+s24+$0x0], $0xffff  }
0x522: {  	v17 =	vld [tilespmem:$0x1FEE0];
	[tilespmem:s23+$0xFFFFFF00] =	vst v19  }
0x523: {  	v23 =	vshrl.u32 v23, $0x3;
	v6 =	vbroadcast v6, $0x0;
	[tilespmem:s23+$0xFFFFFC80] =	vst v14  }
0x524: {  	v10 =	vld.idx.msk [tilespmem:v10+s24+$0x0], $0xffff;
	v8 =	vshll.u32 v23, v1;
	[tilespmem:s23+$0xFFFFFF80] =	vst v13;
	v13 =	vor.u32 v48, v3;
	s23 =	sadd.s32 $0x400, s23  }
0x525: {  	v8 =	vbroadcast v8, $0x0;
	v19 =	vld.idx.msk [tilespmem:v20+s24+$0x0], $0xffff;
	v21 =	vor.u32 v21, v6;
	[tilespmem:s23+$0xFFFFFF90] =	vst v15  }
0x526: {  	v9 =	vld.idx.msk [tilespmem:v9+s24+$0x0], $0xffff;
	[tilespmem:s23+$0xFFFFFC90] =	vst v16  }
0x527: {  	v18 =	vor.u32 v18, v8;
	v16 =	vld [tilespmem:$0x1FD10];
	[tilespmem:s23+$0xFFFFFD10] =	vst v12  }
0x528: {  	v12 =	vld [tilespmem:$0x1FF50]  }
0x529: {  	v17 =	vor.u32 v17, v11;
	v13 =	vld.idx.msk [tilespmem:v13+s24+$0x0], $0xffff  }
0x52a: {  	[tilespmem:s23+$0xFFFFFD90] =	vst v19;
	v20 =	vld.idx.msk [tilespmem:v21+s24+$0x0], $0xffff  }
0x52b: {  	v14 =	vor.u32 v63, v2;
	v19 =	vld [tilespmem:$0x1FE60]  }
0x52c: {  	v15 =	vor.u32 v34, v4;
	[tilespmem:s23+$0xFFFFFE10] =	vst v9;
	v18 =	vld.idx.msk [tilespmem:v18+s24+$0x0], $0xffff  }
0x52d: {  	v9 =	vld [tilespmem:$0x1FE00];
	v16 =	vor.u32 v16, v5  }
0x52e: {  	v17 =	vld.idx.msk [tilespmem:v17+s24+$0x0], $0xffff;
	v12 =	vor.u32 v12, v6  }
0x52f: {  	[tilespmem:s23+$0xFFFFFC10] =	vst v10  }
0x530: {  	v14 =	vld.idx.msk [tilespmem:v14+s24+$0x0], $0xffff;
	[tilespmem:s23+$0xFFFFFCA0] =	vst v13;
	v19 =	vor.u32 v19, v11  }
0x531: {  	v15 =	vld.idx.msk [tilespmem:v15+s24+$0x0], $0xffff;
	[tilespmem:s23+$0xFFFFFE90] =	vst v20;
	v20 =	vor.u32 v33, v7  }
0x532: {  	[tilespmem:s23+$0xFFFFFF10] =	vst v18;
	v16 =	vld.idx.msk [tilespmem:v16+s24+$0x0], $0xffff  }
0x533: {  	v9 =	vor.u32 v9, v8;
	[tilespmem:s23+$0xFFFFFFA0] =	vst v17;
	v12 =	vld.idx.msk [tilespmem:v12+s24+$0x0], $0xffff  }
0x534: {  	v13 =	vld [tilespmem:$0x1FD20]  }
0x535: {  	v18 =	vor.u32 v50, v3;
	v19 =	vld.idx.msk [tilespmem:v19+s24+$0x0], $0xffff  }
0x536: {  	v17 =	vor.u32 v31, v2;
	[tilespmem:s23+$0xFFFFFD20] =	vst v14;
	v14 =	vld.idx.msk [tilespmem:v20+s24+$0x0], $0xffff  }
0x537: {  	v20 =	vld [tilespmem:$0x1FE20]  }
0x538: {  	[tilespmem:s23+$0xFFFFFDA0] =	vst v15;
	v9 =	vld.idx.msk [tilespmem:v9+s24+$0x0], $0xffff  }
0x539: {  	v10 =	vor.u32 v36, v4;
	v15 =	vld [tilespmem:$0x1FD60]  }
0x53a: {  	v18 =	vld.idx.msk [tilespmem:v18+s24+$0x0], $0xffff  }
0x53b: {  	[tilespmem:s23+$0xFFFFFE20] =	vst v16;
	v16 =	vld.idx.msk [tilespmem:v17+s24+$0x0], $0xffff;
	v13 =	vor.u32 v13, v5  }
0x53c: {  	v17 =	vld [tilespmem:$0x1FE10];
	[tilespmem:s23+$0xFFFFFEA0] =	vst v12  }
0x53d: {  	[tilespmem:s23+$0xFFFFFFB0] =	vst v19  }
0x53e: {  	v10 =	vld.idx.msk [tilespmem:v10+s24+$0x0], $0xffff;
	v20 =	vor.u32 v20, v11;
	[tilespmem:s23+$0xFFFFFF20] =	vst v9  }
0x53f: {  	v19 =	vor.u32 v52, v3;
	v9 =	vld [tilespmem:$0x1FFA0];
	[tilespmem:s23+$0xFFFFFC20] =	vst v14  }
0x540: {  	[tilespmem:s23+$0xFFFFFCB0] =	vst v18;
	v13 =	vld.idx.msk [tilespmem:v13+s24+$0x0], $0xffff  }
0x541: {  	v15 =	vor.u32 v15, v6;
	v18 =	vld [tilespmem:$0x1FE80];
	[tilespmem:s23+$0xFFFFFD30] =	vst v16  }
0x542: {  	v29 =	vld [tilespmem:$0x1FD30]  }
0x543: {  	v17 =	vor.u32 v17, v8;
	v20 =	vld.idx.msk [tilespmem:v20+s24+$0x0], $0xffff  }
0x544: {  	v12 =	vor.u32 v35, v7;
	[tilespmem:s23+$0xFFFFFDB0] =	vst v10;
	v10 =	vld.idx.msk [tilespmem:v19+s24+$0x0], $0xffff  }
0x545: {  	v19 =	vld [tilespmem:$0x1FF60]  }
0x546: {  	v14 =	vld.idx.msk [tilespmem:v15+s24+$0x0], $0xffff;
	v15 =	vor.u32 v38, v4  }
0x547: {  	v9 =	vor.u32 v9, v2  }
0x548: {  	v17 =	vld.idx.msk [tilespmem:v17+s24+$0x0], $0xffff;
	v18 =	vor.u32 v18, v11  }
0x549: {  	v12 =	vld.idx.msk [tilespmem:v12+s24+$0x0], $0xffff;
	[tilespmem:s23+$0xFFFFFE30] =	vst v13  }
0x54a: {  	v13 =	vld [tilespmem:$0x1FE30];
	v19 =	vor.u32 v19, v6  }
0x54b: {  	[tilespmem:s23+$0xFFFFFFC0] =	vst v20;
	v15 =	vld.idx.msk [tilespmem:v15+s24+$0x0], $0xffff  }
0x54c: {  	v20 =	vor.u32 v37, v7;
	[tilespmem:s23+$0xFFFFFEB0] =	vst v14;
	v9 =	vld.idx.msk [tilespmem:v9+s24+$0x0], $0xffff  }
0x54d: {  	v18 =	vld.idx.msk [tilespmem:v18+s24+$0x0], $0xffff;
	[tilespmem:s23+$0xFFFFFF30] =	vst v17  }
0x54e: {  	v30 =	vld [tilespmem:$0x1FF90]  }
0x54f: {  	v16 =	vor.u32 v29, v5;
	[tilespmem:s23+$0xFFFFFC30] =	vst v12;
	v12 =	vld.idx.msk [tilespmem:v19+s24+$0x0], $0xffff  }
0x550: {  	v19 =	vld [tilespmem:$0x1FEB0];
	[tilespmem:s23+$0xFFFFFCC0] =	vst v10  }
0x551: {  	v14 =	vor.u32 v54, v3;
	[tilespmem:s23+$0xFFFFFD40] =	vst v9;
	v9 =	vld.idx.msk [tilespmem:v20+s24+$0x0], $0xffff  }
0x552: {  	v13 =	vor.u32 v13, v8;
	v20 =	vld [tilespmem:$0x1FD40];
	_ =	sdelay $0x1  }
0x553: {  	v16 =	vld.idx.msk [tilespmem:v16+s24+$0x0], $0xffff;
	v10 =	vor.u32 v40, v4;
	[tilespmem:s23+$0xFFFFFDC0] =	vst v15  }
0x554: {  	v17 =	vor.u32 v30, v2;
	v15 =	vld [tilespmem:$0x1FD70]  }
0x555: {  	v14 =	vld.idx.msk [tilespmem:v14+s24+$0x0], $0xffff;
	v19 =	vor.u32 v19, v11  }
0x556: {  	v13 =	vld.idx.msk [tilespmem:v13+s24+$0x0], $0xffff;
	[tilespmem:s23+$0xFFFFFFD0] =	vst v18;
	v20 =	vor.u32 v20, v5  }
0x557: {  	v18 =	vld [tilespmem:$0x1FE40]  }
0x558: {  	v10 =	vld.idx.msk [tilespmem:v10+s24+$0x0], $0xffff  }
0x559: {  	[tilespmem:s23+$0xFFFFFE40] =	vst v16;
	v15 =	vor.u32 v15, v6;
	v17 =	vld.idx.msk [tilespmem:v17+s24+$0x0], $0xffff  }
0x55a: {  	[tilespmem:s23+$0xFFFFFEC0] =	vst v12;
	v19 =	vld.idx.msk [tilespmem:v19+s24+$0x0], $0xffff  }
0x55b: {  	[tilespmem:s23+$0xFFFFFF40] =	vst v13;
	v13 =	vld.idx.msk [tilespmem:v20+s24+$0x0], $0xffff  }
0x55c: {  	v20 =	vld [tilespmem:$0x1FEC0];
	[tilespmem:s23+$0xFFFFFC40] =	vst v9  }
0x55d: {  	v16 =	vor.u32 v39, v7;
	v23 =	vld [tilespmem:$0x1FF80];
	[tilespmem:s23+$0xFFFFFCD0] =	vst v14  }
0x55e: {  	v18 =	vor.u32 v18, v8;
	v15 =	vld.idx.msk [tilespmem:v15+s24+$0x0], $0xffff;
	[tilespmem:s23+$0xFFFFFD50] =	vst v17  }
0x55f: {  	v17 =	vld [tilespmem:$0x1FD50];
	[tilespmem:s23+$0xFFFFFFE0] =	vst v19  }
0x560: {  	v12 =	vor.u32 v56, v3;
	v19 =	vld [tilespmem:$0x1FF70];
	[tilespmem:s23+$0xFFFFFDD0] =	vst v10  }
0x561: {  	v10 =	vld [tilespmem:$0x1FE50];
	v20 =	vor.u32 v20, v11  }
0x562: {  	v16 =	vld.idx.msk [tilespmem:v16+s24+$0x0], $0xffff;
	[tilespmem:s23+$0xFFFFFE50] =	vst v13;
	v9 =	vor.u32 v23, v2  }
0x563: {  	v14 =	vor.u32 v43, v4;
	v18 =	vld.idx.msk [tilespmem:v18+s24+$0x0], $0xffff;
	[tilespmem:s23+$0xFFFFFED0] =	vst v15  }
0x564: {  	v17 =	vor.u32 v17, v5;
	v15 =	vld [tilespmem:$0x1FCD0]  }
0x565: {  	v12 =	vld.idx.msk [tilespmem:v12+s24+$0x0], $0xffff;
	v19 =	vor.u32 v19, v6  }
0x566: {  	v10 =	vor.u32 v10, v8;
	v20 =	vld.idx.msk [tilespmem:v20+s24+$0x0], $0xffff  }
0x567: {  	v9 =	vld.idx.msk [tilespmem:v9+s24+$0x0], $0xffff  }
0x568: {  	v14 =	vld.idx.msk [tilespmem:v14+s24+$0x0], $0xffff;
	[tilespmem:s23+$0xFFFFFF50] =	vst v18  }
0x569: {  	[tilespmem:s23+$0xFFFFFC50] =	vst v16;
	v11 =	vor.u32 v15, v11;
	v15 =	vor.u32 v58, v3;
	v17 =	vld.idx.msk [tilespmem:v17+s24+$0x0], $0xffff  }
0x56a: {  	[tilespmem:s23+$0xFFFFFCE0] =	vst v12;
	v18 =	vld.idx.msk [tilespmem:v19+s24+$0x0], $0xffff  }
0x56b: {  	v10 =	vld.idx.msk [tilespmem:v10+s24+$0x0], $0xffff;
	[tilespmem:s23+$0xFFFFFFF0] =	vst v20  }
0x56c: {  	v13 =	vor.u32 v41, v7;
	v19 =	vld [tilespmem:$0x1FF20];
	[tilespmem:s23+$0xFFFFFD60] =	vst v9  }
0x56d: {  	v9 =	vld [tilespmem:$0x1FF00]  }
0x56e: {  	[tilespmem:s23+$0xFFFFFDE0] =	vst v14;
	v14 =	vld.idx.msk [tilespmem:v15+s24+$0x0], $0xffff  }
0x56f: {  	v16 =	vor.u32 v32, v2;
	v15 =	vld [tilespmem:$0x1FF10];
	[tilespmem:s23+$0xFFFFFE60] =	vst v17  }
0x570: {  	v12 =	vor.u32 v62, v4;
	v57 =	vld [tilespmem:$0x1FCF0];
	[tilespmem:s23+$0xFFFFFEE0] =	vst v18  }
0x571: {  	v13 =	vld.idx.msk [tilespmem:v13+s24+$0x0], $0xffff;
	v3 =	vor.u32 v59, v3;
	[tilespmem:s23+$0xFFFFFF60] =	vst v10  }
0x572: {  	v45 =	vld [tilespmem:$0x1FD00];
	v19 =	vor.u32 v19, v5  }
0x573: {  	v11 =	vld.idx.msk [tilespmem:v11+s24+$0x0], $0xffff;
	v9 =	vor.u32 v9, v6  }
0x574: {  	v16 =	vld.idx.msk [tilespmem:v16+s24+$0x0], $0xffff;
	v15 =	vor.u32 v15, v8  }
0x575: {  	v12 =	vld.idx.msk [tilespmem:v12+s24+$0x0], $0xffff;
	[tilespmem:s23+$0xFFFFFCF0] =	vst v14;
	v17 =	vor.u32 v57, v7  }
0x576: {  	v4 =	vor.u32 v42, v4;
	v3 =	vld.idx.msk [tilespmem:v3+s24+$0x0], $0xffff  }
0x577: {  	[tilespmem:s23+$0xFFFFFC60] =	vst v13;
	v2 =	vor.u32 v45, v2;
	v10 =	vld.idx.msk [tilespmem:v19+s24+$0x0], $0xffff  }
0x578: {  	v5 =	vor.u32 v27, v5;
	[tilespmem:s23+$0x0] =	vst v11;
	v9 =	vld.idx.msk [tilespmem:v9+s24+$0x0], $0xffff  }
0x579: {  	v6 =	vor.u32 v25, v6;
	[tilespmem:s23+$0xFFFFFD70] =	vst v16;
	v11 =	vld.idx.msk [tilespmem:v15+s24+$0x0], $0xffff  }
0x57a: {  	v8 =	vor.u32 v22, v8;
	[tilespmem:s23+$0xFFFFFDF0] =	vst v12;
	v13 =	vld.idx.msk [tilespmem:v17+s24+$0x0], $0xffff  }
0x57b: {  	v7 =	vor.u32 v44, v7;
	v4 =	vld.idx.msk [tilespmem:v4+s24+$0x0], $0xffff;
	[tilespmem:s23+$0xFFFFFD00] =	vst v3  }
0x57c: {  	v2 =	vld.idx.msk [tilespmem:v2+s24+$0x0], $0xffff;
	[tilespmem:s23+$0xFFFFFE70] =	vst v10  }
0x57d: {  	[tilespmem:s23+$0xFFFFFEF0] =	vst v9;
	v5 =	vld.idx.msk [tilespmem:v5+s24+$0x0], $0xffff  }
0x57e: {  	[tilespmem:s23+$0xFFFFFF70] =	vst v11;
	v6 =	vld.idx.msk [tilespmem:v6+s24+$0x0], $0xffff  }
0x57f: {  	[tilespmem:s23+$0xFFFFFC70] =	vst v13;
	v8 =	vld.idx.msk [tilespmem:v8+s24+$0x0], $0xffff  }
0x580: {  	s28 =	simm.s32 $0x1;
	[tilespmem:s23+$0xFFFFFE00] =	vst v4;
	v3 =	vld.idx.msk [tilespmem:v7+s24+$0x0], $0xffff  }
0x581: {  	v4 =	vmov s28;
	[tilespmem:s23+$0xFFFFFD80] =	vst v2  }
0x582: {  	s0 =	sadd.s32 $0x3, s21;
	s1 =	simm.s32 $0x0;
	s28 =	simm.s32 $0x7;
	v4 =	vshrl.u32 v4, $0x3;
	[tilespmem:s23+$0xFFFFFE80] =	vst v5  }
0x583: {  	s30 =	simm.s32 $0x4;
	s26 =	sshll.u32 s0, $0xC;
	s0 =	sshll.u32 s0, $0xA;
	v4 =	vshll.u32 v4, v1;
	v9 =	vmov s28;
	v2 =	vmov s1;
	[tilespmem:s23+$0xFFFFFF00] =	vst v6  }
0x584: {  	s0 =	sand.u32 $0x7C00, s0;
	v9 =	vshrl.u32 v9, $0x3;
	s24 =	sand.u32 $0xFFFE0000, s26;
	v7 =	vmov s30;
	v2 =	vshrl.u32 v2, $0x3;
	[tilespmem:s23+$0xFFFFFF80] =	vst v8  }
0x585: {  	s25 =	simm.s32 $0x2;
	s0 =	sor.u32 s0, s24;
	v11 =	vshrl.u32 v7, $0x3;
	v7 =	vshll.u32 v9, v1;
	v9 =	vbroadcast v4, $0x0;
	[tilespmem:s23+$0xFFFFFC80] =	vst v3  }
0x586: {  	s29 =	simm.s32 $0x3;
	v2 =	vshll.u32 v2, v1;
	v5 =	vmov s25;
	s0 =	sshrl.u32 s0, $0x3;
	v7 =	vbroadcast v7, $0x0;
	v24 =	vld [tilespmem:$0x1FE70]  }
0x587: {  	s31 =	simm.s32 $0x5;
	s30 =	sadd.s32 $0x15200, s18;
	v2 =	vbroadcast v2, $0x0;
	v6 =	vmov s29;
	s29 =	sadd.s32 s2, s0;
	v5 =	vshrl.u32 v5, $0x3  }
0x588: {  	v8 =	vmov s31;
	v6 =	vshrl.u32 v6, $0x3;
	v4 =	vshll.u32 v5, v1;
	[hbm4b:s29+s1] =	stream.linear.scatter [tilespmem:s30], [sflag:s22], $0x400, $0x38;
	[tilespmem:$0x1C200] =	vst v63  }
0x589: {  	s28 =	sadd.s32 $0x15600, s18;
	s26 =	sadd.s32 s0, s8;
	v12 =	vshrl.u32 v8, $0x3;
	v8 =	vbroadcast v4, $0x0;
	v4 =	vshll.u32 v6, v1  }
0x58a: {  	v13 =	vor.u32 v53, v7;
	v6 =	vbroadcast v4, $0x0;
	v4 =	vshll.u32 v11, v1;
	[hbm4b:s26+s1] =	stream.linear.scatter [tilespmem:s28], [sflag:s22], $0x400, $0x38;
	[tilespmem:$0x1C200] =	vst v63  }
0x58b: {  	s31 =	simm.s32 $0x6;
	s29 =	sadd.s32 s0, s9;
	s30 =	sadd.s32 $0x15A00, s18;
	v5 =	vbroadcast v4, $0x0;
	v4 =	vshll.u32 v12, v1;
	v12 =	vld [tilespmem:$0x1FFB0];
	v3 =	vor.u32 v24, v2  }
0x58c: {  	[hbm4b:s29+s1] =	stream.linear.scatter [tilespmem:s30], [sflag:s22], $0x400, $0x38;
	[tilespmem:$0x1C200] =	vst v63  }
0x58d: {  	s20 =	sadd.s32 $0x7200, s20;
	v14 =	vor.u32 v46, v9;
	v10 =	vmov s31;
	s31 =	sadd.s32 $0x15E00, s18;
	s0 =	sadd.s32 s0, s10;
	v17 =	vld [tilespmem:$0x1FEF0]  }
0x58e: {  	v18 =	vld [tilespmem:$0x1FEE0];
	[hbm4b:s0+s1] =	stream.linear.scatter [tilespmem:s31], [sflag:s22], $0x400, $0x38  }
0x58f: {  	v11 =	vor.u32 v61, v8;
	v13 =	vld.idx.msk [tilespmem:v13+s20+$0x0], $0xffff  }
0x590: {  	v12 =	vor.u32 v12, v6;
	v15 =	vld.idx.msk [tilespmem:v3+s20+$0x0], $0xffff  }
0x591: {  	v3 =	vld [tilespmem:$0x1FFF0]  }
0x592: {  	v14 =	vld.idx.msk [tilespmem:v14+s20+$0x0], $0xffff  }
0x593: {  	v22 =	vld [tilespmem:$0x1FD10]  }
0x594: {  	v10 =	vshrl.u32 v10, $0x3;
	v18 =	vor.u32 v18, v7;
	v11 =	vld.idx.msk [tilespmem:v11+s20+$0x0], $0xffff  }
0x595: {  	v19 =	vor.u32 v48, v9;
	v10 =	vshll.u32 v10, v1;
	v12 =	vld.idx.msk [tilespmem:v12+s20+$0x0], $0xffff  }
0x596: {  	v16 =	vor.u32 v3, v5;
	v3 =	vbroadcast v10, $0x0;
	v10 =	vld [tilespmem:$0x1FF40];
	[tilespmem:s19+$0xFFFFFF90] =	vst v13  }
0x597: {  	[tilespmem:s19+$0xFFFFFC90] =	vst v14  }
0x598: {  	v20 =	vor.u32 v63, v8;
	v13 =	vld [tilespmem:$0x1FF50]  }
0x599: {  	v14 =	vld.idx.msk [tilespmem:v18+s20+$0x0], $0xffff  }
0x59a: {  	v4 =	vbroadcast v4, $0x0;
	v18 =	vld.idx.msk [tilespmem:v19+s20+$0x0], $0xffff;
	[tilespmem:s19+$0xFFFFFD10] =	vst v11;
	v17 =	vor.u32 v17, v3  }
0x59b: {  	v11 =	vld [tilespmem:$0x1FE00];
	[tilespmem:s19+$0xFFFFFD90] =	vst v12  }
0x59c: {  	v12 =	vld [tilespmem:$0x1FE60];
	v10 =	vor.u32 v10, v4  }
0x59d: {  	v21 =	vor.u32 v34, v6;
	v19 =	vld.idx.msk [tilespmem:v20+s20+$0x0], $0xffff  }
0x59e: {  	v20 =	vor.u32 v33, v2;
	v16 =	vld.idx.msk [tilespmem:v16+s20+$0x0], $0xffff  }
0x59f: {  	v22 =	vor.u32 v22, v5;
	v17 =	vld.idx.msk [tilespmem:v17+s20+$0x0], $0xffff  }
0x5a0: {  	v11 =	vor.u32 v11, v3  }
0x5a1: {  	v12 =	vor.u32 v12, v7;
	v10 =	vld.idx.msk [tilespmem:v10+s20+$0x0], $0xffff  }
0x5a2: {  	v21 =	vld.idx.msk [tilespmem:v21+s20+$0x0], $0xffff;
	[tilespmem:s19+$0xFFFFFC10] =	vst v15;
	v13 =	vor.u32 v13, v4  }
0x5a3: {  	v15 =	vld.idx.msk [tilespmem:v20+s20+$0x0], $0xffff;
	[tilespmem:s19+$0xFFFFFE10] =	vst v16  }
0x5a4: {  	v22 =	vld.idx.msk [tilespmem:v22+s20+$0x0], $0xffff;
	[tilespmem:s19+$0xFFFFFF10] =	vst v17  }
0x5a5: {  	[tilespmem:s19+$0xFFFFFFA0] =	vst v14;
	v16 =	vor.u32 v50, v9;
	v11 =	vld.idx.msk [tilespmem:v11+s20+$0x0], $0xffff  }
0x5a6: {  	v12 =	vld.idx.msk [tilespmem:v12+s20+$0x0], $0xffff;
	[tilespmem:s19+$0xFFFFFE90] =	vst v10  }
0x5a7: {  	v13 =	vld.idx.msk [tilespmem:v13+s20+$0x0], $0xffff  }
0x5a8: {  	v10 =	vor.u32 v31, v8;
	v14 =	vld [tilespmem:$0x1FD20];
	[tilespmem:s19+$0xFFFFFCA0] =	vst v18  }
0x5a9: {  	v18 =	vld [tilespmem:$0x1FD60]  }
0x5aa: {  	v16 =	vld.idx.msk [tilespmem:v16+s20+$0x0], $0xffff;
	[tilespmem:s19+$0xFFFFFD20] =	vst v19  }
0x5ab: {  	v17 =	vor.u32 v36, v6;
	v19 =	vld [tilespmem:$0x1FE20];
	[tilespmem:s19+$0xFFFFFDA0] =	vst v21  }
0x5ac: {  	v20 =	vld [tilespmem:$0x1FE10];
	[tilespmem:s19+$0xFFFFFE20] =	vst v22  }
0x5ad: {  	v10 =	vld.idx.msk [tilespmem:v10+s20+$0x0], $0xffff;
	[tilespmem:s19+$0xFFFFFEA0] =	vst v13  }
0x5ae: {  	v14 =	vor.u32 v14, v5;
	v13 =	vld [tilespmem:$0x1FFA0];
	[tilespmem:s19+$0xFFFFFFB0] =	vst v12  }
0x5af: {  	[tilespmem:s19+$0xFFFFFF20] =	vst v11  }
0x5b0: {  	v17 =	vld.idx.msk [tilespmem:v17+s20+$0x0], $0xffff;
	v18 =	vor.u32 v18, v4;
	[tilespmem:s19+$0xFFFFFC20] =	vst v15  }
0x5b1: {  	[tilespmem:s19+$0xFFFFFCB0] =	vst v16  }
0x5b2: {  	v19 =	vor.u32 v19, v7;
	v16 =	vld [tilespmem:$0x1FE80]  }
0x5b3: {  	v20 =	vor.u32 v20, v3;
	[tilespmem:s19+$0xFFFFFD30] =	vst v10;
	v14 =	vld.idx.msk [tilespmem:v14+s20+$0x0], $0xffff  }
0x5b4: {  	v21 =	vor.u32 v35, v2;
	v10 =	vld [tilespmem:$0x1FF60]  }
0x5b5: {  	v22 =	vor.u32 v52, v9;
	[tilespmem:s19+$0xFFFFFDB0] =	vst v17;
	v18 =	vld.idx.msk [tilespmem:v18+s20+$0x0], $0xffff  }
0x5b6: {  	v13 =	vor.u32 v13, v8;
	v17 =	vld [tilespmem:$0x1FE30]  }
0x5b7: {  	v12 =	vor.u32 v38, v6;
	v11 =	vld.idx.msk [tilespmem:v19+s20+$0x0], $0xffff  }
0x5b8: {  	v15 =	vor.u32 v29, v5;
	v19 =	vld.idx.msk [tilespmem:v20+s20+$0x0], $0xffff  }
0x5b9: {  	v16 =	vor.u32 v16, v7;
	v20 =	vld.idx.msk [tilespmem:v21+s20+$0x0], $0xffff  }
0x5ba: {  	v21 =	vld.idx.msk [tilespmem:v22+s20+$0x0], $0xffff;
	[tilespmem:s19+$0xFFFFFE30] =	vst v14  }
0x5bb: {  	v13 =	vld.idx.msk [tilespmem:v13+s20+$0x0], $0xffff;
	[tilespmem:s19+$0xFFFFFEB0] =	vst v18  }
0x5bc: {  	v12 =	vld.idx.msk [tilespmem:v12+s20+$0x0], $0xffff;
	[tilespmem:s19+$0xFFFFFFC0] =	vst v11  }
0x5bd: {  	v22 =	vor.u32 v37, v2;
	v15 =	vld.idx.msk [tilespmem:v15+s20+$0x0], $0xffff;
	[tilespmem:s19+$0xFFFFFF30] =	vst v19  }
0x5be: {  	v16 =	vld.idx.msk [tilespmem:v16+s20+$0x0], $0xffff;
	[tilespmem:s19+$0xFFFFFC30] =	vst v20  }
0x5bf: {  	v10 =	vor.u32 v10, v4;
	v19 =	vld [tilespmem:$0x1FEB0];
	[tilespmem:s19+$0xFFFFFCC0] =	vst v21  }
0x5c0: {  	v14 =	vor.u32 v54, v9;
	v21 =	vld [tilespmem:$0x1FD40];
	[tilespmem:s19+$0xFFFFFD40] =	vst v13  }
0x5c1: {  	v17 =	vor.u32 v17, v3;
	v13 =	vld [tilespmem:$0x1FD70]  }
0x5c2: {  	v11 =	vor.u32 v30, v8;
	v20 =	vld.idx.msk [tilespmem:v22+s20+$0x0], $0xffff;
	[tilespmem:s19+$0xFFFFFDC0] =	vst v12  }
0x5c3: {  	v18 =	vor.u32 v40, v6;
	v12 =	vld [tilespmem:$0x1FE40]  }
0x5c4: {  	v10 =	vld.idx.msk [tilespmem:v10+s20+$0x0], $0xffff;
	v19 =	vor.u32 v19, v7  }
0x5c5: {  	v14 =	vld.idx.msk [tilespmem:v14+s20+$0x0], $0xffff;
	v21 =	vor.u32 v21, v5  }
0x5c6: {  	v17 =	vld.idx.msk [tilespmem:v17+s20+$0x0], $0xffff;
	v13 =	vor.u32 v13, v4  }
0x5c7: {  	v11 =	vld.idx.msk [tilespmem:v11+s20+$0x0], $0xffff  }
0x5c8: {  	v18 =	vld.idx.msk [tilespmem:v18+s20+$0x0], $0xffff;
	[tilespmem:s19+$0xFFFFFFD0] =	vst v16;
	v12 =	vor.u32 v12, v3  }
0x5c9: {  	v22 =	vor.u32 v39, v2;
	[tilespmem:s19+$0xFFFFFE40] =	vst v15;
	v15 =	vld.idx.msk [tilespmem:v19+s20+$0x0], $0xffff  }
0x5ca: {  	[tilespmem:s19+$0xFFFFFEC0] =	vst v10;
	v21 =	vld.idx.msk [tilespmem:v21+s20+$0x0], $0xffff  }
0x5cb: {  	[tilespmem:s19+$0xFFFFFF40] =	vst v17;
	v10 =	vld.idx.msk [tilespmem:v13+s20+$0x0], $0xffff  }
0x5cc: {  	v13 =	vld [tilespmem:$0x1FEC0]  }
0x5cd: {  	v16 =	vor.u32 v56, v9;
	[tilespmem:s19+$0xFFFFFC40] =	vst v20;
	v12 =	vld.idx.msk [tilespmem:v12+s20+$0x0], $0xffff  }
0x5ce: {  	[tilespmem:s19+$0xFFFFFCD0] =	vst v14;
	v20 =	vld.idx.msk [tilespmem:v22+s20+$0x0], $0xffff  }
0x5cf: {  	v14 =	vld [tilespmem:$0x1FD50];
	[tilespmem:s19+$0xFFFFFD50] =	vst v11  }
0x5d0: {  	v11 =	vld [tilespmem:$0x1FF70]  }
0x5d1: {  	v19 =	vor.u32 v23, v8;
	v22 =	vld [tilespmem:$0x1FE50];
	[tilespmem:s19+$0xFFFFFFE0] =	vst v15  }
0x5d2: {  	v17 =	vor.u32 v43, v6;
	v16 =	vld.idx.msk [tilespmem:v16+s20+$0x0], $0xffff;
	[tilespmem:s19+$0xFFFFFDD0] =	vst v18  }
0x5d3: {  	[tilespmem:s19+$0xFFFFFE50] =	vst v21  }
0x5d4: {  	v13 =	vor.u32 v13, v7;
	[tilespmem:s19+$0xFFFFFED0] =	vst v10  }
0x5d5: {  	v10 =	vld [tilespmem:$0x1FCD0];
	[tilespmem:s19+$0xFFFFFF50] =	vst v12;
	v11 =	vor.u32 v11, v4  }
0x5d6: {  	v19 =	vld.idx.msk [tilespmem:v19+s20+$0x0], $0xffff;
	[tilespmem:s19+$0xFFFFFC50] =	vst v20  }
0x5d7: {  	v23 =	vld.idx.msk [tilespmem:v17+s20+$0x0], $0xffff;
	v14 =	vor.u32 v14, v5;
	[tilespmem:s19+$0xFFFFFCE0] =	vst v16  }
0x5d8: {  	v15 =	vor.u32 v41, v2;
	v16 =	vld [tilespmem:$0x1FF00]  }
0x5d9: {  	v22 =	vor.u32 v22, v3;
	v13 =	vld.idx.msk [tilespmem:v13+s20+$0x0], $0xffff  }
0x5da: {  	v26 =	vld.idx.msk [tilespmem:v11+s20+$0x0], $0xffff  }
0x5db: {  	v18 =	vor.u32 v58, v9;
	v11 =	vld [tilespmem:$0x1FF20]  }
0x5dc: {  	v14 =	vld.idx.msk [tilespmem:v14+s20+$0x0], $0xffff;
	v10 =	vor.u32 v10, v7  }
0x5dd: {  	v27 =	vor.u32 v62, v6;
	v12 =	vld.idx.msk [tilespmem:v15+s20+$0x0], $0xffff;
	[tilespmem:s19+$0xFFFFFD60] =	vst v19  }
0x5de: {  	s24 =	simm.s32 $0x8;
	v28 =	vld.idx.msk [tilespmem:v22+s20+$0x0], $0xffff;
	v16 =	vor.u32 v16, v4;
	[tilespmem:s19+$0xFFFFFFF0] =	vst v13  }
0x5df: {  	s29 =	simm.s32 $0xC;
	v21 =	vor.u32 v32, v8;
	v7 =	vmov s24;
	v13 =	vld [tilespmem:$0x1FF10]  }
0x5e0: {  	s28 =	simm.s32 $0xB;
	v25 =	vmov s29;
	v7 =	vshrl.u32 v7, $0x3;
	[tilespmem:s19+$0xFFFFFDE0] =	vst v23;
	v15 =	vor.u32 v11, v5;
	v11 =	vld.idx.msk [tilespmem:v18+s20+$0x0], $0xffff  }
0x5e1: {  	s25 =	simm.s32 $0x9;
	v29 =	vmov s28;
	v9 =	vor.u32 v59, v9;
	v7 =	vshll.u32 v7, v1;
	[tilespmem:s19+$0xFFFFFE60] =	vst v14;
	v18 =	vld.idx.msk [tilespmem:v10+s20+$0x0], $0xffff  }
0x5e2: {  	s26 =	simm.s32 $0xA;
	v8 =	vor.u32 v45, v8;
	v22 =	vmov s25;
	v7 =	vbroadcast v7, $0x0;
	v14 =	vld.idx.msk [tilespmem:v27+s20+$0x0], $0xffff;
	[tilespmem:s19+$0xFFFFFEE0] =	vst v26  }
0x5e3: {  	s31 =	simm.s32 $0xE;
	v20 =	vor.u32 v57, v2;
	v19 =	vmov s26;
	v22 =	vshrl.u32 v22, $0x3;
	v16 =	vld.idx.msk [tilespmem:v16+s20+$0x0], $0xffff  }
0x5e4: {  	s30 =	simm.s32 $0xD;
	v23 =	vmov s31;
	v10 =	vor.u32 v24, v7;
	v17 =	vor.u32 v13, v3;
	v13 =	vld.idx.msk [tilespmem:v21+s20+$0x0], $0xffff  }
0x5e5: {  	s23 =	simm.s32 $0x10;
	v30 =	vmovc v31;
	s24 =	simm.s32 $0xF;
	v24 =	vmov s30;
	[tilespmem:s19+$0xFFFFFF60] =	vst v28;
	v21 =	vshrl.u32 v19, $0x3;
	v19 =	vshrl.u32 v29, $0x3;
	v15 =	vld.idx.msk [tilespmem:v15+s20+$0x0], $0xffff  }
.LBB2_12:
0x5e6: {  	_ =	sdelay $0x2  }
0x5e7: {  	[tilespmem:s19+$0xFFFFFC60] =	vst v12;
	v12 =	vld.idx.msk [tilespmem:v17+s20+$0x0], $0xffff  }
0x5e8: {  	v26 =	vmov s24;
	[tilespmem:s19+$0xFFFFFCF0] =	vst v11;
	v11 =	vld [tilespmem:$0x1FEA0]  }
0x5e9: {  	v17 =	vshrl.u32 v24, $0x3;
	v24 =	vshrl.u32 v26, $0x3;
	v26 =	vld [tilespmem:$0x1FF30];
	_ =	sdelay $0x1  }
0x5ea: {  	[tilespmem:s19+$0xFFFFFDF0] =	vst v14;
	v14 =	vld [tilespmem:$0x1FED0]  }
0x5eb: {  	[tilespmem:s19+$0x0] =	vst v18;
	v18 =	vld.idx.msk [tilespmem:v10+s20+$0x0], $0xffff  }
0x5ec: {  	v10 =	vshll.u32 v24, v1;
	v4 =	vor.u32 v11, v4;
	v11 =	vshll.u32 v22, v1;
	v22 =	vld.idx.msk [tilespmem:v9+s20+$0x0], $0xffff  }
0x5ed: {  	v10 =	vbroadcast v10, $0x0;
	v5 =	vor.u32 v26, v5;
	v9 =	vld [tilespmem:$0x1FE90]  }
0x5ee: {  	v6 =	vor.u32 v42, v6  }
0x5ef: {  	v20 =	vld.idx.msk [tilespmem:v20+s20+$0x0], $0xffff;
	v14 =	vor.u32 v14, v10  }
0x5f0: {  	[tilespmem:s19+$0xFFFFFD70] =	vst v13;
	v2 =	vor.u32 v44, v2;
	v44 =	vld [tilespmem:$0x1FDD0]  }
0x5f1: {  	[tilespmem:s19+$0xFFFFFE70] =	vst v15;
	v13 =	vld.idx.msk [tilespmem:v8+s20+$0x0], $0xffff  }
0x5f2: {  	v3 =	vor.u32 v9, v3;
	v9 =	vbroadcast v11, $0x0;
	v11 =	vshll.u32 v21, v1;
	v21 =	vld.idx.msk [tilespmem:v5+s20+$0x0], $0xffff  }
0x5f3: {  	v25 =	vshrl.u32 v25, $0x3;
	v8 =	vbroadcast v11, $0x0;
	v11 =	vshll.u32 v19, v1;
	v19 =	vld.idx.msk [tilespmem:v6+s20+$0x0], $0xffff  }
0x5f4: {  	[tilespmem:s19+$0xFFFFFEF0] =	vst v16;
	v14 =	vld.idx.msk [tilespmem:v14+s20+$0x0], $0xffff;
	v6 =	vbroadcast v11, $0x0;
	v11 =	vshll.u32 v25, v1  }
0x5f5: {  	v15 =	vor.u32 v46, v9;
	v5 =	vbroadcast v11, $0x0;
	v11 =	vshll.u32 v17, v1;
	v17 =	vld.idx.msk [tilespmem:v4+s20+$0x0], $0xffff  }
0x5f6: {  	[tilespmem:s19+$0xFFFFFF70] =	vst v12;
	v4 =	vld [tilespmem:$0x1FFB0]  }
0x5f7: {  	[tilespmem:s19+$0xFFFFFC70] =	vst v20;
	v46 =	vld [tilespmem:$0x1FFD0]  }
0x5f8: {  	[tilespmem:s19+$0xFFFFFD00] =	vst v22;
	v16 =	vor.u32 v61, v8;
	v20 =	vld.idx.msk [tilespmem:v3+s20+$0x0], $0xffff  }
0x5f9: {  	[tilespmem:s19+$0xFFFFFE00] =	vst v19;
	v19 =	vld [tilespmem:$0x1FEE0]  }
0x5fa: {  	v23 =	vshrl.u32 v23, $0x3;
	[tilespmem:s19+$0xFFFFFD80] =	vst v13;
	v13 =	vld.idx.msk [tilespmem:v15+s20+$0x0], $0xffff  }
0x5fb: {  	v15 =	vld [tilespmem:$0x1FEF0];
	v12 =	vor.u32 v4, v6;
	v4 =	vbroadcast v11, $0x0;
	v11 =	vshll.u32 v23, v1  }
0x5fc: {  	v23 =	vor.u32 v0, v5;
	v3 =	vbroadcast v11, $0x0;
	v11 =	vld.idx.msk [tilespmem:v2+s20+$0x0], $0xffff  }
0x5fd: {  	v16 =	vld.idx.msk [tilespmem:v16+s20+$0x0], $0xffff  }
0x5fe: {  	[tilespmem:s19+$0xFFFFFF00] =	vst v17;
	v17 =	vor.u32 v63, v8;
	v63 =	vld [tilespmem:$0x1FDE0]  }
0x5ff: {  	[tilespmem:s19+$0xFFFFFE80] =	vst v21;
	v2 =	vmov v7;
	v7 =	vld [tilespmem:$0x1FF40]  }
0x600: {  	[tilespmem:s19+$0xFFFFFF80] =	vst v20;
	v19 =	vor.u32 v19, v10;
	v12 =	vld.idx.msk [tilespmem:v12+s20+$0x0], $0xffff  }
0x601: {  	v21 =	vor.u32 v48, v9;
	v22 =	vld.idx.msk [tilespmem:v23+s20+$0x0], $0xffff;
	[tilespmem:s19+$0xFFFFFC80] =	vst v11;
	s19 =	sadd.s32 $0x400, s19  }
0x602: {  	v11 =	vld [tilespmem:$0x1FD10];
	[tilespmem:s19+$0xFFFFFF90] =	vst v14  }
0x603: {  	[tilespmem:s19+$0xFFFFFC90] =	vst v13;
	v13 =	vld [tilespmem:$0x1FF50]  }
0x604: {  	v15 =	vor.u32 v15, v3;
	[tilespmem:s19+$0xFFFFFD10] =	vst v16;
	v16 =	vld [tilespmem:$0x1FE00]  }
0x605: {  	v14 =	vld.idx.msk [tilespmem:v19+s20+$0x0], $0xffff  }
0x606: {  	v7 =	vor.u32 v7, v4;
	v19 =	vld.idx.msk [tilespmem:v21+s20+$0x0], $0xffff  }
0x607: {  	v20 =	vor.u32 v34, v6;
	v17 =	vld.idx.msk [tilespmem:v17+s20+$0x0], $0xffff  }
0x608: {  	v21 =	vor.u32 v33, v2;
	v33 =	vld [tilespmem:$0x1FD80]  }
0x609: {  	v15 =	vld.idx.msk [tilespmem:v15+s20+$0x0], $0xffff  }
0x60a: {  	[tilespmem:s19+$0xFFFFFD90] =	vst v12;
	v12 =	vld [tilespmem:$0x1FE60]  }
0x60b: {  	[tilespmem:s19+$0xFFFFFC10] =	vst v18;
	v7 =	vld.idx.msk [tilespmem:v7+s20+$0x0], $0xffff  }
0x60c: {  	[tilespmem:s19+$0xFFFFFE10] =	vst v22;
	v22 =	vor.u32 v50, v9;
	v20 =	vld.idx.msk [tilespmem:v20+s20+$0x0], $0xffff  }
0x60d: {  	[tilespmem:s19+$0xFFFFFFA0] =	vst v14;
	v14 =	vld [tilespmem:$0x1FD20]  }
0x60e: {  	v11 =	vor.u32 v11, v5;
	v18 =	vld.idx.msk [tilespmem:v21+s20+$0x0], $0xffff  }
0x60f: {  	[tilespmem:s19+$0xFFFFFCA0] =	vst v19;
	v19 =	vld [tilespmem:$0x1FD60]  }
0x610: {  	v13 =	vor.u32 v13, v4;
	[tilespmem:s19+$0xFFFFFD20] =	vst v17;
	v17 =	vld [tilespmem:$0x1FE20]  }
0x611: {  	v16 =	vor.u32 v16, v3;
	v21 =	vld.idx.msk [tilespmem:v22+s20+$0x0], $0xffff  }
0x612: {  	[tilespmem:s19+$0xFFFFFF10] =	vst v15;
	v15 =	vor.u32 v36, v6;
	v22 =	vor.u32 v35, v2;
	v35 =	vld [tilespmem:$0x1FD90]  }
0x613: {  	v12 =	vor.u32 v12, v10;
	v11 =	vld.idx.msk [tilespmem:v11+s20+$0x0], $0xffff;
	[tilespmem:s19+$0xFFFFFE90] =	vst v7  }
0x614: {  	[tilespmem:s19+$0xFFFFFDA0] =	vst v20;
	v20 =	vld [tilespmem:$0x1FE10]  }
0x615: {  	v7 =	vor.u32 v30, v8;
	v13 =	vld.idx.msk [tilespmem:v13+s20+$0x0], $0xffff  }
0x616: {  	v16 =	vld.idx.msk [tilespmem:v16+s20+$0x0], $0xffff  }
0x617: {  	v14 =	vor.u32 v14, v5;
	v15 =	vld.idx.msk [tilespmem:v15+s20+$0x0], $0xffff  }
0x618: {  	v19 =	vor.u32 v19, v4;
	v12 =	vld.idx.msk [tilespmem:v12+s20+$0x0], $0xffff  }
0x619: {  	[tilespmem:s19+$0xFFFFFCB0] =	vst v21;
	v21 =	vld [tilespmem:$0x1FE80]  }
0x61a: {  	v17 =	vor.u32 v17, v10;
	v7 =	vld.idx.msk [tilespmem:v7+s20+$0x0], $0xffff;
	[tilespmem:s19+$0xFFFFFE20] =	vst v11  }
0x61b: {  	[tilespmem:s19+$0xFFFFFEA0] =	vst v13;
	v13 =	vld [tilespmem:$0x1FFA0]  }
0x61c: {  	v20 =	vor.u32 v20, v3;
	v14 =	vld.idx.msk [tilespmem:v14+s20+$0x0], $0xffff  }
0x61d: {  	v19 =	vld.idx.msk [tilespmem:v19+s20+$0x0], $0xffff;
	[tilespmem:s19+$0xFFFFFDB0] =	vst v15  }
0x61e: {  	v11 =	vor.u32 v52, v9;
	v15 =	vld [tilespmem:$0x1FE30];
	[tilespmem:s19+$0xFFFFFFB0] =	vst v12  }
0x61f: {  	[tilespmem:s19+$0xFFFFFF20] =	vst v16;
	v16 =	vld.idx.msk [tilespmem:v17+s20+$0x0], $0xffff  }
0x620: {  	v17 =	vld [tilespmem:$0x1FD30]  }
0x621: {  	[tilespmem:s19+$0xFFFFFC20] =	vst v18;
	v18 =	vld.idx.msk [tilespmem:v20+s20+$0x0], $0xffff  }
0x622: {  	v12 =	vor.u32 v38, v6;
	v20 =	vld.idx.msk [tilespmem:v22+s20+$0x0], $0xffff  }
0x623: {  	v11 =	vld.idx.msk [tilespmem:v11+s20+$0x0], $0xffff  }
0x624: {  	[tilespmem:s19+$0xFFFFFD30] =	vst v7;
	v7 =	vld [tilespmem:$0x1FF60]  }
0x625: {  	v22 =	vor.u32 v37, v2;
	v37 =	vld [tilespmem:$0x1FDA0]  }
0x626: {  	v13 =	vor.u32 v13, v8;
	[tilespmem:s19+$0xFFFFFE30] =	vst v14;
	v14 =	vor.u32 v54, v9;
	v54 =	vld [tilespmem:$0x1FFE0]  }
0x627: {  	v21 =	vor.u32 v21, v10;
	v12 =	vld.idx.msk [tilespmem:v12+s20+$0x0], $0xffff  }
0x628: {  	[tilespmem:s19+$0xFFFFFFC0] =	vst v16;
	v16 =	vld [tilespmem:$0x1FF90]  }
0x629: {  	[tilespmem:s19+$0xFFFFFF30] =	vst v18;
	v18 =	vld [tilespmem:$0x1FEB0]  }
0x62a: {  	[tilespmem:s19+$0xFFFFFCC0] =	vst v11;
	v11 =	vld [tilespmem:$0x1FD40]  }
0x62b: {  	[tilespmem:s19+$0xFFFFFEB0] =	vst v19;
	v15 =	vor.u32 v15, v3;
	v13 =	vld.idx.msk [tilespmem:v13+s20+$0x0], $0xffff  }
0x62c: {  	[tilespmem:s19+$0xFFFFFC30] =	vst v20;
	v19 =	vld.idx.msk [tilespmem:v21+s20+$0x0], $0xffff  }
0x62d: {  	v20 =	vld.idx.msk [tilespmem:v22+s20+$0x0], $0xffff  }
0x62e: {  	v17 =	vor.u32 v17, v5;
	v22 =	vor.u32 v39, v2;
	v39 =	vld [tilespmem:$0x1FDB0]  }
0x62f: {  	v7 =	vor.u32 v7, v4;
	v14 =	vld.idx.msk [tilespmem:v14+s20+$0x0], $0xffff  }
0x630: {  	v21 =	vor.u32 v40, v6;
	v15 =	vld.idx.msk [tilespmem:v15+s20+$0x0], $0xffff  }
0x631: {  	[tilespmem:s19+$0xFFFFFDC0] =	vst v12;
	v12 =	vld [tilespmem:$0x1FE40]  }
0x632: {  	[tilespmem:s19+$0xFFFFFD40] =	vst v13;
	v13 =	vld [tilespmem:$0x1FD70]  }
0x633: {  	v17 =	vld.idx.msk [tilespmem:v17+s20+$0x0], $0xffff  }
0x634: {  	v16 =	vor.u32 v16, v8;
	v7 =	vld.idx.msk [tilespmem:v7+s20+$0x0], $0xffff  }
0x635: {  	v18 =	vor.u32 v18, v10;
	v21 =	vld.idx.msk [tilespmem:v21+s20+$0x0], $0xffff;
	[tilespmem:s19+$0xFFFFFC40] =	vst v20  }
0x636: {  	v20 =	vld.idx.msk [tilespmem:v22+s20+$0x0], $0xffff  }
0x637: {  	[tilespmem:s19+$0xFFFFFCD0] =	vst v14;
	v14 =	vld [tilespmem:$0x1FD50];
	v13 =	vor.u32 v13, v4  }
0x638: {  	v22 =	vld [tilespmem:$0x1FE50]  }
0x639: {  	v11 =	vor.u32 v11, v5;
	[tilespmem:s19+$0xFFFFFFD0] =	vst v19;
	v16 =	vld.idx.msk [tilespmem:v16+s20+$0x0], $0xffff  }
0x63a: {  	v19 =	vor.u32 v56, v9;
	[tilespmem:s19+$0xFFFFFE40] =	vst v17;
	v17 =	vld.idx.msk [tilespmem:v18+s20+$0x0], $0xffff  }
0x63b: {  	v18 =	vld [tilespmem:$0x1FF80];
	[tilespmem:s19+$0xFFFFFEC0] =	vst v7  }
0x63c: {  	[tilespmem:s19+$0xFFFFFF40] =	vst v15;
	v15 =	vor.u32 v43, v6;
	v7 =	vld.idx.msk [tilespmem:v13+s20+$0x0], $0xffff  }
0x63d: {  	v13 =	vld [tilespmem:$0x1FEC0]  }
0x63e: {  	v11 =	vld.idx.msk [tilespmem:v11+s20+$0x0], $0xffff  }
0x63f: {  	v12 =	vor.u32 v12, v3;
	v19 =	vld.idx.msk [tilespmem:v19+s20+$0x0], $0xffff  }
0x640: {  	[tilespmem:s19+$0xFFFFFDD0] =	vst v21;
	v21 =	vor.u32 v58, v9;
	v58 =	vld [tilespmem:$0x1FFC0]  }
0x641: {  	v15 =	vld.idx.msk [tilespmem:v15+s20+$0x0], $0xffff  }
0x642: {  	[tilespmem:s19+$0xFFFFFD50] =	vst v16;
	v16 =	vld [tilespmem:$0x1FF70];
	v13 =	vor.u32 v13, v10  }
0x643: {  	v18 =	vor.u32 v18, v8;
	[tilespmem:s19+$0xFFFFFED0] =	vst v7;
	v7 =	vld [tilespmem:$0x1FCD0]  }
0x644: {  	v14 =	vor.u32 v14, v5;
	v12 =	vld.idx.msk [tilespmem:v12+s20+$0x0], $0xffff  }
0x645: {  	[tilespmem:s19+$0xFFFFFFE0] =	vst v17;
	v17 =	vor.u32 v41, v2;
	v41 =	vld [tilespmem:$0x1FDC0]  }
0x646: {  	[tilespmem:s19+$0xFFFFFE50] =	vst v11;
	v11 =	vld [tilespmem:$0x1FF20]  }
0x647: {  	v16 =	vor.u32 v16, v4;
	v13 =	vld.idx.msk [tilespmem:v13+s20+$0x0], $0xffff  }
0x648: {  	v18 =	vld.idx.msk [tilespmem:v18+s20+$0x0], $0xffff;
	v10 =	vor.u32 v7, v10  }
0x649: {  	[tilespmem:s19+$0xFFFFFC50] =	vst v20;
	v23 =	vld.idx.msk [tilespmem:v14+s20+$0x0], $0xffff  }
0x64a: {  	v22 =	vor.u32 v22, v3;
	[tilespmem:s19+$0xFFFFFF50] =	vst v12;
	v12 =	vld.idx.msk [tilespmem:v17+s20+$0x0], $0xffff  }
0x64b: {  	v17 =	vld [tilespmem:$0x1FF00]  }
0x64c: {  	v16 =	vld.idx.msk [tilespmem:v16+s20+$0x0], $0xffff;
	[tilespmem:s19+$0xFFFFFFF0] =	vst v13  }
0x64d: {  	[tilespmem:s19+$0xFFFFFD60] =	vst v18;
	v18 =	vld.idx.msk [tilespmem:v10+s20+$0x0], $0xffff  }
0x64e: {  	v10 =	vld [tilespmem:$0x1FCF0]  }
0x64f: {  	[tilespmem:s19+$0xFFFFFCE0] =	vst v19;
	v27 =	vld.idx.msk [tilespmem:v22+s20+$0x0], $0xffff;
	v19 =	vor.u32 v11, v5  }
0x650: {  	v11 =	vld.idx.msk [tilespmem:v21+s20+$0x0], $0xffff  }
0x651: {  	s28 =	sadd.s32 $0x2, s23;
	v28 =	vor.u32 v17, v4;
	[tilespmem:s19+$0xFFFFFEE0] =	vst v16;
	v16 =	vld [tilespmem:$0x1FD00]  }
0x652: {  	v29 =	vmov s28;
	v14 =	vor.u32 v32, v8;
	v13 =	vld [tilespmem:$0x1FF10]  }
0x653: {  	p1 =	slt.u32 s23, $0x18;
	s1 =	sadd.s32 $0x3, s23;
	s30 =	sadd.s32 $0x5, s23;
	v26 =	vor.u32 v62, v6;
	[tilespmem:s19+$0xFFFFFE60] =	vst v23;
	v7 =	vmov s23;
	v20 =	vor.u32 v10, v2;
	v10 =	vld [tilespmem:$0x1FE70]  }
.Ltmp9:
0x654: {  	s29 =	sadd.s32 $0x4, s23;
	v24 =	vmov s30;
	v30 =	vmov s1;
	[tilespmem:s19+$0xFFFFFDE0] =	vst v15;
	v15 =	vld.idx.msk [tilespmem:v19+s20+$0x0], $0xffff;
	v7 =	vshrl.u32 v7, $0x3;
	(pc) =	sbr.rel @p1 .LBB2_12-.Ltmp9, $4  }
0x655: {  	s0 =	sadd.s32 $0x1, s23;
	v25 =	vmov s29;
	v19 =	vshrl.u32 v30, $0x3;
	v30 =	vld [tilespmem:$0x1FDF0];
	v7 =	vshll.u32 v7, v1  }
0x656: {  	v61 =	vmovc v60;
	v48 =	vmovc v47;
	v21 =	vmov s0;
	v7 =	vbroadcast v7, $0x0;
	v8 =	vor.u32 v16, v8;
	v16 =	vld.idx.msk [tilespmem:v28+s20+$0x0], $0xffff  }
0x657: {  	s31 =	sadd.s32 $0x6, s23;
	v50 =	vmovc v49;
	v9 =	vor.u32 v59, v9;
	v22 =	vshrl.u32 v21, $0x3;
	v17 =	vor.u32 v13, v3;
	v13 =	vld.idx.msk [tilespmem:v14+s20+$0x0], $0xffff  }
0x658: {  	s24 =	sadd.s32 $0x7, s23;
	v52 =	vmovc v51;
	v56 =	vmovc v55;
	v23 =	vmov s31;
	v21 =	vshrl.u32 v29, $0x3;
	[tilespmem:s19+$0xFFFFFF60] =	vst v27;
	s23 =	sadd.s32 $0x8, s23;
	v14 =	vld.idx.msk [tilespmem:v26+s20+$0x0], $0xffff;
	v10 =	vor.u32 v10, v7  }
0x659: {  	[tilespmem:s19+$0xFFFFFC60] =	vst v12  }
0x65a: {  	[tilespmem:s19+$0x0] =	vst v18  }
0x65b: {  	[tilespmem:s19+$0xFFFFFCF0] =	vst v11  }
0x65c: {  	v45 =	vld [tilespmem:$0x1FF30]  }
0x65d: {  	[tilespmem:s19+$0xFFFFFD70] =	vst v13;
	v13 =	vld.idx.msk [tilespmem:v20+s20+$0x0], $0xffff  }
0x65e: {  	v20 =	vld [tilespmem:$0x1FEA0];
	_ =	sdelay $0x3  }
0x65f: {  	[tilespmem:s19+$0xFFFFFDF0] =	vst v14  }
0x660: {  	v20 =	vor.u32 v20, v4;
	v4 =	vshll.u32 v22, v1;
	v22 =	vld [tilespmem:$0x1FE90]  }
0x661: {  	v6 =	vor.u32 v42, v6;
	v17 =	vld.idx.msk [tilespmem:v17+s20+$0x0], $0xffff;
	_ =	sdelay $0x1  }
0x662: {  	v9 =	vld.idx.msk [tilespmem:v9+s20+$0x0], $0xffff;
	[tilespmem:s19+$0xFFFFFE70] =	vst v15  }
0x663: {  	v8 =	vld.idx.msk [tilespmem:v8+s20+$0x0], $0xffff;
	v5 =	vor.u32 v45, v5;
	[tilespmem:s19+$0xFFFFFEF0] =	vst v16  }
0x664: {  	v16 =	vld [tilespmem:$0x1FED0];
	v14 =	vor.u32 v22, v3;
	v3 =	vbroadcast v4, $0x0;
	v4 =	vshll.u32 v21, v1  }
0x665: {  	v15 =	vor.u32 v44, v2;
	[tilespmem:s19+$0xFFFFFF70] =	vst v17;
	v2 =	vbroadcast v4, $0x0;
	v4 =	vshll.u32 v19, v1;
	v19 =	vld.idx.msk [tilespmem:v6+s20+$0x0], $0xffff  }
0x666: {  	[tilespmem:s19+$0xFFFFFC70] =	vst v13  }
0x667: {  	v12 =	vshrl.u32 v25, $0x3;
	[tilespmem:s19+$0xFFFFFD00] =	vst v9  }
0x668: {  	v18 =	vmov s24;
	v29 =	vld [tilespmem:$0x1FFB0];
	v6 =	vshll.u32 v12, v1  }
0x669: {  	v11 =	vshrl.u32 v18, $0x3;
	[tilespmem:s19+$0xFFFFFD80] =	vst v8;
	v12 =	vld.idx.msk [tilespmem:v5+s20+$0x0], $0xffff;
	v5 =	vbroadcast v6, $0x0  }
0x66a: {  	v11 =	vshll.u32 v11, v1;
	[tilespmem:s19+$0xFFFFFE00] =	vst v19  }
0x66b: {  	v26 =	vmovc v59;
	v59 =	vmov v0;
	v11 =	vbroadcast v11, $0x0;
	v21 =	vor.u32 v0, v5;
	v0 =	vld [tilespmem:$0x1FF40]  }
0x66c: {  	v24 =	vshrl.u32 v24, $0x3  }
0x66d: {  	v16 =	vor.u32 v16, v11;
	v6 =	vshll.u32 v24, v1  }
0x66e: {  	v18 =	vshrl.u32 v23, $0x3;
	v20 =	vld.idx.msk [tilespmem:v20+s20+$0x0], $0xffff;
	v17 =	vor.u32 v46, v3;
	v6 =	vbroadcast v6, $0x0  }
0x66f: {  	v18 =	vshll.u32 v18, v1;
	v13 =	vor.u32 v61, v2;
	v14 =	vld.idx.msk [tilespmem:v14+s20+$0x0], $0xffff;
	[tilespmem:s19+$0xFFFFFE80] =	vst v12  }
0x670: {  	v8 =	vbroadcast v18, $0x0;
	v18 =	vor.u32 v0, v6;
	v0 =	vld [tilespmem:$0x1FEF0]  }
0x671: {  	v15 =	vld.idx.msk [tilespmem:v15+s20+$0x0], $0xffff;
	v4 =	vbroadcast v4, $0x0  }
0x672: {  	v16 =	vld.idx.msk [tilespmem:v16+s20+$0x0], $0xffff  }
0x673: {  	v9 =	vor.u32 v29, v4;
	v17 =	vld.idx.msk [tilespmem:v17+s20+$0x0], $0xffff  }
0x674: {  	v13 =	vld.idx.msk [tilespmem:v13+s20+$0x0], $0xffff;
	[tilespmem:s19+$0xFFFFFF00] =	vst v20  }
0x675: {  	v12 =	vor.u32 v0, v8;
	v0 =	vld [tilespmem:$0x1FEE0];
	[tilespmem:s19+$0xFFFFFF80] =	vst v14  }
0x676: {  	s23 =	sadd.s32 $0x400, s19;
	[tilespmem:s19+$0xFFFFFC80] =	vst v15  }
0x677: {  	[tilespmem:s23+$0xFFFFFF90] =	vst v16  }
0x678: {  	v9 =	vld.idx.msk [tilespmem:v9+s20+$0x0], $0xffff;
	[tilespmem:s23+$0xFFFFFC90] =	vst v17  }
0x679: {  	v15 =	vld.idx.msk [tilespmem:v21+s20+$0x0], $0xffff;
	[tilespmem:s23+$0xFFFFFD10] =	vst v13  }
0x67a: {  	v19 =	vor.u32 v0, v11;
	v0 =	vld [tilespmem:$0x1FD10];
	_ =	sdelay $0x1  }
0x67b: {  	v18 =	vld.idx.msk [tilespmem:v18+s20+$0x0], $0xffff  }
0x67c: {  	v14 =	vor.u32 v48, v3;
	v12 =	vld.idx.msk [tilespmem:v12+s20+$0x0], $0xffff;
	[tilespmem:s23+$0xFFFFFD90] =	vst v9  }
0x67d: {  	v16 =	vor.u32 v63, v2;
	v57 =	vld [tilespmem:$0x1FF50];
	[tilespmem:s23+$0xFFFFFE10] =	vst v15  }
0x67e: {  	v13 =	vor.u32 v0, v5;
	v0 =	vld [tilespmem:$0x1FE60]  }
0x67f: {  	v19 =	vld.idx.msk [tilespmem:v19+s20+$0x0], $0xffff  }
0x680: {  	v10 =	vld.idx.msk [tilespmem:v10+s20+$0x0], $0xffff  }
0x681: {  	v14 =	vld.idx.msk [tilespmem:v14+s20+$0x0], $0xffff  }
0x682: {  	v17 =	vor.u32 v34, v4;
	v16 =	vld.idx.msk [tilespmem:v16+s20+$0x0], $0xffff;
	[tilespmem:s23+$0xFFFFFE90] =	vst v18  }
0x683: {  	v15 =	vor.u32 v0, v11;
	v0 =	vld [tilespmem:$0x1FE00];
	[tilespmem:s23+$0xFFFFFF10] =	vst v12  }
0x684: {  	[tilespmem:s23+$0xFFFFFFA0] =	vst v19  }
0x685: {  	[tilespmem:s23+$0xFFFFFC10] =	vst v10  }
0x686: {  	v9 =	vor.u32 v57, v6;
	[tilespmem:s23+$0xFFFFFCA0] =	vst v14  }
0x687: {  	v17 =	vld.idx.msk [tilespmem:v17+s20+$0x0], $0xffff;
	[tilespmem:s23+$0xFFFFFD20] =	vst v16  }
0x688: {  	v18 =	vor.u32 v0, v8;
	v0 =	vld [tilespmem:$0x1FD20]  }
0x689: {  	v12 =	vor.u32 v33, v7  }
0x68a: {  	v13 =	vld.idx.msk [tilespmem:v13+s20+$0x0], $0xffff  }
0x68b: {  	v19 =	vor.u32 v50, v3;
	v9 =	vld.idx.msk [tilespmem:v9+s20+$0x0], $0xffff  }
0x68c: {  	v10 =	vor.u32 v30, v2;
	v15 =	vld.idx.msk [tilespmem:v15+s20+$0x0], $0xffff;
	[tilespmem:s23+$0xFFFFFDA0] =	vst v17  }
0x68d: {  	v16 =	vor.u32 v0, v5;
	v0 =	vld [tilespmem:$0x1FE20]  }
0x68e: {  	v12 =	vld.idx.msk [tilespmem:v12+s20+$0x0], $0xffff  }
0x68f: {  	v14 =	vor.u32 v36, v4;
	v18 =	vld.idx.msk [tilespmem:v18+s20+$0x0], $0xffff  }
0x690: {  	v19 =	vld.idx.msk [tilespmem:v19+s20+$0x0], $0xffff  }
0x691: {  	v10 =	vld.idx.msk [tilespmem:v10+s20+$0x0], $0xffff;
	[tilespmem:s23+$0xFFFFFE20] =	vst v13  }
0x692: {  	v17 =	vor.u32 v0, v11;
	v0 =	vld [tilespmem:$0x1FD60];
	[tilespmem:s23+$0xFFFFFEA0] =	vst v9  }
0x693: {  	v25 =	vld [tilespmem:$0x1FE10];
	[tilespmem:s23+$0xFFFFFFB0] =	vst v15  }
0x694: {  	v14 =	vld.idx.msk [tilespmem:v14+s20+$0x0], $0xffff;
	[tilespmem:s23+$0xFFFFFF20] =	vst v18  }
0x695: {  	[tilespmem:s23+$0xFFFFFC20] =	vst v12  }
0x696: {  	v15 =	vor.u32 v35, v7;
	v31 =	vld [tilespmem:$0x1FFA0];
	[tilespmem:s23+$0xFFFFFCB0] =	vst v19  }
0x697: {  	v16 =	vld.idx.msk [tilespmem:v16+s20+$0x0], $0xffff;
	v18 =	vor.u32 v52, v3;
	[tilespmem:s23+$0xFFFFFD30] =	vst v10  }
0x698: {  	v60 =	vld [tilespmem:$0x1FE80]  }
0x699: {  	[tilespmem:s23+$0xFFFFFDB0] =	vst v14;
	v13 =	vor.u32 v0, v6;
	v17 =	vld.idx.msk [tilespmem:v17+s20+$0x0], $0xffff  }
0x69a: {  	v0 =	vld [tilespmem:$0x1FD30];
	v9 =	vor.u32 v25, v8  }
0x69b: {  	v19 =	vor.u32 v38, v4;
	v15 =	vld.idx.msk [tilespmem:v15+s20+$0x0], $0xffff  }
0x69c: {  	[tilespmem:s23+$0xFFFFFE30] =	vst v16;
	v18 =	vld.idx.msk [tilespmem:v18+s20+$0x0], $0xffff;
	v12 =	vor.u32 v31, v2  }
0x69d: {  	v49 =	vld [tilespmem:$0x1FF60]  }
0x69e: {  	v13 =	vld.idx.msk [tilespmem:v13+s20+$0x0], $0xffff  }
0x69f: {  	v9 =	vld.idx.msk [tilespmem:v9+s20+$0x0], $0xffff  }
0x6a0: {  	v19 =	vld.idx.msk [tilespmem:v19+s20+$0x0], $0xffff  }
0x6a1: {  	[tilespmem:s23+$0xFFFFFFC0] =	vst v17;
	v12 =	vld.idx.msk [tilespmem:v12+s20+$0x0], $0xffff  }
0x6a2: {  	v10 =	vor.u32 v60, v11;
	v51 =	vld [tilespmem:$0x1FE30];
	[tilespmem:s23+$0xFFFFFC30] =	vst v15  }
0x6a3: {  	[tilespmem:s23+$0xFFFFFEB0] =	vst v13  }
0x6a4: {  	[tilespmem:s23+$0xFFFFFF30] =	vst v9  }
0x6a5: {  	v14 =	vor.u32 v0, v5;
	v16 =	vor.u32 v49, v6;
	v49 =	vld [tilespmem:$0x1FF90];
	[tilespmem:s23+$0xFFFFFCC0] =	vst v18  }
0x6a6: {  	v47 =	vld [tilespmem:$0x1FEB0];
	[tilespmem:s23+$0xFFFFFD40] =	vst v12  }
0x6a7: {  	v10 =	vld.idx.msk [tilespmem:v10+s20+$0x0], $0xffff;
	v13 =	vor.u32 v37, v7;
	[tilespmem:s23+$0xFFFFFDC0] =	vst v19  }
0x6a8: {  	v0 =	vld [tilespmem:$0x1FD40]  }
0x6a9: {  	v17 =	vor.u32 v51, v8  }
0x6aa: {  	v14 =	vld.idx.msk [tilespmem:v14+s20+$0x0], $0xffff;
	v9 =	vor.u32 v54, v3  }
0x6ab: {  	v16 =	vld.idx.msk [tilespmem:v16+s20+$0x0], $0xffff  }
0x6ac: {  	[tilespmem:s23+$0xFFFFFFD0] =	vst v10;
	v13 =	vld.idx.msk [tilespmem:v13+s20+$0x0], $0xffff;
	v15 =	vor.u32 v49, v2  }
0x6ad: {  	v18 =	vor.u32 v47, v11;
	v19 =	vor.u32 v0, v5;
	v0 =	vld [tilespmem:$0x1FD70]  }
0x6ae: {  	v12 =	vor.u32 v40, v4;
	v17 =	vld.idx.msk [tilespmem:v17+s20+$0x0], $0xffff  }
0x6af: {  	v9 =	vld.idx.msk [tilespmem:v9+s20+$0x0], $0xffff;
	[tilespmem:s23+$0xFFFFFE40] =	vst v14  }
0x6b0: {  	v53 =	vld [tilespmem:$0x1FE40]  }
0x6b1: {  	[tilespmem:s23+$0xFFFFFEC0] =	vst v16;
	v15 =	vld.idx.msk [tilespmem:v15+s20+$0x0], $0xffff  }
0x6b2: {  	[tilespmem:s23+$0xFFFFFC40] =	vst v13;
	v18 =	vld.idx.msk [tilespmem:v18+s20+$0x0], $0xffff;
	v10 =	vor.u32 v0, v6  }
0x6b3: {  	v12 =	vld.idx.msk [tilespmem:v12+s20+$0x0], $0xffff;
	[tilespmem:s23+$0xFFFFFF40] =	vst v17  }
0x6b4: {  	v16 =	vor.u32 v39, v7;
	v24 =	vld [tilespmem:$0x1FEC0];
	[tilespmem:s23+$0xFFFFFCD0] =	vst v9  }
0x6b5: {  	v28 =	vld [tilespmem:$0x1FF80]  }
0x6b6: {  	v19 =	vld.idx.msk [tilespmem:v19+s20+$0x0], $0xffff;
	v14 =	vor.u32 v53, v8;
	[tilespmem:s23+$0xFFFFFD50] =	vst v15  }
0x6b7: {  	[tilespmem:s23+$0xFFFFFFE0] =	vst v18;
	v10 =	vld.idx.msk [tilespmem:v10+s20+$0x0], $0xffff  }
0x6b8: {  	v0 =	vld [tilespmem:$0x1FD50]  }
0x6b9: {  	v17 =	vor.u32 v56, v3;
	v16 =	vld.idx.msk [tilespmem:v16+s20+$0x0], $0xffff;
	[tilespmem:s23+$0xFFFFFDD0] =	vst v12  }
0x6ba: {  	v13 =	vor.u32 v24, v11;
	v23 =	vld [tilespmem:$0x1FF70]  }
0x6bb: {  	v9 =	vor.u32 v28, v2;
	v14 =	vld.idx.msk [tilespmem:v14+s20+$0x0], $0xffff;
	[tilespmem:s23+$0xFFFFFE50] =	vst v19  }
0x6bc: {  	v55 =	vld [tilespmem:$0x1FE50];
	[tilespmem:s23+$0xFFFFFED0] =	vst v10  }
0x6bd: {  	v15 =	vor.u32 v43, v4;
	v18 =	vor.u32 v0, v5;
	v0 =	vld [tilespmem:$0x1FCD0]  }
0x6be: {  	v17 =	vld.idx.msk [tilespmem:v17+s20+$0x0], $0xffff  }
0x6bf: {  	v13 =	vld.idx.msk [tilespmem:v13+s20+$0x0], $0xffff;
	v12 =	vor.u32 v23, v6  }
0x6c0: {  	v9 =	vld.idx.msk [tilespmem:v9+s20+$0x0], $0xffff;
	v10 =	vor.u32 v41, v7  }
0x6c1: {  	[tilespmem:s23+$0xFFFFFF50] =	vst v14  }
0x6c2: {  	[tilespmem:s23+$0xFFFFFC50] =	vst v16;
	v19 =	vor.u32 v55, v8;
	v0 =	vor.u32 v0, v11;
	v11 =	vld.idx.msk [tilespmem:v15+s20+$0x0], $0xffff  }
0x6c3: {  	[tilespmem:s23+$0xFFFFFCE0] =	vst v17;
	v15 =	vld.idx.msk [tilespmem:v18+s20+$0x0], $0xffff  }
0x6c4: {  	[tilespmem:s23+$0xFFFFFFF0] =	vst v13;
	v12 =	vld.idx.msk [tilespmem:v12+s20+$0x0], $0xffff  }
0x6c5: {  	[tilespmem:s23+$0xFFFFFD60] =	vst v9;
	v10 =	vld.idx.msk [tilespmem:v10+s20+$0x0], $0xffff  }
0x6c6: {  	v18 =	vld [tilespmem:$0x1FF20]  }
0x6c7: {  	v14 =	vor.u32 v58, v3;
	v17 =	vld.idx.msk [tilespmem:v19+s20+$0x0], $0xffff;
	[tilespmem:s23+$0xFFFFFDE0] =	vst v11  }
0x6c8: {  	v16 =	vor.u32 v32, v2;
	v21 =	vld [tilespmem:$0x1FF00];
	[tilespmem:s23+$0xFFFFFE60] =	vst v15  }
0x6c9: {  	v19 =	vld [tilespmem:$0x1FF10];
	[tilespmem:s23+$0xFFFFFEE0] =	vst v12  }
0x6ca: {  	v12 =	vld [tilespmem:$0x1FCF0]  }
0x6cb: {  	v13 =	vor.u32 v62, v4  }
0x6cc: {  	v14 =	vld.idx.msk [tilespmem:v14+s20+$0x0], $0xffff;
	v9 =	vor.u32 v18, v5  }
0x6cd: {  	v3 =	vor.u32 v26, v3;
	v16 =	vld.idx.msk [tilespmem:v16+s20+$0x0], $0xffff;
	[tilespmem:s23+$0xFFFFFF60] =	vst v17  }
0x6ce: {  	v0 =	vld.idx.msk [tilespmem:v0+s20+$0x0], $0xffff;
	[tilespmem:s23+$0xFFFFFC60] =	vst v10;
	v11 =	vor.u32 v21, v6  }
0x6cf: {  	v10 =	vld [tilespmem:$0x1FD00];
	v12 =	vor.u32 v12, v7  }
0x6d0: {  	v13 =	vld.idx.msk [tilespmem:v13+s20+$0x0], $0xffff  }
0x6d1: {  	[tilespmem:s23+$0xFFFFFCF0] =	vst v14;
	v9 =	vld.idx.msk [tilespmem:v9+s20+$0x0], $0xffff  }
0x6d2: {  	v3 =	vld.idx.msk [tilespmem:v3+s20+$0x0], $0xffff;
	v15 =	vor.u32 v19, v8  }
0x6d3: {  	[tilespmem:s23+$0x0] =	vst v0;
	v0 =	vld.idx.msk [tilespmem:v11+s20+$0x0], $0xffff  }
0x6d4: {  	[tilespmem:s23+$0xFFFFFD70] =	vst v16;
	v2 =	vor.u32 v10, v2;
	v11 =	vld.idx.msk [tilespmem:v12+s20+$0x0], $0xffff  }
0x6d5: {  	v27 =	vmov v42;
	v12 =	vld [tilespmem:$0x1FEA0]  }
0x6d6: {  	v4 =	vor.u32 v27, v4  }
0x6d7: {  	v5 =	vor.u32 v45, v5;
	v10 =	vld.idx.msk [tilespmem:v15+s20+$0x0], $0xffff  }
0x6d8: {  	v8 =	vor.u32 v22, v8;
	[tilespmem:s23+$0xFFFFFDF0] =	vst v13  }
0x6d9: {  	v7 =	vor.u32 v44, v7;
	[tilespmem:s23+$0xFFFFFE70] =	vst v9;
	v2 =	vld.idx.msk [tilespmem:v2+s20+$0x0], $0xffff  }
0x6da: {  	[tilespmem:s23+$0xFFFFFD00] =	vst v3;
	v6 =	vor.u32 v12, v6  }
0x6db: {  	[tilespmem:s23+$0xFFFFFEF0] =	vst v0;
	v0 =	vld.idx.msk [tilespmem:v4+s20+$0x0], $0xffff  }
0x6dc: {  	v4 =	vld.idx.msk [tilespmem:v5+s20+$0x0], $0xffff;
	[tilespmem:s23+$0xFFFFFF70] =	vst v10  }
0x6dd: {  	[tilespmem:s23+$0xFFFFFC70] =	vst v11;
	v3 =	vld.idx.msk [tilespmem:v8+s20+$0x0], $0xffff  }
0x6de: {  	[tilespmem:s23+$0xFFFFFD80] =	vst v2;
	v2 =	vld.idx.msk [tilespmem:v7+s20+$0x0], $0xffff  }
0x6df: {  	s0 =	sadd.s32 $0x4, s21;
	v5 =	vld.idx.msk [tilespmem:v6+s20+$0x0], $0xffff  }
0x6e0: {  	s1 =	sshll.u32 s0, $0xC;
	s0 =	sshll.u32 s0, $0xA;
	[tilespmem:s23+$0xFFFFFE00] =	vst v0  }
0x6e1: {  	s1 =	sand.u32 $0xFFFE0000, s1;
	s0 =	sand.u32 $0x7C00, s0;
	[tilespmem:s23+$0xFFFFFE80] =	vst v4  }
0x6e2: {  	s0 =	sor.u32 s0, s1;
	[tilespmem:s23+$0xFFFFFF80] =	vst v3  }
0x6e3: {  	s0 =	sshrl.u32 s0, $0x3;
	[tilespmem:s23+$0xFFFFFC80] =	vst v2  }
0x6e4: {  	s25 =	sadd.s32 $0x16200, s18;
	s24 =	sadd.s32 s2, s0;
	[tilespmem:s23+$0xFFFFFF00] =	vst v5  }
0x6e5: {  	[hbm4b:s24+s3] =	stream.linear.scatter [tilespmem:s25], [sflag:s22], $0x400, $0x38;
	v5 =	vld [tilespmem:$0x1FE70]  }
0x6e6: {  	s28 =	sadd.s32 $0x16600, s18;
	s26 =	sadd.s32 s0, s8;
	v20 =	vld [tilespmem:$0x1FF40]  }
0x6e7: {  	v16 =	vld [tilespmem:$0x1FEF0];
	[hbm4b:s26+s3] =	stream.linear.scatter [tilespmem:s28], [sflag:s22], $0x400, $0x38  }
.Ltmp10:
0x6e8: {  	v2 =	vld [tilespmem:$0x1FE00];
	(pc) =	sbr.rel .LBB2_14-.Ltmp10, $4  }
0x6e9: {  	s30 =	sadd.s32 $0x16A00, s18;
	s29 =	sadd.s32 s0, s9;
	v14 =	vld [tilespmem:$0x1FED0]  }
0x6ea: {  	v17 =	vld [tilespmem:$0x1FEE0];
	[hbm4b:s29+s3] =	stream.linear.scatter [tilespmem:s30], [sflag:s22], $0x400, $0x38  }
0x6eb: {  	s31 =	sadd.s32 $0x16E00, s18;
	s0 =	sadd.s32 s0, s10;
	v15 =	vmov v24;
	v8 =	vld [tilespmem:$0x1FE60]  }
0x6ec: {  	v13 =	vmovc v47;
	v0 =	vmovc v27;
	v27 =	vmov v49;
	v3 =	vmov v25;
	v25 =	vmov v55;
	v10 =	vld [tilespmem:$0x1FE20];
	[hbm4b:s0+s3] =	stream.linear.scatter [tilespmem:s31], [sflag:s22], $0x400, $0x38  }
.LBB2_16:
0x6ed: {  	_ =	sfence.sel $0x180000  }
0x6ee: {  	[bflag:$0x0] =	sbarrier.arrive $0xFFFF  }
0x6ef: {  	_ =	strace $0x90000047  }
0x6f0: {  	s0 =	stileid.u32;
	[bflag:$0x2] =	sbarrier.arrive $0xFFFF  }
0x6f1: {  	p0 =	sne.s32 s0, $0x0;
	s0 =	rddreg [dreg:$0x2]  }
0x6f2: {  	s0 =	sadd.s32 @!p0 $0x100000, s0  }
0x6f3: {  	[sflag:s0] =	ssyncadd.tile.s32 @!p0 $0x1;
	_ =	shalt  }
.Lfunc_end2:
_tile_overlayer_lowered:
.L_overlay_start_2:
0x6f4: {  	(tag) =	ssettag $0x2  }
0x6f5: {  	s0 =	rddreg [dreg:$0x0];
	s2 =	stileid.u32  }
0x6f6: {  	s1 =	rddreg [dreg:$0x1];
	p0 =	sne.s32 s2, $0x0  }
0x6f7: {  	s3 =	rddreg [dreg:$0x2];
	[bflag:$0x3] =	sbarrier.arrive $0xFFFF;
	s2 =	simm.s32 @!p0 $0x1C06  }
0x6f8: {  	[timem:s3], [sflag:s2] =	dma.local @!p0 [hbm:s0], s1  }
0x6f9: {  	s0 =	simm.s32 @!p0 $0x6  }
0x6fa: {  	_ =	swait.ge @!p0 [sflag:s0], s1  }
0x6fb: {  	s1 =	ssub.s32 @!p0 $0x0, s1;
	[sflag:s0] =	ssyncset.done @!p0 $0x0  }
0x6fc: {  	[sflag:s0] =	ssyncadd.s32 @!p0 s1  }
0x6fd: {  	[bflag:$0x3] =	sbarrier.arrive $0xFFFF  }
0x6fe: {  	_ =	shalt  }

</sc_bundles>
